<compile_context>
chip_gen: v7x
topology: tpu7x:2x2x1
jax: 0.10.2.dev20260603
libtpu: 0.0.44.dev20260713+nightly
codegen_flags: <defaults>
</compile_context>

<pallas_src>
import functools

import jax
import jax.numpy as jnp
from jax import lax
from jax.experimental import pallas as pl
from jax.experimental.pallas import tpu as pltpu
from jax.experimental.pallas import tpu_sc as plsc

_B, _N, _D = 64, 128, 64
_EVOCAB_PAD = 128
_BB = 2


def _sc_gather(W_pe, pe_flat, W_h, h_flat):
    n_idx = pe_flat.shape[0]
    d = W_pe.shape[1]
    info = plsc.get_sparse_core_info()
    nw = info.num_cores * info.num_subcores
    per_w = n_idx // nw
    mesh = plsc.VectorSubcoreMesh(core_axis_name="c", subcore_axis_name="s")

    @functools.partial(
        pl.kernel,
        mesh=mesh,
        compiler_params=pltpu.CompilerParams(use_tc_tiling_on_sc=False),
        out_type=[
            jax.ShapeDtypeStruct((n_idx, d), jnp.float32),
            jax.ShapeDtypeStruct((n_idx, d), jnp.float32),
        ],
        scratch_types=[
            pltpu.VMEM((per_w,), jnp.int32),
            pltpu.VMEM((per_w, d), jnp.float32),
            pltpu.VMEM((per_w,), jnp.int32),
            pltpu.VMEM((per_w, d), jnp.float32),
            pltpu.SemaphoreType.DMA,
            pltpu.SemaphoreType.DMA,
        ],
    )
    def k(wpe_hbm, pe_hbm, wh_hbm, h_hbm, pe_out, h_out,
          idx_pe, rows_pe, idx_h, rows_h, sem_pe, sem_h):
        wid = lax.axis_index("s") * info.num_cores + lax.axis_index("c")
        base = wid * per_w
        pltpu.sync_copy(pe_hbm.at[pl.ds(base, per_w)], idx_pe)
        pltpu.sync_copy(h_hbm.at[pl.ds(base, per_w)], idx_h)
        cp_pe = pltpu.async_copy(wpe_hbm.at[idx_pe], rows_pe, sem_pe)
        cp_h = pltpu.async_copy(wh_hbm.at[idx_h], rows_h, sem_h)
        cp_pe.wait()
        cp_h.wait()
        pltpu.sync_copy(rows_pe, pe_out.at[pl.ds(base, per_w)])
        pltpu.sync_copy(rows_h, h_out.at[pl.ds(base, per_w)])

    return k(W_pe, pe_flat, W_h, h_flat)


def _tc_body(e_ref, et_ref, pe_ref, hrow_ref, wet_ref, eout_ref, hout_ref):
    wet = wet_ref[...].astype(jnp.bfloat16)
    vocab_col = lax.broadcasted_iota(jnp.int32, (_EVOCAB_PAD, 1), 0)
    row_ids = lax.broadcasted_iota(jnp.int32, (_N, _N), 0)
    col_ids = lax.broadcasted_iota(jnp.int32, (_N, _N), 1)
    for bb in range(_BB):
        pe = pe_ref[bb]
        pet = pe.T
        hout_ref[bb] = hrow_ref[bb].T + pet
        esym = jnp.where(row_ids > col_ids, et_ref[bb], e_ref[bb])
        for k in range(_N // 2):
            ids2 = jnp.concatenate(
                [esym[2 * k:2 * k + 1, :], esym[2 * k + 1:2 * k + 2, :]],
                axis=1)
            oht = (vocab_col == ids2).astype(jnp.bfloat16)
            res = lax.dot_general(wet, oht, (((1,), (0,)), ((), ())),
                                  preferred_element_type=jnp.float32)
            eout_ref[bb, 2 * k] = (res[:, :_N] + pet) + pet[:, 2 * k:2 * k + 1]
            eout_ref[bb, 2 * k + 1] = (
                res[:, _N:] + pet) + pet[:, 2 * k + 1:2 * k + 2]


def _tc_call(e, e_t, pe_emb, h_rows, wet_pad):
    return pl.pallas_call(
        _tc_body,
        grid=(_B // _BB,),
        compiler_params=pltpu.CompilerParams(
            dimension_semantics=("arbitrary",),
            vmem_limit_bytes=100 * 1024 * 1024,
        ),
        in_specs=[
            pl.BlockSpec((_BB, _N, _N), lambda b: (b, 0, 0)),
            pl.BlockSpec((_BB, _N, _N), lambda b: (b, 0, 0)),
            pl.BlockSpec((_BB, _N, _D), lambda b: (b, 0, 0)),
            pl.BlockSpec((_BB, _N, _D), lambda b: (b, 0, 0)),
            pl.BlockSpec((_D, _EVOCAB_PAD), lambda b: (0, 0)),
        ],
        out_specs=[
            pl.BlockSpec((_BB, _N, _D, _N), lambda b: (b, 0, 0, 0)),
            pl.BlockSpec((_BB, _D, _N), lambda b: (b, 0, 0)),
        ],
        out_shape=[
            jax.ShapeDtypeStruct((_B, _N, _D, _N), jnp.float32),
            jax.ShapeDtypeStruct((_B, _D, _N), jnp.float32),
        ],
    )(e, e_t, pe_emb, h_rows, wet_pad)


@jax.jit
def kernel(h, e, pe, W_h, W_e, W_pe):
    h = h.astype(jnp.int32)
    e = e.astype(jnp.int32)
    pe = pe.astype(jnp.int32)
    pe_emb_flat, h_rows_flat = _sc_gather(
        W_pe, pe.reshape(_B * _N), W_h, h.reshape(_B * _N))
    pe_emb = pe_emb_flat.reshape(_B, _N, _D)
    h_rows = h_rows_flat.reshape(_B, _N, _D)
    wet_pad = jnp.zeros((_D, _EVOCAB_PAD), jnp.float32).at[:, :W_e.shape[0]].set(W_e.T)
    e_t = jnp.swapaxes(e, 1, 2)
    e_out_t, h_out_t = _tc_call(e, e_t, pe_emb, h_rows, wet_pad)
    e_out = jnp.transpose(e_out_t, (0, 1, 3, 2))
    h_out = jnp.transpose(h_out_t, (0, 2, 1))
    return (h_out, e_out)

# --- scband reference (transcript-rebuilt; emitter-appended) ---
"""Pipeline reference for scband-embed-g-3599182594079 (READ-ONLY COPY).

The authoritative reference and input builder live on the scoring server;
editing this copy changes nothing except your own understanding.
"""

import jax, jax.numpy as jnp
import numpy as np


def sym_tensor(x):
    # x: [B, N, N, d] -> permute to [B, d, N, N]
    x = jnp.transpose(x, (0, 3, 1, 2))
    triu = jnp.swapaxes(jnp.triu(x, k=1), 3, 2)
    mask = (jnp.abs(triu) > 0).astype(x.dtype)
    x = x * (1 - mask) + mask * triu
    return jnp.transpose(x, (0, 2, 3, 1))


def setup_inputs(seed: int = 0):
    key = jax.random.key(seed)
    k1, k2, k3, k4, k5, k6 = jax.random.split(key, 6)
    B, N, d = 64, 128, 64
    num_type, num_action, num_node = 1000, 100, 100000
    h = jax.random.randint(k1, (B, N), 0, num_type, dtype=jnp.int64 if jax.config.jax_enable_x64 else jnp.int32)
    e = jax.random.randint(k2, (B, N, N), 0, num_action, dtype=jnp.int64 if jax.config.jax_enable_x64 else jnp.int32)
    pe = jax.random.randint(k3, (B, N), 0, num_node, dtype=jnp.int64 if jax.config.jax_enable_x64 else jnp.int32)
    W_h = jax.random.normal(k4, (num_type, d), dtype=jnp.float32)
    W_e = jax.random.normal(k5, (num_action, d), dtype=jnp.float32)
    W_pe = jax.random.normal(k6, (num_node, d), dtype=jnp.float32)
    return {"h": h, "e": e, "pe": pe, "W_h": W_h, "W_e": W_e, "W_pe": W_pe}


def reference(h, e, pe, W_h, W_e, W_pe):
    pe_emb = jnp.take(W_pe, pe, axis=0)              # [B, N, d]
    h_out = jnp.take(W_h, h, axis=0) + pe_emb        # [B, N, d]
    e_out = jnp.take(W_e, e, axis=0)                 # [B, N, N, d]
    e_out = e_out + pe_emb[:, None, :, :] + pe_emb[:, :, None, :]
    e_out = sym_tensor(e_out)
    return (h_out, e_out)

if __name__ == "__main__":
    import jax
    _d = setup_inputs()
    print(jax.jit(kernel)(*tuple(_d.values())))

</pallas_src>

<mosaic_0001>
#map = affine_map<(d0, d1) -> (0, 0)>
#map1 = affine_map<(d0, d1) -> (0)>
module attributes {stable_mosaic.version = 14 : i64} {
  func.func @k(%arg0: i32, %arg1: i32, %arg2: memref<100000x64xf32, #tpu.memory_space<hbm>>, %arg3: memref<8192xi32, #tpu.memory_space<hbm>>, %arg4: memref<1000x64xf32, #tpu.memory_space<hbm>>, %arg5: memref<8192xi32, #tpu.memory_space<hbm>>, %arg6: memref<8192x64xf32, #tpu.memory_space<hbm>>, %arg7: memref<8192x64xf32, #tpu.memory_space<hbm>>, %arg8: memref<256xi32, #tpu.memory_space<vmem>>, %arg9: memref<256x64xf32, #tpu.memory_space<vmem>>, %arg10: memref<256xi32, #tpu.memory_space<vmem>>, %arg11: memref<256x64xf32, #tpu.memory_space<vmem>>, %arg12: memref<!tpu.dma_semaphore, #tpu.memory_space<semaphore_mem>>, %arg13: memref<!tpu.dma_semaphore, #tpu.memory_space<semaphore_mem>>) attributes {dimension_semantics = [#tpu.dimension_semantics<core_parallel>, #tpu.dimension_semantics<subcore_parallel>], iteration_bounds = array<i64: 2, 16>, scalar_prefetch = 0 : i64, scratch_operands = 6 : i64, tpu.core_type = #tpu.core_type<sc_vector_subcore>, window_params = [{transform_indices = #map}, {transform_indices = #map1}, {transform_indices = #map}, {transform_indices = #map1}, {transform_indices = #map}, {transform_indices = #map}]} {
    %mul3A = arith.constant 2 : i32
    %mul3A_0 = arith.muli %arg1, %mul3A : i32
    %add3A = arith.addi %mul3A_0, %arg0 : i32
    %mul3A_1 = arith.constant 256 : i32
    %mul3A_2 = arith.muli %add3A, %mul3A_1 : i32
    "tpu.region"() ({
      %run_scoped3A = tpu.sem_alloc : memref<!tpu.dma_semaphore, #tpu.memory_space<semaphore_mem>>
      %dma_start3A_13 = tpu.memref_slice %arg3[%mul3A_2] : memref<8192xi32, #tpu.memory_space<hbm>> -> memref<256xi32, #tpu.memory_space<hbm>>
      %dma_start3A_14 = tpu.memref_slice %arg3[%mul3A_2] : memref<8192xi32, #tpu.memory_space<hbm>> -> memref<256xi32, #tpu.memory_space<hbm>>
      tpu.enqueue_dma source(%dma_start3A_14 : memref<256xi32, #tpu.memory_space<hbm>>) target(%arg8 : memref<256xi32, #tpu.memory_space<vmem>>) target_semaphore(%run_scoped3A : memref<!tpu.dma_semaphore, #tpu.memory_space<semaphore_mem>>)
      %dma_wait3A_15 = tpu.memref_slice %arg3[%mul3A_2] : memref<8192xi32, #tpu.memory_space<hbm>> -> memref<256xi32, #tpu.memory_space<hbm>>
      %dma_wait3A_16 = tpu.memref_slice %arg3[%mul3A_2] : memref<8192xi32, #tpu.memory_space<hbm>> -> memref<256xi32, #tpu.memory_space<hbm>>
      tpu.wait_dma2 semaphore(%run_scoped3A : memref<!tpu.dma_semaphore, #tpu.memory_space<semaphore_mem>>) src(%dma_wait3A_16 : memref<256xi32, #tpu.memory_space<hbm>>) dst(%arg8 : memref<256xi32, #tpu.memory_space<vmem>>)
      tpu.yield
    }) : () -> ()
    "tpu.region"() ({
      %run_scoped3A = tpu.sem_alloc : memref<!tpu.dma_semaphore, #tpu.memory_space<semaphore_mem>>
      %dma_start3A_13 = tpu.memref_slice %arg5[%mul3A_2] : memref<8192xi32, #tpu.memory_space<hbm>> -> memref<256xi32, #tpu.memory_space<hbm>>
      %dma_start3A_14 = tpu.memref_slice %arg5[%mul3A_2] : memref<8192xi32, #tpu.memory_space<hbm>> -> memref<256xi32, #tpu.memory_space<hbm>>
      tpu.enqueue_dma source(%dma_start3A_14 : memref<256xi32, #tpu.memory_space<hbm>>) target(%arg10 : memref<256xi32, #tpu.memory_space<vmem>>) target_semaphore(%run_scoped3A : memref<!tpu.dma_semaphore, #tpu.memory_space<semaphore_mem>>)
      %dma_wait3A_15 = tpu.memref_slice %arg5[%mul3A_2] : memref<8192xi32, #tpu.memory_space<hbm>> -> memref<256xi32, #tpu.memory_space<hbm>>
      %dma_wait3A_16 = tpu.memref_slice %arg5[%mul3A_2] : memref<8192xi32, #tpu.memory_space<hbm>> -> memref<256xi32, #tpu.memory_space<hbm>>
      tpu.wait_dma2 semaphore(%run_scoped3A : memref<!tpu.dma_semaphore, #tpu.memory_space<semaphore_mem>>) src(%dma_wait3A_16 : memref<256xi32, #tpu.memory_space<hbm>>) dst(%arg10 : memref<256xi32, #tpu.memory_space<vmem>>)
      tpu.yield
    }) : () -> ()
    %dma_start3A = arith.constant 0 : i32
    %dma_start3A_3 = arith.constant 0 : i32
    %dma_start3A_4 = tpu.memref_slice %arg2[%dma_start3A, %dma_start3A_3] : memref<100000x64xf32, #tpu.memory_space<hbm>> -> memref<100000x64xf32, #tpu.memory_space<hbm>>
    tpu.enqueue_indirect_dma source(%dma_start3A_4 : memref<100000x64xf32, #tpu.memory_space<hbm>>) target(%arg9 : memref<256x64xf32, #tpu.memory_space<vmem>>) offsets(%arg8 : memref<256xi32, #tpu.memory_space<vmem>>) semaphore(%arg12 : memref<!tpu.dma_semaphore, #tpu.memory_space<semaphore_mem>>)
    %dma_start3A_5 = arith.constant 0 : i32
    %dma_start3A_6 = arith.constant 0 : i32
    %dma_start3A_7 = tpu.memref_slice %arg4[%dma_start3A_5, %dma_start3A_6] : memref<1000x64xf32, #tpu.memory_space<hbm>> -> memref<1000x64xf32, #tpu.memory_space<hbm>>
    tpu.enqueue_indirect_dma source(%dma_start3A_7 : memref<1000x64xf32, #tpu.memory_space<hbm>>) target(%arg11 : memref<256x64xf32, #tpu.memory_space<vmem>>) offsets(%arg10 : memref<256xi32, #tpu.memory_space<vmem>>) semaphore(%arg13 : memref<!tpu.dma_semaphore, #tpu.memory_space<semaphore_mem>>)
    %dma_wait3A = arith.constant 0 : i32
    %dma_wait3A_8 = arith.constant 0 : i32
    %dma_wait3A_9 = tpu.memref_slice %arg2[%dma_wait3A, %dma_wait3A_8] : memref<100000x64xf32, #tpu.memory_space<hbm>> -> memref<100000x64xf32, #tpu.memory_space<hbm>>
    tpu.wait_indirect_dma semaphore(%arg12 : memref<!tpu.dma_semaphore, #tpu.memory_space<semaphore_mem>>) src(%dma_wait3A_9 : memref<100000x64xf32, #tpu.memory_space<hbm>>) dst(%arg9 : memref<256x64xf32, #tpu.memory_space<vmem>>)
    %dma_wait3A_10 = arith.constant 0 : i32
    %dma_wait3A_11 = arith.constant 0 : i32
    %dma_wait3A_12 = tpu.memref_slice %arg4[%dma_wait3A_10, %dma_wait3A_11] : memref<1000x64xf32, #tpu.memory_space<hbm>> -> memref<1000x64xf32, #tpu.memory_space<hbm>>
    tpu.wait_indirect_dma semaphore(%arg13 : memref<!tpu.dma_semaphore, #tpu.memory_space<semaphore_mem>>) src(%dma_wait3A_12 : memref<1000x64xf32, #tpu.memory_space<hbm>>) dst(%arg11 : memref<256x64xf32, #tpu.memory_space<vmem>>)
    "tpu.region"() ({
      %run_scoped3A = tpu.sem_alloc : memref<!tpu.dma_semaphore, #tpu.memory_space<semaphore_mem>>
      %dma_start3A_13 = arith.constant 0 : i32
      %dma_start3A_14 = tpu.memref_slice %arg6[%mul3A_2, %dma_start3A_13] : memref<8192x64xf32, #tpu.memory_space<hbm>> -> memref<256x64xf32, #tpu.memory_space<hbm>>
      %dma_start3A_15 = arith.constant 0 : i32
      %dma_start3A_16 = tpu.memref_slice %arg6[%mul3A_2, %dma_start3A_15] : memref<8192x64xf32, #tpu.memory_space<hbm>> -> memref<256x64xf32, #tpu.memory_space<hbm>>
      tpu.enqueue_dma source(%arg9 : memref<256x64xf32, #tpu.memory_space<vmem>>) target(%dma_start3A_16 : memref<256x64xf32, #tpu.memory_space<hbm>>) target_semaphore(%run_scoped3A : memref<!tpu.dma_semaphore, #tpu.memory_space<semaphore_mem>>)
      %dma_wait3A_17 = arith.constant 0 : i32
      %dma_wait3A_18 = tpu.memref_slice %arg6[%mul3A_2, %dma_wait3A_17] : memref<8192x64xf32, #tpu.memory_space<hbm>> -> memref<256x64xf32, #tpu.memory_space<hbm>>
      %dma_wait3A_19 = arith.constant 0 : i32
      %dma_wait3A_20 = tpu.memref_slice %arg6[%mul3A_2, %dma_wait3A_19] : memref<8192x64xf32, #tpu.memory_space<hbm>> -> memref<256x64xf32, #tpu.memory_space<hbm>>
      tpu.wait_dma2 semaphore(%run_scoped3A : memref<!tpu.dma_semaphore, #tpu.memory_space<semaphore_mem>>) src(%arg9 : memref<256x64xf32, #tpu.memory_space<vmem>>) dst(%dma_wait3A_20 : memref<256x64xf32, #tpu.memory_space<hbm>>)
      tpu.yield
    }) : () -> ()
    "tpu.region"() ({
      %run_scoped3A = tpu.sem_alloc : memref<!tpu.dma_semaphore, #tpu.memory_space<semaphore_mem>>
      %dma_start3A_13 = arith.constant 0 : i32
      %dma_start3A_14 = tpu.memref_slice %arg7[%mul3A_2, %dma_start3A_13] : memref<8192x64xf32, #tpu.memory_space<hbm>> -> memref<256x64xf32, #tpu.memory_space<hbm>>
      %dma_start3A_15 = arith.constant 0 : i32
      %dma_start3A_16 = tpu.memref_slice %arg7[%mul3A_2, %dma_start3A_15] : memref<8192x64xf32, #tpu.memory_space<hbm>> -> memref<256x64xf32, #tpu.memory_space<hbm>>
      tpu.enqueue_dma source(%arg11 : memref<256x64xf32, #tpu.memory_space<vmem>>) target(%dma_start3A_16 : memref<256x64xf32, #tpu.memory_space<hbm>>) target_semaphore(%run_scoped3A : memref<!tpu.dma_semaphore, #tpu.memory_space<semaphore_mem>>)
      %dma_wait3A_17 = arith.constant 0 : i32
      %dma_wait3A_18 = tpu.memref_slice %arg7[%mul3A_2, %dma_wait3A_17] : memref<8192x64xf32, #tpu.memory_space<hbm>> -> memref<256x64xf32, #tpu.memory_space<hbm>>
      %dma_wait3A_19 = arith.constant 0 : i32
      %dma_wait3A_20 = tpu.memref_slice %arg7[%mul3A_2, %dma_wait3A_19] : memref<8192x64xf32, #tpu.memory_space<hbm>> -> memref<256x64xf32, #tpu.memory_space<hbm>>
      tpu.wait_dma2 semaphore(%run_scoped3A : memref<!tpu.dma_semaphore, #tpu.memory_space<semaphore_mem>>) src(%arg11 : memref<256x64xf32, #tpu.memory_space<vmem>>) dst(%dma_wait3A_20 : memref<256x64xf32, #tpu.memory_space<hbm>>)
      tpu.yield
    }) : () -> ()
    return
  }
}

module attributes {stable_mosaic.version = 14 : i64} {
  func.func @_tc_body(%arg0: i32, %arg1: memref<2x128x128xi32, #tpu.memory_space<vmem>>, %arg2: memref<2x128x128xi32, #tpu.memory_space<vmem>>, %arg3: memref<2x128x64xf32, #tpu.memory_space<vmem>>, %arg4: memref<2x128x64xf32, #tpu.memory_space<vmem>>, %arg5: memref<64x128xf32, #tpu.memory_space<vmem>>, %arg6: memref<2x128x64x128xf32, #tpu.memory_space<vmem>>, %arg7: memref<2x64x128xf32, #tpu.memory_space<vmem>>) attributes {dimension_semantics = [#tpu.dimension_semantics<arbitrary>], iteration_bounds = array<i64: 32>, scalar_prefetch = 0 : i64, scratch_operands = 0 : i64, tpu.core_type = #tpu.core_type<tc>, window_params = [{transform_indices = @transform_0, window_bounds = array<i64: 2, 128, 128>}, {transform_indices = @transform_1, window_bounds = array<i64: 2, 128, 128>}, {transform_indices = @transform_2, window_bounds = array<i64: 2, 128, 64>}, {transform_indices = @transform_3, window_bounds = array<i64: 2, 128, 64>}, {pipeline_mode = #tpu.pipeline_mode<synchronous>, transform_indices = @transform_4, window_bounds = array<i64: 64, 128>}, {transform_indices = @transform_5, window_bounds = array<i64: 2, 128, 64, 128>}, {transform_indices = @transform_6, window_bounds = array<i64: 2, 64, 128>}]} {
    %get3A = arith.constant 0 : index
    %get3A_0 = arith.constant 0 : index
    %get3A_1 = vector.load %arg5[%get3A, %get3A_0] : memref<64x128xf32, #tpu.memory_space<vmem>>, vector<64x128xf32>
    %convert_element_type3A = arith.truncf %get3A_1 : vector<64x128xf32> to vector<64x128xbf16>
    %iota3A = tpu.iota {dimensions = array<i32: 0>} : vector<128x1xi32>
    %iota3A_2 = tpu.iota {dimensions = array<i32: 0>} : vector<128x128xi32>
    %iota3A_3 = tpu.iota {dimensions = array<i32: 1>} : vector<128x128xi32>
    %get3A_4 = arith.constant 0 : index
    %get3A_5 = arith.constant 0 : index
    %get3A_6 = arith.constant 0 : index
    %get3A_7 = vector.load %arg3[%get3A_4, %get3A_5, %get3A_6] : memref<2x128x64xf32, #tpu.memory_space<vmem>>, vector<1x128x64xf32>
    %get3A_8 = vector.shape_cast %get3A_7 : vector<1x128x64xf32> to vector<128x64xf32>
    %transpose3A = tpu.transpose %get3A_8, [1, 0] : vector<128x64xf32> -> vector<64x128xf32>
    %get3A_9 = arith.constant 0 : index
    %get3A_10 = arith.constant 0 : index
    %get3A_11 = arith.constant 0 : index
    %get3A_12 = vector.load %arg4[%get3A_9, %get3A_10, %get3A_11] : memref<2x128x64xf32, #tpu.memory_space<vmem>>, vector<1x128x64xf32>
    %get3A_13 = vector.shape_cast %get3A_12 : vector<1x128x64xf32> to vector<128x64xf32>
    %transpose3A_14 = tpu.transpose %get3A_13, [1, 0] : vector<128x64xf32> -> vector<64x128xf32>
    %add3A = arith.addf %transpose3A_14, %transpose3A : vector<64x128xf32>
    %swap3A = arith.constant 0 : index
    %swap3A_15 = arith.constant 0 : index
    %swap3A_16 = arith.constant 0 : index
    %swap3A_17 = vector.load %arg7[%swap3A, %swap3A_15, %swap3A_16] : memref<2x64x128xf32, #tpu.memory_space<vmem>>, vector<1x64x128xf32>
    %swap3A_18 = vector.shape_cast %swap3A_17 : vector<1x64x128xf32> to vector<64x128xf32>
    %swap3A_19 = vector.shape_cast %add3A : vector<64x128xf32> to vector<1x64x128xf32>
    tpu.vector_store %arg7[%swap3A, %swap3A_15, %swap3A_16], %swap3A_19 {strides = array<i32>} : memref<2x64x128xf32, #tpu.memory_space<vmem>>, vector<1x64x128xf32>,
    %gt3A = arith.cmpi sgt, %iota3A_2, %iota3A_3 : vector<128x128xi32>
    %get3A_20 = arith.constant 0 : index
    %get3A_21 = arith.constant 0 : index
    %get3A_22 = arith.constant 0 : index
    %get3A_23 = vector.load %arg2[%get3A_20, %get3A_21, %get3A_22] : memref<2x128x128xi32, #tpu.memory_space<vmem>>, vector<1x128x128xi32>
    %get3A_24 = vector.shape_cast %get3A_23 : vector<1x128x128xi32> to vector<128x128xi32>
    %get3A_25 = arith.constant 0 : index
    %get3A_26 = arith.constant 0 : index
    %get3A_27 = arith.constant 0 : index
    %get3A_28 = vector.load %arg1[%get3A_25, %get3A_26, %get3A_27] : memref<2x128x128xi32, #tpu.memory_space<vmem>>, vector<1x128x128xi32>
    %get3A_29 = vector.shape_cast %get3A_28 : vector<1x128x128xi32> to vector<128x128xi32>
    %select_n3A = arith.select %gt3A, %get3A_24, %get3A_29 : vector<128x128xi1>, vector<128x128xi32>
    %slice3A = vector.extract_strided_slice %select_n3A {offsets = [0, 0], sizes = [1, 128], strides = [1, 1]} : vector<128x128xi32> to vector<1x128xi32>
    %slice3A_30 = vector.extract_strided_slice %select_n3A {offsets = [1, 0], sizes = [1, 128], strides = [1, 1]} : vector<128x128xi32> to vector<1x128xi32>
    %concatenate3A = tpu.concatenate %slice3A, %slice3A_30 in 1 : vector<1x128xi32>, vector<1x128xi32> -> vector<1x256xi32>
    %eq3A = vector.broadcast %iota3A : vector<128x1xi32> to vector<128x256xi32>
    %eq3A_31 = vector.broadcast %concatenate3A : vector<1x256xi32> to vector<128x256xi32>
    %eq3A_32 = arith.cmpi eq, %eq3A, %eq3A_31 : vector<128x256xi32>
    %convert_element_type3A_33 = arith.extui %eq3A_32 : vector<128x256xi1> to vector<128x256xi32>
    %convert_element_type3A_34 = arith.sitofp %convert_element_type3A_33 : vector<128x256xi32> to vector<128x256xf32>
    %convert_element_type3A_35 = arith.truncf %convert_element_type3A_34 : vector<128x256xf32> to vector<128x256xbf16>
    %dot_general3A = arith.constant dense<0.000000e+00> : vector<64x256xf32>
    %dot_general3A_36 = tpu.matmul %convert_element_type3A, %convert_element_type3A_35, %dot_general3A {dimension_numbers = #tpu.dot_dimension_numbers<[1], [0], [0], [1], [0, 0, 1, 1], [], []>, transpose_lhs_hint = false} : vector<64x128xbf16>, vector<128x256xbf16>, vector<64x256xf32> -> vector<64x256xf32>
    %slice3A_37 = vector.extract_strided_slice %dot_general3A_36 {offsets = [0, 0], sizes = [64, 128], strides = [1, 1]} : vector<64x256xf32> to vector<64x128xf32>
    %add3A_38 = arith.addf %slice3A_37, %transpose3A : vector<64x128xf32>
    %slice3A_39 = vector.extract_strided_slice %transpose3A {offsets = [0, 0], sizes = [64, 1], strides = [1, 1]} : vector<64x128xf32> to vector<64x1xf32>
    %add3A_40 = vector.broadcast %slice3A_39 : vector<64x1xf32> to vector<64x128xf32>
    %add3A_41 = arith.addf %add3A_38, %add3A_40 : vector<64x128xf32>
    %swap3A_42 = arith.constant 0 : index
    %swap3A_43 = arith.constant 0 : index
    %swap3A_44 = arith.constant 0 : index
    %swap3A_45 = arith.constant 0 : index
    %swap3A_46 = vector.load %arg6[%swap3A_42, %swap3A_43, %swap3A_44, %swap3A_45] : memref<2x128x64x128xf32, #tpu.memory_space<vmem>>, vector<1x1x64x128xf32>
    %swap3A_47 = vector.shape_cast %swap3A_46 : vector<1x1x64x128xf32> to vector<64x128xf32>
    %swap3A_48 = vector.shape_cast %add3A_41 : vector<64x128xf32> to vector<1x1x64x128xf32>
    tpu.vector_store %arg6[%swap3A_42, %swap3A_43, %swap3A_44, %swap3A_45], %swap3A_48 {strides = array<i32>} : memref<2x128x64x128xf32, #tpu.memory_space<vmem>>, vector<1x1x64x128xf32>,
    %slice3A_49 = vector.extract_strided_slice %dot_general3A_36 {offsets = [0, 128], sizes = [64, 128], strides = [1, 1]} : vector<64x256xf32> to vector<64x128xf32>
    %add3A_50 = arith.addf %slice3A_49, %transpose3A : vector<64x128xf32>
    %slice3A_51 = vector.extract_strided_slice %transpose3A {offsets = [0, 1], sizes = [64, 1], strides = [1, 1]} : vector<64x128xf32> to vector<64x1xf32>
    %add3A_52 = vector.broadcast %slice3A_51 : vector<64x1xf32> to vector<64x128xf32>
    %add3A_53 = arith.addf %add3A_50, %add3A_52 : vector<64x128xf32>
    %swap3A_54 = arith.constant 0 : index
    %swap3A_55 = arith.constant 1 : index
    %swap3A_56 = arith.constant 0 : index
    %swap3A_57 = arith.constant 0 : index
    %swap3A_58 = vector.load %arg6[%swap3A_54, %swap3A_55, %swap3A_56, %swap3A_57] : memref<2x128x64x128xf32, #tpu.memory_space<vmem>>, vector<1x1x64x128xf32>
    %swap3A_59 = vector.shape_cast %swap3A_58 : vector<1x1x64x128xf32> to vector<64x128xf32>
    %swap3A_60 = vector.shape_cast %add3A_53 : vector<64x128xf32> to vector<1x1x64x128xf32>
    tpu.vector_store %arg6[%swap3A_54, %swap3A_55, %swap3A_56, %swap3A_57], %swap3A_60 {strides = array<i32>} : memref<2x128x64x128xf32, #tpu.memory_space<vmem>>, vector<1x1x64x128xf32>,
    %slice3A_61 = vector.extract_strided_slice %select_n3A {offsets = [2, 0], sizes = [1, 128], strides = [1, 1]} : vector<128x128xi32> to vector<1x128xi32>
    %slice3A_62 = vector.extract_strided_slice %select_n3A {offsets = [3, 0], sizes = [1, 128], strides = [1, 1]} : vector<128x128xi32> to vector<1x128xi32>
    %concatenate3A_63 = tpu.concatenate %slice3A_61, %slice3A_62 in 1 : vector<1x128xi32>, vector<1x128xi32> -> vector<1x256xi32>
    %eq3A_64 = vector.broadcast %iota3A : vector<128x1xi32> to vector<128x256xi32>
    %eq3A_65 = vector.broadcast %concatenate3A_63 : vector<1x256xi32> to vector<128x256xi32>
    %eq3A_66 = arith.cmpi eq, %eq3A_64, %eq3A_65 : vector<128x256xi32>
    %convert_element_type3A_67 = arith.extui %eq3A_66 : vector<128x256xi1> to vector<128x256xi32>
    %convert_element_type3A_68 = arith.sitofp %convert_element_type3A_67 : vector<128x256xi32> to vector<128x256xf32>
    %convert_element_type3A_69 = arith.truncf %convert_element_type3A_68 : vector<128x256xf32> to vector<128x256xbf16>
    %dot_general3A_70 = arith.constant dense<0.000000e+00> : vector<64x256xf32>
    %dot_general3A_71 = tpu.matmul %convert_element_type3A, %convert_element_type3A_69, %dot_general3A_70 {dimension_numbers = #tpu.dot_dimension_numbers<[1], [0], [0], [1], [0, 0, 1, 1], [], []>, transpose_lhs_hint = false} : vector<64x128xbf16>, vector<128x256xbf16>, vector<64x256xf32> -> vector<64x256xf32>
    %slice3A_72 = vector.extract_strided_slice %dot_general3A_71 {offsets = [0, 0], sizes = [64, 128], strides = [1, 1]} : vector<64x256xf32> to vector<64x128xf32>
    %add3A_73 = arith.addf %slice3A_72, %transpose3A : vector<64x128xf32>
    %slice3A_74 = vector.extract_strided_slice %transpose3A {offsets = [0, 2], sizes = [64, 1], strides = [1, 1]} : vector<64x128xf32> to vector<64x1xf32>
    %add3A_75 = vector.broadcast %slice3A_74 : vector<64x1xf32> to vector<64x128xf32>
    %add3A_76 = arith.addf %add3A_73, %add3A_75 : vector<64x128xf32>
    %swap3A_77 = arith.constant 0 : index
    %swap3A_78 = arith.constant 2 : index
    %swap3A_79 = arith.constant 0 : index
    %swap3A_80 = arith.constant 0 : index
    %swap3A_81 = vector.load %arg6[%swap3A_77, %swap3A_78, %swap3A_79, %swap3A_80] : memref<2x128x64x128xf32, #tpu.memory_space<vmem>>, vector<1x1x64x128xf32>
    %swap3A_82 = vector.shape_cast %swap3A_81 : vector<1x1x64x128xf32> to vector<64x128xf32>
    %swap3A_83 = vector.shape_cast %add3A_76 : vector<64x128xf32> to vector<1x1x64x128xf32>
    tpu.vector_store %arg6[%swap3A_77, %swap3A_78, %swap3A_79, %swap3A_80], %swap3A_83 {strides = array<i32>} : memref<2x128x64x128xf32, #tpu.memory_space<vmem>>, vector<1x1x64x128xf32>,
    %slice3A_84 = vector.extract_strided_slice %dot_general3A_71 {offsets = [0, 128], sizes = [64, 128], strides = [1, 1]} : vector<64x256xf32> to vector<64x128xf32>
    %add3A_85 = arith.addf %slice3A_84, %transpose3A : vector<64x128xf32>
    %slice3A_86 = vector.extract_strided_slice %transpose3A {offsets = [0, 3], sizes = [64, 1], strides = [1, 1]} : vector<64x128xf32> to vector<64x1xf32>
    %add3A_87 = vector.broadcast %slice3A_86 : vector<64x1xf32> to vector<64x128xf32>
    %add3A_88 = arith.addf %add3A_85, %add3A_87 : vector<64x128xf32>
    %swap3A_89 = arith.constant 0 : index
    %swap3A_90 = arith.constant 3 : index
    %swap3A_91 = arith.constant 0 : index
    %swap3A_92 = arith.constant 0 : index
    %swap3A_93 = vector.load %arg6[%swap3A_89, %swap3A_90, %swap3A_91, %swap3A_92] : memref<2x128x64x128xf32, #tpu.memory_space<vmem>>, vector<1x1x64x128xf32>
    %swap3A_94 = vector.shape_cast %swap3A_93 : vector<1x1x64x128xf32> to vector<64x128xf32>
    %swap3A_95 = vector.shape_cast %add3A_88 : vector<64x128xf32> to vector<1x1x64x128xf32>
    tpu.vector_store %arg6[%swap3A_89, %swap3A_90, %swap3A_91, %swap3A_92], %swap3A_95 {strides = array<i32>} : memref<2x128x64x128xf32, #tpu.memory_space<vmem>>, vector<1x1x64x128xf32>,
    %slice3A_96 = vector.extract_strided_slice %select_n3A {offsets = [4, 0], sizes = [1, 128], strides = [1, 1]} : vector<128x128xi32> to vector<1x128xi32>
    %slice3A_97 = vector.extract_strided_slice %select_n3A {offsets = [5, 0], sizes = [1, 128], strides = [1, 1]} : vector<128x128xi32> to vector<1x128xi32>
    %concatenate3A_98 = tpu.concatenate %slice3A_96, %slice3A_97 in 1 : vector<1x128xi32>, vector<1x128xi32> -> vector<1x256xi32>
    %eq3A_99 = vector.broadcast %iota3A : vector<128x1xi32> to vector<128x256xi32>
    %eq3A_100 = vector.broadcast %concatenate3A_98 : vector<1x256xi32> to vector<128x256xi32>
    %eq3A_101 = arith.cmpi eq, %eq3A_99, %eq3A_100 : vector<128x256xi32>
    %convert_element_type3A_102 = arith.extui %eq3A_101 : vector<128x256xi1> to vector<128x256xi32>
    %convert_element_type3A_103 = arith.sitofp %convert_element_type3A_102 : vector<128x256xi32> to vector<128x256xf32>
    %convert_element_type3A_104 = arith.truncf %convert_element_type3A_103 : vector<128x256xf32> to vector<128x256xbf16>
    %dot_general3A_105 = arith.constant dense<0.000000e+00> : vector<64x256xf32>
    %dot_general3A_106 = tpu.matmul %convert_element_type3A, %convert_element_type3A_104, %dot_general3A_105 {dimension_numbers = #tpu.dot_dimension_numbers<[1], [0], [0], [1], [0, 0, 1, 1], [], []>, transpose_lhs_hint = false} : vector<64x128xbf16>, vector<128x256xbf16>, vector<64x256xf32> -> vector<64x256xf32>
    %slice3A_107 = vector.extract_strided_slice %dot_general3A_106 {offsets = [0, 0], sizes = [64, 128], strides = [1, 1]} : vector<64x256xf32> to vector<64x128xf32>
    %add3A_108 = arith.addf %slice3A_107, %transpose3A : vector<64x128xf32>
    %slice3A_109 = vector.extract_strided_slice %transpose3A {offsets = [0, 4], sizes = [64, 1], strides = [1, 1]} : vector<64x128xf32> to vector<64x1xf32>
    %add3A_110 = vector.broadcast %slice3A_109 : vector<64x1xf32> to vector<64x128xf32>
    %add3A_111 = arith.addf %add3A_108, %add3A_110 : vector<64x128xf32>
    %swap3A_112 = arith.constant 0 : index
    %swap3A_113 = arith.constant 4 : index
    %swap3A_114 = arith.constant 0 : index
    %swap3A_115 = arith.constant 0 : index
    %swap3A_116 = vector.load %arg6[%swap3A_112, %swap3A_113, %swap3A_114, %swap3A_115] : memref<2x128x64x128xf32, #tpu.memory_space<vmem>>, vector<1x1x64x128xf32>
    %swap3A_117 = vector.shape_cast %swap3A_116 : vector<1x1x64x128xf32> to vector<64x128xf32>
    %swap3A_118 = vector.shape_cast %add3A_111 : vector<64x128xf32> to vector<1x1x64x128xf32>
    tpu.vector_store %arg6[%swap3A_112, %swap3A_113, %swap3A_114, %swap3A_115], %swap3A_118 {strides = array<i32>} : memref<2x128x64x128xf32, #tpu.memory_space<vmem>>, vector<1x1x64x128xf32>,
    %slice3A_119 = vector.extract_strided_slice %dot_general3A_106 {offsets = [0, 128], sizes = [64, 128], strides = [1, 1]} : vector<64x256xf32> to vector<64x128xf32>
    %add3A_120 = arith.addf %slice3A_119, %transpose3A : vector<64x128xf32>
    %slice3A_121 = vector.extract_strided_slice %transpose3A {offsets = [0, 5], sizes = [64, 1], strides = [1, 1]} : vector<64x128xf32> to vector<64x1xf32>
    %add3A_122 = vector.broadcast %slice3A_121 : vector<64x1xf32> to vector<64x128xf32>
    %add3A_123 = arith.addf %add3A_120, %add3A_122 : vector<64x128xf32>
    %swap3A_124 = arith.constant 0 : index
    %swap3A_125 = arith.constant 5 : index
    %swap3A_126 = arith.constant 0 : index
    %swap3A_127 = arith.constant 0 : index
    %swap3A_128 = vector.load %arg6[%swap3A_124, %swap3A_125, %swap3A_126, %swap3A_127] : memref<2x128x64x128xf32, #tpu.memory_space<vmem>>, vector<1x1x64x128xf32>
    %swap3A_129 = vector.shape_cast %swap3A_128 : vector<1x1x64x128xf32> to vector<64x128xf32>
    %swap3A_130 = vector.shape_cast %add3A_123 : vector<64x128xf32> to vector<1x1x64x128xf32>
    tpu.vector_store %arg6[%swap3A_124, %swap3A_125, %swap3A_126, %swap3A_127], %swap3A_130 {strides = array<i32>} : memref<2x128x64x128xf32, #tpu.memory_space<vmem>>, vector<1x1x64x128xf32>,
    %slice3A_131 = vector.extract_strided_slice %select_n3A {offsets = [6, 0], sizes = [1, 128], strides = [1, 1]} : vector<128x128xi32> to vector<1x128xi32>
    %slice3A_132 = vector.extract_strided_slice %select_n3A {offsets = [7, 0], sizes = [1, 128], strides = [1, 1]} : vector<128x128xi32> to vector<1x128xi32>
    %concatenate3A_133 = tpu.concatenate %slice3A_131, %slice3A_132 in 1 : vector<1x128xi32>, vector<1x128xi32> -> vector<1x256xi32>
    %eq3A_134 = vector.broadcast %iota3A : vector<128x1xi32> to vector<128x256xi32>
    %eq3A_135 = vector.broadcast %concatenate3A_133 : vector<1x256xi32> to vector<128x256xi32>
    %eq3A_136 = arith.cmpi eq, %eq3A_134, %eq3A_135 : vector<128x256xi32>
    %convert_element_type3A_137 = arith.extui %eq3A_136 : vector<128x256xi1> to vector<128x256xi32>
    %convert_element_type3A_138 = arith.sitofp %convert_element_type3A_137 : vector<128x256xi32> to vector<128x256xf32>
    %convert_element_type3A_139 = arith.truncf %convert_element_type3A_138 : vector<128x256xf32> to vector<128x256xbf16>
    %dot_general3A_140 = arith.constant dense<0.000000e+00> : vector<64x256xf32>
    %dot_general3A_141 = tpu.matmul %convert_element_type3A, %convert_element_type3A_139, %dot_general3A_140 {dimension_numbers = #tpu.dot_dimension_numbers<[1], [0], [0], [1], [0, 0, 1, 1], [], []>, transpose_lhs_hint = false} : vector<64x128xbf16>, vector<128x256xbf16>, vector<64x256xf32> -> vector<64x256xf32>
    %slice3A_142 = vector.extract_strided_slice %dot_general3A_141 {offsets = [0, 0], sizes = [64, 128], strides = [1, 1]} : vector<64x256xf32> to vector<64x128xf32>
    %add3A_143 = arith.addf %slice3A_142, %transpose3A : vector<64x128xf32>
    %slice3A_144 = vector.extract_strided_slice %transpose3A {offsets = [0, 6], sizes = [64, 1], strides = [1, 1]} : vector<64x128xf32> to vector<64x1xf32>
    %add3A_145 = vector.broadcast %slice3A_144 : vector<64x1xf32> to vector<64x128xf32>
    %add3A_146 = arith.addf %add3A_143, %add3A_145 : vector<64x128xf32>
    %swap3A_147 = arith.constant 0 : index
    %swap3A_148 = arith.constant 6 : index
    %swap3A_149 = arith.constant 0 : index
    %swap3A_150 = arith.constant 0 : index
    %swap3A_151 = vector.load %arg6[%swap3A_147, %swap3A_148, %swap3A_149, %swap3A_150] : memref<2x128x64x128xf32, #tpu.memory_space<vmem>>, vector<1x1x64x128xf32>
    %swap3A_152 = vector.shape_cast %swap3A_151 : vector<1x1x64x128xf32> to vector<64x128xf32>
    %swap3A_153 = vector.shape_cast %add3A_146 : vector<64x128xf32> to vector<1x1x64x128xf32>
    tpu.vector_store %arg6[%swap3A_147, %swap3A_148, %swap3A_149, %swap3A_150], %swap3A_153 {strides = array<i32>} : memref<2x128x64x128xf32, #tpu.memory_space<vmem>>, vector<1x1x64x128xf32>,
    %slice3A_154 = vector.extract_strided_slice %dot_general3A_141 {offsets = [0, 128], sizes = [64, 128], strides = [1, 1]} : vector<64x256xf32> to vector<64x128xf32>
    %add3A_155 = arith.addf %slice3A_154, %transpose3A : vector<64x128xf32>
    %slice3A_156 = vector.extract_strided_slice %transpose3A {offsets = [0, 7], sizes = [64, 1], strides = [1, 1]} : vector<64x128xf32> to vector<64x1xf32>
    %add3A_157 = vector.broadcast %slice3A_156 : vector<64x1xf32> to vector<64x128xf32>
    %add3A_158 = arith.addf %add3A_155, %add3A_157 : vector<64x128xf32>
    %swap3A_159 = arith.constant 0 : index
    %swap3A_160 = arith.constant 7 : index
    %swap3A_161 = arith.constant 0 : index
    %swap3A_162 = arith.constant 0 : index
    %swap3A_163 = vector.load %arg6[%swap3A_159, %swap3A_160, %swap3A_161, %swap3A_162] : memref<2x128x64x128xf32, #tpu.memory_space<vmem>>, vector<1x1x64x128xf32>
    %swap3A_164 = vector.shape_cast %swap3A_163 : vector<1x1x64x128xf32> to vector<64x128xf32>
    %swap3A_165 = vector.shape_cast %add3A_158 : vector<64x128xf32> to vector<1x1x64x128xf32>
    tpu.vector_store %arg6[%swap3A_159, %swap3A_160, %swap3A_161, %swap3A_162], %swap3A_165 {strides = array<i32>} : memref<2x128x64x128xf32, #tpu.memory_space<vmem>>, vector<1x1x64x128xf32>,
    %slice3A_166 = vector.extract_strided_slice %select_n3A {offsets = [8, 0], sizes = [1, 128], strides = [1, 1]} : vector<128x128xi32> to vector<1x128xi32>
    %slice3A_167 = vector.extract_strided_slice %select_n3A {offsets = [9, 0], sizes = [1, 128], strides = [1, 1]} : vector<128x128xi32> to vector<1x128xi32>
    %concatenate3A_168 = tpu.concatenate %slice3A_166, %slice3A_167 in 1 : vector<1x128xi32>, vector<1x128xi32> -> vector<1x256xi32>
    %eq3A_169 = vector.broadcast %iota3A : vector<128x1xi32> to vector<128x256xi32>
    %eq3A_170 = vector.broadcast %concatenate3A_168 : vector<1x256xi32> to vector<128x256xi32>
    %eq3A_171 = arith.cmpi eq, %eq3A_169, %eq3A_170 : vector<128x256xi32>
    %convert_element_type3A_172 = arith.extui %eq3A_171 : vector<128x256xi1> to vector<128x256xi32>
    %convert_element_type3A_173 = arith.sitofp %convert_element_type3A_172 : vector<128x256xi32> to vector<128x256xf32>
    %convert_element_type3A_174 = arith.truncf %convert_element_type3A_173 : vector<128x256xf32> to vector<128x256xbf16>
    %dot_general3A_175 = arith.constant dense<0.000000e+00> : vector<64x256xf32>
    %dot_general3A_176 = tpu.matmul %convert_element_type3A, %convert_element_type3A_174, %dot_general3A_175 {dimension_numbers = #tpu.dot_dimension_numbers<[1], [0], [0], [1], [0, 0, 1, 1], [], []>, transpose_lhs_hint = false} : vector<64x128xbf16>, vector<128x256xbf16>, vector<64x256xf32> -> vector<64x256xf32>
    %slice3A_177 = vector.extract_strided_slice %dot_general3A_176 {offsets = [0, 0], sizes = [64, 128], strides = [1, 1]} : vector<64x256xf32> to vector<64x128xf32>
    %add3A_178 = arith.addf %slice3A_177, %transpose3A : vector<64x128xf32>
    %slice3A_179 = vector.extract_strided_slice %transpose3A {offsets = [0, 8], sizes = [64, 1], strides = [1, 1]} : vector<64x128xf32> to vector<64x1xf32>
    %add3A_180 = vector.broadcast %slice3A_179 : vector<64x1xf32> to vector<64x128xf32>
    %add3A_181 = arith.addf %add3A_178, %add3A_180 : vector<64x128xf32>
    %swap3A_182 = arith.constant 0 : index
    %swap3A_183 = arith.constant 8 : index
    %swap3A_184 = arith.constant 0 : index
    %swap3A_185 = arith.constant 0 : index
    %swap3A_186 = vector.load %arg6[%swap3A_182, %swap3A_183, %swap3A_184, %swap3A_185] : memref<2x128x64x128xf32, #tpu.memory_space<vmem>>, vector<1x1x64x128xf32>
    %swap3A_187 = vector.shape_cast %swap3A_186 : vector<1x1x64x128xf32> to vector<64x128xf32>
    %swap3A_188 = vector.shape_cast %add3A_181 : vector<64x128xf32> to vector<1x1x64x128xf32>
    tpu.vector_store %arg6[%swap3A_182, %swap3A_183, %swap3A_184, %swap3A_185], %swap3A_188 {strides = array<i32>} : memref<2x128x64x128xf32, #tpu.memory_space<vmem>>, vector<1x1x64x128xf32>,
    %slice3A_189 = vector.extract_strided_slice %dot_general3A_176 {offsets = [0, 128], sizes = [64, 128], strides = [1, 1]} : vector<64x256xf32> to vector<64x128xf32>
    %add3A_190 = arith.addf %slice3A_189, %transpose3A : vector<64x128xf32>
    %slice3A_191 = vector.extract_strided_slice %transpose3A {offsets = [0, 9], sizes = [64, 1], strides = [1, 1]} : vector<64x128xf32> to vector<64x1xf32>
    %add3A_192 = vector.broadcast %slice3A_191 : vector<64x1xf32> to vector<64x128xf32>
    %add3A_193 = arith.addf %add3A_190, %add3A_192 : vector<64x128xf32>
    %swap3A_194 = arith.constant 0 : index
    %swap3A_195 = arith.constant 9 : index
    %swap3A_196 = arith.constant 0 : index
    %swap3A_197 = arith.constant 0 : index
    %swap3A_198 = vector.load %arg6[%swap3A_194, %swap3A_195, %swap3A_196, %swap3A_197] : memref<2x128x64x128xf32, #tpu.memory_space<vmem>>, vector<1x1x64x128xf32>
    %swap3A_199 = vector.shape_cast %swap3A_198 : vector<1x1x64x128xf32> to vector<64x128xf32>
    %swap3A_200 = vector.shape_cast %add3A_193 : vector<64x128xf32> to vector<1x1x64x128xf32>
    tpu.vector_store %arg6[%swap3A_194, %swap3A_195, %swap3A_196, %swap3A_197], %swap3A_200 {strides = array<i32>} : memref<2x128x64x128xf32, #tpu.memory_space<vmem>>, vector<1x1x64x128xf32>,
    %slice3A_201 = vector.extract_strided_slice %select_n3A {offsets = [10, 0], sizes = [1, 128], strides = [1, 1]} : vector<128x128xi32> to vector<1x128xi32>
    %slice3A_202 = vector.extract_strided_slice %select_n3A {offsets = [11, 0], sizes = [1, 128], strides = [1, 1]} : vector<128x128xi32> to vector<1x128xi32>
    %concatenate3A_203 = tpu.concatenate %slice3A_201, %slice3A_202 in 1 : vector<1x128xi32>, vector<1x128xi32> -> vector<1x256xi32>
    %eq3A_204 = vector.broadcast %iota3A : vector<128x1xi32> to vector<128x256xi32>
    %eq3A_205 = vector.broadcast %concatenate3A_203 : vector<1x256xi32> to vector<128x256xi32>
    %eq3A_206 = arith.cmpi eq, %eq3A_204, %eq3A_205 : vector<128x256xi32>
    %convert_element_type3A_207 = arith.extui %eq3A_206 : vector<128x256xi1> to vector<128x256xi32>
    %convert_element_type3A_208 = arith.sitofp %convert_element_type3A_207 : vector<128x256xi32> to vector<128x256xf32>
    %convert_element_type3A_209 = arith.truncf %convert_element_type3A_208 : vector<128x256xf32> to vector<128x256xbf16>
    %dot_general3A_210 = arith.constant dense<0.000000e+00> : vector<64x256xf32>
    %dot_general3A_211 = tpu.matmul %convert_element_type3A, %convert_element_type3A_209, %dot_general3A_210 {dimension_numbers = #tpu.dot_dimension_numbers<[1], [0], [0], [1], [0, 0, 1, 1], [], []>, transpose_lhs_hint = false} : vector<64x128xbf16>, vector<128x256xbf16>, vector<64x256xf32> -> vector<64x256xf32>
    %slice3A_212 = vector.extract_strided_slice %dot_general3A_211 {offsets = [0, 0], sizes = [64, 128], strides = [1, 1]} : vector<64x256xf32> to vector<64x128xf32>
    %add3A_213 = arith.addf %slice3A_212, %transpose3A : vector<64x128xf32>
    %slice3A_214 = vector.extract_strided_slice %transpose3A {offsets = [0, 10], sizes = [64, 1], strides = [1, 1]} : vector<64x128xf32> to vector<64x1xf32>
    %add3A_215 = vector.broadcast %slice3A_214 : vector<64x1xf32> to vector<64x128xf32>
    %add3A_216 = arith.addf %add3A_213, %add3A_215 : vector<64x128xf32>
    %swap3A_217 = arith.constant 0 : index
    %swap3A_218 = arith.constant 10 : index
    %swap3A_219 = arith.constant 0 : index
    %swap3A_220 = arith.constant 0 : index
    %swap3A_221 = vector.load %arg6[%swap3A_217, %swap3A_218, %swap3A_219, %swap3A_220] : memref<2x128x64x128xf32, #tpu.memory_space<vmem>>, vector<1x1x64x128xf32>
    %swap3A_222 = vector.shape_cast %swap3A_221 : vector<1x1x64x128xf32> to vector<64x128xf32>
    %swap3A_223 = vector.shape_cast %add3A_216 : vector<64x128xf32> to vector<1x1x64x128xf32>
    tpu.vector_store %arg6[%swap3A_217, %swap3A_218, %swap3A_219, %swap3A_220], %swap3A_223 {strides = array<i32>} : memref<2x128x64x128xf32, #tpu.memory_space<vmem>>, vector<1x1x64x128xf32>,
    %slice3A_224 = vector.extract_strided_slice %dot_general3A_211 {offsets = [0, 128], sizes = [64, 128], strides = [1, 1]} : vector<64x256xf32> to vector<64x128xf32>
    %add3A_225 = arith.addf %slice3A_224, %transpose3A : vector<64x128xf32>
    %slice3A_226 = vector.extract_strided_slice %transpose3A {offsets = [0, 11], sizes = [64, 1], strides = [1, 1]} : vector<64x128xf32> to vector<64x1xf32>
    %add3A_227 = vector.broadcast %slice3A_226 : vector<64x1xf32> to vector<64x128xf32>
    %add3A_228 = arith.addf %add3A_225, %add3A_227 : vector<64x128xf32>
    %swap3A_229 = arith.constant 0 : index
    %swap3A_230 = arith.constant 11 : index
    %swap3A_231 = arith.constant 0 : index
    %swap3A_232 = arith.constant 0 : index
    %swap3A_233 = vector.load %arg6[%swap3A_229, %swap3A_230, %swap3A_231, %swap3A_232] : memref<2x128x64x128xf32, #tpu.memory_space<vmem>>, vector<1x1x64x128xf32>
    %swap3A_234 = vector.shape_cast %swap3A_233 : vector<1x1x64x128xf32> to vector<64x128xf32>
    %swap3A_235 = vector.shape_cast %add3A_228 : vector<64x128xf32> to vector<1x1x64x128xf32>
    tpu.vector_store %arg6[%swap3A_229, %swap3A_230, %swap3A_231, %swap3A_232], %swap3A_235 {strides = array<i32>} : memref<2x128x64x128xf32, #tpu.memory_space<vmem>>, vector<1x1x64x128xf32>,
    %slice3A_236 = vector.extract_strided_slice %select_n3A {offsets = [12, 0], sizes = [1, 128], strides = [1, 1]} : vector<128x128xi32> to vector<1x128xi32>
    %slice3A_237 = vector.extract_strided_slice %select_n3A {offsets = [13, 0], sizes = [1, 128], strides = [1, 1]} : vector<128x128xi32> to vector<1x128xi32>
    %concatenate3A_238 = tpu.concatenate %slice3A_236, %slice3A_237 in 1 : vector<1x128xi32>, vector<1x128xi32> -> vector<1x256xi32>
    %eq3A_239 = vector.broadcast %iota3A : vector<128x1xi32> to vector<128x256xi32>
    %eq3A_240 = vector.broadcast %concatenate3A_238 : vector<1x256xi32> to vector<128x256xi32>
    %eq3A_241 = arith.cmpi eq, %eq3A_239, %eq3A_240 : vector<128x256xi32>
    %convert_element_type3A_242 = arith.extui %eq3A_241 : vector<128x256xi1> to vector<128x256xi32>
    %convert_element_type3A_243 = arith.sitofp %convert_element_type3A_242 : vector<128x256xi32> to vector<128x256xf32>
    %convert_element_type3A_244 = arith.truncf %convert_element_type3A_243 : vector<128x256xf32> to vector<128x256xbf16>
    %dot_general3A_245 = arith.constant dense<0.000000e+00> : vector<64x256xf32>
    %dot_general3A_246 = tpu.matmul %convert_element_type3A, %convert_element_type3A_244, %dot_general3A_245 {dimension_numbers = #tpu.dot_dimension_numbers<[1], [0], [0], [1], [0, 0, 1, 1], [], []>, transpose_lhs_hint = false} : vector<64x128xbf16>, vector<128x256xbf16>, vector<64x256xf32> -> vector<64x256xf32>
    %slice3A_247 = vector.extract_strided_slice %dot_general3A_246 {offsets = [0, 0], sizes = [64, 128], strides = [1, 1]} : vector<64x256xf32> to vector<64x128xf32>
    %add3A_248 = arith.addf %slice3A_247, %transpose3A : vector<64x128xf32>
    %slice3A_249 = vector.extract_strided_slice %transpose3A {offsets = [0, 12], sizes = [64, 1], strides = [1, 1]} : vector<64x128xf32> to vector<64x1xf32>
    %add3A_250 = vector.broadcast %slice3A_249 : vector<64x1xf32> to vector<64x128xf32>
    %add3A_251 = arith.addf %add3A_248, %add3A_250 : vector<64x128xf32>
    %swap3A_252 = arith.constant 0 : index
    %swap3A_253 = arith.constant 12 : index
    %swap3A_254 = arith.constant 0 : index
    %swap3A_255 = arith.constant 0 : index
    %swap3A_256 = vector.load %arg6[%swap3A_252, %swap3A_253, %swap3A_254, %swap3A_255] : memref<2x128x64x128xf32, #tpu.memory_space<vmem>>, vector<1x1x64x128xf32>
    %swap3A_257 = vector.shape_cast %swap3A_256 : vector<1x1x64x128xf32> to vector<64x128xf32>
    %swap3A_258 = vector.shape_cast %add3A_251 : vector<64x128xf32> to vector<1x1x64x128xf32>
    tpu.vector_store %arg6[%swap3A_252, %swap3A_253, %swap3A_254, %swap3A_255], %swap3A_258 {strides = array<i32>} : memref<2x128x64x128xf32, #tpu.memory_space<vmem>>, vector<1x1x64x128xf32>,
    %slice3A_259 = vector.extract_strided_slice %dot_general3A_246 {offsets = [0, 128], sizes = [64, 128], strides = [1, 1]} : vector<64x256xf32> to vector<64x128xf32>
    %add3A_260 = arith.addf %slice3A_259, %transpose3A : vector<64x128xf32>
    %slice3A_261 = vector.extract_strided_slice %transpose3A {offsets = [0, 13], sizes = [64, 1], strides = [1, 1]} : vector<64x128xf32> to vector<64x1xf32>
    %add3A_262 = vector.broadcast %slice3A_261 : vector<64x1xf32> to vector<64x128xf32>
    %add3A_263 = arith.addf %add3A_260, %add3A_262 : vector<64x128xf32>
    %swap3A_264 = arith.constant 0 : index
    %swap3A_265 = arith.constant 13 : index
    %swap3A_266 = arith.constant 0 : index
    %swap3A_267 = arith.constant 0 : index
    %swap3A_268 = vector.load %arg6[%swap3A_264, %swap3A_265, %swap3A_266, %swap3A_267] : memref<2x128x64x128xf32, #tpu.memory_space<vmem>>, vector<1x1x64x128xf32>
    %swap3A_269 = vector.shape_cast %swap3A_268 : vector<1x1x64x128xf32> to vector<64x128xf32>
    %swap3A_270 = vector.shape_cast %add3A_263 : vector<64x128xf32> to vector<1x1x64x128xf32>
    tpu.vector_store %arg6[%swap3A_264, %swap3A_265, %swap3A_266, %swap3A_267], %swap3A_270 {strides = array<i32>} : memref<2x128x64x128xf32, #tpu.memory_space<vmem>>, vector<1x1x64x128xf32>,
    %slice3A_271 = vector.extract_strided_slice %select_n3A {offsets = [14, 0], sizes = [1, 128], strides = [1, 1]} : vector<128x128xi32> to vector<1x128xi32>
    %slice3A_272 = vector.extract_strided_slice %select_n3A {offsets = [15, 0], sizes = [1, 128], strides = [1, 1]} : vector<128x128xi32> to vector<1x128xi32>
    %concatenate3A_273 = tpu.concatenate %slice3A_271, %slice3A_272 in 1 : vector<1x128xi32>, vector<1x128xi32> -> vector<1x256xi32>
    %eq3A_274 = vector.broadcast %iota3A : vector<128x1xi32> to vector<128x256xi32>
    %eq3A_275 = vector.broadcast %concatenate3A_273 : vector<1x256xi32> to vector<128x256xi32>
    %eq3A_276 = arith.cmpi eq, %eq3A_274, %eq3A_275 : vector<128x256xi32>
    %convert_element_type3A_277 = arith.extui %eq3A_276 : vector<128x256xi1> to vector<128x256xi32>
    %convert_element_type3A_278 = arith.sitofp %convert_element_type3A_277 : vector<128x256xi32> to vector<128x256xf32>
    %convert_element_type3A_279 = arith.truncf %convert_element_type3A_278 : vector<128x256xf32> to vector<128x256xbf16>
    %dot_general3A_280 = arith.constant dense<0.000000e+00> : vector<64x256xf32>
    %dot_general3A_281 = tpu.matmul %convert_element_type3A, %convert_element_type3A_279, %dot_general3A_280 {dimension_numbers = #tpu.dot_dimension_numbers<[1], [0], [0], [1], [0, 0, 1, 1], [], []>, transpose_lhs_hint = false} : vector<64x128xbf16>, vector<128x256xbf16>, vector<64x256xf32> -> vector<64x256xf32>
    %slice3A_282 = vector.extract_strided_slice %dot_general3A_281 {offsets = [0, 0], sizes = [64, 128], strides = [1, 1]} : vector<64x256xf32> to vector<64x128xf32>
    %add3A_283 = arith.addf %slice3A_282, %transpose3A : vector<64x128xf32>
    %slice3A_284 = vector.extract_strided_slice %transpose3A {offsets = [0, 14], sizes = [64, 1], strides = [1, 1]} : vector<64x128xf32> to vector<64x1xf32>
    %add3A_285 = vector.broadcast %slice3A_284 : vector<64x1xf32> to vector<64x128xf32>
    %add3A_286 = arith.addf %add3A_283, %add3A_285 : vector<64x128xf32>
    %swap3A_287 = arith.constant 0 : index
    %swap3A_288 = arith.constant 14 : index
    %swap3A_289 = arith.constant 0 : index
    %swap3A_290 = arith.constant 0 : index
    %swap3A_291 = vector.load %arg6[%swap3A_287, %swap3A_288, %swap3A_289, %swap3A_290] : memref<2x128x64x128xf32, #tpu.memory_space<vmem>>, vector<1x1x64x128xf32>
    %swap3A_292 = vector.shape_cast %swap3A_291 : vector<1x1x64x128xf32> to vector<64x128xf32>
    %swap3A_293 = vector.shape_cast %add3A_286 : vector<64x128xf32> to vector<1x1x64x128xf32>
    tpu.vector_store %arg6[%swap3A_287, %swap3A_288, %swap3A_289, %swap3A_290], %swap3A_293 {strides = array<i32>} : memref<2x128x64x128xf32, #tpu.memory_space<vmem>>, vector<1x1x64x128xf32>,
    %slice3A_294 = vector.extract_strided_slice %dot_general3A_281 {offsets = [0, 128], sizes = [64, 128], strides = [1, 1]} : vector<64x256xf32> to vector<64x128xf32>
    %add3A_295 = arith.addf %slice3A_294, %transpose3A : vector<64x128xf32>
    %slice3A_296 = vector.extract_strided_slice %transpose3A {offsets = [0, 15], sizes = [64, 1], strides = [1, 1]} : vector<64x128xf32> to vector<64x1xf32>
    %add3A_297 = vector.broadcast %slice3A_296 : vector<64x1xf32> to vector<64x128xf32>
    %add3A_298 = arith.addf %add3A_295, %add3A_297 : vector<64x128xf32>
    %swap3A_299 = arith.constant 0 : index
    %swap3A_300 = arith.constant 15 : index
    %swap3A_301 = arith.constant 0 : index
    %swap3A_302 = arith.constant 0 : index
    %swap3A_303 = vector.load %arg6[%swap3A_299, %swap3A_300, %swap3A_301, %swap3A_302] : memref<2x128x64x128xf32, #tpu.memory_space<vmem>>, vector<1x1x64x128xf32>
    %swap3A_304 = vector.shape_cast %swap3A_303 : vector<1x1x64x128xf32> to vector<64x128xf32>
    %swap3A_305 = vector.shape_cast %add3A_298 : vector<64x128xf32> to vector<1x1x64x128xf32>
    tpu.vector_store %arg6[%swap3A_299, %swap3A_300, %swap3A_301, %swap3A_302], %swap3A_305 {strides = array<i32>} : memref<2x128x64x128xf32, #tpu.memory_space<vmem>>, vector<1x1x64x128xf32>,
    %slice3A_306 = vector.extract_strided_slice %select_n3A {offsets = [16, 0], sizes = [1, 128], strides = [1, 1]} : vector<128x128xi32> to vector<1x128xi32>
    %slice3A_307 = vector.extract_strided_slice %select_n3A {offsets = [17, 0], sizes = [1, 128], strides = [1, 1]} : vector<128x128xi32> to vector<1x128xi32>
    %concatenate3A_308 = tpu.concatenate %slice3A_306, %slice3A_307 in 1 : vector<1x128xi32>, vector<1x128xi32> -> vector<1x256xi32>
    %eq3A_309 = vector.broadcast %iota3A : vector<128x1xi32> to vector<128x256xi32>
    %eq3A_310 = vector.broadcast %concatenate3A_308 : vector<1x256xi32> to vector<128x256xi32>
    %eq3A_311 = arith.cmpi eq, %eq3A_309, %eq3A_310 : vector<128x256xi32>
    %convert_element_type3A_312 = arith.extui %eq3A_311 : vector<128x256xi1> to vector<128x256xi32>
    %convert_element_type3A_313 = arith.sitofp %convert_element_type3A_312 : vector<128x256xi32> to vector<128x256xf32>
    %convert_element_type3A_314 = arith.truncf %convert_element_type3A_313 : vector<128x256xf32> to vector<128x256xbf16>
    %dot_general3A_315 = arith.constant dense<0.000000e+00> : vector<64x256xf32>
    %dot_general3A_316 = tpu.matmul %convert_element_type3A, %convert_element_type3A_314, %dot_general3A_315 {dimension_numbers = #tpu.dot_dimension_numbers<[1], [0], [0], [1], [0, 0, 1, 1], [], []>, transpose_lhs_hint = false} : vector<64x128xbf16>, vector<128x256xbf16>, vector<64x256xf32> -> vector<64x256xf32>
    %slice3A_317 = vector.extract_strided_slice %dot_general3A_316 {offsets = [0, 0], sizes = [64, 128], strides = [1, 1]} : vector<64x256xf32> to vector<64x128xf32>
    %add3A_318 = arith.addf %slice3A_317, %transpose3A : vector<64x128xf32>
    %slice3A_319 = vector.extract_strided_slice %transpose3A {offsets = [0, 16], sizes = [64, 1], strides = [1, 1]} : vector<64x128xf32> to vector<64x1xf32>
    %add3A_320 = vector.broadcast %slice3A_319 : vector<64x1xf32> to vector<64x128xf32>
    %add3A_321 = arith.addf %add3A_318, %add3A_320 : vector<64x128xf32>
    %swap3A_322 = arith.constant 0 : index
    %swap3A_323 = arith.constant 16 : index
    %swap3A_324 = arith.constant 0 : index
    %swap3A_325 = arith.constant 0 : index
    %swap3A_326 = vector.load %arg6[%swap3A_322, %swap3A_323, %swap3A_324, %swap3A_325] : memref<2x128x64x128xf32, #tpu.memory_space<vmem>>, vector<1x1x64x128xf32>
    %swap3A_327 = vector.shape_cast %swap3A_326 : vector<1x1x64x128xf32> to vector<64x128xf32>
    %swap3A_328 = vector.shape_cast %add3A_321 : vector<64x128xf32> to vector<1x1x64x128xf32>
    tpu.vector_store %arg6[%swap3A_322, %swap3A_323, %swap3A_324, %swap3A_325], %swap3A_328 {strides = array<i32>} : memref<2x128x64x128xf32, #tpu.memory_space<vmem>>, vector<1x1x64x128xf32>,
    %slice3A_329 = vector.extract_strided_slice %dot_general3A_316 {offsets = [0, 128], sizes = [64, 128], strides = [1, 1]} : vector<64x256xf32> to vector<64x128xf32>
    %add3A_330 = arith.addf %slice3A_329, %transpose3A : vector<64x128xf32>
    %slice3A_331 = vector.extract_strided_slice %transpose3A {offsets = [0, 17], sizes = [64, 1], strides = [1, 1]} : vector<64x128xf32> to vector<64x1xf32>
    %add3A_332 = vector.broadcast %slice3A_331 : vector<64x1xf32> to vector<64x128xf32>
    %add3A_333 = arith.addf %add3A_330, %add3A_332 : vector<64x128xf32>
    %swap3A_334 = arith.constant 0 : index
    %swap3A_335 = arith.constant 17 : index
    %swap3A_336 = arith.constant 0 : index
    %swap3A_337 = arith.constant 0 : index
    %swap3A_338 = vector.load %arg6[%swap3A_334, %swap3A_335, %swap3A_336, %swap3A_337] : memref<2x128x64x128xf32, #tpu.memory_space<vmem>>, vector<1x1x64x128xf32>
    %swap3A_339 = vector.shape_cast %swap3A_338 : vector<1x1x64x128xf32> to vector<64x128xf32>
    %swap3A_340 = vector.shape_cast %add3A_333 : vector<64x128xf32> to vector<1x1x64x128xf32>
    tpu.vector_store %arg6[%swap3A_334, %swap3A_335, %swap3A_336, %swap3A_337], %swap3A_340 {strides = array<i32>} : memref<2x128x64x128xf32, #tpu.memory_space<vmem>>, vector<1x1x64x128xf32>,
    %slice3A_341 = vector.extract_strided_slice %select_n3A {offsets = [18, 0], sizes = [1, 128], strides = [1, 1]} : vector<128x128xi32> to vector<1x128xi32>
    %slice3A_342 = vector.extract_strided_slice %select_n3A {offsets = [19, 0], sizes = [1, 128], strides = [1, 1]} : vector<128x128xi32> to vector<1x128xi32>
    %concatenate3A_343 = tpu.concatenate %slice3A_341, %slice3A_342 in 1 : vector<1x128xi32>, vector<1x128xi32> -> vector<1x256xi32>
    %eq3A_344 = vector.broadcast %iota3A : vector<128x1xi32> to vector<128x256xi32>
    %eq3A_345 = vector.broadcast %concatenate3A_343 : vector<1x256xi32> to vector<128x256xi32>
    %eq3A_346 = arith.cmpi eq, %eq3A_344, %eq3A_345 : vector<128x256xi32>
    %convert_element_type3A_347 = arith.extui %eq3A_346 : vector<128x256xi1> to vector<128x256xi32>
    %convert_element_type3A_348 = arith.sitofp %convert_element_type3A_347 : vector<128x256xi32> to vector<128x256xf32>
    %convert_element_type3A_349 = arith.truncf %convert_element_type3A_348 : vector<128x256xf32> to vector<128x256xbf16>
    %dot_general3A_350 = arith.constant dense<0.000000e+00> : vector<64x256xf32>
    %dot_general3A_351 = tpu.matmul %convert_element_type3A, %convert_element_type3A_349, %dot_general3A_350 {dimension_numbers = #tpu.dot_dimension_numbers<[1], [0], [0], [1], [0, 0, 1, 1], [], []>, transpose_lhs_hint = false} : vector<64x128xbf16>, vector<128x256xbf16>, vector<64x256xf32> -> vector<64x256xf32>
    %slice3A_352 = vector.extract_strided_slice %dot_general3A_351 {offsets = [0, 0], sizes = [64, 128], strides = [1, 1]} : vector<64x256xf32> to vector<64x128xf32>
    %add3A_353 = arith.addf %slice3A_352, %transpose3A : vector<64x128xf32>
    %slice3A_354 = vector.extract_strided_slice %transpose3A {offsets = [0, 18], sizes = [64, 1], strides = [1, 1]} : vector<64x128xf32> to vector<64x1xf32>
    %add3A_355 = vector.broadcast %slice3A_354 : vector<64x1xf32> to vector<64x128xf32>
    %add3A_356 = arith.addf %add3A_353, %add3A_355 : vector<64x128xf32>
    %swap3A_357 = arith.constant 0 : index
    %swap3A_358 = arith.constant 18 : index
    %swap3A_359 = arith.constant 0 : index
    %swap3A_360 = arith.constant 0 : index
    %swap3A_361 = vector.load %arg6[%swap3A_357, %swap3A_358, %swap3A_359, %swap3A_360] : memref<2x128x64x128xf32, #tpu.memory_space<vmem>>, vector<1x1x64x128xf32>
    %swap3A_362 = vector.shape_cast %swap3A_361 : vector<1x1x64x128xf32> to vector<64x128xf32>
    %swap3A_363 = vector.shape_cast %add3A_356 : vector<64x128xf32> to vector<1x1x64x128xf32>
    tpu.vector_store %arg6[%swap3A_357, %swap3A_358, %swap3A_359, %swap3A_360], %swap3A_363 {strides = array<i32>} : memref<2x128x64x128xf32, #tpu.memory_space<vmem>>, vector<1x1x64x128xf32>,
    %slice3A_364 = vector.extract_strided_slice %dot_general3A_351 {offsets = [0, 128], sizes = [64, 128], strides = [1, 1]} : vector<64x256xf32> to vector<64x128xf32>
    %add3A_365 = arith.addf %slice3A_364, %transpose3A : vector<64x128xf32>
    %slice3A_366 = vector.extract_strided_slice %transpose3A {offsets = [0, 19], sizes = [64, 1], strides = [1, 1]} : vector<64x128xf32> to vector<64x1xf32>
    %add3A_367 = vector.broadcast %slice3A_366 : vector<64x1xf32> to vector<64x128xf32>
    %add3A_368 = arith.addf %add3A_365, %add3A_367 : vector<64x128xf32>
    %swap3A_369 = arith.constant 0 : index
    %swap3A_370 = arith.constant 19 : index
    %swap3A_371 = arith.constant 0 : index
    %swap3A_372 = arith.constant 0 : index
    %swap3A_373 = vector.load %arg6[%swap3A_369, %swap3A_370, %swap3A_371, %swap3A_372] : memref<2x128x64x128xf32, #tpu.memory_space<vmem>>, vector<1x1x64x128xf32>
    %swap3A_374 = vector.shape_cast %swap3A_373 : vector<1x1x64x128xf32> to vector<64x128xf32>
    %swap3A_375 = vector.shape_cast %add3A_368 : vector<64x128xf32> to vector<1x1x64x128xf32>
    tpu.vector_store %arg6[%swap3A_369, %swap3A_370, %swap3A_371, %swap3A_372], %swap3A_375 {strides = array<i32>} : memref<2x128x64x128xf32, #tpu.memory_space<vmem>>, vector<1x1x64x128xf32>,
    %slice3A_376 = vector.extract_strided_slice %select_n3A {offsets = [20, 0], sizes = [1, 128], strides = [1, 1]} : vector<128x128xi32> to vector<1x128xi32>
    %slice3A_377 = vector.extract_strided_slice %select_n3A {offsets = [21, 0], sizes = [1, 128], strides = [1, 1]} : vector<128x128xi32> to vector<1x128xi32>
    %concatenate3A_378 = tpu.concatenate %slice3A_376, %slice3A_377 in 1 : vector<1x128xi32>, vector<1x128xi32> -> vector<1x256xi32>
    %eq3A_379 = vector.broadcast %iota3A : vector<128x1xi32> to vector<128x256xi32>
    %eq3A_380 = vector.broadcast %concatenate3A_378 : vector<1x256xi32> to vector<128x256xi32>
    %eq3A_381 = arith.cmpi eq, %eq3A_379, %eq3A_380 : vector<128x256xi32>
    %convert_element_type3A_382 = arith.extui %eq3A_381 : vector<128x256xi1> to vector<128x256xi32>
    %convert_element_type3A_383 = arith.sitofp %convert_element_type3A_382 : vector<128x256xi32> to vector<128x256xf32>
    %convert_element_type3A_384 = arith.truncf %convert_element_type3A_383 : vector<128x256xf32> to vector<128x256xbf16>
    %dot_general3A_385 = arith.constant dense<0.000000e+00> : vector<64x256xf32>
    %dot_general3A_386 = tpu.matmul %convert_element_type3A, %convert_element_type3A_384, %dot_general3A_385 {dimension_numbers = #tpu.dot_dimension_numbers<[1], [0], [0], [1], [0, 0, 1, 1], [], []>, transpose_lhs_hint = false} : vector<64x128xbf16>, vector<128x256xbf16>, vector<64x256xf32> -> vector<64x256xf32>
    %slice3A_387 = vector.extract_strided_slice %dot_general3A_386 {offsets = [0, 0], sizes = [64, 128], strides = [1, 1]} : vector<64x256xf32> to vector<64x128xf32>
    %add3A_388 = arith.addf %slice3A_387, %transpose3A : vector<64x128xf32>
    %slice3A_389 = vector.extract_strided_slice %transpose3A {offsets = [0, 20], sizes = [64, 1], strides = [1, 1]} : vector<64x128xf32> to vector<64x1xf32>
    %add3A_390 = vector.broadcast %slice3A_389 : vector<64x1xf32> to vector<64x128xf32>
    %add3A_391 = arith.addf %add3A_388, %add3A_390 : vector<64x128xf32>
    %swap3A_392 = arith.constant 0 : index
    %swap3A_393 = arith.constant 20 : index
    %swap3A_394 = arith.constant 0 : index
    %swap3A_395 = arith.constant 0 : index
    %swap3A_396 = vector.load %arg6[%swap3A_392, %swap3A_393, %swap3A_394, %swap3A_395] : memref<2x128x64x128xf32, #tpu.memory_space<vmem>>, vector<1x1x64x128xf32>
    %swap3A_397 = vector.shape_cast %swap3A_396 : vector<1x1x64x128xf32> to vector<64x128xf32>
    %swap3A_398 = vector.shape_cast %add3A_391 : vector<64x128xf32> to vector<1x1x64x128xf32>
    tpu.vector_store %arg6[%swap3A_392, %swap3A_393, %swap3A_394, %swap3A_395], %swap3A_398 {strides = array<i32>} : memref<2x128x64x128xf32, #tpu.memory_space<vmem>>, vector<1x1x64x128xf32>,
    %slice3A_399 = vector.extract_strided_slice %dot_general3A_386 {offsets = [0, 128], sizes = [64, 128], strides = [1, 1]} : vector<64x256xf32> to vector<64x128xf32>
    %add3A_400 = arith.addf %slice3A_399, %transpose3A : vector<64x128xf32>
    %slice3A_401 = vector.extract_strided_slice %transpose3A {offsets = [0, 21], sizes = [64, 1], strides = [1, 1]} : vector<64x128xf32> to vector<64x1xf32>
    %add3A_402 = vector.broadcast %slice3A_401 : vector<64x1xf32> to vector<64x128xf32>
    %add3A_403 = arith.addf %add3A_400, %add3A_402 : vector<64x128xf32>
    %swap3A_404 = arith.constant 0 : index
    %swap3A_405 = arith.constant 21 : index
    %swap3A_406 = arith.constant 0 : index
    %swap3A_407 = arith.constant 0 : index
    %swap3A_408 = vector.load %arg6[%swap3A_404, %swap3A_405, %swap3A_406, %swap3A_407] : memref<2x128x64x128xf32, #tpu.memory_space<vmem>>, vector<1x1x64x128xf32>
    %swap3A_409 = vector.shape_cast %swap3A_408 : vector<1x1x64x128xf32> to vector<64x128xf32>
    %swap3A_410 = vector.shape_cast %add3A_403 : vector<64x128xf32> to vector<1x1x64x128xf32>
    tpu.vector_store %arg6[%swap3A_404, %swap3A_405, %swap3A_406, %swap3A_407], %swap3A_410 {strides = array<i32>} : memref<2x128x64x128xf32, #tpu.memory_space<vmem>>, vector<1x1x64x128xf32>,
    %slice3A_411 = vector.extract_strided_slice %select_n3A {offsets = [22, 0], sizes = [1, 128], strides = [1, 1]} : vector<128x128xi32> to vector<1x128xi32>
    %slice3A_412 = vector.extract_strided_slice %select_n3A {offsets = [23, 0], sizes = [1, 128], strides = [1, 1]} : vector<128x128xi32> to vector<1x128xi32>
    %concatenate3A_413 = tpu.concatenate %slice3A_411, %slice3A_412 in 1 : vector<1x128xi32>, vector<1x128xi32> -> vector<1x256xi32>
    %eq3A_414 = vector.broadcast %iota3A : vector<128x1xi32> to vector<128x256xi32>
    %eq3A_415 = vector.broadcast %concatenate3A_413 : vector<1x256xi32> to vector<128x256xi32>
    %eq3A_416 = arith.cmpi eq, %eq3A_414, %eq3A_415 : vector<128x256xi32>
    %convert_element_type3A_417 = arith.extui %eq3A_416 : vector<128x256xi1> to vector<128x256xi32>
    %convert_element_type3A_418 = arith.sitofp %convert_element_type3A_417 : vector<128x256xi32> to vector<128x256xf32>
    %convert_element_type3A_419 = arith.truncf %convert_element_type3A_418 : vector<128x256xf32> to vector<128x256xbf16>
    %dot_general3A_420 = arith.constant dense<0.000000e+00> : vector<64x256xf32>
    %dot_general3A_421 = tpu.matmul %convert_element_type3A, %convert_element_type3A_419, %dot_general3A_420 {dimension_numbers = #tpu.dot_dimension_numbers<[1], [0], [0], [1], [0, 0, 1, 1], [], []>, transpose_lhs_hint = false} : vector<64x128xbf16>, vector<128x256xbf16>, vector<64x256xf32> -> vector<64x256xf32>
    %slice3A_422 = vector.extract_strided_slice %dot_general3A_421 {offsets = [0, 0], sizes = [64, 128], strides = [1, 1]} : vector<64x256xf32> to vector<64x128xf32>
    %add3A_423 = arith.addf %slice3A_422, %transpose3A : vector<64x128xf32>
    %slice3A_424 = vector.extract_strided_slice %transpose3A {offsets = [0, 22], sizes = [64, 1], strides = [1, 1]} : vector<64x128xf32> to vector<64x1xf32>
    %add3A_425 = vector.broadcast %slice3A_424 : vector<64x1xf32> to vector<64x128xf32>
    %add3A_426 = arith.addf %add3A_423, %add3A_425 : vector<64x128xf32>
    %swap3A_427 = arith.constant 0 : index
    %swap3A_428 = arith.constant 22 : index
    %swap3A_429 = arith.constant 0 : index
    %swap3A_430 = arith.constant 0 : index
    %swap3A_431 = vector.load %arg6[%swap3A_427, %swap3A_428, %swap3A_429, %swap3A_430] : memref<2x128x64x128xf32, #tpu.memory_space<vmem>>, vector<1x1x64x128xf32>
    %swap3A_432 = vector.shape_cast %swap3A_431 : vector<1x1x64x128xf32> to vector<64x128xf32>
    %swap3A_433 = vector.shape_cast %add3A_426 : vector<64x128xf32> to vector<1x1x64x128xf32>
    tpu.vector_store %arg6[%swap3A_427, %swap3A_428, %swap3A_429, %swap3A_430], %swap3A_433 {strides = array<i32>} : memref<2x128x64x128xf32, #tpu.memory_space<vmem>>, vector<1x1x64x128xf32>,
    %slice3A_434 = vector.extract_strided_slice %dot_general3A_421 {offsets = [0, 128], sizes = [64, 128], strides = [1, 1]} : vector<64x256xf32> to vector<64x128xf32>
    %add3A_435 = arith.addf %slice3A_434, %transpose3A : vector<64x128xf32>
    %slice3A_436 = vector.extract_strided_slice %transpose3A {offsets = [0, 23], sizes = [64, 1], strides = [1, 1]} : vector<64x128xf32> to vector<64x1xf32>
    %add3A_437 = vector.broadcast %slice3A_436 : vector<64x1xf32> to vector<64x128xf32>
    %add3A_438 = arith.addf %add3A_435, %add3A_437 : vector<64x128xf32>
    %swap3A_439 = arith.constant 0 : index
    %swap3A_440 = arith.constant 23 : index
    %swap3A_441 = arith.constant 0 : index
    %swap3A_442 = arith.constant 0 : index
    %swap3A_443 = vector.load %arg6[%swap3A_439, %swap3A_440, %swap3A_441, %swap3A_442] : memref<2x128x64x128xf32, #tpu.memory_space<vmem>>, vector<1x1x64x128xf32>
    %swap3A_444 = vector.shape_cast %swap3A_443 : vector<1x1x64x128xf32> to vector<64x128xf32>
    %swap3A_445 = vector.shape_cast %add3A_438 : vector<64x128xf32> to vector<1x1x64x128xf32>
    tpu.vector_store %arg6[%swap3A_439, %swap3A_440, %swap3A_441, %swap3A_442], %swap3A_445 {strides = array<i32>} : memref<2x128x64x128xf32, #tpu.memory_space<vmem>>, vector<1x1x64x128xf32>,
    %slice3A_446 = vector.extract_strided_slice %select_n3A {offsets = [24, 0], sizes = [1, 128], strides = [1, 1]} : vector<128x128xi32> to vector<1x128xi32>
    %slice3A_447 = vector.extract_strided_slice %select_n3A {offsets = [25, 0], sizes = [1, 128], strides = [1, 1]} : vector<128x128xi32> to vector<1x128xi32>
    %concatenate3A_448 = tpu.concatenate %slice3A_446, %slice3A_447 in 1 : vector<1x128xi32>, vector<1x128xi32> -> vector<1x256xi32>
    %eq3A_449 = vector.broadcast %iota3A : vector<128x1xi32> to vector<128x256xi32>
    %eq3A_450 = vector.broadcast %concatenate3A_448 : vector<1x256xi32> to vector<128x256xi32>
    %eq3A_451 = arith.cmpi eq, %eq3A_449, %eq3A_450 : vector<128x256xi32>
    %convert_element_type3A_452 = arith.extui %eq3A_451 : vector<128x256xi1> to vector<128x256xi32>
    %convert_element_type3A_453 = arith.sitofp %convert_element_type3A_452 : vector<128x256xi32> to vector<128x256xf32>
    %convert_element_type3A_454 = arith.truncf %convert_element_type3A_453 : vector<128x256xf32> to vector<128x256xbf16>
    %dot_general3A_455 = arith.constant dense<0.000000e+00> : vector<64x256xf32>
    %dot_general3A_456 = tpu.matmul %convert_element_type3A, %convert_element_type3A_454, %dot_general3A_455 {dimension_numbers = #tpu.dot_dimension_numbers<[1], [0], [0], [1], [0, 0, 1, 1], [], []>, transpose_lhs_hint = false} : vector<64x128xbf16>, vector<128x256xbf16>, vector<64x256xf32> -> vector<64x256xf32>
    %slice3A_457 = vector.extract_strided_slice %dot_general3A_456 {offsets = [0, 0], sizes = [64, 128], strides = [1, 1]} : vector<64x256xf32> to vector<64x128xf32>
    %add3A_458 = arith.addf %slice3A_457, %transpose3A : vector<64x128xf32>
    %slice3A_459 = vector.extract_strided_slice %transpose3A {offsets = [0, 24], sizes = [64, 1], strides = [1, 1]} : vector<64x128xf32> to vector<64x1xf32>
    %add3A_460 = vector.broadcast %slice3A_459 : vector<64x1xf32> to vector<64x128xf32>
    %add3A_461 = arith.addf %add3A_458, %add3A_460 : vector<64x128xf32>
    %swap3A_462 = arith.constant 0 : index
    %swap3A_463 = arith.constant 24 : index
    %swap3A_464 = arith.constant 0 : index
    %swap3A_465 = arith.constant 0 : index
    %swap3A_466 = vector.load %arg6[%swap3A_462, %swap3A_463, %swap3A_464, %swap3A_465] : memref<2x128x64x128xf32, #tpu.memory_space<vmem>>, vector<1x1x64x128xf32>
    %swap3A_467 = vector.shape_cast %swap3A_466 : vector<1x1x64x128xf32> to vector<64x128xf32>
    %swap3A_468 = vector.shape_cast %add3A_461 : vector<64x128xf32> to vector<1x1x64x128xf32>
    tpu.vector_store %arg6[%swap3A_462, %swap3A_463, %swap3A_464, %swap3A_465], %swap3A_468 {strides = array<i32>} : memref<2x128x64x128xf32, #tpu.memory_space<vmem>>, vector<1x1x64x128xf32>,
    %slice3A_469 = vector.extract_strided_slice %dot_general3A_456 {offsets = [0, 128], sizes = [64, 128], strides = [1, 1]} : vector<64x256xf32> to vector<64x128xf32>
    %add3A_470 = arith.addf %slice3A_469, %transpose3A : vector<64x128xf32>
    %slice3A_471 = vector.extract_strided_slice %transpose3A {offsets = [0, 25], sizes = [64, 1], strides = [1, 1]} : vector<64x128xf32> to vector<64x1xf32>
    %add3A_472 = vector.broadcast %slice3A_471 : vector<64x1xf32> to vector<64x128xf32>
    %add3A_473 = arith.addf %add3A_470, %add3A_472 : vector<64x128xf32>
    %swap3A_474 = arith.constant 0 : index
    %swap3A_475 = arith.constant 25 : index
    %swap3A_476 = arith.constant 0 : index
    %swap3A_477 = arith.constant 0 : index
    %swap3A_478 = vector.load %arg6[%swap3A_474, %swap3A_475, %swap3A_476, %swap3A_477] : memref<2x128x64x128xf32, #tpu.memory_space<vmem>>, vector<1x1x64x128xf32>
    %swap3A_479 = vector.shape_cast %swap3A_478 : vector<1x1x64x128xf32> to vector<64x128xf32>
    %swap3A_480 = vector.shape_cast %add3A_473 : vector<64x128xf32> to vector<1x1x64x128xf32>
    tpu.vector_store %arg6[%swap3A_474, %swap3A_475, %swap3A_476, %swap3A_477], %swap3A_480 {strides = array<i32>} : memref<2x128x64x128xf32, #tpu.memory_space<vmem>>, vector<1x1x64x128xf32>,
    %slice3A_481 = vector.extract_strided_slice %select_n3A {offsets = [26, 0], sizes = [1, 128], strides = [1, 1]} : vector<128x128xi32> to vector<1x128xi32>
    %slice3A_482 = vector.extract_strided_slice %select_n3A {offsets = [27, 0], sizes = [1, 128], strides = [1, 1]} : vector<128x128xi32> to vector<1x128xi32>
    %concatenate3A_483 = tpu.concatenate %slice3A_481, %slice3A_482 in 1 : vector<1x128xi32>, vector<1x128xi32> -> vector<1x256xi32>
    %eq3A_484 = vector.broadcast %iota3A : vector<128x1xi32> to vector<128x256xi32>
    %eq3A_485 = vector.broadcast %concatenate3A_483 : vector<1x256xi32> to vector<128x256xi32>
    %eq3A_486 = arith.cmpi eq, %eq3A_484, %eq3A_485 : vector<128x256xi32>
    %convert_element_type3A_487 = arith.extui %eq3A_486 : vector<128x256xi1> to vector<128x256xi32>
    %convert_element_type3A_488 = arith.sitofp %convert_element_type3A_487 : vector<128x256xi32> to vector<128x256xf32>
    %convert_element_type3A_489 = arith.truncf %convert_element_type3A_488 : vector<128x256xf32> to vector<128x256xbf16>
    %dot_general3A_490 = arith.constant dense<0.000000e+00> : vector<64x256xf32>
    %dot_general3A_491 = tpu.matmul %convert_element_type3A, %convert_element_type3A_489, %dot_general3A_490 {dimension_numbers = #tpu.dot_dimension_numbers<[1], [0], [0], [1], [0, 0, 1, 1], [], []>, transpose_lhs_hint = false} : vector<64x128xbf16>, vector<128x256xbf16>, vector<64x256xf32> -> vector<64x256xf32>
    %slice3A_492 = vector.extract_strided_slice %dot_general3A_491 {offsets = [0, 0], sizes = [64, 128], strides = [1, 1]} : vector<64x256xf32> to vector<64x128xf32>
    %add3A_493 = arith.addf %slice3A_492, %transpose3A : vector<64x128xf32>
    %slice3A_494 = vector.extract_strided_slice %transpose3A {offsets = [0, 26], sizes = [64, 1], strides = [1, 1]} : vector<64x128xf32> to vector<64x1xf32>
    %add3A_495 = vector.broadcast %slice3A_494 : vector<64x1xf32> to vector<64x128xf32>
    %add3A_496 = arith.addf %add3A_493, %add3A_495 : vector<64x128xf32>
    %swap3A_497 = arith.constant 0 : index
    %swap3A_498 = arith.constant 26 : index
    %swap3A_499 = arith.constant 0 : index
    %swap3A_500 = arith.constant 0 : index
    %swap3A_501 = vector.load %arg6[%swap3A_497, %swap3A_498, %swap3A_499, %swap3A_500] : memref<2x128x64x128xf32, #tpu.memory_space<vmem>>, vector<1x1x64x128xf32>
    %swap3A_502 = vector.shape_cast %swap3A_501 : vector<1x1x64x128xf32> to vector<64x128xf32>
    %swap3A_503 = vector.shape_cast %add3A_496 : vector<64x128xf32> to vector<1x1x64x128xf32>
    tpu.vector_store %arg6[%swap3A_497, %swap3A_498, %swap3A_499, %swap3A_500], %swap3A_503 {strides = array<i32>} : memref<2x128x64x128xf32, #tpu.memory_space<vmem>>, vector<1x1x64x128xf32>,
    %slice3A_504 = vector.extract_strided_slice %dot_general3A_491 {offsets = [0, 128], sizes = [64, 128], strides = [1, 1]} : vector<64x256xf32> to vector<64x128xf32>
    %add3A_505 = arith.addf %slice3A_504, %transpose3A : vector<64x128xf32>
    %slice3A_506 = vector.extract_strided_slice %transpose3A {offsets = [0, 27], sizes = [64, 1], strides = [1, 1]} : vector<64x128xf32> to vector<64x1xf32>
    %add3A_507 = vector.broadcast %slice3A_506 : vector<64x1xf32> to vector<64x128xf32>
    %add3A_508 = arith.addf %add3A_505, %add3A_507 : vector<64x128xf32>
    %swap3A_509 = arith.constant 0 : index
    %swap3A_510 = arith.constant 27 : index
    %swap3A_511 = arith.constant 0 : index
    %swap3A_512 = arith.constant 0 : index
    %swap3A_513 = vector.load %arg6[%swap3A_509, %swap3A_510, %swap3A_511, %swap3A_512] : memref<2x128x64x128xf32, #tpu.memory_space<vmem>>, vector<1x1x64x128xf32>
    %swap3A_514 = vector.shape_cast %swap3A_513 : vector<1x1x64x128xf32> to vector<64x128xf32>
    %swap3A_515 = vector.shape_cast %add3A_508 : vector<64x128xf32> to vector<1x1x64x128xf32>
    tpu.vector_store %arg6[%swap3A_509, %swap3A_510, %swap3A_511, %swap3A_512], %swap3A_515 {strides = array<i32>} : memref<2x128x64x128xf32, #tpu.memory_space<vmem>>, vector<1x1x64x128xf32>,
    %slice3A_516 = vector.extract_strided_slice %select_n3A {offsets = [28, 0], sizes = [1, 128], strides = [1, 1]} : vector<128x128xi32> to vector<1x128xi32>
    %slice3A_517 = vector.extract_strided_slice %select_n3A {offsets = [29, 0], sizes = [1, 128], strides = [1, 1]} : vector<128x128xi32> to vector<1x128xi32>
    %concatenate3A_518 = tpu.concatenate %slice3A_516, %slice3A_517 in 1 : vector<1x128xi32>, vector<1x128xi32> -> vector<1x256xi32>
    %eq3A_519 = vector.broadcast %iota3A : vector<128x1xi32> to vector<128x256xi32>
    %eq3A_520 = vector.broadcast %concatenate3A_518 : vector<1x256xi32> to vector<128x256xi32>
    %eq3A_521 = arith.cmpi eq, %eq3A_519, %eq3A_520 : vector<128x256xi32>
    %convert_element_type3A_522 = arith.extui %eq3A_521 : vector<128x256xi1> to vector<128x256xi32>
    %convert_element_type3A_523 = arith.sitofp %convert_element_type3A_522 : vector<128x256xi32> to vector<128x256xf32>
    %convert_element_type3A_524 = arith.truncf %convert_element_type3A_523 : vector<128x256xf32> to vector<128x256xbf16>
    %dot_general3A_525 = arith.constant dense<0.000000e+00> : vector<64x256xf32>
    %dot_general3A_526 = tpu.matmul %convert_element_type3A, %convert_element_type3A_524, %dot_general3A_525 {dimension_numbers = #tpu.dot_dimension_numbers<[1], [0], [0], [1], [0, 0, 1, 1], [], []>, transpose_lhs_hint = false} : vector<64x128xbf16>, vector<128x256xbf16>, vector<64x256xf32> -> vector<64x256xf32>
    %slice3A_527 = vector.extract_strided_slice %dot_general3A_526 {offsets = [0, 0], sizes = [64, 128], strides = [1, 1]} : vector<64x256xf32> to vector<64x128xf32>
    %add3A_528 = arith.addf %slice3A_527, %transpose3A : vector<64x128xf32>
    %slice3A_529 = vector.extract_strided_slice %transpose3A {offsets = [0, 28], sizes = [64, 1], strides = [1, 1]} : vector<64x128xf32> to vector<64x1xf32>
    %add3A_530 = vector.broadcast %slice3A_529 : vector<64x1xf32> to vector<64x128xf32>
    %add3A_531 = arith.addf %add3A_528, %add3A_530 : vector<64x128xf32>
    %swap3A_532 = arith.constant 0 : index
    %swap3A_533 = arith.constant 28 : index
    %swap3A_534 = arith.constant 0 : index
    %swap3A_535 = arith.constant 0 : index
    %swap3A_536 = vector.load %arg6[%swap3A_532, %swap3A_533, %swap3A_534, %swap3A_535] : memref<2x128x64x128xf32, #tpu.memory_space<vmem>>, vector<1x1x64x128xf32>
    %swap3A_537 = vector.shape_cast %swap3A_536 : vector<1x1x64x128xf32> to vector<64x128xf32>
    %swap3A_538 = vector.shape_cast %add3A_531 : vector<64x128xf32> to vector<1x1x64x128xf32>
    tpu.vector_store %arg6[%swap3A_532, %swap3A_533, %swap3A_534, %swap3A_535], %swap3A_538 {strides = array<i32>} : memref<2x128x64x128xf32, #tpu.memory_space<vmem>>, vector<1x1x64x128xf32>,
    %slice3A_539 = vector.extract_strided_slice %dot_general3A_526 {offsets = [0, 128], sizes = [64, 128], strides = [1, 1]} : vector<64x256xf32> to vector<64x128xf32>
    %add3A_540 = arith.addf %slice3A_539, %transpose3A : vector<64x128xf32>
    %slice3A_541 = vector.extract_strided_slice %transpose3A {offsets = [0, 29], sizes = [64, 1], strides = [1, 1]} : vector<64x128xf32> to vector<64x1xf32>
    %add3A_542 = vector.broadcast %slice3A_541 : vector<64x1xf32> to vector<64x128xf32>
    %add3A_543 = arith.addf %add3A_540, %add3A_542 : vector<64x128xf32>
    %swap3A_544 = arith.constant 0 : index
    %swap3A_545 = arith.constant 29 : index
    %swap3A_546 = arith.constant 0 : index
    %swap3A_547 = arith.constant 0 : index
    %swap3A_548 = vector.load %arg6[%swap3A_544, %swap3A_545, %swap3A_546, %swap3A_547] : memref<2x128x64x128xf32, #tpu.memory_space<vmem>>, vector<1x1x64x128xf32>
    %swap3A_549 = vector.shape_cast %swap3A_548 : vector<1x1x64x128xf32> to vector<64x128xf32>
    %swap3A_550 = vector.shape_cast %add3A_543 : vector<64x128xf32> to vector<1x1x64x128xf32>
    tpu.vector_store %arg6[%swap3A_544, %swap3A_545, %swap3A_546, %swap3A_547], %swap3A_550 {strides = array<i32>} : memref<2x128x64x128xf32, #tpu.memory_space<vmem>>, vector<1x1x64x128xf32>,
    %slice3A_551 = vector.extract_strided_slice %select_n3A {offsets = [30, 0], sizes = [1, 128], strides = [1, 1]} : vector<128x128xi32> to vector<1x128xi32>
    %slice3A_552 = vector.extract_strided_slice %select_n3A {offsets = [31, 0], sizes = [1, 128], strides = [1, 1]} : vector<128x128xi32> to vector<1x128xi32>
    %concatenate3A_553 = tpu.concatenate %slice3A_551, %slice3A_552 in 1 : vector<1x128xi32>, vector<1x128xi32> -> vector<1x256xi32>
    %eq3A_554 = vector.broadcast %iota3A : vector<128x1xi32> to vector<128x256xi32>
    %eq3A_555 = vector.broadcast %concatenate3A_553 : vector<1x256xi32> to vector<128x256xi32>
    %eq3A_556 = arith.cmpi eq, %eq3A_554, %eq3A_555 : vector<128x256xi32>
    %convert_element_type3A_557 = arith.extui %eq3A_556 : vector<128x256xi1> to vector<128x256xi32>
    %convert_element_type3A_558 = arith.sitofp %convert_element_type3A_557 : vector<128x256xi32> to vector<128x256xf32>
    %convert_element_type3A_559 = arith.truncf %convert_element_type3A_558 : vector<128x256xf32> to vector<128x256xbf16>
    %dot_general3A_560 = arith.constant dense<0.000000e+00> : vector<64x256xf32>
    %dot_general3A_561 = tpu.matmul %convert_element_type3A, %convert_element_type3A_559, %dot_general3A_560 {dimension_numbers = #tpu.dot_dimension_numbers<[1], [0], [0], [1], [0, 0, 1, 1], [], []>, transpose_lhs_hint = false} : vector<64x128xbf16>, vector<128x256xbf16>, vector<64x256xf32> -> vector<64x256xf32>
    %slice3A_562 = vector.extract_strided_slice %dot_general3A_561 {offsets = [0, 0], sizes = [64, 128], strides = [1, 1]} : vector<64x256xf32> to vector<64x128xf32>
    %add3A_563 = arith.addf %slice3A_562, %transpose3A : vector<64x128xf32>
    %slice3A_564 = vector.extract_strided_slice %transpose3A {offsets = [0, 30], sizes = [64, 1], strides = [1, 1]} : vector<64x128xf32> to vector<64x1xf32>
    %add3A_565 = vector.broadcast %slice3A_564 : vector<64x1xf32> to vector<64x128xf32>
    %add3A_566 = arith.addf %add3A_563, %add3A_565 : vector<64x128xf32>
    %swap3A_567 = arith.constant 0 : index
    %swap3A_568 = arith.constant 30 : index
    %swap3A_569 = arith.constant 0 : index
    %swap3A_570 = arith.constant 0 : index
    %swap3A_571 = vector.load %arg6[%swap3A_567, %swap3A_568, %swap3A_569, %swap3A_570] : memref<2x128x64x128xf32, #tpu.memory_space<vmem>>, vector<1x1x64x128xf32>
    %swap3A_572 = vector.shape_cast %swap3A_571 : vector<1x1x64x128xf32> to vector<64x128xf32>
    %swap3A_573 = vector.shape_cast %add3A_566 : vector<64x128xf32> to vector<1x1x64x128xf32>
    tpu.vector_store %arg6[%swap3A_567, %swap3A_568, %swap3A_569, %swap3A_570], %swap3A_573 {strides = array<i32>} : memref<2x128x64x128xf32, #tpu.memory_space<vmem>>, vector<1x1x64x128xf32>,
    %slice3A_574 = vector.extract_strided_slice %dot_general3A_561 {offsets = [0, 128], sizes = [64, 128], strides = [1, 1]} : vector<64x256xf32> to vector<64x128xf32>
    %add3A_575 = arith.addf %slice3A_574, %transpose3A : vector<64x128xf32>
    %slice3A_576 = vector.extract_strided_slice %transpose3A {offsets = [0, 31], sizes = [64, 1], strides = [1, 1]} : vector<64x128xf32> to vector<64x1xf32>
    %add3A_577 = vector.broadcast %slice3A_576 : vector<64x1xf32> to vector<64x128xf32>
    %add3A_578 = arith.addf %add3A_575, %add3A_577 : vector<64x128xf32>
    %swap3A_579 = arith.constant 0 : index
    %swap3A_580 = arith.constant 31 : index
    %swap3A_581 = arith.constant 0 : index
    %swap3A_582 = arith.constant 0 : index
    %swap3A_583 = vector.load %arg6[%swap3A_579, %swap3A_580, %swap3A_581, %swap3A_582] : memref<2x128x64x128xf32, #tpu.memory_space<vmem>>, vector<1x1x64x128xf32>
    %swap3A_584 = vector.shape_cast %swap3A_583 : vector<1x1x64x128xf32> to vector<64x128xf32>
    %swap3A_585 = vector.shape_cast %add3A_578 : vector<64x128xf32> to vector<1x1x64x128xf32>
    tpu.vector_store %arg6[%swap3A_579, %swap3A_580, %swap3A_581, %swap3A_582], %swap3A_585 {strides = array<i32>} : memref<2x128x64x128xf32, #tpu.memory_space<vmem>>, vector<1x1x64x128xf32>,
    %slice3A_586 = vector.extract_strided_slice %select_n3A {offsets = [32, 0], sizes = [1, 128], strides = [1, 1]} : vector<128x128xi32> to vector<1x128xi32>
    %slice3A_587 = vector.extract_strided_slice %select_n3A {offsets = [33, 0], sizes = [1, 128], strides = [1, 1]} : vector<128x128xi32> to vector<1x128xi32>
    %concatenate3A_588 = tpu.concatenate %slice3A_586, %slice3A_587 in 1 : vector<1x128xi32>, vector<1x128xi32> -> vector<1x256xi32>
    %eq3A_589 = vector.broadcast %iota3A : vector<128x1xi32> to vector<128x256xi32>
    %eq3A_590 = vector.broadcast %concatenate3A_588 : vector<1x256xi32> to vector<128x256xi32>
    %eq3A_591 = arith.cmpi eq, %eq3A_589, %eq3A_590 : vector<128x256xi32>
    %convert_element_type3A_592 = arith.extui %eq3A_591 : vector<128x256xi1> to vector<128x256xi32>
    %convert_element_type3A_593 = arith.sitofp %convert_element_type3A_592 : vector<128x256xi32> to vector<128x256xf32>
    %convert_element_type3A_594 = arith.truncf %convert_element_type3A_593 : vector<128x256xf32> to vector<128x256xbf16>
    %dot_general3A_595 = arith.constant dense<0.000000e+00> : vector<64x256xf32>
    %dot_general3A_596 = tpu.matmul %convert_element_type3A, %convert_element_type3A_594, %dot_general3A_595 {dimension_numbers = #tpu.dot_dimension_numbers<[1], [0], [0], [1], [0, 0, 1, 1], [], []>, transpose_lhs_hint = false} : vector<64x128xbf16>, vector<128x256xbf16>, vector<64x256xf32> -> vector<64x256xf32>
    %slice3A_597 = vector.extract_strided_slice %dot_general3A_596 {offsets = [0, 0], sizes = [64, 128], strides = [1, 1]} : vector<64x256xf32> to vector<64x128xf32>
    %add3A_598 = arith.addf %slice3A_597, %transpose3A : vector<64x128xf32>
    %slice3A_599 = vector.extract_strided_slice %transpose3A {offsets = [0, 32], sizes = [64, 1], strides = [1, 1]} : vector<64x128xf32> to vector<64x1xf32>
    %add3A_600 = vector.broadcast %slice3A_599 : vector<64x1xf32> to vector<64x128xf32>
    %add3A_601 = arith.addf %add3A_598, %add3A_600 : vector<64x128xf32>
    %swap3A_602 = arith.constant 0 : index
    %swap3A_603 = arith.constant 32 : index
    %swap3A_604 = arith.constant 0 : index
    %swap3A_605 = arith.constant 0 : index
    %swap3A_606 = vector.load %arg6[%swap3A_602, %swap3A_603, %swap3A_604, %swap3A_605] : memref<2x128x64x128xf32, #tpu.memory_space<vmem>>, vector<1x1x64x128xf32>
    %swap3A_607 = vector.shape_cast %swap3A_606 : vector<1x1x64x128xf32> to vector<64x128xf32>
    %swap3A_608 = vector.shape_cast %add3A_601 : vector<64x128xf32> to vector<1x1x64x128xf32>
    tpu.vector_store %arg6[%swap3A_602, %swap3A_603, %swap3A_604, %swap3A_605], %swap3A_608 {strides = array<i32>} : memref<2x128x64x128xf32, #tpu.memory_space<vmem>>, vector<1x1x64x128xf32>,
    %slice3A_609 = vector.extract_strided_slice %dot_general3A_596 {offsets = [0, 128], sizes = [64, 128], strides = [1, 1]} : vector<64x256xf32> to vector<64x128xf32>
    %add3A_610 = arith.addf %slice3A_609, %transpose3A : vector<64x128xf32>
    %slice3A_611 = vector.extract_strided_slice %transpose3A {offsets = [0, 33], sizes = [64, 1], strides = [1, 1]} : vector<64x128xf32> to vector<64x1xf32>
    %add3A_612 = vector.broadcast %slice3A_611 : vector<64x1xf32> to vector<64x128xf32>
    %add3A_613 = arith.addf %add3A_610, %add3A_612 : vector<64x128xf32>
    %swap3A_614 = arith.constant 0 : index
    %swap3A_615 = arith.constant 33 : index
    %swap3A_616 = arith.constant 0 : index
    %swap3A_617 = arith.constant 0 : index
    %swap3A_618 = vector.load %arg6[%swap3A_614, %swap3A_615, %swap3A_616, %swap3A_617] : memref<2x128x64x128xf32, #tpu.memory_space<vmem>>, vector<1x1x64x128xf32>
    %swap3A_619 = vector.shape_cast %swap3A_618 : vector<1x1x64x128xf32> to vector<64x128xf32>
    %swap3A_620 = vector.shape_cast %add3A_613 : vector<64x128xf32> to vector<1x1x64x128xf32>
    tpu.vector_store %arg6[%swap3A_614, %swap3A_615, %swap3A_616, %swap3A_617], %swap3A_620 {strides = array<i32>} : memref<2x128x64x128xf32, #tpu.memory_space<vmem>>, vector<1x1x64x128xf32>,
    %slice3A_621 = vector.extract_strided_slice %select_n3A {offsets = [34, 0], sizes = [1, 128], strides = [1, 1]} : vector<128x128xi32> to vector<1x128xi32>
    %slice3A_622 = vector.extract_strided_slice %select_n3A {offsets = [35, 0], sizes = [1, 128], strides = [1, 1]} : vector<128x128xi32> to vector<1x128xi32>
    %concatenate3A_623 = tpu.concatenate %slice3A_621, %slice3A_622 in 1 : vector<1x128xi32>, vector<1x128xi32> -> vector<1x256xi32>
    %eq3A_624 = vector.broadcast %iota3A : vector<128x1xi32> to vector<128x256xi32>
    %eq3A_625 = vector.broadcast %concatenate3A_623 : vector<1x256xi32> to vector<128x256xi32>
    %eq3A_626 = arith.cmpi eq, %eq3A_624, %eq3A_625 : vector<128x256xi32>
    %convert_element_type3A_627 = arith.extui %eq3A_626 : vector<128x256xi1> to vector<128x256xi32>
    %convert_element_type3A_628 = arith.sitofp %convert_element_type3A_627 : vector<128x256xi32> to vector<128x256xf32>
    %convert_element_type3A_629 = arith.truncf %convert_element_type3A_628 : vector<128x256xf32> to vector<128x256xbf16>
    %dot_general3A_630 = arith.constant dense<0.000000e+00> : vector<64x256xf32>
    %dot_general3A_631 = tpu.matmul %convert_element_type3A, %convert_element_type3A_629, %dot_general3A_630 {dimension_numbers = #tpu.dot_dimension_numbers<[1], [0], [0], [1], [0, 0, 1, 1], [], []>, transpose_lhs_hint = false} : vector<64x128xbf16>, vector<128x256xbf16>, vector<64x256xf32> -> vector<64x256xf32>
    %slice3A_632 = vector.extract_strided_slice %dot_general3A_631 {offsets = [0, 0], sizes = [64, 128], strides = [1, 1]} : vector<64x256xf32> to vector<64x128xf32>
    %add3A_633 = arith.addf %slice3A_632, %transpose3A : vector<64x128xf32>
    %slice3A_634 = vector.extract_strided_slice %transpose3A {offsets = [0, 34], sizes = [64, 1], strides = [1, 1]} : vector<64x128xf32> to vector<64x1xf32>
    %add3A_635 = vector.broadcast %slice3A_634 : vector<64x1xf32> to vector<64x128xf32>
    %add3A_636 = arith.addf %add3A_633, %add3A_635 : vector<64x128xf32>
    %swap3A_637 = arith.constant 0 : index
    %swap3A_638 = arith.constant 34 : index
    %swap3A_639 = arith.constant 0 : index
    %swap3A_640 = arith.constant 0 : index
    %swap3A_641 = vector.load %arg6[%swap3A_637, %swap3A_638, %swap3A_639, %swap3A_640] : memref<2x128x64x128xf32, #tpu.memory_space<vmem>>, vector<1x1x64x128xf32>
    %swap3A_642 = vector.shape_cast %swap3A_641 : vector<1x1x64x128xf32> to vector<64x128xf32>
    %swap3A_643 = vector.shape_cast %add3A_636 : vector<64x128xf32> to vector<1x1x64x128xf32>
    tpu.vector_store %arg6[%swap3A_637, %swap3A_638, %swap3A_639, %swap3A_640], %swap3A_643 {strides = array<i32>} : memref<2x128x64x128xf32, #tpu.memory_space<vmem>>, vector<1x1x64x128xf32>,
    %slice3A_644 = vector.extract_strided_slice %dot_general3A_631 {offsets = [0, 128], sizes = [64, 128], strides = [1, 1]} : vector<64x256xf32> to vector<64x128xf32>
    %add3A_645 = arith.addf %slice3A_644, %transpose3A : vector<64x128xf32>
    %slice3A_646 = vector.extract_strided_slice %transpose3A {offsets = [0, 35], sizes = [64, 1], strides = [1, 1]} : vector<64x128xf32> to vector<64x1xf32>
    %add3A_647 = vector.broadcast %slice3A_646 : vector<64x1xf32> to vector<64x128xf32>
    %add3A_648 = arith.addf %add3A_645, %add3A_647 : vector<64x128xf32>
    %swap3A_649 = arith.constant 0 : index
    %swap3A_650 = arith.constant 35 : index
    %swap3A_651 = arith.constant 0 : index
    %swap3A_652 = arith.constant 0 : index
    %swap3A_653 = vector.load %arg6[%swap3A_649, %swap3A_650, %swap3A_651, %swap3A_652] : memref<2x128x64x128xf32, #tpu.memory_space<vmem>>, vector<1x1x64x128xf32>
    %swap3A_654 = vector.shape_cast %swap3A_653 : vector<1x1x64x128xf32> to vector<64x128xf32>
    %swap3A_655 = vector.shape_cast %add3A_648 : vector<64x128xf32> to vector<1x1x64x128xf32>
    tpu.vector_store %arg6[%swap3A_649, %swap3A_650, %swap3A_651, %swap3A_652], %swap3A_655 {strides = array<i32>} : memref<2x128x64x128xf32, #tpu.memory_space<vmem>>, vector<1x1x64x128xf32>,
    %slice3A_656 = vector.extract_strided_slice %select_n3A {offsets = [36, 0], sizes = [1, 128], strides = [1, 1]} : vector<128x128xi32> to vector<1x128xi32>
    %slice3A_657 = vector.extract_strided_slice %select_n3A {offsets = [37, 0], sizes = [1, 128], strides = [1, 1]} : vector<128x128xi32> to vector<1x128xi32>
    %concatenate3A_658 = tpu.concatenate %slice3A_656, %slice3A_657 in 1 : vector<1x128xi32>, vector<1x128xi32> -> vector<1x256xi32>
    %eq3A_659 = vector.broadcast %iota3A : vector<128x1xi32> to vector<128x256xi32>
    %eq3A_660 = vector.broadcast %concatenate3A_658 : vector<1x256xi32> to vector<128x256xi32>
    %eq3A_661 = arith.cmpi eq, %eq3A_659, %eq3A_660 : vector<128x256xi32>
    %convert_element_type3A_662 = arith.extui %eq3A_661 : vector<128x256xi1> to vector<128x256xi32>
    %convert_element_type3A_663 = arith.sitofp %convert_element_type3A_662 : vector<128x256xi32> to vector<128x256xf32>
    %convert_element_type3A_664 = arith.truncf %convert_element_type3A_663 : vector<128x256xf32> to vector<128x256xbf16>
    %dot_general3A_665 = arith.constant dense<0.000000e+00> : vector<64x256xf32>
    %dot_general3A_666 = tpu.matmul %convert_element_type3A, %convert_element_type3A_664, %dot_general3A_665 {dimension_numbers = #tpu.dot_dimension_numbers<[1], [0], [0], [1], [0, 0, 1, 1], [], []>, transpose_lhs_hint = false} : vector<64x128xbf16>, vector<128x256xbf16>, vector<64x256xf32> -> vector<64x256xf32>
    %slice3A_667 = vector.extract_strided_slice %dot_general3A_666 {offsets = [0, 0], sizes = [64, 128], strides = [1, 1]} : vector<64x256xf32> to vector<64x128xf32>
    %add3A_668 = arith.addf %slice3A_667, %transpose3A : vector<64x128xf32>
    %slice3A_669 = vector.extract_strided_slice %transpose3A {offsets = [0, 36], sizes = [64, 1], strides = [1, 1]} : vector<64x128xf32> to vector<64x1xf32>
    %add3A_670 = vector.broadcast %slice3A_669 : vector<64x1xf32> to vector<64x128xf32>
    %add3A_671 = arith.addf %add3A_668, %add3A_670 : vector<64x128xf32>
    %swap3A_672 = arith.constant 0 : index
    %swap3A_673 = arith.constant 36 : index
    %swap3A_674 = arith.constant 0 : index
    %swap3A_675 = arith.constant 0 : index
    %swap3A_676 = vector.load %arg6[%swap3A_672, %swap3A_673, %swap3A_674, %swap3A_675] : memref<2x128x64x128xf32, #tpu.memory_space<vmem>>, vector<1x1x64x128xf32>
    %swap3A_677 = vector.shape_cast %swap3A_676 : vector<1x1x64x128xf32> to vector<64x128xf32>
    %swap3A_678 = vector.shape_cast %add3A_671 : vector<64x128xf32> to vector<1x1x64x128xf32>
    tpu.vector_store %arg6[%swap3A_672, %swap3A_673, %swap3A_674, %swap3A_675], %swap3A_678 {strides = array<i32>} : memref<2x128x64x128xf32, #tpu.memory_space<vmem>>, vector<1x1x64x128xf32>,
    %slice3A_679 = vector.extract_strided_slice %dot_general3A_666 {offsets = [0, 128], sizes = [64, 128], strides = [1, 1]} : vector<64x256xf32> to vector<64x128xf32>
    %add3A_680 = arith.addf %slice3A_679, %transpose3A : vector<64x128xf32>
    %slice3A_681 = vector.extract_strided_slice %transpose3A {offsets = [0, 37], sizes = [64, 1], strides = [1, 1]} : vector<64x128xf32> to vector<64x1xf32>
    %add3A_682 = vector.broadcast %slice3A_681 : vector<64x1xf32> to vector<64x128xf32>
    %add3A_683 = arith.addf %add3A_680, %add3A_682 : vector<64x128xf32>
    %swap3A_684 = arith.constant 0 : index
    %swap3A_685 = arith.constant 37 : index
    %swap3A_686 = arith.constant 0 : index
    %swap3A_687 = arith.constant 0 : index
    %swap3A_688 = vector.load %arg6[%swap3A_684, %swap3A_685, %swap3A_686, %swap3A_687] : memref<2x128x64x128xf32, #tpu.memory_space<vmem>>, vector<1x1x64x128xf32>
    %swap3A_689 = vector.shape_cast %swap3A_688 : vector<1x1x64x128xf32> to vector<64x128xf32>
    %swap3A_690 = vector.shape_cast %add3A_683 : vector<64x128xf32> to vector<1x1x64x128xf32>
    tpu.vector_store %arg6[%swap3A_684, %swap3A_685, %swap3A_686, %swap3A_687], %swap3A_690 {strides = array<i32>} : memref<2x128x64x128xf32, #tpu.memory_space<vmem>>, vector<1x1x64x128xf32>,
    %slice3A_691 = vector.extract_strided_slice %select_n3A {offsets = [38, 0], sizes = [1, 128], strides = [1, 1]} : vector<128x128xi32> to vector<1x128xi32>
    %slice3A_692 = vector.extract_strided_slice %select_n3A {offsets = [39, 0], sizes = [1, 128], strides = [1, 1]} : vector<128x128xi32> to vector<1x128xi32>
    %concatenate3A_693 = tpu.concatenate %slice3A_691, %slice3A_692 in 1 : vector<1x128xi32>, vector<1x128xi32> -> vector<1x256xi32>
    %eq3A_694 = vector.broadcast %iota3A : vector<128x1xi32> to vector<128x256xi32>
    %eq3A_695 = vector.broadcast %concatenate3A_693 : vector<1x256xi32> to vector<128x256xi32>
    %eq3A_696 = arith.cmpi eq, %eq3A_694, %eq3A_695 : vector<128x256xi32>
    %convert_element_type3A_697 = arith.extui %eq3A_696 : vector<128x256xi1> to vector<128x256xi32>
    %convert_element_type3A_698 = arith.sitofp %convert_element_type3A_697 : vector<128x256xi32> to vector<128x256xf32>
    %convert_element_type3A_699 = arith.truncf %convert_element_type3A_698 : vector<128x256xf32> to vector<128x256xbf16>
    %dot_general3A_700 = arith.constant dense<0.000000e+00> : vector<64x256xf32>
    %dot_general3A_701 = tpu.matmul %convert_element_type3A, %convert_element_type3A_699, %dot_general3A_700 {dimension_numbers = #tpu.dot_dimension_numbers<[1], [0], [0], [1], [0, 0, 1, 1], [], []>, transpose_lhs_hint = false} : vector<64x128xbf16>, vector<128x256xbf16>, vector<64x256xf32> -> vector<64x256xf32>
    %slice3A_702 = vector.extract_strided_slice %dot_general3A_701 {offsets = [0, 0], sizes = [64, 128], strides = [1, 1]} : vector<64x256xf32> to vector<64x128xf32>
    %add3A_703 = arith.addf %slice3A_702, %transpose3A : vector<64x128xf32>
    %slice3A_704 = vector.extract_strided_slice %transpose3A {offsets = [0, 38], sizes = [64, 1], strides = [1, 1]} : vector<64x128xf32> to vector<64x1xf32>
    %add3A_705 = vector.broadcast %slice3A_704 : vector<64x1xf32> to vector<64x128xf32>
    %add3A_706 = arith.addf %add3A_703, %add3A_705 : vector<64x128xf32>
    %swap3A_707 = arith.constant 0 : index
    %swap3A_708 = arith.constant 38 : index
    %swap3A_709 = arith.constant 0 : index
    %swap3A_710 = arith.constant 0 : index
    %swap3A_711 = vector.load %arg6[%swap3A_707, %swap3A_708, %swap3A_709, %swap3A_710] : memref<2x128x64x128xf32, #tpu.memory_space<vmem>>, vector<1x1x64x128xf32>
    %swap3A_712 = vector.shape_cast %swap3A_711 : vector<1x1x64x128xf32> to vector<64x128xf32>
    %swap3A_713 = vector.shape_cast %add3A_706 : vector<64x128xf32> to vector<1x1x64x128xf32>
    tpu.vector_store %arg6[%swap3A_707, %swap3A_708, %swap3A_709, %swap3A_710], %swap3A_713 {strides = array<i32>} : memref<2x128x64x128xf32, #tpu.memory_space<vmem>>, vector<1x1x64x128xf32>,
    %slice3A_714 = vector.extract_strided_slice %dot_general3A_701 {offsets = [0, 128], sizes = [64, 128], strides = [1, 1]} : vector<64x256xf32> to vector<64x128xf32>
    %add3A_715 = arith.addf %slice3A_714, %transpose3A : vector<64x128xf32>
    %slice3A_716 = vector.extract_strided_slice %transpose3A {offsets = [0, 39], sizes = [64, 1], strides = [1, 1]} : vector<64x128xf32> to vector<64x1xf32>
    %add3A_717 = vector.broadcast %slice3A_716 : vector<64x1xf32> to vector<64x128xf32>
    %add3A_718 = arith.addf %add3A_715, %add3A_717 : vector<64x128xf32>
    %swap3A_719 = arith.constant 0 : index
    %swap3A_720 = arith.constant 39 : index
    %swap3A_721 = arith.constant 0 : index
    %swap3A_722 = arith.constant 0 : index
    %swap3A_723 = vector.load %arg6[%swap3A_719, %swap3A_720, %swap3A_721, %swap3A_722] : memref<2x128x64x128xf32, #tpu.memory_space<vmem>>, vector<1x1x64x128xf32>
    %swap3A_724 = vector.shape_cast %swap3A_723 : vector<1x1x64x128xf32> to vector<64x128xf32>
    %swap3A_725 = vector.shape_cast %add3A_718 : vector<64x128xf32> to vector<1x1x64x128xf32>
    tpu.vector_store %arg6[%swap3A_719, %swap3A_720, %swap3A_721, %swap3A_722], %swap3A_725 {strides = array<i32>} : memref<2x128x64x128xf32, #tpu.memory_space<vmem>>, vector<1x1x64x128xf32>,
    %slice3A_726 = vector.extract_strided_slice %select_n3A {offsets = [40, 0], sizes = [1, 128], strides = [1, 1]} : vector<128x128xi32> to vector<1x128xi32>
    %slice3A_727 = vector.extract_strided_slice %select_n3A {offsets = [41, 0], sizes = [1, 128], strides = [1, 1]} : vector<128x128xi32> to vector<1x128xi32>
    %concatenate3A_728 = tpu.concatenate %slice3A_726, %slice3A_727 in 1 : vector<1x128xi32>, vector<1x128xi32> -> vector<1x256xi32>
    %eq3A_729 = vector.broadcast %iota3A : vector<128x1xi32> to vector<128x256xi32>
    %eq3A_730 = vector.broadcast %concatenate3A_728 : vector<1x256xi32> to vector<128x256xi32>
    %eq3A_731 = arith.cmpi eq, %eq3A_729, %eq3A_730 : vector<128x256xi32>
    %convert_element_type3A_732 = arith.extui %eq3A_731 : vector<128x256xi1> to vector<128x256xi32>
    %convert_element_type3A_733 = arith.sitofp %convert_element_type3A_732 : vector<128x256xi32> to vector<128x256xf32>
    %convert_element_type3A_734 = arith.truncf %convert_element_type3A_733 : vector<128x256xf32> to vector<128x256xbf16>
    %dot_general3A_735 = arith.constant dense<0.000000e+00> : vector<64x256xf32>
    %dot_general3A_736 = tpu.matmul %convert_element_type3A, %convert_element_type3A_734, %dot_general3A_735 {dimension_numbers = #tpu.dot_dimension_numbers<[1], [0], [0], [1], [0, 0, 1, 1], [], []>, transpose_lhs_hint = false} : vector<64x128xbf16>, vector<128x256xbf16>, vector<64x256xf32> -> vector<64x256xf32>
    %slice3A_737 = vector.extract_strided_slice %dot_general3A_736 {offsets = [0, 0], sizes = [64, 128], strides = [1, 1]} : vector<64x256xf32> to vector<64x128xf32>
    %add3A_738 = arith.addf %slice3A_737, %transpose3A : vector<64x128xf32>
    %slice3A_739 = vector.extract_strided_slice %transpose3A {offsets = [0, 40], sizes = [64, 1], strides = [1, 1]} : vector<64x128xf32> to vector<64x1xf32>
    %add3A_740 = vector.broadcast %slice3A_739 : vector<64x1xf32> to vector<64x128xf32>
    %add3A_741 = arith.addf %add3A_738, %add3A_740 : vector<64x128xf32>
    %swap3A_742 = arith.constant 0 : index
    %swap3A_743 = arith.constant 40 : index
    %swap3A_744 = arith.constant 0 : index
    %swap3A_745 = arith.constant 0 : index
    %swap3A_746 = vector.load %arg6[%swap3A_742, %swap3A_743, %swap3A_744, %swap3A_745] : memref<2x128x64x128xf32, #tpu.memory_space<vmem>>, vector<1x1x64x128xf32>
    %swap3A_747 = vector.shape_cast %swap3A_746 : vector<1x1x64x128xf32> to vector<64x128xf32>
    %swap3A_748 = vector.shape_cast %add3A_741 : vector<64x128xf32> to vector<1x1x64x128xf32>
    tpu.vector_store %arg6[%swap3A_742, %swap3A_743, %swap3A_744, %swap3A_745], %swap3A_748 {strides = array<i32>} : memref<2x128x64x128xf32, #tpu.memory_space<vmem>>, vector<1x1x64x128xf32>,
    %slice3A_749 = vector.extract_strided_slice %dot_general3A_736 {offsets = [0, 128], sizes = [64, 128], strides = [1, 1]} : vector<64x256xf32> to vector<64x128xf32>
    %add3A_750 = arith.addf %slice3A_749, %transpose3A : vector<64x128xf32>
    %slice3A_751 = vector.extract_strided_slice %transpose3A {offsets = [0, 41], sizes = [64, 1], strides = [1, 1]} : vector<64x128xf32> to vector<64x1xf32>
    %add3A_752 = vector.broadcast %slice3A_751 : vector<64x1xf32> to vector<64x128xf32>
    %add3A_753 = arith.addf %add3A_750, %add3A_752 : vector<64x128xf32>
    %swap3A_754 = arith.constant 0 : index
    %swap3A_755 = arith.constant 41 : index
    %swap3A_756 = arith.constant 0 : index
    %swap3A_757 = arith.constant 0 : index
    %swap3A_758 = vector.load %arg6[%swap3A_754, %swap3A_755, %swap3A_756, %swap3A_757] : memref<2x128x64x128xf32, #tpu.memory_space<vmem>>, vector<1x1x64x128xf32>
    %swap3A_759 = vector.shape_cast %swap3A_758 : vector<1x1x64x128xf32> to vector<64x128xf32>
    %swap3A_760 = vector.shape_cast %add3A_753 : vector<64x128xf32> to vector<1x1x64x128xf32>
    tpu.vector_store %arg6[%swap3A_754, %swap3A_755, %swap3A_756, %swap3A_757], %swap3A_760 {strides = array<i32>} : memref<2x128x64x128xf32, #tpu.memory_space<vmem>>, vector<1x1x64x128xf32>,
    %slice3A_761 = vector.extract_strided_slice %select_n3A {offsets = [42, 0], sizes = [1, 128], strides = [1, 1]} : vector<128x128xi32> to vector<1x128xi32>
    %slice3A_762 = vector.extract_strided_slice %select_n3A {offsets = [43, 0], sizes = [1, 128], strides = [1, 1]} : vector<128x128xi32> to vector<1x128xi32>
    %concatenate3A_763 = tpu.concatenate %slice3A_761, %slice3A_762 in 1 : vector<1x128xi32>, vector<1x128xi32> -> vector<1x256xi32>
    %eq3A_764 = vector.broadcast %iota3A : vector<128x1xi32> to vector<128x256xi32>
    %eq3A_765 = vector.broadcast %concatenate3A_763 : vector<1x256xi32> to vector<128x256xi32>
    %eq3A_766 = arith.cmpi eq, %eq3A_764, %eq3A_765 : vector<128x256xi32>
    %convert_element_type3A_767 = arith.extui %eq3A_766 : vector<128x256xi1> to vector<128x256xi32>
    %convert_element_type3A_768 = arith.sitofp %convert_element_type3A_767 : vector<128x256xi32> to vector<128x256xf32>
    %convert_element_type3A_769 = arith.truncf %convert_element_type3A_768 : vector<128x256xf32> to vector<128x256xbf16>
    %dot_general3A_770 = arith.constant dense<0.000000e+00> : vector<64x256xf32>
    %dot_general3A_771 = tpu.matmul %convert_element_type3A, %convert_element_type3A_769, %dot_general3A_770 {dimension_numbers = #tpu.dot_dimension_numbers<[1], [0], [0], [1], [0, 0, 1, 1], [], []>, transpose_lhs_hint = false} : vector<64x128xbf16>, vector<128x256xbf16>, vector<64x256xf32> -> vector<64x256xf32>
    %slice3A_772 = vector.extract_strided_slice %dot_general3A_771 {offsets = [0, 0], sizes = [64, 128], strides = [1, 1]} : vector<64x256xf32> to vector<64x128xf32>
    %add3A_773 = arith.addf %slice3A_772, %transpose3A : vector<64x128xf32>
    %slice3A_774 = vector.extract_strided_slice %transpose3A {offsets = [0, 42], sizes = [64, 1], strides = [1, 1]} : vector<64x128xf32> to vector<64x1xf32>
    %add3A_775 = vector.broadcast %slice3A_774 : vector<64x1xf32> to vector<64x128xf32>
    %add3A_776 = arith.addf %add3A_773, %add3A_775 : vector<64x128xf32>
    %swap3A_777 = arith.constant 0 : index
    %swap3A_778 = arith.constant 42 : index
    %swap3A_779 = arith.constant 0 : index
    %swap3A_780 = arith.constant 0 : index
    %swap3A_781 = vector.load %arg6[%swap3A_777, %swap3A_778, %swap3A_779, %swap3A_780] : memref<2x128x64x128xf32, #tpu.memory_space<vmem>>, vector<1x1x64x128xf32>
    %swap3A_782 = vector.shape_cast %swap3A_781 : vector<1x1x64x128xf32> to vector<64x128xf32>
    %swap3A_783 = vector.shape_cast %add3A_776 : vector<64x128xf32> to vector<1x1x64x128xf32>
    tpu.vector_store %arg6[%swap3A_777, %swap3A_778, %swap3A_779, %swap3A_780], %swap3A_783 {strides = array<i32>} : memref<2x128x64x128xf32, #tpu.memory_space<vmem>>, vector<1x1x64x128xf32>,
    %slice3A_784 = vector.extract_strided_slice %dot_general3A_771 {offsets = [0, 128], sizes = [64, 128], strides = [1, 1]} : vector<64x256xf32> to vector<64x128xf32>
    %add3A_785 = arith.addf %slice3A_784, %transpose3A : vector<64x128xf32>
    %slice3A_786 = vector.extract_strided_slice %transpose3A {offsets = [0, 43], sizes = [64, 1], strides = [1, 1]} : vector<64x128xf32> to vector<64x1xf32>
    %add3A_787 = vector.broadcast %slice3A_786 : vector<64x1xf32> to vector<64x128xf32>
    %add3A_788 = arith.addf %add3A_785, %add3A_787 : vector<64x128xf32>
    %swap3A_789 = arith.constant 0 : index
    %swap3A_790 = arith.constant 43 : index
    %swap3A_791 = arith.constant 0 : index
    %swap3A_792 = arith.constant 0 : index
    %swap3A_793 = vector.load %arg6[%swap3A_789, %swap3A_790, %swap3A_791, %swap3A_792] : memref<2x128x64x128xf32, #tpu.memory_space<vmem>>, vector<1x1x64x128xf32>
    %swap3A_794 = vector.shape_cast %swap3A_793 : vector<1x1x64x128xf32> to vector<64x128xf32>
    %swap3A_795 = vector.shape_cast %add3A_788 : vector<64x128xf32> to vector<1x1x64x128xf32>
    tpu.vector_store %arg6[%swap3A_789, %swap3A_790, %swap3A_791, %swap3A_792], %swap3A_795 {strides = array<i32>} : memref<2x128x64x128xf32, #tpu.memory_space<vmem>>, vector<1x1x64x128xf32>,
    %slice3A_796 = vector.extract_strided_slice %select_n3A {offsets = [44, 0], sizes = [1, 128], strides = [1, 1]} : vector<128x128xi32> to vector<1x128xi32>
    %slice3A_797 = vector.extract_strided_slice %select_n3A {offsets = [45, 0], sizes = [1, 128], strides = [1, 1]} : vector<128x128xi32> to vector<1x128xi32>
    %concatenate3A_798 = tpu.concatenate %slice3A_796, %slice3A_797 in 1 : vector<1x128xi32>, vector<1x128xi32> -> vector<1x256xi32>
    %eq3A_799 = vector.broadcast %iota3A : vector<128x1xi32> to vector<128x256xi32>
    %eq3A_800 = vector.broadcast %concatenate3A_798 : vector<1x256xi32> to vector<128x256xi32>
    %eq3A_801 = arith.cmpi eq, %eq3A_799, %eq3A_800 : vector<128x256xi32>
    %convert_element_type3A_802 = arith.extui %eq3A_801 : vector<128x256xi1> to vector<128x256xi32>
    %convert_element_type3A_803 = arith.sitofp %convert_element_type3A_802 : vector<128x256xi32> to vector<128x256xf32>
    %convert_element_type3A_804 = arith.truncf %convert_element_type3A_803 : vector<128x256xf32> to vector<128x256xbf16>
    %dot_general3A_805 = arith.constant dense<0.000000e+00> : vector<64x256xf32>
    %dot_general3A_806 = tpu.matmul %convert_element_type3A, %convert_element_type3A_804, %dot_general3A_805 {dimension_numbers = #tpu.dot_dimension_numbers<[1], [0], [0], [1], [0, 0, 1, 1], [], []>, transpose_lhs_hint = false} : vector<64x128xbf16>, vector<128x256xbf16>, vector<64x256xf32> -> vector<64x256xf32>
    %slice3A_807 = vector.extract_strided_slice %dot_general3A_806 {offsets = [0, 0], sizes = [64, 128], strides = [1, 1]} : vector<64x256xf32> to vector<64x128xf32>
    %add3A_808 = arith.addf %slice3A_807, %transpose3A : vector<64x128xf32>
    %slice3A_809 = vector.extract_strided_slice %transpose3A {offsets = [0, 44], sizes = [64, 1], strides = [1, 1]} : vector<64x128xf32> to vector<64x1xf32>
    %add3A_810 = vector.broadcast %slice3A_809 : vector<64x1xf32> to vector<64x128xf32>
    %add3A_811 = arith.addf %add3A_808, %add3A_810 : vector<64x128xf32>
    %swap3A_812 = arith.constant 0 : index
    %swap3A_813 = arith.constant 44 : index
    %swap3A_814 = arith.constant 0 : index
    %swap3A_815 = arith.constant 0 : index
    %swap3A_816 = vector.load %arg6[%swap3A_812, %swap3A_813, %swap3A_814, %swap3A_815] : memref<2x128x64x128xf32, #tpu.memory_space<vmem>>, vector<1x1x64x128xf32>
    %swap3A_817 = vector.shape_cast %swap3A_816 : vector<1x1x64x128xf32> to vector<64x128xf32>
    %swap3A_818 = vector.shape_cast %add3A_811 : vector<64x128xf32> to vector<1x1x64x128xf32>
    tpu.vector_store %arg6[%swap3A_812, %swap3A_813, %swap3A_814, %swap3A_815], %swap3A_818 {strides = array<i32>} : memref<2x128x64x128xf32, #tpu.memory_space<vmem>>, vector<1x1x64x128xf32>,
    %slice3A_819 = vector.extract_strided_slice %dot_general3A_806 {offsets = [0, 128], sizes = [64, 128], strides = [1, 1]} : vector<64x256xf32> to vector<64x128xf32>
    %add3A_820 = arith.addf %slice3A_819, %transpose3A : vector<64x128xf32>
    %slice3A_821 = vector.extract_strided_slice %transpose3A {offsets = [0, 45], sizes = [64, 1], strides = [1, 1]} : vector<64x128xf32> to vector<64x1xf32>
    %add3A_822 = vector.broadcast %slice3A_821 : vector<64x1xf32> to vector<64x128xf32>
    %add3A_823 = arith.addf %add3A_820, %add3A_822 : vector<64x128xf32>
    %swap3A_824 = arith.constant 0 : index
    %swap3A_825 = arith.constant 45 : index
    %swap3A_826 = arith.constant 0 : index
    %swap3A_827 = arith.constant 0 : index
    %swap3A_828 = vector.load %arg6[%swap3A_824, %swap3A_825, %swap3A_826, %swap3A_827] : memref<2x128x64x128xf32, #tpu.memory_space<vmem>>, vector<1x1x64x128xf32>
    %swap3A_829 = vector.shape_cast %swap3A_828 : vector<1x1x64x128xf32> to vector<64x128xf32>
    %swap3A_830 = vector.shape_cast %add3A_823 : vector<64x128xf32> to vector<1x1x64x128xf32>
    tpu.vector_store %arg6[%swap3A_824, %swap3A_825, %swap3A_826, %swap3A_827], %swap3A_830 {strides = array<i32>} : memref<2x128x64x128xf32, #tpu.memory_space<vmem>>, vector<1x1x64x128xf32>,
    %slice3A_831 = vector.extract_strided_slice %select_n3A {offsets = [46, 0], sizes = [1, 128], strides = [1, 1]} : vector<128x128xi32> to vector<1x128xi32>
    %slice3A_832 = vector.extract_strided_slice %select_n3A {offsets = [47, 0], sizes = [1, 128], strides = [1, 1]} : vector<128x128xi32> to vector<1x128xi32>
    %concatenate3A_833 = tpu.concatenate %slice3A_831, %slice3A_832 in 1 : vector<1x128xi32>, vector<1x128xi32> -> vector<1x256xi32>
    %eq3A_834 = vector.broadcast %iota3A : vector<128x1xi32> to vector<128x256xi32>
    %eq3A_835 = vector.broadcast %concatenate3A_833 : vector<1x256xi32> to vector<128x256xi32>
    %eq3A_836 = arith.cmpi eq, %eq3A_834, %eq3A_835 : vector<128x256xi32>
    %convert_element_type3A_837 = arith.extui %eq3A_836 : vector<128x256xi1> to vector<128x256xi32>
    %convert_element_type3A_838 = arith.sitofp %convert_element_type3A_837 : vector<128x256xi32> to vector<128x256xf32>
    %convert_element_type3A_839 = arith.truncf %convert_element_type3A_838 : vector<128x256xf32> to vector<128x256xbf16>
    %dot_general3A_840 = arith.constant dense<0.000000e+00> : vector<64x256xf32>
    %dot_general3A_841 = tpu.matmul %convert_element_type3A, %convert_element_type3A_839, %dot_general3A_840 {dimension_numbers = #tpu.dot_dimension_numbers<[1], [0], [0], [1], [0, 0, 1, 1], [], []>, transpose_lhs_hint = false} : vector<64x128xbf16>, vector<128x256xbf16>, vector<64x256xf32> -> vector<64x256xf32>
    %slice3A_842 = vector.extract_strided_slice %dot_general3A_841 {offsets = [0, 0], sizes = [64, 128], strides = [1, 1]} : vector<64x256xf32> to vector<64x128xf32>
    %add3A_843 = arith.addf %slice3A_842, %transpose3A : vector<64x128xf32>
    %slice3A_844 = vector.extract_strided_slice %transpose3A {offsets = [0, 46], sizes = [64, 1], strides = [1, 1]} : vector<64x128xf32> to vector<64x1xf32>
    %add3A_845 = vector.broadcast %slice3A_844 : vector<64x1xf32> to vector<64x128xf32>
    %add3A_846 = arith.addf %add3A_843, %add3A_845 : vector<64x128xf32>
    %swap3A_847 = arith.constant 0 : index
    %swap3A_848 = arith.constant 46 : index
    %swap3A_849 = arith.constant 0 : index
    %swap3A_850 = arith.constant 0 : index
    %swap3A_851 = vector.load %arg6[%swap3A_847, %swap3A_848, %swap3A_849, %swap3A_850] : memref<2x128x64x128xf32, #tpu.memory_space<vmem>>, vector<1x1x64x128xf32>
    %swap3A_852 = vector.shape_cast %swap3A_851 : vector<1x1x64x128xf32> to vector<64x128xf32>
    %swap3A_853 = vector.shape_cast %add3A_846 : vector<64x128xf32> to vector<1x1x64x128xf32>
    tpu.vector_store %arg6[%swap3A_847, %swap3A_848, %swap3A_849, %swap3A_850], %swap3A_853 {strides = array<i32>} : memref<2x128x64x128xf32, #tpu.memory_space<vmem>>, vector<1x1x64x128xf32>,
    %slice3A_854 = vector.extract_strided_slice %dot_general3A_841 {offsets = [0, 128], sizes = [64, 128], strides = [1, 1]} : vector<64x256xf32> to vector<64x128xf32>
    %add3A_855 = arith.addf %slice3A_854, %transpose3A : vector<64x128xf32>
    %slice3A_856 = vector.extract_strided_slice %transpose3A {offsets = [0, 47], sizes = [64, 1], strides = [1, 1]} : vector<64x128xf32> to vector<64x1xf32>
    %add3A_857 = vector.broadcast %slice3A_856 : vector<64x1xf32> to vector<64x128xf32>
    %add3A_858 = arith.addf %add3A_855, %add3A_857 : vector<64x128xf32>
    %swap3A_859 = arith.constant 0 : index
    %swap3A_860 = arith.constant 47 : index
    %swap3A_861 = arith.constant 0 : index
    %swap3A_862 = arith.constant 0 : index
    %swap3A_863 = vector.load %arg6[%swap3A_859, %swap3A_860, %swap3A_861, %swap3A_862] : memref<2x128x64x128xf32, #tpu.memory_space<vmem>>, vector<1x1x64x128xf32>
    %swap3A_864 = vector.shape_cast %swap3A_863 : vector<1x1x64x128xf32> to vector<64x128xf32>
    %swap3A_865 = vector.shape_cast %add3A_858 : vector<64x128xf32> to vector<1x1x64x128xf32>
    tpu.vector_store %arg6[%swap3A_859, %swap3A_860, %swap3A_861, %swap3A_862], %swap3A_865 {strides = array<i32>} : memref<2x128x64x128xf32, #tpu.memory_space<vmem>>, vector<1x1x64x128xf32>,
    %slice3A_866 = vector.extract_strided_slice %select_n3A {offsets = [48, 0], sizes = [1, 128], strides = [1, 1]} : vector<128x128xi32> to vector<1x128xi32>
    %slice3A_867 = vector.extract_strided_slice %select_n3A {offsets = [49, 0], sizes = [1, 128], strides = [1, 1]} : vector<128x128xi32> to vector<1x128xi32>
    %concatenate3A_868 = tpu.concatenate %slice3A_866, %slice3A_867 in 1 : vector<1x128xi32>, vector<1x128xi32> -> vector<1x256xi32>
    %eq3A_869 = vector.broadcast %iota3A : vector<128x1xi32> to vector<128x256xi32>
    %eq3A_870 = vector.broadcast %concatenate3A_868 : vector<1x256xi32> to vector<128x256xi32>
    %eq3A_871 = arith.cmpi eq, %eq3A_869, %eq3A_870 : vector<128x256xi32>
    %convert_element_type3A_872 = arith.extui %eq3A_871 : vector<128x256xi1> to vector<128x256xi32>
    %convert_element_type3A_873 = arith.sitofp %convert_element_type3A_872 : vector<128x256xi32> to vector<128x256xf32>
    %convert_element_type3A_874 = arith.truncf %convert_element_type3A_873 : vector<128x256xf32> to vector<128x256xbf16>
    %dot_general3A_875 = arith.constant dense<0.000000e+00> : vector<64x256xf32>
    %dot_general3A_876 = tpu.matmul %convert_element_type3A, %convert_element_type3A_874, %dot_general3A_875 {dimension_numbers = #tpu.dot_dimension_numbers<[1], [0], [0], [1], [0, 0, 1, 1], [], []>, transpose_lhs_hint = false} : vector<64x128xbf16>, vector<128x256xbf16>, vector<64x256xf32> -> vector<64x256xf32>
    %slice3A_877 = vector.extract_strided_slice %dot_general3A_876 {offsets = [0, 0], sizes = [64, 128], strides = [1, 1]} : vector<64x256xf32> to vector<64x128xf32>
    %add3A_878 = arith.addf %slice3A_877, %transpose3A : vector<64x128xf32>
    %slice3A_879 = vector.extract_strided_slice %transpose3A {offsets = [0, 48], sizes = [64, 1], strides = [1, 1]} : vector<64x128xf32> to vector<64x1xf32>
    %add3A_880 = vector.broadcast %slice3A_879 : vector<64x1xf32> to vector<64x128xf32>
    %add3A_881 = arith.addf %add3A_878, %add3A_880 : vector<64x128xf32>
    %swap3A_882 = arith.constant 0 : index
    %swap3A_883 = arith.constant 48 : index
    %swap3A_884 = arith.constant 0 : index
    %swap3A_885 = arith.constant 0 : index
    %swap3A_886 = vector.load %arg6[%swap3A_882, %swap3A_883, %swap3A_884, %swap3A_885] : memref<2x128x64x128xf32, #tpu.memory_space<vmem>>, vector<1x1x64x128xf32>
    %swap3A_887 = vector.shape_cast %swap3A_886 : vector<1x1x64x128xf32> to vector<64x128xf32>
    %swap3A_888 = vector.shape_cast %add3A_881 : vector<64x128xf32> to vector<1x1x64x128xf32>
    tpu.vector_store %arg6[%swap3A_882, %swap3A_883, %swap3A_884, %swap3A_885], %swap3A_888 {strides = array<i32>} : memref<2x128x64x128xf32, #tpu.memory_space<vmem>>, vector<1x1x64x128xf32>,
    %slice3A_889 = vector.extract_strided_slice %dot_general3A_876 {offsets = [0, 128], sizes = [64, 128], strides = [1, 1]} : vector<64x256xf32> to vector<64x128xf32>
    %add3A_890 = arith.addf %slice3A_889, %transpose3A : vector<64x128xf32>
    %slice3A_891 = vector.extract_strided_slice %transpose3A {offsets = [0, 49], sizes = [64, 1], strides = [1, 1]} : vector<64x128xf32> to vector<64x1xf32>
    %add3A_892 = vector.broadcast %slice3A_891 : vector<64x1xf32> to vector<64x128xf32>
    %add3A_893 = arith.addf %add3A_890, %add3A_892 : vector<64x128xf32>
    %swap3A_894 = arith.constant 0 : index
    %swap3A_895 = arith.constant 49 : index
    %swap3A_896 = arith.constant 0 : index
    %swap3A_897 = arith.constant 0 : index
    %swap3A_898 = vector.load %arg6[%swap3A_894, %swap3A_895, %swap3A_896, %swap3A_897] : memref<2x128x64x128xf32, #tpu.memory_space<vmem>>, vector<1x1x64x128xf32>
    %swap3A_899 = vector.shape_cast %swap3A_898 : vector<1x1x64x128xf32> to vector<64x128xf32>
    %swap3A_900 = vector.shape_cast %add3A_893 : vector<64x128xf32> to vector<1x1x64x128xf32>
    tpu.vector_store %arg6[%swap3A_894, %swap3A_895, %swap3A_896, %swap3A_897], %swap3A_900 {strides = array<i32>} : memref<2x128x64x128xf32, #tpu.memory_space<vmem>>, vector<1x1x64x128xf32>,
    %slice3A_901 = vector.extract_strided_slice %select_n3A {offsets = [50, 0], sizes = [1, 128], strides = [1, 1]} : vector<128x128xi32> to vector<1x128xi32>
    %slice3A_902 = vector.extract_strided_slice %select_n3A {offsets = [51, 0], sizes = [1, 128], strides = [1, 1]} : vector<128x128xi32> to vector<1x128xi32>
    %concatenate3A_903 = tpu.concatenate %slice3A_901, %slice3A_902 in 1 : vector<1x128xi32>, vector<1x128xi32> -> vector<1x256xi32>
    %eq3A_904 = vector.broadcast %iota3A : vector<128x1xi32> to vector<128x256xi32>
    %eq3A_905 = vector.broadcast %concatenate3A_903 : vector<1x256xi32> to vector<128x256xi32>
    %eq3A_906 = arith.cmpi eq, %eq3A_904, %eq3A_905 : vector<128x256xi32>
    %convert_element_type3A_907 = arith.extui %eq3A_906 : vector<128x256xi1> to vector<128x256xi32>
    %convert_element_type3A_908 = arith.sitofp %convert_element_type3A_907 : vector<128x256xi32> to vector<128x256xf32>
    %convert_element_type3A_909 = arith.truncf %convert_element_type3A_908 : vector<128x256xf32> to vector<128x256xbf16>
    %dot_general3A_910 = arith.constant dense<0.000000e+00> : vector<64x256xf32>
    %dot_general3A_911 = tpu.matmul %convert_element_type3A, %convert_element_type3A_909, %dot_general3A_910 {dimension_numbers = #tpu.dot_dimension_numbers<[1], [0], [0], [1], [0, 0, 1, 1], [], []>, transpose_lhs_hint = false} : vector<64x128xbf16>, vector<128x256xbf16>, vector<64x256xf32> -> vector<64x256xf32>
    %slice3A_912 = vector.extract_strided_slice %dot_general3A_911 {offsets = [0, 0], sizes = [64, 128], strides = [1, 1]} : vector<64x256xf32> to vector<64x128xf32>
    %add3A_913 = arith.addf %slice3A_912, %transpose3A : vector<64x128xf32>
    %slice3A_914 = vector.extract_strided_slice %transpose3A {offsets = [0, 50], sizes = [64, 1], strides = [1, 1]} : vector<64x128xf32> to vector<64x1xf32>
    %add3A_915 = vector.broadcast %slice3A_914 : vector<64x1xf32> to vector<64x128xf32>
    %add3A_916 = arith.addf %add3A_913, %add3A_915 : vector<64x128xf32>
    %swap3A_917 = arith.constant 0 : index
    %swap3A_918 = arith.constant 50 : index
    %swap3A_919 = arith.constant 0 : index
    %swap3A_920 = arith.constant 0 : index
    %swap3A_921 = vector.load %arg6[%swap3A_917, %swap3A_918, %swap3A_919, %swap3A_920] : memref<2x128x64x128xf32, #tpu.memory_space<vmem>>, vector<1x1x64x128xf32>
    %swap3A_922 = vector.shape_cast %swap3A_921 : vector<1x1x64x128xf32> to vector<64x128xf32>
    %swap3A_923 = vector.shape_cast %add3A_916 : vector<64x128xf32> to vector<1x1x64x128xf32>
    tpu.vector_store %arg6[%swap3A_917, %swap3A_918, %swap3A_919, %swap3A_920], %swap3A_923 {strides = array<i32>} : memref<2x128x64x128xf32, #tpu.memory_space<vmem>>, vector<1x1x64x128xf32>,
    %slice3A_924 = vector.extract_strided_slice %dot_general3A_911 {offsets = [0, 128], sizes = [64, 128], strides = [1, 1]} : vector<64x256xf32> to vector<64x128xf32>
    %add3A_925 = arith.addf %slice3A_924, %transpose3A : vector<64x128xf32>
    %slice3A_926 = vector.extract_strided_slice %transpose3A {offsets = [0, 51], sizes = [64, 1], strides = [1, 1]} : vector<64x128xf32> to vector<64x1xf32>
    %add3A_927 = vector.broadcast %slice3A_926 : vector<64x1xf32> to vector<64x128xf32>
    %add3A_928 = arith.addf %add3A_925, %add3A_927 : vector<64x128xf32>
    %swap3A_929 = arith.constant 0 : index
    %swap3A_930 = arith.constant 51 : index
    %swap3A_931 = arith.constant 0 : index
    %swap3A_932 = arith.constant 0 : index
    %swap3A_933 = vector.load %arg6[%swap3A_929, %swap3A_930, %swap3A_931, %swap3A_932] : memref<2x128x64x128xf32, #tpu.memory_space<vmem>>, vector<1x1x64x128xf32>
    %swap3A_934 = vector.shape_cast %swap3A_933 : vector<1x1x64x128xf32> to vector<64x128xf32>
    %swap3A_935 = vector.shape_cast %add3A_928 : vector<64x128xf32> to vector<1x1x64x128xf32>
    tpu.vector_store %arg6[%swap3A_929, %swap3A_930, %swap3A_931, %swap3A_932], %swap3A_935 {strides = array<i32>} : memref<2x128x64x128xf32, #tpu.memory_space<vmem>>, vector<1x1x64x128xf32>,
    %slice3A_936 = vector.extract_strided_slice %select_n3A {offsets = [52, 0], sizes = [1, 128], strides = [1, 1]} : vector<128x128xi32> to vector<1x128xi32>
    %slice3A_937 = vector.extract_strided_slice %select_n3A {offsets = [53, 0], sizes = [1, 128], strides = [1, 1]} : vector<128x128xi32> to vector<1x128xi32>
    %concatenate3A_938 = tpu.concatenate %slice3A_936, %slice3A_937 in 1 : vector<1x128xi32>, vector<1x128xi32> -> vector<1x256xi32>
    %eq3A_939 = vector.broadcast %iota3A : vector<128x1xi32> to vector<128x256xi32>
    %eq3A_940 = vector.broadcast %concatenate3A_938 : vector<1x256xi32> to vector<128x256xi32>
    %eq3A_941 = arith.cmpi eq, %eq3A_939, %eq3A_940 : vector<128x256xi32>
    %convert_element_type3A_942 = arith.extui %eq3A_941 : vector<128x256xi1> to vector<128x256xi32>
    %convert_element_type3A_943 = arith.sitofp %convert_element_type3A_942 : vector<128x256xi32> to vector<128x256xf32>
    %convert_element_type3A_944 = arith.truncf %convert_element_type3A_943 : vector<128x256xf32> to vector<128x256xbf16>
    %dot_general3A_945 = arith.constant dense<0.000000e+00> : vector<64x256xf32>
    %dot_general3A_946 = tpu.matmul %convert_element_type3A, %convert_element_type3A_944, %dot_general3A_945 {dimension_numbers = #tpu.dot_dimension_numbers<[1], [0], [0], [1], [0, 0, 1, 1], [], []>, transpose_lhs_hint = false} : vector<64x128xbf16>, vector<128x256xbf16>, vector<64x256xf32> -> vector<64x256xf32>
    %slice3A_947 = vector.extract_strided_slice %dot_general3A_946 {offsets = [0, 0], sizes = [64, 128], strides = [1, 1]} : vector<64x256xf32> to vector<64x128xf32>
    %add3A_948 = arith.addf %slice3A_947, %transpose3A : vector<64x128xf32>
    %slice3A_949 = vector.extract_strided_slice %transpose3A {offsets = [0, 52], sizes = [64, 1], strides = [1, 1]} : vector<64x128xf32> to vector<64x1xf32>
    %add3A_950 = vector.broadcast %slice3A_949 : vector<64x1xf32> to vector<64x128xf32>
    %add3A_951 = arith.addf %add3A_948, %add3A_950 : vector<64x128xf32>
    %swap3A_952 = arith.constant 0 : index
    %swap3A_953 = arith.constant 52 : index
    %swap3A_954 = arith.constant 0 : index
    %swap3A_955 = arith.constant 0 : index
    %swap3A_956 = vector.load %arg6[%swap3A_952, %swap3A_953, %swap3A_954, %swap3A_955] : memref<2x128x64x128xf32, #tpu.memory_space<vmem>>, vector<1x1x64x128xf32>
    %swap3A_957 = vector.shape_cast %swap3A_956 : vector<1x1x64x128xf32> to vector<64x128xf32>
    %swap3A_958 = vector.shape_cast %add3A_951 : vector<64x128xf32> to vector<1x1x64x128xf32>
    tpu.vector_store %arg6[%swap3A_952, %swap3A_953, %swap3A_954, %swap3A_955], %swap3A_958 {strides = array<i32>} : memref<2x128x64x128xf32, #tpu.memory_space<vmem>>, vector<1x1x64x128xf32>,
    %slice3A_959 = vector.extract_strided_slice %dot_general3A_946 {offsets = [0, 128], sizes = [64, 128], strides = [1, 1]} : vector<64x256xf32> to vector<64x128xf32>
    %add3A_960 = arith.addf %slice3A_959, %transpose3A : vector<64x128xf32>
    %slice3A_961 = vector.extract_strided_slice %transpose3A {offsets = [0, 53], sizes = [64, 1], strides = [1, 1]} : vector<64x128xf32> to vector<64x1xf32>
    %add3A_962 = vector.broadcast %slice3A_961 : vector<64x1xf32> to vector<64x128xf32>
    %add3A_963 = arith.addf %add3A_960, %add3A_962 : vector<64x128xf32>
    %swap3A_964 = arith.constant 0 : index
    %swap3A_965 = arith.constant 53 : index
    %swap3A_966 = arith.constant 0 : index
    %swap3A_967 = arith.constant 0 : index
    %swap3A_968 = vector.load %arg6[%swap3A_964, %swap3A_965, %swap3A_966, %swap3A_967] : memref<2x128x64x128xf32, #tpu.memory_space<vmem>>, vector<1x1x64x128xf32>
    %swap3A_969 = vector.shape_cast %swap3A_968 : vector<1x1x64x128xf32> to vector<64x128xf32>
    %swap3A_970 = vector.shape_cast %add3A_963 : vector<64x128xf32> to vector<1x1x64x128xf32>
    tpu.vector_store %arg6[%swap3A_964, %swap3A_965, %swap3A_966, %swap3A_967], %swap3A_970 {strides = array<i32>} : memref<2x128x64x128xf32, #tpu.memory_space<vmem>>, vector<1x1x64x128xf32>,
    %slice3A_971 = vector.extract_strided_slice %select_n3A {offsets = [54, 0], sizes = [1, 128], strides = [1, 1]} : vector<128x128xi32> to vector<1x128xi32>
    %slice3A_972 = vector.extract_strided_slice %select_n3A {offsets = [55, 0], sizes = [1, 128], strides = [1, 1]} : vector<128x128xi32> to vector<1x128xi32>
    %concatenate3A_973 = tpu.concatenate %slice3A_971, %slice3A_972 in 1 : vector<1x128xi32>, vector<1x128xi32> -> vector<1x256xi32>
    %eq3A_974 = vector.broadcast %iota3A : vector<128x1xi32> to vector<128x256xi32>
    %eq3A_975 = vector.broadcast %concatenate3A_973 : vector<1x256xi32> to vector<128x256xi32>
    %eq3A_976 = arith.cmpi eq, %eq3A_974, %eq3A_975 : vector<128x256xi32>
    %convert_element_type3A_977 = arith.extui %eq3A_976 : vector<128x256xi1> to vector<128x256xi32>
    %convert_element_type3A_978 = arith.sitofp %convert_element_type3A_977 : vector<128x256xi32> to vector<128x256xf32>
    %convert_element_type3A_979 = arith.truncf %convert_element_type3A_978 : vector<128x256xf32> to vector<128x256xbf16>
    %dot_general3A_980 = arith.constant dense<0.000000e+00> : vector<64x256xf32>
    %dot_general3A_981 = tpu.matmul %convert_element_type3A, %convert_element_type3A_979, %dot_general3A_980 {dimension_numbers = #tpu.dot_dimension_numbers<[1], [0], [0], [1], [0, 0, 1, 1], [], []>, transpose_lhs_hint = false} : vector<64x128xbf16>, vector<128x256xbf16>, vector<64x256xf32> -> vector<64x256xf32>
    %slice3A_982 = vector.extract_strided_slice %dot_general3A_981 {offsets = [0, 0], sizes = [64, 128], strides = [1, 1]} : vector<64x256xf32> to vector<64x128xf32>
    %add3A_983 = arith.addf %slice3A_982, %transpose3A : vector<64x128xf32>
    %slice3A_984 = vector.extract_strided_slice %transpose3A {offsets = [0, 54], sizes = [64, 1], strides = [1, 1]} : vector<64x128xf32> to vector<64x1xf32>
    %add3A_985 = vector.broadcast %slice3A_984 : vector<64x1xf32> to vector<64x128xf32>
    %add3A_986 = arith.addf %add3A_983, %add3A_985 : vector<64x128xf32>
    %swap3A_987 = arith.constant 0 : index
    %swap3A_988 = arith.constant 54 : index
    %swap3A_989 = arith.constant 0 : index
    %swap3A_990 = arith.constant 0 : index
    %swap3A_991 = vector.load %arg6[%swap3A_987, %swap3A_988, %swap3A_989, %swap3A_990] : memref<2x128x64x128xf32, #tpu.memory_space<vmem>>, vector<1x1x64x128xf32>
    %swap3A_992 = vector.shape_cast %swap3A_991 : vector<1x1x64x128xf32> to vector<64x128xf32>
    %swap3A_993 = vector.shape_cast %add3A_986 : vector<64x128xf32> to vector<1x1x64x128xf32>
    tpu.vector_store %arg6[%swap3A_987, %swap3A_988, %swap3A_989, %swap3A_990], %swap3A_993 {strides = array<i32>} : memref<2x128x64x128xf32, #tpu.memory_space<vmem>>, vector<1x1x64x128xf32>,
    %slice3A_994 = vector.extract_strided_slice %dot_general3A_981 {offsets = [0, 128], sizes = [64, 128], strides = [1, 1]} : vector<64x256xf32> to vector<64x128xf32>
    %add3A_995 = arith.addf %slice3A_994, %transpose3A : vector<64x128xf32>
    %slice3A_996 = vector.extract_strided_slice %transpose3A {offsets = [0, 55], sizes = [64, 1], strides = [1, 1]} : vector<64x128xf32> to vector<64x1xf32>
    %add3A_997 = vector.broadcast %slice3A_996 : vector<64x1xf32> to vector<64x128xf32>
    %add3A_998 = arith.addf %add3A_995, %add3A_997 : vector<64x128xf32>
    %swap3A_999 = arith.constant 0 : index
    %swap3A_1000 = arith.constant 55 : index
    %swap3A_1001 = arith.constant 0 : index
    %swap3A_1002 = arith.constant 0 : index
    %swap3A_1003 = vector.load %arg6[%swap3A_999, %swap3A_1000, %swap3A_1001, %swap3A_1002] : memref<2x128x64x128xf32, #tpu.memory_space<vmem>>, vector<1x1x64x128xf32>
    %swap3A_1004 = vector.shape_cast %swap3A_1003 : vector<1x1x64x128xf32> to vector<64x128xf32>
    %swap3A_1005 = vector.shape_cast %add3A_998 : vector<64x128xf32> to vector<1x1x64x128xf32>
    tpu.vector_store %arg6[%swap3A_999, %swap3A_1000, %swap3A_1001, %swap3A_1002], %swap3A_1005 {strides = array<i32>} : memref<2x128x64x128xf32, #tpu.memory_space<vmem>>, vector<1x1x64x128xf32>,
    %slice3A_1006 = vector.extract_strided_slice %select_n3A {offsets = [56, 0], sizes = [1, 128], strides = [1, 1]} : vector<128x128xi32> to vector<1x128xi32>
    %slice3A_1007 = vector.extract_strided_slice %select_n3A {offsets = [57, 0], sizes = [1, 128], strides = [1, 1]} : vector<128x128xi32> to vector<1x128xi32>
    %concatenate3A_1008 = tpu.concatenate %slice3A_1006, %slice3A_1007 in 1 : vector<1x128xi32>, vector<1x128xi32> -> vector<1x256xi32>
    %eq3A_1009 = vector.broadcast %iota3A : vector<128x1xi32> to vector<128x256xi32>
    %eq3A_1010 = vector.broadcast %concatenate3A_1008 : vector<1x256xi32> to vector<128x256xi32>
    %eq3A_1011 = arith.cmpi eq, %eq3A_1009, %eq3A_1010 : vector<128x256xi32>
    %convert_element_type3A_1012 = arith.extui %eq3A_1011 : vector<128x256xi1> to vector<128x256xi32>
    %convert_element_type3A_1013 = arith.sitofp %convert_element_type3A_1012 : vector<128x256xi32> to vector<128x256xf32>
    %convert_element_type3A_1014 = arith.truncf %convert_element_type3A_1013 : vector<128x256xf32> to vector<128x256xbf16>
    %dot_general3A_1015 = arith.constant dense<0.000000e+00> : vector<64x256xf32>
    %dot_general3A_1016 = tpu.matmul %convert_element_type3A, %convert_element_type3A_1014, %dot_general3A_1015 {dimension_numbers = #tpu.dot_dimension_numbers<[1], [0], [0], [1], [0, 0, 1, 1], [], []>, transpose_lhs_hint = false} : vector<64x128xbf16>, vector<128x256xbf16>, vector<64x256xf32> -> vector<64x256xf32>
    %slice3A_1017 = vector.extract_strided_slice %dot_general3A_1016 {offsets = [0, 0], sizes = [64, 128], strides = [1, 1]} : vector<64x256xf32> to vector<64x128xf32>
    %add3A_1018 = arith.addf %slice3A_1017, %transpose3A : vector<64x128xf32>
    %slice3A_1019 = vector.extract_strided_slice %transpose3A {offsets = [0, 56], sizes = [64, 1], strides = [1, 1]} : vector<64x128xf32> to vector<64x1xf32>
    %add3A_1020 = vector.broadcast %slice3A_1019 : vector<64x1xf32> to vector<64x128xf32>
    %add3A_1021 = arith.addf %add3A_1018, %add3A_1020 : vector<64x128xf32>
    %swap3A_1022 = arith.constant 0 : index
    %swap3A_1023 = arith.constant 56 : index
    %swap3A_1024 = arith.constant 0 : index
    %swap3A_1025 = arith.constant 0 : index
    %swap3A_1026 = vector.load %arg6[%swap3A_1022, %swap3A_1023, %swap3A_1024, %swap3A_1025] : memref<2x128x64x128xf32, #tpu.memory_space<vmem>>, vector<1x1x64x128xf32>
    %swap3A_1027 = vector.shape_cast %swap3A_1026 : vector<1x1x64x128xf32> to vector<64x128xf32>
    %swap3A_1028 = vector.shape_cast %add3A_1021 : vector<64x128xf32> to vector<1x1x64x128xf32>
    tpu.vector_store %arg6[%swap3A_1022, %swap3A_1023, %swap3A_1024, %swap3A_1025], %swap3A_1028 {strides = array<i32>} : memref<2x128x64x128xf32, #tpu.memory_space<vmem>>, vector<1x1x64x128xf32>,
    %slice3A_1029 = vector.extract_strided_slice %dot_general3A_1016 {offsets = [0, 128], sizes = [64, 128], strides = [1, 1]} : vector<64x256xf32> to vector<64x128xf32>
    %add3A_1030 = arith.addf %slice3A_1029, %transpose3A : vector<64x128xf32>
    %slice3A_1031 = vector.extract_strided_slice %transpose3A {offsets = [0, 57], sizes = [64, 1], strides = [1, 1]} : vector<64x128xf32> to vector<64x1xf32>
    %add3A_1032 = vector.broadcast %slice3A_1031 : vector<64x1xf32> to vector<64x128xf32>
    %add3A_1033 = arith.addf %add3A_1030, %add3A_1032 : vector<64x128xf32>
    %swap3A_1034 = arith.constant 0 : index
    %swap3A_1035 = arith.constant 57 : index
    %swap3A_1036 = arith.constant 0 : index
    %swap3A_1037 = arith.constant 0 : index
    %swap3A_1038 = vector.load %arg6[%swap3A_1034, %swap3A_1035, %swap3A_1036, %swap3A_1037] : memref<2x128x64x128xf32, #tpu.memory_space<vmem>>, vector<1x1x64x128xf32>
    %swap3A_1039 = vector.shape_cast %swap3A_1038 : vector<1x1x64x128xf32> to vector<64x128xf32>
    %swap3A_1040 = vector.shape_cast %add3A_1033 : vector<64x128xf32> to vector<1x1x64x128xf32>
    tpu.vector_store %arg6[%swap3A_1034, %swap3A_1035, %swap3A_1036, %swap3A_1037], %swap3A_1040 {strides = array<i32>} : memref<2x128x64x128xf32, #tpu.memory_space<vmem>>, vector<1x1x64x128xf32>,
    %slice3A_1041 = vector.extract_strided_slice %select_n3A {offsets = [58, 0], sizes = [1, 128], strides = [1, 1]} : vector<128x128xi32> to vector<1x128xi32>
    %slice3A_1042 = vector.extract_strided_slice %select_n3A {offsets = [59, 0], sizes = [1, 128], strides = [1, 1]} : vector<128x128xi32> to vector<1x128xi32>
    %concatenate3A_1043 = tpu.concatenate %slice3A_1041, %slice3A_1042 in 1 : vector<1x128xi32>, vector<1x128xi32> -> vector<1x256xi32>
    %eq3A_1044 = vector.broadcast %iota3A : vector<128x1xi32> to vector<128x256xi32>
    %eq3A_1045 = vector.broadcast %concatenate3A_1043 : vector<1x256xi32> to vector<128x256xi32>
    %eq3A_1046 = arith.cmpi eq, %eq3A_1044, %eq3A_1045 : vector<128x256xi32>
    %convert_element_type3A_1047 = arith.extui %eq3A_1046 : vector<128x256xi1> to vector<128x256xi32>
    %convert_element_type3A_1048 = arith.sitofp %convert_element_type3A_1047 : vector<128x256xi32> to vector<128x256xf32>
    %convert_element_type3A_1049 = arith.truncf %convert_element_type3A_1048 : vector<128x256xf32> to vector<128x256xbf16>
    %dot_general3A_1050 = arith.constant dense<0.000000e+00> : vector<64x256xf32>
    %dot_general3A_1051 = tpu.matmul %convert_element_type3A, %convert_element_type3A_1049, %dot_general3A_1050 {dimension_numbers = #tpu.dot_dimension_numbers<[1], [0], [0], [1], [0, 0, 1, 1], [], []>, transpose_lhs_hint = false} : vector<64x128xbf16>, vector<128x256xbf16>, vector<64x256xf32> -> vector<64x256xf32>
    %slice3A_1052 = vector.extract_strided_slice %dot_general3A_1051 {offsets = [0, 0], sizes = [64, 128], strides = [1, 1]} : vector<64x256xf32> to vector<64x128xf32>
    %add3A_1053 = arith.addf %slice3A_1052, %transpose3A : vector<64x128xf32>
    %slice3A_1054 = vector.extract_strided_slice %transpose3A {offsets = [0, 58], sizes = [64, 1], strides = [1, 1]} : vector<64x128xf32> to vector<64x1xf32>
    %add3A_1055 = vector.broadcast %slice3A_1054 : vector<64x1xf32> to vector<64x128xf32>
    %add3A_1056 = arith.addf %add3A_1053, %add3A_1055 : vector<64x128xf32>
    %swap3A_1057 = arith.constant 0 : index
    %swap3A_1058 = arith.constant 58 : index
    %swap3A_1059 = arith.constant 0 : index
    %swap3A_1060 = arith.constant 0 : index
    %swap3A_1061 = vector.load %arg6[%swap3A_1057, %swap3A_1058, %swap3A_1059, %swap3A_1060] : memref<2x128x64x128xf32, #tpu.memory_space<vmem>>, vector<1x1x64x128xf32>
    %swap3A_1062 = vector.shape_cast %swap3A_1061 : vector<1x1x64x128xf32> to vector<64x128xf32>
    %swap3A_1063 = vector.shape_cast %add3A_1056 : vector<64x128xf32> to vector<1x1x64x128xf32>
    tpu.vector_store %arg6[%swap3A_1057, %swap3A_1058, %swap3A_1059, %swap3A_1060], %swap3A_1063 {strides = array<i32>} : memref<2x128x64x128xf32, #tpu.memory_space<vmem>>, vector<1x1x64x128xf32>,
    %slice3A_1064 = vector.extract_strided_slice %dot_general3A_1051 {offsets = [0, 128], sizes = [64, 128], strides = [1, 1]} : vector<64x256xf32> to vector<64x128xf32>
    %add3A_1065 = arith.addf %slice3A_1064, %transpose3A : vector<64x128xf32>
    %slice3A_1066 = vector.extract_strided_slice %transpose3A {offsets = [0, 59], sizes = [64, 1], strides = [1, 1]} : vector<64x128xf32> to vector<64x1xf32>
    %add3A_1067 = vector.broadcast %slice3A_1066 : vector<64x1xf32> to vector<64x128xf32>
    %add3A_1068 = arith.addf %add3A_1065, %add3A_1067 : vector<64x128xf32>
    %swap3A_1069 = arith.constant 0 : index
    %swap3A_1070 = arith.constant 59 : index
    %swap3A_1071 = arith.constant 0 : index
    %swap3A_1072 = arith.constant 0 : index
    %swap3A_1073 = vector.load %arg6[%swap3A_1069, %swap3A_1070, %swap3A_1071, %swap3A_1072] : memref<2x128x64x128xf32, #tpu.memory_space<vmem>>, vector<1x1x64x128xf32>
    %swap3A_1074 = vector.shape_cast %swap3A_1073 : vector<1x1x64x128xf32> to vector<64x128xf32>
    %swap3A_1075 = vector.shape_cast %add3A_1068 : vector<64x128xf32> to vector<1x1x64x128xf32>
    tpu.vector_store %arg6[%swap3A_1069, %swap3A_1070, %swap3A_1071, %swap3A_1072], %swap3A_1075 {strides = array<i32>} : memref<2x128x64x128xf32, #tpu.memory_space<vmem>>, vector<1x1x64x128xf32>,
    %slice3A_1076 = vector.extract_strided_slice %select_n3A {offsets = [60, 0], sizes = [1, 128], strides = [1, 1]} : vector<128x128xi32> to vector<1x128xi32>
    %slice3A_1077 = vector.extract_strided_slice %select_n3A {offsets = [61, 0], sizes = [1, 128], strides = [1, 1]} : vector<128x128xi32> to vector<1x128xi32>
    %concatenate3A_1078 = tpu.concatenate %slice3A_1076, %slice3A_1077 in 1 : vector<1x128xi32>, vector<1x128xi32> -> vector<1x256xi32>
    %eq3A_1079 = vector.broadcast %iota3A : vector<128x1xi32> to vector<128x256xi32>
    %eq3A_1080 = vector.broadcast %concatenate3A_1078 : vector<1x256xi32> to vector<128x256xi32>
    %eq3A_1081 = arith.cmpi eq, %eq3A_1079, %eq3A_1080 : vector<128x256xi32>
    %convert_element_type3A_1082 = arith.extui %eq3A_1081 : vector<128x256xi1> to vector<128x256xi32>
    %convert_element_type3A_1083 = arith.sitofp %convert_element_type3A_1082 : vector<128x256xi32> to vector<128x256xf32>
    %convert_element_type3A_1084 = arith.truncf %convert_element_type3A_1083 : vector<128x256xf32> to vector<128x256xbf16>
    %dot_general3A_1085 = arith.constant dense<0.000000e+00> : vector<64x256xf32>
    %dot_general3A_1086 = tpu.matmul %convert_element_type3A, %convert_element_type3A_1084, %dot_general3A_1085 {dimension_numbers = #tpu.dot_dimension_numbers<[1], [0], [0], [1], [0, 0, 1, 1], [], []>, transpose_lhs_hint = false} : vector<64x128xbf16>, vector<128x256xbf16>, vector<64x256xf32> -> vector<64x256xf32>
    %slice3A_1087 = vector.extract_strided_slice %dot_general3A_1086 {offsets = [0, 0], sizes = [64, 128], strides = [1, 1]} : vector<64x256xf32> to vector<64x128xf32>
    %add3A_1088 = arith.addf %slice3A_1087, %transpose3A : vector<64x128xf32>
    %slice3A_1089 = vector.extract_strided_slice %transpose3A {offsets = [0, 60], sizes = [64, 1], strides = [1, 1]} : vector<64x128xf32> to vector<64x1xf32>
    %add3A_1090 = vector.broadcast %slice3A_1089 : vector<64x1xf32> to vector<64x128xf32>
    %add3A_1091 = arith.addf %add3A_1088, %add3A_1090 : vector<64x128xf32>
    %swap3A_1092 = arith.constant 0 : index
    %swap3A_1093 = arith.constant 60 : index
    %swap3A_1094 = arith.constant 0 : index
    %swap3A_1095 = arith.constant 0 : index
    %swap3A_1096 = vector.load %arg6[%swap3A_1092, %swap3A_1093, %swap3A_1094, %swap3A_1095] : memref<2x128x64x128xf32, #tpu.memory_space<vmem>>, vector<1x1x64x128xf32>
    %swap3A_1097 = vector.shape_cast %swap3A_1096 : vector<1x1x64x128xf32> to vector<64x128xf32>
    %swap3A_1098 = vector.shape_cast %add3A_1091 : vector<64x128xf32> to vector<1x1x64x128xf32>
    tpu.vector_store %arg6[%swap3A_1092, %swap3A_1093, %swap3A_1094, %swap3A_1095], %swap3A_1098 {strides = array<i32>} : memref<2x128x64x128xf32, #tpu.memory_space<vmem>>, vector<1x1x64x128xf32>,
    %slice3A_1099 = vector.extract_strided_slice %dot_general3A_1086 {offsets = [0, 128], sizes = [64, 128], strides = [1, 1]} : vector<64x256xf32> to vector<64x128xf32>
    %add3A_1100 = arith.addf %slice3A_1099, %transpose3A : vector<64x128xf32>
    %slice3A_1101 = vector.extract_strided_slice %transpose3A {offsets = [0, 61], sizes = [64, 1], strides = [1, 1]} : vector<64x128xf32> to vector<64x1xf32>
    %add3A_1102 = vector.broadcast %slice3A_1101 : vector<64x1xf32> to vector<64x128xf32>
    %add3A_1103 = arith.addf %add3A_1100, %add3A_1102 : vector<64x128xf32>
    %swap3A_1104 = arith.constant 0 : index
    %swap3A_1105 = arith.constant 61 : index
    %swap3A_1106 = arith.constant 0 : index
    %swap3A_1107 = arith.constant 0 : index
    %swap3A_1108 = vector.load %arg6[%swap3A_1104, %swap3A_1105, %swap3A_1106, %swap3A_1107] : memref<2x128x64x128xf32, #tpu.memory_space<vmem>>, vector<1x1x64x128xf32>
    %swap3A_1109 = vector.shape_cast %swap3A_1108 : vector<1x1x64x128xf32> to vector<64x128xf32>
    %swap3A_1110 = vector.shape_cast %add3A_1103 : vector<64x128xf32> to vector<1x1x64x128xf32>
    tpu.vector_store %arg6[%swap3A_1104, %swap3A_1105, %swap3A_1106, %swap3A_1107], %swap3A_1110 {strides = array<i32>} : memref<2x128x64x128xf32, #tpu.memory_space<vmem>>, vector<1x1x64x128xf32>,
    %slice3A_1111 = vector.extract_strided_slice %select_n3A {offsets = [62, 0], sizes = [1, 128], strides = [1, 1]} : vector<128x128xi32> to vector<1x128xi32>
    %slice3A_1112 = vector.extract_strided_slice %select_n3A {offsets = [63, 0], sizes = [1, 128], strides = [1, 1]} : vector<128x128xi32> to vector<1x128xi32>
    %concatenate3A_1113 = tpu.concatenate %slice3A_1111, %slice3A_1112 in 1 : vector<1x128xi32>, vector<1x128xi32> -> vector<1x256xi32>
    %eq3A_1114 = vector.broadcast %iota3A : vector<128x1xi32> to vector<128x256xi32>
    %eq3A_1115 = vector.broadcast %concatenate3A_1113 : vector<1x256xi32> to vector<128x256xi32>
    %eq3A_1116 = arith.cmpi eq, %eq3A_1114, %eq3A_1115 : vector<128x256xi32>
    %convert_element_type3A_1117 = arith.extui %eq3A_1116 : vector<128x256xi1> to vector<128x256xi32>
    %convert_element_type3A_1118 = arith.sitofp %convert_element_type3A_1117 : vector<128x256xi32> to vector<128x256xf32>
    %convert_element_type3A_1119 = arith.truncf %convert_element_type3A_1118 : vector<128x256xf32> to vector<128x256xbf16>
    %dot_general3A_1120 = arith.constant dense<0.000000e+00> : vector<64x256xf32>
    %dot_general3A_1121 = tpu.matmul %convert_element_type3A, %convert_element_type3A_1119, %dot_general3A_1120 {dimension_numbers = #tpu.dot_dimension_numbers<[1], [0], [0], [1], [0, 0, 1, 1], [], []>, transpose_lhs_hint = false} : vector<64x128xbf16>, vector<128x256xbf16>, vector<64x256xf32> -> vector<64x256xf32>
    %slice3A_1122 = vector.extract_strided_slice %dot_general3A_1121 {offsets = [0, 0], sizes = [64, 128], strides = [1, 1]} : vector<64x256xf32> to vector<64x128xf32>
    %add3A_1123 = arith.addf %slice3A_1122, %transpose3A : vector<64x128xf32>
    %slice3A_1124 = vector.extract_strided_slice %transpose3A {offsets = [0, 62], sizes = [64, 1], strides = [1, 1]} : vector<64x128xf32> to vector<64x1xf32>
    %add3A_1125 = vector.broadcast %slice3A_1124 : vector<64x1xf32> to vector<64x128xf32>
    %add3A_1126 = arith.addf %add3A_1123, %add3A_1125 : vector<64x128xf32>
    %swap3A_1127 = arith.constant 0 : index
    %swap3A_1128 = arith.constant 62 : index
    %swap3A_1129 = arith.constant 0 : index
    %swap3A_1130 = arith.constant 0 : index
    %swap3A_1131 = vector.load %arg6[%swap3A_1127, %swap3A_1128, %swap3A_1129, %swap3A_1130] : memref<2x128x64x128xf32, #tpu.memory_space<vmem>>, vector<1x1x64x128xf32>
    %swap3A_1132 = vector.shape_cast %swap3A_1131 : vector<1x1x64x128xf32> to vector<64x128xf32>
    %swap3A_1133 = vector.shape_cast %add3A_1126 : vector<64x128xf32> to vector<1x1x64x128xf32>
    tpu.vector_store %arg6[%swap3A_1127, %swap3A_1128, %swap3A_1129, %swap3A_1130], %swap3A_1133 {strides = array<i32>} : memref<2x128x64x128xf32, #tpu.memory_space<vmem>>, vector<1x1x64x128xf32>,
    %slice3A_1134 = vector.extract_strided_slice %dot_general3A_1121 {offsets = [0, 128], sizes = [64, 128], strides = [1, 1]} : vector<64x256xf32> to vector<64x128xf32>
    %add3A_1135 = arith.addf %slice3A_1134, %transpose3A : vector<64x128xf32>
    %slice3A_1136 = vector.extract_strided_slice %transpose3A {offsets = [0, 63], sizes = [64, 1], strides = [1, 1]} : vector<64x128xf32> to vector<64x1xf32>
    %add3A_1137 = vector.broadcast %slice3A_1136 : vector<64x1xf32> to vector<64x128xf32>
    %add3A_1138 = arith.addf %add3A_1135, %add3A_1137 : vector<64x128xf32>
    %swap3A_1139 = arith.constant 0 : index
    %swap3A_1140 = arith.constant 63 : index
    %swap3A_1141 = arith.constant 0 : index
    %swap3A_1142 = arith.constant 0 : index
    %swap3A_1143 = vector.load %arg6[%swap3A_1139, %swap3A_1140, %swap3A_1141, %swap3A_1142] : memref<2x128x64x128xf32, #tpu.memory_space<vmem>>, vector<1x1x64x128xf32>
    %swap3A_1144 = vector.shape_cast %swap3A_1143 : vector<1x1x64x128xf32> to vector<64x128xf32>
    %swap3A_1145 = vector.shape_cast %add3A_1138 : vector<64x128xf32> to vector<1x1x64x128xf32>
    tpu.vector_store %arg6[%swap3A_1139, %swap3A_1140, %swap3A_1141, %swap3A_1142], %swap3A_1145 {strides = array<i32>} : memref<2x128x64x128xf32, #tpu.memory_space<vmem>>, vector<1x1x64x128xf32>,
    %slice3A_1146 = vector.extract_strided_slice %select_n3A {offsets = [64, 0], sizes = [1, 128], strides = [1, 1]} : vector<128x128xi32> to vector<1x128xi32>
    %slice3A_1147 = vector.extract_strided_slice %select_n3A {offsets = [65, 0], sizes = [1, 128], strides = [1, 1]} : vector<128x128xi32> to vector<1x128xi32>
    %concatenate3A_1148 = tpu.concatenate %slice3A_1146, %slice3A_1147 in 1 : vector<1x128xi32>, vector<1x128xi32> -> vector<1x256xi32>
    %eq3A_1149 = vector.broadcast %iota3A : vector<128x1xi32> to vector<128x256xi32>
    %eq3A_1150 = vector.broadcast %concatenate3A_1148 : vector<1x256xi32> to vector<128x256xi32>
    %eq3A_1151 = arith.cmpi eq, %eq3A_1149, %eq3A_1150 : vector<128x256xi32>
    %convert_element_type3A_1152 = arith.extui %eq3A_1151 : vector<128x256xi1> to vector<128x256xi32>
    %convert_element_type3A_1153 = arith.sitofp %convert_element_type3A_1152 : vector<128x256xi32> to vector<128x256xf32>
    %convert_element_type3A_1154 = arith.truncf %convert_element_type3A_1153 : vector<128x256xf32> to vector<128x256xbf16>
    %dot_general3A_1155 = arith.constant dense<0.000000e+00> : vector<64x256xf32>
    %dot_general3A_1156 = tpu.matmul %convert_element_type3A, %convert_element_type3A_1154, %dot_general3A_1155 {dimension_numbers = #tpu.dot_dimension_numbers<[1], [0], [0], [1], [0, 0, 1, 1], [], []>, transpose_lhs_hint = false} : vector<64x128xbf16>, vector<128x256xbf16>, vector<64x256xf32> -> vector<64x256xf32>
    %slice3A_1157 = vector.extract_strided_slice %dot_general3A_1156 {offsets = [0, 0], sizes = [64, 128], strides = [1, 1]} : vector<64x256xf32> to vector<64x128xf32>
    %add3A_1158 = arith.addf %slice3A_1157, %transpose3A : vector<64x128xf32>
    %slice3A_1159 = vector.extract_strided_slice %transpose3A {offsets = [0, 64], sizes = [64, 1], strides = [1, 1]} : vector<64x128xf32> to vector<64x1xf32>
    %add3A_1160 = vector.broadcast %slice3A_1159 : vector<64x1xf32> to vector<64x128xf32>
    %add3A_1161 = arith.addf %add3A_1158, %add3A_1160 : vector<64x128xf32>
    %swap3A_1162 = arith.constant 0 : index
    %swap3A_1163 = arith.constant 64 : index
    %swap3A_1164 = arith.constant 0 : index
    %swap3A_1165 = arith.constant 0 : index
    %swap3A_1166 = vector.load %arg6[%swap3A_1162, %swap3A_1163, %swap3A_1164, %swap3A_1165] : memref<2x128x64x128xf32, #tpu.memory_space<vmem>>, vector<1x1x64x128xf32>
    %swap3A_1167 = vector.shape_cast %swap3A_1166 : vector<1x1x64x128xf32> to vector<64x128xf32>
    %swap3A_1168 = vector.shape_cast %add3A_1161 : vector<64x128xf32> to vector<1x1x64x128xf32>
    tpu.vector_store %arg6[%swap3A_1162, %swap3A_1163, %swap3A_1164, %swap3A_1165], %swap3A_1168 {strides = array<i32>} : memref<2x128x64x128xf32, #tpu.memory_space<vmem>>, vector<1x1x64x128xf32>,
    %slice3A_1169 = vector.extract_strided_slice %dot_general3A_1156 {offsets = [0, 128], sizes = [64, 128], strides = [1, 1]} : vector<64x256xf32> to vector<64x128xf32>
    %add3A_1170 = arith.addf %slice3A_1169, %transpose3A : vector<64x128xf32>
    %slice3A_1171 = vector.extract_strided_slice %transpose3A {offsets = [0, 65], sizes = [64, 1], strides = [1, 1]} : vector<64x128xf32> to vector<64x1xf32>
    %add3A_1172 = vector.broadcast %slice3A_1171 : vector<64x1xf32> to vector<64x128xf32>
    %add3A_1173 = arith.addf %add3A_1170, %add3A_1172 : vector<64x128xf32>
    %swap3A_1174 = arith.constant 0 : index
    %swap3A_1175 = arith.constant 65 : index
    %swap3A_1176 = arith.constant 0 : index
    %swap3A_1177 = arith.constant 0 : index
    %swap3A_1178 = vector.load %arg6[%swap3A_1174, %swap3A_1175, %swap3A_1176, %swap3A_1177] : memref<2x128x64x128xf32, #tpu.memory_space<vmem>>, vector<1x1x64x128xf32>
    %swap3A_1179 = vector.shape_cast %swap3A_1178 : vector<1x1x64x128xf32> to vector<64x128xf32>
    %swap3A_1180 = vector.shape_cast %add3A_1173 : vector<64x128xf32> to vector<1x1x64x128xf32>
    tpu.vector_store %arg6[%swap3A_1174, %swap3A_1175, %swap3A_1176, %swap3A_1177], %swap3A_1180 {strides = array<i32>} : memref<2x128x64x128xf32, #tpu.memory_space<vmem>>, vector<1x1x64x128xf32>,
    %slice3A_1181 = vector.extract_strided_slice %select_n3A {offsets = [66, 0], sizes = [1, 128], strides = [1, 1]} : vector<128x128xi32> to vector<1x128xi32>
    %slice3A_1182 = vector.extract_strided_slice %select_n3A {offsets = [67, 0], sizes = [1, 128], strides = [1, 1]} : vector<128x128xi32> to vector<1x128xi32>
    %concatenate3A_1183 = tpu.concatenate %slice3A_1181, %slice3A_1182 in 1 : vector<1x128xi32>, vector<1x128xi32> -> vector<1x256xi32>
    %eq3A_1184 = vector.broadcast %iota3A : vector<128x1xi32> to vector<128x256xi32>
    %eq3A_1185 = vector.broadcast %concatenate3A_1183 : vector<1x256xi32> to vector<128x256xi32>
    %eq3A_1186 = arith.cmpi eq, %eq3A_1184, %eq3A_1185 : vector<128x256xi32>
    %convert_element_type3A_1187 = arith.extui %eq3A_1186 : vector<128x256xi1> to vector<128x256xi32>
    %convert_element_type3A_1188 = arith.sitofp %convert_element_type3A_1187 : vector<128x256xi32> to vector<128x256xf32>
    %convert_element_type3A_1189 = arith.truncf %convert_element_type3A_1188 : vector<128x256xf32> to vector<128x256xbf16>
    %dot_general3A_1190 = arith.constant dense<0.000000e+00> : vector<64x256xf32>
    %dot_general3A_1191 = tpu.matmul %convert_element_type3A, %convert_element_type3A_1189, %dot_general3A_1190 {dimension_numbers = #tpu.dot_dimension_numbers<[1], [0], [0], [1], [0, 0, 1, 1], [], []>, transpose_lhs_hint = false} : vector<64x128xbf16>, vector<128x256xbf16>, vector<64x256xf32> -> vector<64x256xf32>
    %slice3A_1192 = vector.extract_strided_slice %dot_general3A_1191 {offsets = [0, 0], sizes = [64, 128], strides = [1, 1]} : vector<64x256xf32> to vector<64x128xf32>
    %add3A_1193 = arith.addf %slice3A_1192, %transpose3A : vector<64x128xf32>
    %slice3A_1194 = vector.extract_strided_slice %transpose3A {offsets = [0, 66], sizes = [64, 1], strides = [1, 1]} : vector<64x128xf32> to vector<64x1xf32>
    %add3A_1195 = vector.broadcast %slice3A_1194 : vector<64x1xf32> to vector<64x128xf32>
    %add3A_1196 = arith.addf %add3A_1193, %add3A_1195 : vector<64x128xf32>
    %swap3A_1197 = arith.constant 0 : index
    %swap3A_1198 = arith.constant 66 : index
    %swap3A_1199 = arith.constant 0 : index
    %swap3A_1200 = arith.constant 0 : index
    %swap3A_1201 = vector.load %arg6[%swap3A_1197, %swap3A_1198, %swap3A_1199, %swap3A_1200] : memref<2x128x64x128xf32, #tpu.memory_space<vmem>>, vector<1x1x64x128xf32>
    %swap3A_1202 = vector.shape_cast %swap3A_1201 : vector<1x1x64x128xf32> to vector<64x128xf32>
    %swap3A_1203 = vector.shape_cast %add3A_1196 : vector<64x128xf32> to vector<1x1x64x128xf32>
    tpu.vector_store %arg6[%swap3A_1197, %swap3A_1198, %swap3A_1199, %swap3A_1200], %swap3A_1203 {strides = array<i32>} : memref<2x128x64x128xf32, #tpu.memory_space<vmem>>, vector<1x1x64x128xf32>,
    %slice3A_1204 = vector.extract_strided_slice %dot_general3A_1191 {offsets = [0, 128], sizes = [64, 128], strides = [1, 1]} : vector<64x256xf32> to vector<64x128xf32>
    %add3A_1205 = arith.addf %slice3A_1204, %transpose3A : vector<64x128xf32>
    %slice3A_1206 = vector.extract_strided_slice %transpose3A {offsets = [0, 67], sizes = [64, 1], strides = [1, 1]} : vector<64x128xf32> to vector<64x1xf32>
    %add3A_1207 = vector.broadcast %slice3A_1206 : vector<64x1xf32> to vector<64x128xf32>
    %add3A_1208 = arith.addf %add3A_1205, %add3A_1207 : vector<64x128xf32>
    %swap3A_1209 = arith.constant 0 : index
    %swap3A_1210 = arith.constant 67 : index
    %swap3A_1211 = arith.constant 0 : index
    %swap3A_1212 = arith.constant 0 : index
    %swap3A_1213 = vector.load %arg6[%swap3A_1209, %swap3A_1210, %swap3A_1211, %swap3A_1212] : memref<2x128x64x128xf32, #tpu.memory_space<vmem>>, vector<1x1x64x128xf32>
    %swap3A_1214 = vector.shape_cast %swap3A_1213 : vector<1x1x64x128xf32> to vector<64x128xf32>
    %swap3A_1215 = vector.shape_cast %add3A_1208 : vector<64x128xf32> to vector<1x1x64x128xf32>
    tpu.vector_store %arg6[%swap3A_1209, %swap3A_1210, %swap3A_1211, %swap3A_1212], %swap3A_1215 {strides = array<i32>} : memref<2x128x64x128xf32, #tpu.memory_space<vmem>>, vector<1x1x64x128xf32>,
    %slice3A_1216 = vector.extract_strided_slice %select_n3A {offsets = [68, 0], sizes = [1, 128], strides = [1, 1]} : vector<128x128xi32> to vector<1x128xi32>
    %slice3A_1217 = vector.extract_strided_slice %select_n3A {offsets = [69, 0], sizes = [1, 128], strides = [1, 1]} : vector<128x128xi32> to vector<1x128xi32>
    %concatenate3A_1218 = tpu.concatenate %slice3A_1216, %slice3A_1217 in 1 : vector<1x128xi32>, vector<1x128xi32> -> vector<1x256xi32>
    %eq3A_1219 = vector.broadcast %iota3A : vector<128x1xi32> to vector<128x256xi32>
    %eq3A_1220 = vector.broadcast %concatenate3A_1218 : vector<1x256xi32> to vector<128x256xi32>
    %eq3A_1221 = arith.cmpi eq, %eq3A_1219, %eq3A_1220 : vector<128x256xi32>
    %convert_element_type3A_1222 = arith.extui %eq3A_1221 : vector<128x256xi1> to vector<128x256xi32>
    %convert_element_type3A_1223 = arith.sitofp %convert_element_type3A_1222 : vector<128x256xi32> to vector<128x256xf32>
    %convert_element_type3A_1224 = arith.truncf %convert_element_type3A_1223 : vector<128x256xf32> to vector<128x256xbf16>
    %dot_general3A_1225 = arith.constant dense<0.000000e+00> : vector<64x256xf32>
    %dot_general3A_1226 = tpu.matmul %convert_element_type3A, %convert_element_type3A_1224, %dot_general3A_1225 {dimension_numbers = #tpu.dot_dimension_numbers<[1], [0], [0], [1], [0, 0, 1, 1], [], []>, transpose_lhs_hint = false} : vector<64x128xbf16>, vector<128x256xbf16>, vector<64x256xf32> -> vector<64x256xf32>
    %slice3A_1227 = vector.extract_strided_slice %dot_general3A_1226 {offsets = [0, 0], sizes = [64, 128], strides = [1, 1]} : vector<64x256xf32> to vector<64x128xf32>
    %add3A_1228 = arith.addf %slice3A_1227, %transpose3A : vector<64x128xf32>
    %slice3A_1229 = vector.extract_strided_slice %transpose3A {offsets = [0, 68], sizes = [64, 1], strides = [1, 1]} : vector<64x128xf32> to vector<64x1xf32>
    %add3A_1230 = vector.broadcast %slice3A_1229 : vector<64x1xf32> to vector<64x128xf32>
    %add3A_1231 = arith.addf %add3A_1228, %add3A_1230 : vector<64x128xf32>
    %swap3A_1232 = arith.constant 0 : index
    %swap3A_1233 = arith.constant 68 : index
    %swap3A_1234 = arith.constant 0 : index
    %swap3A_1235 = arith.constant 0 : index
    %swap3A_1236 = vector.load %arg6[%swap3A_1232, %swap3A_1233, %swap3A_1234, %swap3A_1235] : memref<2x128x64x128xf32, #tpu.memory_space<vmem>>, vector<1x1x64x128xf32>
    %swap3A_1237 = vector.shape_cast %swap3A_1236 : vector<1x1x64x128xf32> to vector<64x128xf32>
    %swap3A_1238 = vector.shape_cast %add3A_1231 : vector<64x128xf32> to vector<1x1x64x128xf32>
    tpu.vector_store %arg6[%swap3A_1232, %swap3A_1233, %swap3A_1234, %swap3A_1235], %swap3A_1238 {strides = array<i32>} : memref<2x128x64x128xf32, #tpu.memory_space<vmem>>, vector<1x1x64x128xf32>,
    %slice3A_1239 = vector.extract_strided_slice %dot_general3A_1226 {offsets = [0, 128], sizes = [64, 128], strides = [1, 1]} : vector<64x256xf32> to vector<64x128xf32>
    %add3A_1240 = arith.addf %slice3A_1239, %transpose3A : vector<64x128xf32>
    %slice3A_1241 = vector.extract_strided_slice %transpose3A {offsets = [0, 69], sizes = [64, 1], strides = [1, 1]} : vector<64x128xf32> to vector<64x1xf32>
    %add3A_1242 = vector.broadcast %slice3A_1241 : vector<64x1xf32> to vector<64x128xf32>
    %add3A_1243 = arith.addf %add3A_1240, %add3A_1242 : vector<64x128xf32>
    %swap3A_1244 = arith.constant 0 : index
    %swap3A_1245 = arith.constant 69 : index
    %swap3A_1246 = arith.constant 0 : index
    %swap3A_1247 = arith.constant 0 : index
    %swap3A_1248 = vector.load %arg6[%swap3A_1244, %swap3A_1245, %swap3A_1246, %swap3A_1247] : memref<2x128x64x128xf32, #tpu.memory_space<vmem>>, vector<1x1x64x128xf32>
    %swap3A_1249 = vector.shape_cast %swap3A_1248 : vector<1x1x64x128xf32> to vector<64x128xf32>
    %swap3A_1250 = vector.shape_cast %add3A_1243 : vector<64x128xf32> to vector<1x1x64x128xf32>
    tpu.vector_store %arg6[%swap3A_1244, %swap3A_1245, %swap3A_1246, %swap3A_1247], %swap3A_1250 {strides = array<i32>} : memref<2x128x64x128xf32, #tpu.memory_space<vmem>>, vector<1x1x64x128xf32>,
    %slice3A_1251 = vector.extract_strided_slice %select_n3A {offsets = [70, 0], sizes = [1, 128], strides = [1, 1]} : vector<128x128xi32> to vector<1x128xi32>
    %slice3A_1252 = vector.extract_strided_slice %select_n3A {offsets = [71, 0], sizes = [1, 128], strides = [1, 1]} : vector<128x128xi32> to vector<1x128xi32>
    %concatenate3A_1253 = tpu.concatenate %slice3A_1251, %slice3A_1252 in 1 : vector<1x128xi32>, vector<1x128xi32> -> vector<1x256xi32>
    %eq3A_1254 = vector.broadcast %iota3A : vector<128x1xi32> to vector<128x256xi32>
    %eq3A_1255 = vector.broadcast %concatenate3A_1253 : vector<1x256xi32> to vector<128x256xi32>
    %eq3A_1256 = arith.cmpi eq, %eq3A_1254, %eq3A_1255 : vector<128x256xi32>
    %convert_element_type3A_1257 = arith.extui %eq3A_1256 : vector<128x256xi1> to vector<128x256xi32>
    %convert_element_type3A_1258 = arith.sitofp %convert_element_type3A_1257 : vector<128x256xi32> to vector<128x256xf32>
    %convert_element_type3A_1259 = arith.truncf %convert_element_type3A_1258 : vector<128x256xf32> to vector<128x256xbf16>
    %dot_general3A_1260 = arith.constant dense<0.000000e+00> : vector<64x256xf32>
    %dot_general3A_1261 = tpu.matmul %convert_element_type3A, %convert_element_type3A_1259, %dot_general3A_1260 {dimension_numbers = #tpu.dot_dimension_numbers<[1], [0], [0], [1], [0, 0, 1, 1], [], []>, transpose_lhs_hint = false} : vector<64x128xbf16>, vector<128x256xbf16>, vector<64x256xf32> -> vector<64x256xf32>
    %slice3A_1262 = vector.extract_strided_slice %dot_general3A_1261 {offsets = [0, 0], sizes = [64, 128], strides = [1, 1]} : vector<64x256xf32> to vector<64x128xf32>
    %add3A_1263 = arith.addf %slice3A_1262, %transpose3A : vector<64x128xf32>
    %slice3A_1264 = vector.extract_strided_slice %transpose3A {offsets = [0, 70], sizes = [64, 1], strides = [1, 1]} : vector<64x128xf32> to vector<64x1xf32>
    %add3A_1265 = vector.broadcast %slice3A_1264 : vector<64x1xf32> to vector<64x128xf32>
    %add3A_1266 = arith.addf %add3A_1263, %add3A_1265 : vector<64x128xf32>
    %swap3A_1267 = arith.constant 0 : index
    %swap3A_1268 = arith.constant 70 : index
    %swap3A_1269 = arith.constant 0 : index
    %swap3A_1270 = arith.constant 0 : index
    %swap3A_1271 = vector.load %arg6[%swap3A_1267, %swap3A_1268, %swap3A_1269, %swap3A_1270] : memref<2x128x64x128xf32, #tpu.memory_space<vmem>>, vector<1x1x64x128xf32>
    %swap3A_1272 = vector.shape_cast %swap3A_1271 : vector<1x1x64x128xf32> to vector<64x128xf32>
    %swap3A_1273 = vector.shape_cast %add3A_1266 : vector<64x128xf32> to vector<1x1x64x128xf32>
    tpu.vector_store %arg6[%swap3A_1267, %swap3A_1268, %swap3A_1269, %swap3A_1270], %swap3A_1273 {strides = array<i32>} : memref<2x128x64x128xf32, #tpu.memory_space<vmem>>, vector<1x1x64x128xf32>,
    %slice3A_1274 = vector.extract_strided_slice %dot_general3A_1261 {offsets = [0, 128], sizes = [64, 128], strides = [1, 1]} : vector<64x256xf32> to vector<64x128xf32>
    %add3A_1275 = arith.addf %slice3A_1274, %transpose3A : vector<64x128xf32>
    %slice3A_1276 = vector.extract_strided_slice %transpose3A {offsets = [0, 71], sizes = [64, 1], strides = [1, 1]} : vector<64x128xf32> to vector<64x1xf32>
    %add3A_1277 = vector.broadcast %slice3A_1276 : vector<64x1xf32> to vector<64x128xf32>
    %add3A_1278 = arith.addf %add3A_1275, %add3A_1277 : vector<64x128xf32>
    %swap3A_1279 = arith.constant 0 : index
    %swap3A_1280 = arith.constant 71 : index
    %swap3A_1281 = arith.constant 0 : index
    %swap3A_1282 = arith.constant 0 : index
    %swap3A_1283 = vector.load %arg6[%swap3A_1279, %swap3A_1280, %swap3A_1281, %swap3A_1282] : memref<2x128x64x128xf32, #tpu.memory_space<vmem>>, vector<1x1x64x128xf32>
    %swap3A_1284 = vector.shape_cast %swap3A_1283 : vector<1x1x64x128xf32> to vector<64x128xf32>
    %swap3A_1285 = vector.shape_cast %add3A_1278 : vector<64x128xf32> to vector<1x1x64x128xf32>
    tpu.vector_store %arg6[%swap3A_1279, %swap3A_1280, %swap3A_1281, %swap3A_1282], %swap3A_1285 {strides = array<i32>} : memref<2x128x64x128xf32, #tpu.memory_space<vmem>>, vector<1x1x64x128xf32>,
    %slice3A_1286 = vector.extract_strided_slice %select_n3A {offsets = [72, 0], sizes = [1, 128], strides = [1, 1]} : vector<128x128xi32> to vector<1x128xi32>
    %slice3A_1287 = vector.extract_strided_slice %select_n3A {offsets = [73, 0], sizes = [1, 128], strides = [1, 1]} : vector<128x128xi32> to vector<1x128xi32>
    %concatenate3A_1288 = tpu.concatenate %slice3A_1286, %slice3A_1287 in 1 : vector<1x128xi32>, vector<1x128xi32> -> vector<1x256xi32>
    %eq3A_1289 = vector.broadcast %iota3A : vector<128x1xi32> to vector<128x256xi32>
    %eq3A_1290 = vector.broadcast %concatenate3A_1288 : vector<1x256xi32> to vector<128x256xi32>
    %eq3A_1291 = arith.cmpi eq, %eq3A_1289, %eq3A_1290 : vector<128x256xi32>
    %convert_element_type3A_1292 = arith.extui %eq3A_1291 : vector<128x256xi1> to vector<128x256xi32>
    %convert_element_type3A_1293 = arith.sitofp %convert_element_type3A_1292 : vector<128x256xi32> to vector<128x256xf32>
    %convert_element_type3A_1294 = arith.truncf %convert_element_type3A_1293 : vector<128x256xf32> to vector<128x256xbf16>
    %dot_general3A_1295 = arith.constant dense<0.000000e+00> : vector<64x256xf32>
    %dot_general3A_1296 = tpu.matmul %convert_element_type3A, %convert_element_type3A_1294, %dot_general3A_1295 {dimension_numbers = #tpu.dot_dimension_numbers<[1], [0], [0], [1], [0, 0, 1, 1], [], []>, transpose_lhs_hint = false} : vector<64x128xbf16>, vector<128x256xbf16>, vector<64x256xf32> -> vector<64x256xf32>
    %slice3A_1297 = vector.extract_strided_slice %dot_general3A_1296 {offsets = [0, 0], sizes = [64, 128], strides = [1, 1]} : vector<64x256xf32> to vector<64x128xf32>
    %add3A_1298 = arith.addf %slice3A_1297, %transpose3A : vector<64x128xf32>
    %slice3A_1299 = vector.extract_strided_slice %transpose3A {offsets = [0, 72], sizes = [64, 1], strides = [1, 1]} : vector<64x128xf32> to vector<64x1xf32>
    %add3A_1300 = vector.broadcast %slice3A_1299 : vector<64x1xf32> to vector<64x128xf32>
    %add3A_1301 = arith.addf %add3A_1298, %add3A_1300 : vector<64x128xf32>
    %swap3A_1302 = arith.constant 0 : index
    %swap3A_1303 = arith.constant 72 : index
    %swap3A_1304 = arith.constant 0 : index
    %swap3A_1305 = arith.constant 0 : index
    %swap3A_1306 = vector.load %arg6[%swap3A_1302, %swap3A_1303, %swap3A_1304, %swap3A_1305] : memref<2x128x64x128xf32, #tpu.memory_space<vmem>>, vector<1x1x64x128xf32>
    %swap3A_1307 = vector.shape_cast %swap3A_1306 : vector<1x1x64x128xf32> to vector<64x128xf32>
    %swap3A_1308 = vector.shape_cast %add3A_1301 : vector<64x128xf32> to vector<1x1x64x128xf32>
    tpu.vector_store %arg6[%swap3A_1302, %swap3A_1303, %swap3A_1304, %swap3A_1305], %swap3A_1308 {strides = array<i32>} : memref<2x128x64x128xf32, #tpu.memory_space<vmem>>, vector<1x1x64x128xf32>,
    %slice3A_1309 = vector.extract_strided_slice %dot_general3A_1296 {offsets = [0, 128], sizes = [64, 128], strides = [1, 1]} : vector<64x256xf32> to vector<64x128xf32>
    %add3A_1310 = arith.addf %slice3A_1309, %transpose3A : vector<64x128xf32>
    %slice3A_1311 = vector.extract_strided_slice %transpose3A {offsets = [0, 73], sizes = [64, 1], strides = [1, 1]} : vector<64x128xf32> to vector<64x1xf32>
    %add3A_1312 = vector.broadcast %slice3A_1311 : vector<64x1xf32> to vector<64x128xf32>
    %add3A_1313 = arith.addf %add3A_1310, %add3A_1312 : vector<64x128xf32>
    %swap3A_1314 = arith.constant 0 : index
    %swap3A_1315 = arith.constant 73 : index
    %swap3A_1316 = arith.constant 0 : index
    %swap3A_1317 = arith.constant 0 : index
    %swap3A_1318 = vector.load %arg6[%swap3A_1314, %swap3A_1315, %swap3A_1316, %swap3A_1317] : memref<2x128x64x128xf32, #tpu.memory_space<vmem>>, vector<1x1x64x128xf32>
    %swap3A_1319 = vector.shape_cast %swap3A_1318 : vector<1x1x64x128xf32> to vector<64x128xf32>
    %swap3A_1320 = vector.shape_cast %add3A_1313 : vector<64x128xf32> to vector<1x1x64x128xf32>
    tpu.vector_store %arg6[%swap3A_1314, %swap3A_1315, %swap3A_1316, %swap3A_1317], %swap3A_1320 {strides = array<i32>} : memref<2x128x64x128xf32, #tpu.memory_space<vmem>>, vector<1x1x64x128xf32>,
    %slice3A_1321 = vector.extract_strided_slice %select_n3A {offsets = [74, 0], sizes = [1, 128], strides = [1, 1]} : vector<128x128xi32> to vector<1x128xi32>
    %slice3A_1322 = vector.extract_strided_slice %select_n3A {offsets = [75, 0], sizes = [1, 128], strides = [1, 1]} : vector<128x128xi32> to vector<1x128xi32>
    %concatenate3A_1323 = tpu.concatenate %slice3A_1321, %slice3A_1322 in 1 : vector<1x128xi32>, vector<1x128xi32> -> vector<1x256xi32>
    %eq3A_1324 = vector.broadcast %iota3A : vector<128x1xi32> to vector<128x256xi32>
    %eq3A_1325 = vector.broadcast %concatenate3A_1323 : vector<1x256xi32> to vector<128x256xi32>
    %eq3A_1326 = arith.cmpi eq, %eq3A_1324, %eq3A_1325 : vector<128x256xi32>
    %convert_element_type3A_1327 = arith.extui %eq3A_1326 : vector<128x256xi1> to vector<128x256xi32>
    %convert_element_type3A_1328 = arith.sitofp %convert_element_type3A_1327 : vector<128x256xi32> to vector<128x256xf32>
    %convert_element_type3A_1329 = arith.truncf %convert_element_type3A_1328 : vector<128x256xf32> to vector<128x256xbf16>
    %dot_general3A_1330 = arith.constant dense<0.000000e+00> : vector<64x256xf32>
    %dot_general3A_1331 = tpu.matmul %convert_element_type3A, %convert_element_type3A_1329, %dot_general3A_1330 {dimension_numbers = #tpu.dot_dimension_numbers<[1], [0], [0], [1], [0, 0, 1, 1], [], []>, transpose_lhs_hint = false} : vector<64x128xbf16>, vector<128x256xbf16>, vector<64x256xf32> -> vector<64x256xf32>
    %slice3A_1332 = vector.extract_strided_slice %dot_general3A_1331 {offsets = [0, 0], sizes = [64, 128], strides = [1, 1]} : vector<64x256xf32> to vector<64x128xf32>
    %add3A_1333 = arith.addf %slice3A_1332, %transpose3A : vector<64x128xf32>
    %slice3A_1334 = vector.extract_strided_slice %transpose3A {offsets = [0, 74], sizes = [64, 1], strides = [1, 1]} : vector<64x128xf32> to vector<64x1xf32>
    %add3A_1335 = vector.broadcast %slice3A_1334 : vector<64x1xf32> to vector<64x128xf32>
    %add3A_1336 = arith.addf %add3A_1333, %add3A_1335 : vector<64x128xf32>
    %swap3A_1337 = arith.constant 0 : index
    %swap3A_1338 = arith.constant 74 : index
    %swap3A_1339 = arith.constant 0 : index
    %swap3A_1340 = arith.constant 0 : index
    %swap3A_1341 = vector.load %arg6[%swap3A_1337, %swap3A_1338, %swap3A_1339, %swap3A_1340] : memref<2x128x64x128xf32, #tpu.memory_space<vmem>>, vector<1x1x64x128xf32>
    %swap3A_1342 = vector.shape_cast %swap3A_1341 : vector<1x1x64x128xf32> to vector<64x128xf32>
    %swap3A_1343 = vector.shape_cast %add3A_1336 : vector<64x128xf32> to vector<1x1x64x128xf32>
    tpu.vector_store %arg6[%swap3A_1337, %swap3A_1338, %swap3A_1339, %swap3A_1340], %swap3A_1343 {strides = array<i32>} : memref<2x128x64x128xf32, #tpu.memory_space<vmem>>, vector<1x1x64x128xf32>,
    %slice3A_1344 = vector.extract_strided_slice %dot_general3A_1331 {offsets = [0, 128], sizes = [64, 128], strides = [1, 1]} : vector<64x256xf32> to vector<64x128xf32>
    %add3A_1345 = arith.addf %slice3A_1344, %transpose3A : vector<64x128xf32>
    %slice3A_1346 = vector.extract_strided_slice %transpose3A {offsets = [0, 75], sizes = [64, 1], strides = [1, 1]} : vector<64x128xf32> to vector<64x1xf32>
    %add3A_1347 = vector.broadcast %slice3A_1346 : vector<64x1xf32> to vector<64x128xf32>
    %add3A_1348 = arith.addf %add3A_1345, %add3A_1347 : vector<64x128xf32>
    %swap3A_1349 = arith.constant 0 : index
    %swap3A_1350 = arith.constant 75 : index
    %swap3A_1351 = arith.constant 0 : index
    %swap3A_1352 = arith.constant 0 : index
    %swap3A_1353 = vector.load %arg6[%swap3A_1349, %swap3A_1350, %swap3A_1351, %swap3A_1352] : memref<2x128x64x128xf32, #tpu.memory_space<vmem>>, vector<1x1x64x128xf32>
    %swap3A_1354 = vector.shape_cast %swap3A_1353 : vector<1x1x64x128xf32> to vector<64x128xf32>
    %swap3A_1355 = vector.shape_cast %add3A_1348 : vector<64x128xf32> to vector<1x1x64x128xf32>
    tpu.vector_store %arg6[%swap3A_1349, %swap3A_1350, %swap3A_1351, %swap3A_1352], %swap3A_1355 {strides = array<i32>} : memref<2x128x64x128xf32, #tpu.memory_space<vmem>>, vector<1x1x64x128xf32>,
    %slice3A_1356 = vector.extract_strided_slice %select_n3A {offsets = [76, 0], sizes = [1, 128], strides = [1, 1]} : vector<128x128xi32> to vector<1x128xi32>
    %slice3A_1357 = vector.extract_strided_slice %select_n3A {offsets = [77, 0], sizes = [1, 128], strides = [1, 1]} : vector<128x128xi32> to vector<1x128xi32>
    %concatenate3A_1358 = tpu.concatenate %slice3A_1356, %slice3A_1357 in 1 : vector<1x128xi32>, vector<1x128xi32> -> vector<1x256xi32>
    %eq3A_1359 = vector.broadcast %iota3A : vector<128x1xi32> to vector<128x256xi32>
    %eq3A_1360 = vector.broadcast %concatenate3A_1358 : vector<1x256xi32> to vector<128x256xi32>
    %eq3A_1361 = arith.cmpi eq, %eq3A_1359, %eq3A_1360 : vector<128x256xi32>
    %convert_element_type3A_1362 = arith.extui %eq3A_1361 : vector<128x256xi1> to vector<128x256xi32>
    %convert_element_type3A_1363 = arith.sitofp %convert_element_type3A_1362 : vector<128x256xi32> to vector<128x256xf32>
    %convert_element_type3A_1364 = arith.truncf %convert_element_type3A_1363 : vector<128x256xf32> to vector<128x256xbf16>
    %dot_general3A_1365 = arith.constant dense<0.000000e+00> : vector<64x256xf32>
    %dot_general3A_1366 = tpu.matmul %convert_element_type3A, %convert_element_type3A_1364, %dot_general3A_1365 {dimension_numbers = #tpu.dot_dimension_numbers<[1], [0], [0], [1], [0, 0, 1, 1], [], []>, transpose_lhs_hint = false} : vector<64x128xbf16>, vector<128x256xbf16>, vector<64x256xf32> -> vector<64x256xf32>
    %slice3A_1367 = vector.extract_strided_slice %dot_general3A_1366 {offsets = [0, 0], sizes = [64, 128], strides = [1, 1]} : vector<64x256xf32> to vector<64x128xf32>
    %add3A_1368 = arith.addf %slice3A_1367, %transpose3A : vector<64x128xf32>
    %slice3A_1369 = vector.extract_strided_slice %transpose3A {offsets = [0, 76], sizes = [64, 1], strides = [1, 1]} : vector<64x128xf32> to vector<64x1xf32>
    %add3A_1370 = vector.broadcast %slice3A_1369 : vector<64x1xf32> to vector<64x128xf32>
    %add3A_1371 = arith.addf %add3A_1368, %add3A_1370 : vector<64x128xf32>
    %swap3A_1372 = arith.constant 0 : index
    %swap3A_1373 = arith.constant 76 : index
    %swap3A_1374 = arith.constant 0 : index
    %swap3A_1375 = arith.constant 0 : index
    %swap3A_1376 = vector.load %arg6[%swap3A_1372, %swap3A_1373, %swap3A_1374, %swap3A_1375] : memref<2x128x64x128xf32, #tpu.memory_space<vmem>>, vector<1x1x64x128xf32>
    %swap3A_1377 = vector.shape_cast %swap3A_1376 : vector<1x1x64x128xf32> to vector<64x128xf32>
    %swap3A_1378 = vector.shape_cast %add3A_1371 : vector<64x128xf32> to vector<1x1x64x128xf32>
    tpu.vector_store %arg6[%swap3A_1372, %swap3A_1373, %swap3A_1374, %swap3A_1375], %swap3A_1378 {strides = array<i32>} : memref<2x128x64x128xf32, #tpu.memory_space<vmem>>, vector<1x1x64x128xf32>,
    %slice3A_1379 = vector.extract_strided_slice %dot_general3A_1366 {offsets = [0, 128], sizes = [64, 128], strides = [1, 1]} : vector<64x256xf32> to vector<64x128xf32>
    %add3A_1380 = arith.addf %slice3A_1379, %transpose3A : vector<64x128xf32>
    %slice3A_1381 = vector.extract_strided_slice %transpose3A {offsets = [0, 77], sizes = [64, 1], strides = [1, 1]} : vector<64x128xf32> to vector<64x1xf32>
    %add3A_1382 = vector.broadcast %slice3A_1381 : vector<64x1xf32> to vector<64x128xf32>
    %add3A_1383 = arith.addf %add3A_1380, %add3A_1382 : vector<64x128xf32>
    %swap3A_1384 = arith.constant 0 : index
    %swap3A_1385 = arith.constant 77 : index
    %swap3A_1386 = arith.constant 0 : index
    %swap3A_1387 = arith.constant 0 : index
    %swap3A_1388 = vector.load %arg6[%swap3A_1384, %swap3A_1385, %swap3A_1386, %swap3A_1387] : memref<2x128x64x128xf32, #tpu.memory_space<vmem>>, vector<1x1x64x128xf32>
    %swap3A_1389 = vector.shape_cast %swap3A_1388 : vector<1x1x64x128xf32> to vector<64x128xf32>
    %swap3A_1390 = vector.shape_cast %add3A_1383 : vector<64x128xf32> to vector<1x1x64x128xf32>
    tpu.vector_store %arg6[%swap3A_1384, %swap3A_1385, %swap3A_1386, %swap3A_1387], %swap3A_1390 {strides = array<i32>} : memref<2x128x64x128xf32, #tpu.memory_space<vmem>>, vector<1x1x64x128xf32>,
    %slice3A_1391 = vector.extract_strided_slice %select_n3A {offsets = [78, 0], sizes = [1, 128], strides = [1, 1]} : vector<128x128xi32> to vector<1x128xi32>
    %slice3A_1392 = vector.extract_strided_slice %select_n3A {offsets = [79, 0], sizes = [1, 128], strides = [1, 1]} : vector<128x128xi32> to vector<1x128xi32>
    %concatenate3A_1393 = tpu.concatenate %slice3A_1391, %slice3A_1392 in 1 : vector<1x128xi32>, vector<1x128xi32> -> vector<1x256xi32>
    %eq3A_1394 = vector.broadcast %iota3A : vector<128x1xi32> to vector<128x256xi32>
    %eq3A_1395 = vector.broadcast %concatenate3A_1393 : vector<1x256xi32> to vector<128x256xi32>
    %eq3A_1396 = arith.cmpi eq, %eq3A_1394, %eq3A_1395 : vector<128x256xi32>
    %convert_element_type3A_1397 = arith.extui %eq3A_1396 : vector<128x256xi1> to vector<128x256xi32>
    %convert_element_type3A_1398 = arith.sitofp %convert_element_type3A_1397 : vector<128x256xi32> to vector<128x256xf32>
    %convert_element_type3A_1399 = arith.truncf %convert_element_type3A_1398 : vector<128x256xf32> to vector<128x256xbf16>
    %dot_general3A_1400 = arith.constant dense<0.000000e+00> : vector<64x256xf32>
    %dot_general3A_1401 = tpu.matmul %convert_element_type3A, %convert_element_type3A_1399, %dot_general3A_1400 {dimension_numbers = #tpu.dot_dimension_numbers<[1], [0], [0], [1], [0, 0, 1, 1], [], []>, transpose_lhs_hint = false} : vector<64x128xbf16>, vector<128x256xbf16>, vector<64x256xf32> -> vector<64x256xf32>
    %slice3A_1402 = vector.extract_strided_slice %dot_general3A_1401 {offsets = [0, 0], sizes = [64, 128], strides = [1, 1]} : vector<64x256xf32> to vector<64x128xf32>
    %add3A_1403 = arith.addf %slice3A_1402, %transpose3A : vector<64x128xf32>
    %slice3A_1404 = vector.extract_strided_slice %transpose3A {offsets = [0, 78], sizes = [64, 1], strides = [1, 1]} : vector<64x128xf32> to vector<64x1xf32>
    %add3A_1405 = vector.broadcast %slice3A_1404 : vector<64x1xf32> to vector<64x128xf32>
    %add3A_1406 = arith.addf %add3A_1403, %add3A_1405 : vector<64x128xf32>
    %swap3A_1407 = arith.constant 0 : index
    %swap3A_1408 = arith.constant 78 : index
    %swap3A_1409 = arith.constant 0 : index
    %swap3A_1410 = arith.constant 0 : index
    %swap3A_1411 = vector.load %arg6[%swap3A_1407, %swap3A_1408, %swap3A_1409, %swap3A_1410] : memref<2x128x64x128xf32, #tpu.memory_space<vmem>>, vector<1x1x64x128xf32>
    %swap3A_1412 = vector.shape_cast %swap3A_1411 : vector<1x1x64x128xf32> to vector<64x128xf32>
    %swap3A_1413 = vector.shape_cast %add3A_1406 : vector<64x128xf32> to vector<1x1x64x128xf32>
    tpu.vector_store %arg6[%swap3A_1407, %swap3A_1408, %swap3A_1409, %swap3A_1410], %swap3A_1413 {strides = array<i32>} : memref<2x128x64x128xf32, #tpu.memory_space<vmem>>, vector<1x1x64x128xf32>,
    %slice3A_1414 = vector.extract_strided_slice %dot_general3A_1401 {offsets = [0, 128], sizes = [64, 128], strides = [1, 1]} : vector<64x256xf32> to vector<64x128xf32>
    %add3A_1415 = arith.addf %slice3A_1414, %transpose3A : vector<64x128xf32>
    %slice3A_1416 = vector.extract_strided_slice %transpose3A {offsets = [0, 79], sizes = [64, 1], strides = [1, 1]} : vector<64x128xf32> to vector<64x1xf32>
    %add3A_1417 = vector.broadcast %slice3A_1416 : vector<64x1xf32> to vector<64x128xf32>
    %add3A_1418 = arith.addf %add3A_1415, %add3A_1417 : vector<64x128xf32>
    %swap3A_1419 = arith.constant 0 : index
    %swap3A_1420 = arith.constant 79 : index
    %swap3A_1421 = arith.constant 0 : index
    %swap3A_1422 = arith.constant 0 : index
    %swap3A_1423 = vector.load %arg6[%swap3A_1419, %swap3A_1420, %swap3A_1421, %swap3A_1422] : memref<2x128x64x128xf32, #tpu.memory_space<vmem>>, vector<1x1x64x128xf32>
    %swap3A_1424 = vector.shape_cast %swap3A_1423 : vector<1x1x64x128xf32> to vector<64x128xf32>
    %swap3A_1425 = vector.shape_cast %add3A_1418 : vector<64x128xf32> to vector<1x1x64x128xf32>
    tpu.vector_store %arg6[%swap3A_1419, %swap3A_1420, %swap3A_1421, %swap3A_1422], %swap3A_1425 {strides = array<i32>} : memref<2x128x64x128xf32, #tpu.memory_space<vmem>>, vector<1x1x64x128xf32>,
    %slice3A_1426 = vector.extract_strided_slice %select_n3A {offsets = [80, 0], sizes = [1, 128], strides = [1, 1]} : vector<128x128xi32> to vector<1x128xi32>
    %slice3A_1427 = vector.extract_strided_slice %select_n3A {offsets = [81, 0], sizes = [1, 128], strides = [1, 1]} : vector<128x128xi32> to vector<1x128xi32>
    %concatenate3A_1428 = tpu.concatenate %slice3A_1426, %slice3A_1427 in 1 : vector<1x128xi32>, vector<1x128xi32> -> vector<1x256xi32>
    %eq3A_1429 = vector.broadcast %iota3A : vector<128x1xi32> to vector<128x256xi32>
    %eq3A_1430 = vector.broadcast %concatenate3A_1428 : vector<1x256xi32> to vector<128x256xi32>
    %eq3A_1431 = arith.cmpi eq, %eq3A_1429, %eq3A_1430 : vector<128x256xi32>
    %convert_element_type3A_1432 = arith.extui %eq3A_1431 : vector<128x256xi1> to vector<128x256xi32>
    %convert_element_type3A_1433 = arith.sitofp %convert_element_type3A_1432 : vector<128x256xi32> to vector<128x256xf32>
    %convert_element_type3A_1434 = arith.truncf %convert_element_type3A_1433 : vector<128x256xf32> to vector<128x256xbf16>
    %dot_general3A_1435 = arith.constant dense<0.000000e+00> : vector<64x256xf32>
    %dot_general3A_1436 = tpu.matmul %convert_element_type3A, %convert_element_type3A_1434, %dot_general3A_1435 {dimension_numbers = #tpu.dot_dimension_numbers<[1], [0], [0], [1], [0, 0, 1, 1], [], []>, transpose_lhs_hint = false} : vector<64x128xbf16>, vector<128x256xbf16>, vector<64x256xf32> -> vector<64x256xf32>
    %slice3A_1437 = vector.extract_strided_slice %dot_general3A_1436 {offsets = [0, 0], sizes = [64, 128], strides = [1, 1]} : vector<64x256xf32> to vector<64x128xf32>
    %add3A_1438 = arith.addf %slice3A_1437, %transpose3A : vector<64x128xf32>
    %slice3A_1439 = vector.extract_strided_slice %transpose3A {offsets = [0, 80], sizes = [64, 1], strides = [1, 1]} : vector<64x128xf32> to vector<64x1xf32>
    %add3A_1440 = vector.broadcast %slice3A_1439 : vector<64x1xf32> to vector<64x128xf32>
    %add3A_1441 = arith.addf %add3A_1438, %add3A_1440 : vector<64x128xf32>
    %swap3A_1442 = arith.constant 0 : index
    %swap3A_1443 = arith.constant 80 : index
    %swap3A_1444 = arith.constant 0 : index
    %swap3A_1445 = arith.constant 0 : index
    %swap3A_1446 = vector.load %arg6[%swap3A_1442, %swap3A_1443, %swap3A_1444, %swap3A_1445] : memref<2x128x64x128xf32, #tpu.memory_space<vmem>>, vector<1x1x64x128xf32>
    %swap3A_1447 = vector.shape_cast %swap3A_1446 : vector<1x1x64x128xf32> to vector<64x128xf32>
    %swap3A_1448 = vector.shape_cast %add3A_1441 : vector<64x128xf32> to vector<1x1x64x128xf32>
    tpu.vector_store %arg6[%swap3A_1442, %swap3A_1443, %swap3A_1444, %swap3A_1445], %swap3A_1448 {strides = array<i32>} : memref<2x128x64x128xf32, #tpu.memory_space<vmem>>, vector<1x1x64x128xf32>,
    %slice3A_1449 = vector.extract_strided_slice %dot_general3A_1436 {offsets = [0, 128], sizes = [64, 128], strides = [1, 1]} : vector<64x256xf32> to vector<64x128xf32>
    %add3A_1450 = arith.addf %slice3A_1449, %transpose3A : vector<64x128xf32>
    %slice3A_1451 = vector.extract_strided_slice %transpose3A {offsets = [0, 81], sizes = [64, 1], strides = [1, 1]} : vector<64x128xf32> to vector<64x1xf32>
    %add3A_1452 = vector.broadcast %slice3A_1451 : vector<64x1xf32> to vector<64x128xf32>
    %add3A_1453 = arith.addf %add3A_1450, %add3A_1452 : vector<64x128xf32>
    %swap3A_1454 = arith.constant 0 : index
    %swap3A_1455 = arith.constant 81 : index
    %swap3A_1456 = arith.constant 0 : index
    %swap3A_1457 = arith.constant 0 : index
    %swap3A_1458 = vector.load %arg6[%swap3A_1454, %swap3A_1455, %swap3A_1456, %swap3A_1457] : memref<2x128x64x128xf32, #tpu.memory_space<vmem>>, vector<1x1x64x128xf32>
    %swap3A_1459 = vector.shape_cast %swap3A_1458 : vector<1x1x64x128xf32> to vector<64x128xf32>
    %swap3A_1460 = vector.shape_cast %add3A_1453 : vector<64x128xf32> to vector<1x1x64x128xf32>
    tpu.vector_store %arg6[%swap3A_1454, %swap3A_1455, %swap3A_1456, %swap3A_1457], %swap3A_1460 {strides = array<i32>} : memref<2x128x64x128xf32, #tpu.memory_space<vmem>>, vector<1x1x64x128xf32>,
    %slice3A_1461 = vector.extract_strided_slice %select_n3A {offsets = [82, 0], sizes = [1, 128], strides = [1, 1]} : vector<128x128xi32> to vector<1x128xi32>
    %slice3A_1462 = vector.extract_strided_slice %select_n3A {offsets = [83, 0], sizes = [1, 128], strides = [1, 1]} : vector<128x128xi32> to vector<1x128xi32>
    %concatenate3A_1463 = tpu.concatenate %slice3A_1461, %slice3A_1462 in 1 : vector<1x128xi32>, vector<1x128xi32> -> vector<1x256xi32>
    %eq3A_1464 = vector.broadcast %iota3A : vector<128x1xi32> to vector<128x256xi32>
    %eq3A_1465 = vector.broadcast %concatenate3A_1463 : vector<1x256xi32> to vector<128x256xi32>
    %eq3A_1466 = arith.cmpi eq, %eq3A_1464, %eq3A_1465 : vector<128x256xi32>
    %convert_element_type3A_1467 = arith.extui %eq3A_1466 : vector<128x256xi1> to vector<128x256xi32>
    %convert_element_type3A_1468 = arith.sitofp %convert_element_type3A_1467 : vector<128x256xi32> to vector<128x256xf32>
    %convert_element_type3A_1469 = arith.truncf %convert_element_type3A_1468 : vector<128x256xf32> to vector<128x256xbf16>
    %dot_general3A_1470 = arith.constant dense<0.000000e+00> : vector<64x256xf32>
    %dot_general3A_1471 = tpu.matmul %convert_element_type3A, %convert_element_type3A_1469, %dot_general3A_1470 {dimension_numbers = #tpu.dot_dimension_numbers<[1], [0], [0], [1], [0, 0, 1, 1], [], []>, transpose_lhs_hint = false} : vector<64x128xbf16>, vector<128x256xbf16>, vector<64x256xf32> -> vector<64x256xf32>
    %slice3A_1472 = vector.extract_strided_slice %dot_general3A_1471 {offsets = [0, 0], sizes = [64, 128], strides = [1, 1]} : vector<64x256xf32> to vector<64x128xf32>
    %add3A_1473 = arith.addf %slice3A_1472, %transpose3A : vector<64x128xf32>
    %slice3A_1474 = vector.extract_strided_slice %transpose3A {offsets = [0, 82], sizes = [64, 1], strides = [1, 1]} : vector<64x128xf32> to vector<64x1xf32>
    %add3A_1475 = vector.broadcast %slice3A_1474 : vector<64x1xf32> to vector<64x128xf32>
    %add3A_1476 = arith.addf %add3A_1473, %add3A_1475 : vector<64x128xf32>
    %swap3A_1477 = arith.constant 0 : index
    %swap3A_1478 = arith.constant 82 : index
    %swap3A_1479 = arith.constant 0 : index
    %swap3A_1480 = arith.constant 0 : index
    %swap3A_1481 = vector.load %arg6[%swap3A_1477, %swap3A_1478, %swap3A_1479, %swap3A_1480] : memref<2x128x64x128xf32, #tpu.memory_space<vmem>>, vector<1x1x64x128xf32>
    %swap3A_1482 = vector.shape_cast %swap3A_1481 : vector<1x1x64x128xf32> to vector<64x128xf32>
    %swap3A_1483 = vector.shape_cast %add3A_1476 : vector<64x128xf32> to vector<1x1x64x128xf32>
    tpu.vector_store %arg6[%swap3A_1477, %swap3A_1478, %swap3A_1479, %swap3A_1480], %swap3A_1483 {strides = array<i32>} : memref<2x128x64x128xf32, #tpu.memory_space<vmem>>, vector<1x1x64x128xf32>,
    %slice3A_1484 = vector.extract_strided_slice %dot_general3A_1471 {offsets = [0, 128], sizes = [64, 128], strides = [1, 1]} : vector<64x256xf32> to vector<64x128xf32>
    %add3A_1485 = arith.addf %slice3A_1484, %transpose3A : vector<64x128xf32>
    %slice3A_1486 = vector.extract_strided_slice %transpose3A {offsets = [0, 83], sizes = [64, 1], strides = [1, 1]} : vector<64x128xf32> to vector<64x1xf32>
    %add3A_1487 = vector.broadcast %slice3A_1486 : vector<64x1xf32> to vector<64x128xf32>
    %add3A_1488 = arith.addf %add3A_1485, %add3A_1487 : vector<64x128xf32>
    %swap3A_1489 = arith.constant 0 : index
    %swap3A_1490 = arith.constant 83 : index
    %swap3A_1491 = arith.constant 0 : index
    %swap3A_1492 = arith.constant 0 : index
    %swap3A_1493 = vector.load %arg6[%swap3A_1489, %swap3A_1490, %swap3A_1491, %swap3A_1492] : memref<2x128x64x128xf32, #tpu.memory_space<vmem>>, vector<1x1x64x128xf32>
    %swap3A_1494 = vector.shape_cast %swap3A_1493 : vector<1x1x64x128xf32> to vector<64x128xf32>
    %swap3A_1495 = vector.shape_cast %add3A_1488 : vector<64x128xf32> to vector<1x1x64x128xf32>
    tpu.vector_store %arg6[%swap3A_1489, %swap3A_1490, %swap3A_1491, %swap3A_1492], %swap3A_1495 {strides = array<i32>} : memref<2x128x64x128xf32, #tpu.memory_space<vmem>>, vector<1x1x64x128xf32>,
    %slice3A_1496 = vector.extract_strided_slice %select_n3A {offsets = [84, 0], sizes = [1, 128], strides = [1, 1]} : vector<128x128xi32> to vector<1x128xi32>
    %slice3A_1497 = vector.extract_strided_slice %select_n3A {offsets = [85, 0], sizes = [1, 128], strides = [1, 1]} : vector<128x128xi32> to vector<1x128xi32>
    %concatenate3A_1498 = tpu.concatenate %slice3A_1496, %slice3A_1497 in 1 : vector<1x128xi32>, vector<1x128xi32> -> vector<1x256xi32>
    %eq3A_1499 = vector.broadcast %iota3A : vector<128x1xi32> to vector<128x256xi32>
    %eq3A_1500 = vector.broadcast %concatenate3A_1498 : vector<1x256xi32> to vector<128x256xi32>
    %eq3A_1501 = arith.cmpi eq, %eq3A_1499, %eq3A_1500 : vector<128x256xi32>
    %convert_element_type3A_1502 = arith.extui %eq3A_1501 : vector<128x256xi1> to vector<128x256xi32>
    %convert_element_type3A_1503 = arith.sitofp %convert_element_type3A_1502 : vector<128x256xi32> to vector<128x256xf32>
    %convert_element_type3A_1504 = arith.truncf %convert_element_type3A_1503 : vector<128x256xf32> to vector<128x256xbf16>
    %dot_general3A_1505 = arith.constant dense<0.000000e+00> : vector<64x256xf32>
    %dot_general3A_1506 = tpu.matmul %convert_element_type3A, %convert_element_type3A_1504, %dot_general3A_1505 {dimension_numbers = #tpu.dot_dimension_numbers<[1], [0], [0], [1], [0, 0, 1, 1], [], []>, transpose_lhs_hint = false} : vector<64x128xbf16>, vector<128x256xbf16>, vector<64x256xf32> -> vector<64x256xf32>
    %slice3A_1507 = vector.extract_strided_slice %dot_general3A_1506 {offsets = [0, 0], sizes = [64, 128], strides = [1, 1]} : vector<64x256xf32> to vector<64x128xf32>
    %add3A_1508 = arith.addf %slice3A_1507, %transpose3A : vector<64x128xf32>
    %slice3A_1509 = vector.extract_strided_slice %transpose3A {offsets = [0, 84], sizes = [64, 1], strides = [1, 1]} : vector<64x128xf32> to vector<64x1xf32>
    %add3A_1510 = vector.broadcast %slice3A_1509 : vector<64x1xf32> to vector<64x128xf32>
    %add3A_1511 = arith.addf %add3A_1508, %add3A_1510 : vector<64x128xf32>
    %swap3A_1512 = arith.constant 0 : index
    %swap3A_1513 = arith.constant 84 : index
    %swap3A_1514 = arith.constant 0 : index
    %swap3A_1515 = arith.constant 0 : index
    %swap3A_1516 = vector.load %arg6[%swap3A_1512, %swap3A_1513, %swap3A_1514, %swap3A_1515] : memref<2x128x64x128xf32, #tpu.memory_space<vmem>>, vector<1x1x64x128xf32>
    %swap3A_1517 = vector.shape_cast %swap3A_1516 : vector<1x1x64x128xf32> to vector<64x128xf32>
    %swap3A_1518 = vector.shape_cast %add3A_1511 : vector<64x128xf32> to vector<1x1x64x128xf32>
    tpu.vector_store %arg6[%swap3A_1512, %swap3A_1513, %swap3A_1514, %swap3A_1515], %swap3A_1518 {strides = array<i32>} : memref<2x128x64x128xf32, #tpu.memory_space<vmem>>, vector<1x1x64x128xf32>,
    %slice3A_1519 = vector.extract_strided_slice %dot_general3A_1506 {offsets = [0, 128], sizes = [64, 128], strides = [1, 1]} : vector<64x256xf32> to vector<64x128xf32>
    %add3A_1520 = arith.addf %slice3A_1519, %transpose3A : vector<64x128xf32>
    %slice3A_1521 = vector.extract_strided_slice %transpose3A {offsets = [0, 85], sizes = [64, 1], strides = [1, 1]} : vector<64x128xf32> to vector<64x1xf32>
    %add3A_1522 = vector.broadcast %slice3A_1521 : vector<64x1xf32> to vector<64x128xf32>
    %add3A_1523 = arith.addf %add3A_1520, %add3A_1522 : vector<64x128xf32>
    %swap3A_1524 = arith.constant 0 : index
    %swap3A_1525 = arith.constant 85 : index
    %swap3A_1526 = arith.constant 0 : index
    %swap3A_1527 = arith.constant 0 : index
    %swap3A_1528 = vector.load %arg6[%swap3A_1524, %swap3A_1525, %swap3A_1526, %swap3A_1527] : memref<2x128x64x128xf32, #tpu.memory_space<vmem>>, vector<1x1x64x128xf32>
    %swap3A_1529 = vector.shape_cast %swap3A_1528 : vector<1x1x64x128xf32> to vector<64x128xf32>
    %swap3A_1530 = vector.shape_cast %add3A_1523 : vector<64x128xf32> to vector<1x1x64x128xf32>
    tpu.vector_store %arg6[%swap3A_1524, %swap3A_1525, %swap3A_1526, %swap3A_1527], %swap3A_1530 {strides = array<i32>} : memref<2x128x64x128xf32, #tpu.memory_space<vmem>>, vector<1x1x64x128xf32>,
    %slice3A_1531 = vector.extract_strided_slice %select_n3A {offsets = [86, 0], sizes = [1, 128], strides = [1, 1]} : vector<128x128xi32> to vector<1x128xi32>
    %slice3A_1532 = vector.extract_strided_slice %select_n3A {offsets = [87, 0], sizes = [1, 128], strides = [1, 1]} : vector<128x128xi32> to vector<1x128xi32>
    %concatenate3A_1533 = tpu.concatenate %slice3A_1531, %slice3A_1532 in 1 : vector<1x128xi32>, vector<1x128xi32> -> vector<1x256xi32>
    %eq3A_1534 = vector.broadcast %iota3A : vector<128x1xi32> to vector<128x256xi32>
    %eq3A_1535 = vector.broadcast %concatenate3A_1533 : vector<1x256xi32> to vector<128x256xi32>
    %eq3A_1536 = arith.cmpi eq, %eq3A_1534, %eq3A_1535 : vector<128x256xi32>
    %convert_element_type3A_1537 = arith.extui %eq3A_1536 : vector<128x256xi1> to vector<128x256xi32>
    %convert_element_type3A_1538 = arith.sitofp %convert_element_type3A_1537 : vector<128x256xi32> to vector<128x256xf32>
    %convert_element_type3A_1539 = arith.truncf %convert_element_type3A_1538 : vector<128x256xf32> to vector<128x256xbf16>
    %dot_general3A_1540 = arith.constant dense<0.000000e+00> : vector<64x256xf32>
    %dot_general3A_1541 = tpu.matmul %convert_element_type3A, %convert_element_type3A_1539, %dot_general3A_1540 {dimension_numbers = #tpu.dot_dimension_numbers<[1], [0], [0], [1], [0, 0, 1, 1], [], []>, transpose_lhs_hint = false} : vector<64x128xbf16>, vector<128x256xbf16>, vector<64x256xf32> -> vector<64x256xf32>
    %slice3A_1542 = vector.extract_strided_slice %dot_general3A_1541 {offsets = [0, 0], sizes = [64, 128], strides = [1, 1]} : vector<64x256xf32> to vector<64x128xf32>
    %add3A_1543 = arith.addf %slice3A_1542, %transpose3A : vector<64x128xf32>
    %slice3A_1544 = vector.extract_strided_slice %transpose3A {offsets = [0, 86], sizes = [64, 1], strides = [1, 1]} : vector<64x128xf32> to vector<64x1xf32>
    %add3A_1545 = vector.broadcast %slice3A_1544 : vector<64x1xf32> to vector<64x128xf32>
    %add3A_1546 = arith.addf %add3A_1543, %add3A_1545 : vector<64x128xf32>
    %swap3A_1547 = arith.constant 0 : index
    %swap3A_1548 = arith.constant 86 : index
    %swap3A_1549 = arith.constant 0 : index
    %swap3A_1550 = arith.constant 0 : index
    %swap3A_1551 = vector.load %arg6[%swap3A_1547, %swap3A_1548, %swap3A_1549, %swap3A_1550] : memref<2x128x64x128xf32, #tpu.memory_space<vmem>>, vector<1x1x64x128xf32>
    %swap3A_1552 = vector.shape_cast %swap3A_1551 : vector<1x1x64x128xf32> to vector<64x128xf32>
    %swap3A_1553 = vector.shape_cast %add3A_1546 : vector<64x128xf32> to vector<1x1x64x128xf32>
    tpu.vector_store %arg6[%swap3A_1547, %swap3A_1548, %swap3A_1549, %swap3A_1550], %swap3A_1553 {strides = array<i32>} : memref<2x128x64x128xf32, #tpu.memory_space<vmem>>, vector<1x1x64x128xf32>,
    %slice3A_1554 = vector.extract_strided_slice %dot_general3A_1541 {offsets = [0, 128], sizes = [64, 128], strides = [1, 1]} : vector<64x256xf32> to vector<64x128xf32>
    %add3A_1555 = arith.addf %slice3A_1554, %transpose3A : vector<64x128xf32>
    %slice3A_1556 = vector.extract_strided_slice %transpose3A {offsets = [0, 87], sizes = [64, 1], strides = [1, 1]} : vector<64x128xf32> to vector<64x1xf32>
    %add3A_1557 = vector.broadcast %slice3A_1556 : vector<64x1xf32> to vector<64x128xf32>
    %add3A_1558 = arith.addf %add3A_1555, %add3A_1557 : vector<64x128xf32>
    %swap3A_1559 = arith.constant 0 : index
    %swap3A_1560 = arith.constant 87 : index
    %swap3A_1561 = arith.constant 0 : index
    %swap3A_1562 = arith.constant 0 : index
    %swap3A_1563 = vector.load %arg6[%swap3A_1559, %swap3A_1560, %swap3A_1561, %swap3A_1562] : memref<2x128x64x128xf32, #tpu.memory_space<vmem>>, vector<1x1x64x128xf32>
    %swap3A_1564 = vector.shape_cast %swap3A_1563 : vector<1x1x64x128xf32> to vector<64x128xf32>
    %swap3A_1565 = vector.shape_cast %add3A_1558 : vector<64x128xf32> to vector<1x1x64x128xf32>
    tpu.vector_store %arg6[%swap3A_1559, %swap3A_1560, %swap3A_1561, %swap3A_1562], %swap3A_1565 {strides = array<i32>} : memref<2x128x64x128xf32, #tpu.memory_space<vmem>>, vector<1x1x64x128xf32>,
    %slice3A_1566 = vector.extract_strided_slice %select_n3A {offsets = [88, 0], sizes = [1, 128], strides = [1, 1]} : vector<128x128xi32> to vector<1x128xi32>
    %slice3A_1567 = vector.extract_strided_slice %select_n3A {offsets = [89, 0], sizes = [1, 128], strides = [1, 1]} : vector<128x128xi32> to vector<1x128xi32>
    %concatenate3A_1568 = tpu.concatenate %slice3A_1566, %slice3A_1567 in 1 : vector<1x128xi32>, vector<1x128xi32> -> vector<1x256xi32>
    %eq3A_1569 = vector.broadcast %iota3A : vector<128x1xi32> to vector<128x256xi32>
    %eq3A_1570 = vector.broadcast %concatenate3A_1568 : vector<1x256xi32> to vector<128x256xi32>
    %eq3A_1571 = arith.cmpi eq, %eq3A_1569, %eq3A_1570 : vector<128x256xi32>
    %convert_element_type3A_1572 = arith.extui %eq3A_1571 : vector<128x256xi1> to vector<128x256xi32>
    %convert_element_type3A_1573 = arith.sitofp %convert_element_type3A_1572 : vector<128x256xi32> to vector<128x256xf32>
    %convert_element_type3A_1574 = arith.truncf %convert_element_type3A_1573 : vector<128x256xf32> to vector<128x256xbf16>
    %dot_general3A_1575 = arith.constant dense<0.000000e+00> : vector<64x256xf32>
    %dot_general3A_1576 = tpu.matmul %convert_element_type3A, %convert_element_type3A_1574, %dot_general3A_1575 {dimension_numbers = #tpu.dot_dimension_numbers<[1], [0], [0], [1], [0, 0, 1, 1], [], []>, transpose_lhs_hint = false} : vector<64x128xbf16>, vector<128x256xbf16>, vector<64x256xf32> -> vector<64x256xf32>
    %slice3A_1577 = vector.extract_strided_slice %dot_general3A_1576 {offsets = [0, 0], sizes = [64, 128], strides = [1, 1]} : vector<64x256xf32> to vector<64x128xf32>
    %add3A_1578 = arith.addf %slice3A_1577, %transpose3A : vector<64x128xf32>
    %slice3A_1579 = vector.extract_strided_slice %transpose3A {offsets = [0, 88], sizes = [64, 1], strides = [1, 1]} : vector<64x128xf32> to vector<64x1xf32>
    %add3A_1580 = vector.broadcast %slice3A_1579 : vector<64x1xf32> to vector<64x128xf32>
    %add3A_1581 = arith.addf %add3A_1578, %add3A_1580 : vector<64x128xf32>
    %swap3A_1582 = arith.constant 0 : index
    %swap3A_1583 = arith.constant 88 : index
    %swap3A_1584 = arith.constant 0 : index
    %swap3A_1585 = arith.constant 0 : index
    %swap3A_1586 = vector.load %arg6[%swap3A_1582, %swap3A_1583, %swap3A_1584, %swap3A_1585] : memref<2x128x64x128xf32, #tpu.memory_space<vmem>>, vector<1x1x64x128xf32>
    %swap3A_1587 = vector.shape_cast %swap3A_1586 : vector<1x1x64x128xf32> to vector<64x128xf32>
    %swap3A_1588 = vector.shape_cast %add3A_1581 : vector<64x128xf32> to vector<1x1x64x128xf32>
    tpu.vector_store %arg6[%swap3A_1582, %swap3A_1583, %swap3A_1584, %swap3A_1585], %swap3A_1588 {strides = array<i32>} : memref<2x128x64x128xf32, #tpu.memory_space<vmem>>, vector<1x1x64x128xf32>,
    %slice3A_1589 = vector.extract_strided_slice %dot_general3A_1576 {offsets = [0, 128], sizes = [64, 128], strides = [1, 1]} : vector<64x256xf32> to vector<64x128xf32>
    %add3A_1590 = arith.addf %slice3A_1589, %transpose3A : vector<64x128xf32>
    %slice3A_1591 = vector.extract_strided_slice %transpose3A {offsets = [0, 89], sizes = [64, 1], strides = [1, 1]} : vector<64x128xf32> to vector<64x1xf32>
    %add3A_1592 = vector.broadcast %slice3A_1591 : vector<64x1xf32> to vector<64x128xf32>
    %add3A_1593 = arith.addf %add3A_1590, %add3A_1592 : vector<64x128xf32>
    %swap3A_1594 = arith.constant 0 : index
    %swap3A_1595 = arith.constant 89 : index
    %swap3A_1596 = arith.constant 0 : index
    %swap3A_1597 = arith.constant 0 : index
    %swap3A_1598 = vector.load %arg6[%swap3A_1594, %swap3A_1595, %swap3A_1596, %swap3A_1597] : memref<2x128x64x128xf32, #tpu.memory_space<vmem>>, vector<1x1x64x128xf32>
    %swap3A_1599 = vector.shape_cast %swap3A_1598 : vector<1x1x64x128xf32> to vector<64x128xf32>
    %swap3A_1600 = vector.shape_cast %add3A_1593 : vector<64x128xf32> to vector<1x1x64x128xf32>
    tpu.vector_store %arg6[%swap3A_1594, %swap3A_1595, %swap3A_1596, %swap3A_1597], %swap3A_1600 {strides = array<i32>} : memref<2x128x64x128xf32, #tpu.memory_space<vmem>>, vector<1x1x64x128xf32>,
    %slice3A_1601 = vector.extract_strided_slice %select_n3A {offsets = [90, 0], sizes = [1, 128], strides = [1, 1]} : vector<128x128xi32> to vector<1x128xi32>
    %slice3A_1602 = vector.extract_strided_slice %select_n3A {offsets = [91, 0], sizes = [1, 128], strides = [1, 1]} : vector<128x128xi32> to vector<1x128xi32>
    %concatenate3A_1603 = tpu.concatenate %slice3A_1601, %slice3A_1602 in 1 : vector<1x128xi32>, vector<1x128xi32> -> vector<1x256xi32>
    %eq3A_1604 = vector.broadcast %iota3A : vector<128x1xi32> to vector<128x256xi32>
    %eq3A_1605 = vector.broadcast %concatenate3A_1603 : vector<1x256xi32> to vector<128x256xi32>
    %eq3A_1606 = arith.cmpi eq, %eq3A_1604, %eq3A_1605 : vector<128x256xi32>
    %convert_element_type3A_1607 = arith.extui %eq3A_1606 : vector<128x256xi1> to vector<128x256xi32>
    %convert_element_type3A_1608 = arith.sitofp %convert_element_type3A_1607 : vector<128x256xi32> to vector<128x256xf32>
    %convert_element_type3A_1609 = arith.truncf %convert_element_type3A_1608 : vector<128x256xf32> to vector<128x256xbf16>
    %dot_general3A_1610 = arith.constant dense<0.000000e+00> : vector<64x256xf32>
    %dot_general3A_1611 = tpu.matmul %convert_element_type3A, %convert_element_type3A_1609, %dot_general3A_1610 {dimension_numbers = #tpu.dot_dimension_numbers<[1], [0], [0], [1], [0, 0, 1, 1], [], []>, transpose_lhs_hint = false} : vector<64x128xbf16>, vector<128x256xbf16>, vector<64x256xf32> -> vector<64x256xf32>
    %slice3A_1612 = vector.extract_strided_slice %dot_general3A_1611 {offsets = [0, 0], sizes = [64, 128], strides = [1, 1]} : vector<64x256xf32> to vector<64x128xf32>
    %add3A_1613 = arith.addf %slice3A_1612, %transpose3A : vector<64x128xf32>
    %slice3A_1614 = vector.extract_strided_slice %transpose3A {offsets = [0, 90], sizes = [64, 1], strides = [1, 1]} : vector<64x128xf32> to vector<64x1xf32>
    %add3A_1615 = vector.broadcast %slice3A_1614 : vector<64x1xf32> to vector<64x128xf32>
    %add3A_1616 = arith.addf %add3A_1613, %add3A_1615 : vector<64x128xf32>
    %swap3A_1617 = arith.constant 0 : index
    %swap3A_1618 = arith.constant 90 : index
    %swap3A_1619 = arith.constant 0 : index
    %swap3A_1620 = arith.constant 0 : index
    %swap3A_1621 = vector.load %arg6[%swap3A_1617, %swap3A_1618, %swap3A_1619, %swap3A_1620] : memref<2x128x64x128xf32, #tpu.memory_space<vmem>>, vector<1x1x64x128xf32>
    %swap3A_1622 = vector.shape_cast %swap3A_1621 : vector<1x1x64x128xf32> to vector<64x128xf32>
    %swap3A_1623 = vector.shape_cast %add3A_1616 : vector<64x128xf32> to vector<1x1x64x128xf32>
    tpu.vector_store %arg6[%swap3A_1617, %swap3A_1618, %swap3A_1619, %swap3A_1620], %swap3A_1623 {strides = array<i32>} : memref<2x128x64x128xf32, #tpu.memory_space<vmem>>, vector<1x1x64x128xf32>,
    %slice3A_1624 = vector.extract_strided_slice %dot_general3A_1611 {offsets = [0, 128], sizes = [64, 128], strides = [1, 1]} : vector<64x256xf32> to vector<64x128xf32>
    %add3A_1625 = arith.addf %slice3A_1624, %transpose3A : vector<64x128xf32>
    %slice3A_1626 = vector.extract_strided_slice %transpose3A {offsets = [0, 91], sizes = [64, 1], strides = [1, 1]} : vector<64x128xf32> to vector<64x1xf32>
    %add3A_1627 = vector.broadcast %slice3A_1626 : vector<64x1xf32> to vector<64x128xf32>
    %add3A_1628 = arith.addf %add3A_1625, %add3A_1627 : vector<64x128xf32>
    %swap3A_1629 = arith.constant 0 : index
    %swap3A_1630 = arith.constant 91 : index
    %swap3A_1631 = arith.constant 0 : index
    %swap3A_1632 = arith.constant 0 : index
    %swap3A_1633 = vector.load %arg6[%swap3A_1629, %swap3A_1630, %swap3A_1631, %swap3A_1632] : memref<2x128x64x128xf32, #tpu.memory_space<vmem>>, vector<1x1x64x128xf32>
    %swap3A_1634 = vector.shape_cast %swap3A_1633 : vector<1x1x64x128xf32> to vector<64x128xf32>
    %swap3A_1635 = vector.shape_cast %add3A_1628 : vector<64x128xf32> to vector<1x1x64x128xf32>
    tpu.vector_store %arg6[%swap3A_1629, %swap3A_1630, %swap3A_1631, %swap3A_1632], %swap3A_1635 {strides = array<i32>} : memref<2x128x64x128xf32, #tpu.memory_space<vmem>>, vector<1x1x64x128xf32>,
    %slice3A_1636 = vector.extract_strided_slice %select_n3A {offsets = [92, 0], sizes = [1, 128], strides = [1, 1]} : vector<128x128xi32> to vector<1x128xi32>
    %slice3A_1637 = vector.extract_strided_slice %select_n3A {offsets = [93, 0], sizes = [1, 128], strides = [1, 1]} : vector<128x128xi32> to vector<1x128xi32>
    %concatenate3A_1638 = tpu.concatenate %slice3A_1636, %slice3A_1637 in 1 : vector<1x128xi32>, vector<1x128xi32> -> vector<1x256xi32>
    %eq3A_1639 = vector.broadcast %iota3A : vector<128x1xi32> to vector<128x256xi32>
    %eq3A_1640 = vector.broadcast %concatenate3A_1638 : vector<1x256xi32> to vector<128x256xi32>
    %eq3A_1641 = arith.cmpi eq, %eq3A_1639, %eq3A_1640 : vector<128x256xi32>
    %convert_element_type3A_1642 = arith.extui %eq3A_1641 : vector<128x256xi1> to vector<128x256xi32>
    %convert_element_type3A_1643 = arith.sitofp %convert_element_type3A_1642 : vector<128x256xi32> to vector<128x256xf32>
    %convert_element_type3A_1644 = arith.truncf %convert_element_type3A_1643 : vector<128x256xf32> to vector<128x256xbf16>
    %dot_general3A_1645 = arith.constant dense<0.000000e+00> : vector<64x256xf32>
    %dot_general3A_1646 = tpu.matmul %convert_element_type3A, %convert_element_type3A_1644, %dot_general3A_1645 {dimension_numbers = #tpu.dot_dimension_numbers<[1], [0], [0], [1], [0, 0, 1, 1], [], []>, transpose_lhs_hint = false} : vector<64x128xbf16>, vector<128x256xbf16>, vector<64x256xf32> -> vector<64x256xf32>
    %slice3A_1647 = vector.extract_strided_slice %dot_general3A_1646 {offsets = [0, 0], sizes = [64, 128], strides = [1, 1]} : vector<64x256xf32> to vector<64x128xf32>
    %add3A_1648 = arith.addf %slice3A_1647, %transpose3A : vector<64x128xf32>
    %slice3A_1649 = vector.extract_strided_slice %transpose3A {offsets = [0, 92], sizes = [64, 1], strides = [1, 1]} : vector<64x128xf32> to vector<64x1xf32>
    %add3A_1650 = vector.broadcast %slice3A_1649 : vector<64x1xf32> to vector<64x128xf32>
    %add3A_1651 = arith.addf %add3A_1648, %add3A_1650 : vector<64x128xf32>
    %swap3A_1652 = arith.constant 0 : index
    %swap3A_1653 = arith.constant 92 : index
    %swap3A_1654 = arith.constant 0 : index
    %swap3A_1655 = arith.constant 0 : index
    %swap3A_1656 = vector.load %arg6[%swap3A_1652, %swap3A_1653, %swap3A_1654, %swap3A_1655] : memref<2x128x64x128xf32, #tpu.memory_space<vmem>>, vector<1x1x64x128xf32>
    %swap3A_1657 = vector.shape_cast %swap3A_1656 : vector<1x1x64x128xf32> to vector<64x128xf32>
    %swap3A_1658 = vector.shape_cast %add3A_1651 : vector<64x128xf32> to vector<1x1x64x128xf32>
    tpu.vector_store %arg6[%swap3A_1652, %swap3A_1653, %swap3A_1654, %swap3A_1655], %swap3A_1658 {strides = array<i32>} : memref<2x128x64x128xf32, #tpu.memory_space<vmem>>, vector<1x1x64x128xf32>,
    %slice3A_1659 = vector.extract_strided_slice %dot_general3A_1646 {offsets = [0, 128], sizes = [64, 128], strides = [1, 1]} : vector<64x256xf32> to vector<64x128xf32>
    %add3A_1660 = arith.addf %slice3A_1659, %transpose3A : vector<64x128xf32>
    %slice3A_1661 = vector.extract_strided_slice %transpose3A {offsets = [0, 93], sizes = [64, 1], strides = [1, 1]} : vector<64x128xf32> to vector<64x1xf32>
    %add3A_1662 = vector.broadcast %slice3A_1661 : vector<64x1xf32> to vector<64x128xf32>
    %add3A_1663 = arith.addf %add3A_1660, %add3A_1662 : vector<64x128xf32>
    %swap3A_1664 = arith.constant 0 : index
    %swap3A_1665 = arith.constant 93 : index
    %swap3A_1666 = arith.constant 0 : index
    %swap3A_1667 = arith.constant 0 : index
    %swap3A_1668 = vector.load %arg6[%swap3A_1664, %swap3A_1665, %swap3A_1666, %swap3A_1667] : memref<2x128x64x128xf32, #tpu.memory_space<vmem>>, vector<1x1x64x128xf32>
    %swap3A_1669 = vector.shape_cast %swap3A_1668 : vector<1x1x64x128xf32> to vector<64x128xf32>
    %swap3A_1670 = vector.shape_cast %add3A_1663 : vector<64x128xf32> to vector<1x1x64x128xf32>
    tpu.vector_store %arg6[%swap3A_1664, %swap3A_1665, %swap3A_1666, %swap3A_1667], %swap3A_1670 {strides = array<i32>} : memref<2x128x64x128xf32, #tpu.memory_space<vmem>>, vector<1x1x64x128xf32>,
    %slice3A_1671 = vector.extract_strided_slice %select_n3A {offsets = [94, 0], sizes = [1, 128], strides = [1, 1]} : vector<128x128xi32> to vector<1x128xi32>
    %slice3A_1672 = vector.extract_strided_slice %select_n3A {offsets = [95, 0], sizes = [1, 128], strides = [1, 1]} : vector<128x128xi32> to vector<1x128xi32>
    %concatenate3A_1673 = tpu.concatenate %slice3A_1671, %slice3A_1672 in 1 : vector<1x128xi32>, vector<1x128xi32> -> vector<1x256xi32>
    %eq3A_1674 = vector.broadcast %iota3A : vector<128x1xi32> to vector<128x256xi32>
    %eq3A_1675 = vector.broadcast %concatenate3A_1673 : vector<1x256xi32> to vector<128x256xi32>
    %eq3A_1676 = arith.cmpi eq, %eq3A_1674, %eq3A_1675 : vector<128x256xi32>
    %convert_element_type3A_1677 = arith.extui %eq3A_1676 : vector<128x256xi1> to vector<128x256xi32>
    %convert_element_type3A_1678 = arith.sitofp %convert_element_type3A_1677 : vector<128x256xi32> to vector<128x256xf32>
    %convert_element_type3A_1679 = arith.truncf %convert_element_type3A_1678 : vector<128x256xf32> to vector<128x256xbf16>
    %dot_general3A_1680 = arith.constant dense<0.000000e+00> : vector<64x256xf32>
    %dot_general3A_1681 = tpu.matmul %convert_element_type3A, %convert_element_type3A_1679, %dot_general3A_1680 {dimension_numbers = #tpu.dot_dimension_numbers<[1], [0], [0], [1], [0, 0, 1, 1], [], []>, transpose_lhs_hint = false} : vector<64x128xbf16>, vector<128x256xbf16>, vector<64x256xf32> -> vector<64x256xf32>
    %slice3A_1682 = vector.extract_strided_slice %dot_general3A_1681 {offsets = [0, 0], sizes = [64, 128], strides = [1, 1]} : vector<64x256xf32> to vector<64x128xf32>
    %add3A_1683 = arith.addf %slice3A_1682, %transpose3A : vector<64x128xf32>
    %slice3A_1684 = vector.extract_strided_slice %transpose3A {offsets = [0, 94], sizes = [64, 1], strides = [1, 1]} : vector<64x128xf32> to vector<64x1xf32>
    %add3A_1685 = vector.broadcast %slice3A_1684 : vector<64x1xf32> to vector<64x128xf32>
    %add3A_1686 = arith.addf %add3A_1683, %add3A_1685 : vector<64x128xf32>
    %swap3A_1687 = arith.constant 0 : index
    %swap3A_1688 = arith.constant 94 : index
    %swap3A_1689 = arith.constant 0 : index
    %swap3A_1690 = arith.constant 0 : index
    %swap3A_1691 = vector.load %arg6[%swap3A_1687, %swap3A_1688, %swap3A_1689, %swap3A_1690] : memref<2x128x64x128xf32, #tpu.memory_space<vmem>>, vector<1x1x64x128xf32>
    %swap3A_1692 = vector.shape_cast %swap3A_1691 : vector<1x1x64x128xf32> to vector<64x128xf32>
    %swap3A_1693 = vector.shape_cast %add3A_1686 : vector<64x128xf32> to vector<1x1x64x128xf32>
    tpu.vector_store %arg6[%swap3A_1687, %swap3A_1688, %swap3A_1689, %swap3A_1690], %swap3A_1693 {strides = array<i32>} : memref<2x128x64x128xf32, #tpu.memory_space<vmem>>, vector<1x1x64x128xf32>,
    %slice3A_1694 = vector.extract_strided_slice %dot_general3A_1681 {offsets = [0, 128], sizes = [64, 128], strides = [1, 1]} : vector<64x256xf32> to vector<64x128xf32>
    %add3A_1695 = arith.addf %slice3A_1694, %transpose3A : vector<64x128xf32>
    %slice3A_1696 = vector.extract_strided_slice %transpose3A {offsets = [0, 95], sizes = [64, 1], strides = [1, 1]} : vector<64x128xf32> to vector<64x1xf32>
    %add3A_1697 = vector.broadcast %slice3A_1696 : vector<64x1xf32> to vector<64x128xf32>
    %add3A_1698 = arith.addf %add3A_1695, %add3A_1697 : vector<64x128xf32>
    %swap3A_1699 = arith.constant 0 : index
    %swap3A_1700 = arith.constant 95 : index
    %swap3A_1701 = arith.constant 0 : index
    %swap3A_1702 = arith.constant 0 : index
    %swap3A_1703 = vector.load %arg6[%swap3A_1699, %swap3A_1700, %swap3A_1701, %swap3A_1702] : memref<2x128x64x128xf32, #tpu.memory_space<vmem>>, vector<1x1x64x128xf32>
    %swap3A_1704 = vector.shape_cast %swap3A_1703 : vector<1x1x64x128xf32> to vector<64x128xf32>
    %swap3A_1705 = vector.shape_cast %add3A_1698 : vector<64x128xf32> to vector<1x1x64x128xf32>
    tpu.vector_store %arg6[%swap3A_1699, %swap3A_1700, %swap3A_1701, %swap3A_1702], %swap3A_1705 {strides = array<i32>} : memref<2x128x64x128xf32, #tpu.memory_space<vmem>>, vector<1x1x64x128xf32>,
    %slice3A_1706 = vector.extract_strided_slice %select_n3A {offsets = [96, 0], sizes = [1, 128], strides = [1, 1]} : vector<128x128xi32> to vector<1x128xi32>
    %slice3A_1707 = vector.extract_strided_slice %select_n3A {offsets = [97, 0], sizes = [1, 128], strides = [1, 1]} : vector<128x128xi32> to vector<1x128xi32>
    %concatenate3A_1708 = tpu.concatenate %slice3A_1706, %slice3A_1707 in 1 : vector<1x128xi32>, vector<1x128xi32> -> vector<1x256xi32>
    %eq3A_1709 = vector.broadcast %iota3A : vector<128x1xi32> to vector<128x256xi32>
    %eq3A_1710 = vector.broadcast %concatenate3A_1708 : vector<1x256xi32> to vector<128x256xi32>
    %eq3A_1711 = arith.cmpi eq, %eq3A_1709, %eq3A_1710 : vector<128x256xi32>
    %convert_element_type3A_1712 = arith.extui %eq3A_1711 : vector<128x256xi1> to vector<128x256xi32>
    %convert_element_type3A_1713 = arith.sitofp %convert_element_type3A_1712 : vector<128x256xi32> to vector<128x256xf32>
    %convert_element_type3A_1714 = arith.truncf %convert_element_type3A_1713 : vector<128x256xf32> to vector<128x256xbf16>
    %dot_general3A_1715 = arith.constant dense<0.000000e+00> : vector<64x256xf32>
    %dot_general3A_1716 = tpu.matmul %convert_element_type3A, %convert_element_type3A_1714, %dot_general3A_1715 {dimension_numbers = #tpu.dot_dimension_numbers<[1], [0], [0], [1], [0, 0, 1, 1], [], []>, transpose_lhs_hint = false} : vector<64x128xbf16>, vector<128x256xbf16>, vector<64x256xf32> -> vector<64x256xf32>
    %slice3A_1717 = vector.extract_strided_slice %dot_general3A_1716 {offsets = [0, 0], sizes = [64, 128], strides = [1, 1]} : vector<64x256xf32> to vector<64x128xf32>
    %add3A_1718 = arith.addf %slice3A_1717, %transpose3A : vector<64x128xf32>
    %slice3A_1719 = vector.extract_strided_slice %transpose3A {offsets = [0, 96], sizes = [64, 1], strides = [1, 1]} : vector<64x128xf32> to vector<64x1xf32>
    %add3A_1720 = vector.broadcast %slice3A_1719 : vector<64x1xf32> to vector<64x128xf32>
    %add3A_1721 = arith.addf %add3A_1718, %add3A_1720 : vector<64x128xf32>
    %swap3A_1722 = arith.constant 0 : index
    %swap3A_1723 = arith.constant 96 : index
    %swap3A_1724 = arith.constant 0 : index
    %swap3A_1725 = arith.constant 0 : index
    %swap3A_1726 = vector.load %arg6[%swap3A_1722, %swap3A_1723, %swap3A_1724, %swap3A_1725] : memref<2x128x64x128xf32, #tpu.memory_space<vmem>>, vector<1x1x64x128xf32>
    %swap3A_1727 = vector.shape_cast %swap3A_1726 : vector<1x1x64x128xf32> to vector<64x128xf32>
    %swap3A_1728 = vector.shape_cast %add3A_1721 : vector<64x128xf32> to vector<1x1x64x128xf32>
    tpu.vector_store %arg6[%swap3A_1722, %swap3A_1723, %swap3A_1724, %swap3A_1725], %swap3A_1728 {strides = array<i32>} : memref<2x128x64x128xf32, #tpu.memory_space<vmem>>, vector<1x1x64x128xf32>,
    %slice3A_1729 = vector.extract_strided_slice %dot_general3A_1716 {offsets = [0, 128], sizes = [64, 128], strides = [1, 1]} : vector<64x256xf32> to vector<64x128xf32>
    %add3A_1730 = arith.addf %slice3A_1729, %transpose3A : vector<64x128xf32>
    %slice3A_1731 = vector.extract_strided_slice %transpose3A {offsets = [0, 97], sizes = [64, 1], strides = [1, 1]} : vector<64x128xf32> to vector<64x1xf32>
    %add3A_1732 = vector.broadcast %slice3A_1731 : vector<64x1xf32> to vector<64x128xf32>
    %add3A_1733 = arith.addf %add3A_1730, %add3A_1732 : vector<64x128xf32>
    %swap3A_1734 = arith.constant 0 : index
    %swap3A_1735 = arith.constant 97 : index
    %swap3A_1736 = arith.constant 0 : index
    %swap3A_1737 = arith.constant 0 : index
    %swap3A_1738 = vector.load %arg6[%swap3A_1734, %swap3A_1735, %swap3A_1736, %swap3A_1737] : memref<2x128x64x128xf32, #tpu.memory_space<vmem>>, vector<1x1x64x128xf32>
    %swap3A_1739 = vector.shape_cast %swap3A_1738 : vector<1x1x64x128xf32> to vector<64x128xf32>
    %swap3A_1740 = vector.shape_cast %add3A_1733 : vector<64x128xf32> to vector<1x1x64x128xf32>
    tpu.vector_store %arg6[%swap3A_1734, %swap3A_1735, %swap3A_1736, %swap3A_1737], %swap3A_1740 {strides = array<i32>} : memref<2x128x64x128xf32, #tpu.memory_space<vmem>>, vector<1x1x64x128xf32>,
    %slice3A_1741 = vector.extract_strided_slice %select_n3A {offsets = [98, 0], sizes = [1, 128], strides = [1, 1]} : vector<128x128xi32> to vector<1x128xi32>
    %slice3A_1742 = vector.extract_strided_slice %select_n3A {offsets = [99, 0], sizes = [1, 128], strides = [1, 1]} : vector<128x128xi32> to vector<1x128xi32>
    %concatenate3A_1743 = tpu.concatenate %slice3A_1741, %slice3A_1742 in 1 : vector<1x128xi32>, vector<1x128xi32> -> vector<1x256xi32>
    %eq3A_1744 = vector.broadcast %iota3A : vector<128x1xi32> to vector<128x256xi32>
    %eq3A_1745 = vector.broadcast %concatenate3A_1743 : vector<1x256xi32> to vector<128x256xi32>
    %eq3A_1746 = arith.cmpi eq, %eq3A_1744, %eq3A_1745 : vector<128x256xi32>
    %convert_element_type3A_1747 = arith.extui %eq3A_1746 : vector<128x256xi1> to vector<128x256xi32>
    %convert_element_type3A_1748 = arith.sitofp %convert_element_type3A_1747 : vector<128x256xi32> to vector<128x256xf32>
    %convert_element_type3A_1749 = arith.truncf %convert_element_type3A_1748 : vector<128x256xf32> to vector<128x256xbf16>
    %dot_general3A_1750 = arith.constant dense<0.000000e+00> : vector<64x256xf32>
    %dot_general3A_1751 = tpu.matmul %convert_element_type3A, %convert_element_type3A_1749, %dot_general3A_1750 {dimension_numbers = #tpu.dot_dimension_numbers<[1], [0], [0], [1], [0, 0, 1, 1], [], []>, transpose_lhs_hint = false} : vector<64x128xbf16>, vector<128x256xbf16>, vector<64x256xf32> -> vector<64x256xf32>
    %slice3A_1752 = vector.extract_strided_slice %dot_general3A_1751 {offsets = [0, 0], sizes = [64, 128], strides = [1, 1]} : vector<64x256xf32> to vector<64x128xf32>
    %add3A_1753 = arith.addf %slice3A_1752, %transpose3A : vector<64x128xf32>
    %slice3A_1754 = vector.extract_strided_slice %transpose3A {offsets = [0, 98], sizes = [64, 1], strides = [1, 1]} : vector<64x128xf32> to vector<64x1xf32>
    %add3A_1755 = vector.broadcast %slice3A_1754 : vector<64x1xf32> to vector<64x128xf32>
    %add3A_1756 = arith.addf %add3A_1753, %add3A_1755 : vector<64x128xf32>
    %swap3A_1757 = arith.constant 0 : index
    %swap3A_1758 = arith.constant 98 : index
    %swap3A_1759 = arith.constant 0 : index
    %swap3A_1760 = arith.constant 0 : index
    %swap3A_1761 = vector.load %arg6[%swap3A_1757, %swap3A_1758, %swap3A_1759, %swap3A_1760] : memref<2x128x64x128xf32, #tpu.memory_space<vmem>>, vector<1x1x64x128xf32>
    %swap3A_1762 = vector.shape_cast %swap3A_1761 : vector<1x1x64x128xf32> to vector<64x128xf32>
    %swap3A_1763 = vector.shape_cast %add3A_1756 : vector<64x128xf32> to vector<1x1x64x128xf32>
    tpu.vector_store %arg6[%swap3A_1757, %swap3A_1758, %swap3A_1759, %swap3A_1760], %swap3A_1763 {strides = array<i32>} : memref<2x128x64x128xf32, #tpu.memory_space<vmem>>, vector<1x1x64x128xf32>,
    %slice3A_1764 = vector.extract_strided_slice %dot_general3A_1751 {offsets = [0, 128], sizes = [64, 128], strides = [1, 1]} : vector<64x256xf32> to vector<64x128xf32>
    %add3A_1765 = arith.addf %slice3A_1764, %transpose3A : vector<64x128xf32>
    %slice3A_1766 = vector.extract_strided_slice %transpose3A {offsets = [0, 99], sizes = [64, 1], strides = [1, 1]} : vector<64x128xf32> to vector<64x1xf32>
    %add3A_1767 = vector.broadcast %slice3A_1766 : vector<64x1xf32> to vector<64x128xf32>
    %add3A_1768 = arith.addf %add3A_1765, %add3A_1767 : vector<64x128xf32>
    %swap3A_1769 = arith.constant 0 : index
    %swap3A_1770 = arith.constant 99 : index
    %swap3A_1771 = arith.constant 0 : index
    %swap3A_1772 = arith.constant 0 : index
    %swap3A_1773 = vector.load %arg6[%swap3A_1769, %swap3A_1770, %swap3A_1771, %swap3A_1772] : memref<2x128x64x128xf32, #tpu.memory_space<vmem>>, vector<1x1x64x128xf32>
    %swap3A_1774 = vector.shape_cast %swap3A_1773 : vector<1x1x64x128xf32> to vector<64x128xf32>
    %swap3A_1775 = vector.shape_cast %add3A_1768 : vector<64x128xf32> to vector<1x1x64x128xf32>
    tpu.vector_store %arg6[%swap3A_1769, %swap3A_1770, %swap3A_1771, %swap3A_1772], %swap3A_1775 {strides = array<i32>} : memref<2x128x64x128xf32, #tpu.memory_space<vmem>>, vector<1x1x64x128xf32>,
    %slice3A_1776 = vector.extract_strided_slice %select_n3A {offsets = [100, 0], sizes = [1, 128], strides = [1, 1]} : vector<128x128xi32> to vector<1x128xi32>
    %slice3A_1777 = vector.extract_strided_slice %select_n3A {offsets = [101, 0], sizes = [1, 128], strides = [1, 1]} : vector<128x128xi32> to vector<1x128xi32>
    %concatenate3A_1778 = tpu.concatenate %slice3A_1776, %slice3A_1777 in 1 : vector<1x128xi32>, vector<1x128xi32> -> vector<1x256xi32>
    %eq3A_1779 = vector.broadcast %iota3A : vector<128x1xi32> to vector<128x256xi32>
    %eq3A_1780 = vector.broadcast %concatenate3A_1778 : vector<1x256xi32> to vector<128x256xi32>
    %eq3A_1781 = arith.cmpi eq, %eq3A_1779, %eq3A_1780 : vector<128x256xi32>
    %convert_element_type3A_1782 = arith.extui %eq3A_1781 : vector<128x256xi1> to vector<128x256xi32>
    %convert_element_type3A_1783 = arith.sitofp %convert_element_type3A_1782 : vector<128x256xi32> to vector<128x256xf32>
    %convert_element_type3A_1784 = arith.truncf %convert_element_type3A_1783 : vector<128x256xf32> to vector<128x256xbf16>
    %dot_general3A_1785 = arith.constant dense<0.000000e+00> : vector<64x256xf32>
    %dot_general3A_1786 = tpu.matmul %convert_element_type3A, %convert_element_type3A_1784, %dot_general3A_1785 {dimension_numbers = #tpu.dot_dimension_numbers<[1], [0], [0], [1], [0, 0, 1, 1], [], []>, transpose_lhs_hint = false} : vector<64x128xbf16>, vector<128x256xbf16>, vector<64x256xf32> -> vector<64x256xf32>
    %slice3A_1787 = vector.extract_strided_slice %dot_general3A_1786 {offsets = [0, 0], sizes = [64, 128], strides = [1, 1]} : vector<64x256xf32> to vector<64x128xf32>
    %add3A_1788 = arith.addf %slice3A_1787, %transpose3A : vector<64x128xf32>
    %slice3A_1789 = vector.extract_strided_slice %transpose3A {offsets = [0, 100], sizes = [64, 1], strides = [1, 1]} : vector<64x128xf32> to vector<64x1xf32>
    %add3A_1790 = vector.broadcast %slice3A_1789 : vector<64x1xf32> to vector<64x128xf32>
    %add3A_1791 = arith.addf %add3A_1788, %add3A_1790 : vector<64x128xf32>
    %swap3A_1792 = arith.constant 0 : index
    %swap3A_1793 = arith.constant 100 : index
    %swap3A_1794 = arith.constant 0 : index
    %swap3A_1795 = arith.constant 0 : index
    %swap3A_1796 = vector.load %arg6[%swap3A_1792, %swap3A_1793, %swap3A_1794, %swap3A_1795] : memref<2x128x64x128xf32, #tpu.memory_space<vmem>>, vector<1x1x64x128xf32>
    %swap3A_1797 = vector.shape_cast %swap3A_1796 : vector<1x1x64x128xf32> to vector<64x128xf32>
    %swap3A_1798 = vector.shape_cast %add3A_1791 : vector<64x128xf32> to vector<1x1x64x128xf32>
    tpu.vector_store %arg6[%swap3A_1792, %swap3A_1793, %swap3A_1794, %swap3A_1795], %swap3A_1798 {strides = array<i32>} : memref<2x128x64x128xf32, #tpu.memory_space<vmem>>, vector<1x1x64x128xf32>,
    %slice3A_1799 = vector.extract_strided_slice %dot_general3A_1786 {offsets = [0, 128], sizes = [64, 128], strides = [1, 1]} : vector<64x256xf32> to vector<64x128xf32>
    %add3A_1800 = arith.addf %slice3A_1799, %transpose3A : vector<64x128xf32>
    %slice3A_1801 = vector.extract_strided_slice %transpose3A {offsets = [0, 101], sizes = [64, 1], strides = [1, 1]} : vector<64x128xf32> to vector<64x1xf32>
    %add3A_1802 = vector.broadcast %slice3A_1801 : vector<64x1xf32> to vector<64x128xf32>
    %add3A_1803 = arith.addf %add3A_1800, %add3A_1802 : vector<64x128xf32>
    %swap3A_1804 = arith.constant 0 : index
    %swap3A_1805 = arith.constant 101 : index
    %swap3A_1806 = arith.constant 0 : index
    %swap3A_1807 = arith.constant 0 : index
    %swap3A_1808 = vector.load %arg6[%swap3A_1804, %swap3A_1805, %swap3A_1806, %swap3A_1807] : memref<2x128x64x128xf32, #tpu.memory_space<vmem>>, vector<1x1x64x128xf32>
    %swap3A_1809 = vector.shape_cast %swap3A_1808 : vector<1x1x64x128xf32> to vector<64x128xf32>
    %swap3A_1810 = vector.shape_cast %add3A_1803 : vector<64x128xf32> to vector<1x1x64x128xf32>
    tpu.vector_store %arg6[%swap3A_1804, %swap3A_1805, %swap3A_1806, %swap3A_1807], %swap3A_1810 {strides = array<i32>} : memref<2x128x64x128xf32, #tpu.memory_space<vmem>>, vector<1x1x64x128xf32>,
    %slice3A_1811 = vector.extract_strided_slice %select_n3A {offsets = [102, 0], sizes = [1, 128], strides = [1, 1]} : vector<128x128xi32> to vector<1x128xi32>
    %slice3A_1812 = vector.extract_strided_slice %select_n3A {offsets = [103, 0], sizes = [1, 128], strides = [1, 1]} : vector<128x128xi32> to vector<1x128xi32>
    %concatenate3A_1813 = tpu.concatenate %slice3A_1811, %slice3A_1812 in 1 : vector<1x128xi32>, vector<1x128xi32> -> vector<1x256xi32>
    %eq3A_1814 = vector.broadcast %iota3A : vector<128x1xi32> to vector<128x256xi32>
    %eq3A_1815 = vector.broadcast %concatenate3A_1813 : vector<1x256xi32> to vector<128x256xi32>
    %eq3A_1816 = arith.cmpi eq, %eq3A_1814, %eq3A_1815 : vector<128x256xi32>
    %convert_element_type3A_1817 = arith.extui %eq3A_1816 : vector<128x256xi1> to vector<128x256xi32>
    %convert_element_type3A_1818 = arith.sitofp %convert_element_type3A_1817 : vector<128x256xi32> to vector<128x256xf32>
    %convert_element_type3A_1819 = arith.truncf %convert_element_type3A_1818 : vector<128x256xf32> to vector<128x256xbf16>
    %dot_general3A_1820 = arith.constant dense<0.000000e+00> : vector<64x256xf32>
    %dot_general3A_1821 = tpu.matmul %convert_element_type3A, %convert_element_type3A_1819, %dot_general3A_1820 {dimension_numbers = #tpu.dot_dimension_numbers<[1], [0], [0], [1], [0, 0, 1, 1], [], []>, transpose_lhs_hint = false} : vector<64x128xbf16>, vector<128x256xbf16>, vector<64x256xf32> -> vector<64x256xf32>
    %slice3A_1822 = vector.extract_strided_slice %dot_general3A_1821 {offsets = [0, 0], sizes = [64, 128], strides = [1, 1]} : vector<64x256xf32> to vector<64x128xf32>
    %add3A_1823 = arith.addf %slice3A_1822, %transpose3A : vector<64x128xf32>
    %slice3A_1824 = vector.extract_strided_slice %transpose3A {offsets = [0, 102], sizes = [64, 1], strides = [1, 1]} : vector<64x128xf32> to vector<64x1xf32>
    %add3A_1825 = vector.broadcast %slice3A_1824 : vector<64x1xf32> to vector<64x128xf32>
    %add3A_1826 = arith.addf %add3A_1823, %add3A_1825 : vector<64x128xf32>
    %swap3A_1827 = arith.constant 0 : index
    %swap3A_1828 = arith.constant 102 : index
    %swap3A_1829 = arith.constant 0 : index
    %swap3A_1830 = arith.constant 0 : index
    %swap3A_1831 = vector.load %arg6[%swap3A_1827, %swap3A_1828, %swap3A_1829, %swap3A_1830] : memref<2x128x64x128xf32, #tpu.memory_space<vmem>>, vector<1x1x64x128xf32>
    %swap3A_1832 = vector.shape_cast %swap3A_1831 : vector<1x1x64x128xf32> to vector<64x128xf32>
    %swap3A_1833 = vector.shape_cast %add3A_1826 : vector<64x128xf32> to vector<1x1x64x128xf32>
    tpu.vector_store %arg6[%swap3A_1827, %swap3A_1828, %swap3A_1829, %swap3A_1830], %swap3A_1833 {strides = array<i32>} : memref<2x128x64x128xf32, #tpu.memory_space<vmem>>, vector<1x1x64x128xf32>,
    %slice3A_1834 = vector.extract_strided_slice %dot_general3A_1821 {offsets = [0, 128], sizes = [64, 128], strides = [1, 1]} : vector<64x256xf32> to vector<64x128xf32>
    %add3A_1835 = arith.addf %slice3A_1834, %transpose3A : vector<64x128xf32>
    %slice3A_1836 = vector.extract_strided_slice %transpose3A {offsets = [0, 103], sizes = [64, 1], strides = [1, 1]} : vector<64x128xf32> to vector<64x1xf32>
    %add3A_1837 = vector.broadcast %slice3A_1836 : vector<64x1xf32> to vector<64x128xf32>
    %add3A_1838 = arith.addf %add3A_1835, %add3A_1837 : vector<64x128xf32>
    %swap3A_1839 = arith.constant 0 : index
    %swap3A_1840 = arith.constant 103 : index
    %swap3A_1841 = arith.constant 0 : index
    %swap3A_1842 = arith.constant 0 : index
    %swap3A_1843 = vector.load %arg6[%swap3A_1839, %swap3A_1840, %swap3A_1841, %swap3A_1842] : memref<2x128x64x128xf32, #tpu.memory_space<vmem>>, vector<1x1x64x128xf32>
    %swap3A_1844 = vector.shape_cast %swap3A_1843 : vector<1x1x64x128xf32> to vector<64x128xf32>
    %swap3A_1845 = vector.shape_cast %add3A_1838 : vector<64x128xf32> to vector<1x1x64x128xf32>
    tpu.vector_store %arg6[%swap3A_1839, %swap3A_1840, %swap3A_1841, %swap3A_1842], %swap3A_1845 {strides = array<i32>} : memref<2x128x64x128xf32, #tpu.memory_space<vmem>>, vector<1x1x64x128xf32>,
    %slice3A_1846 = vector.extract_strided_slice %select_n3A {offsets = [104, 0], sizes = [1, 128], strides = [1, 1]} : vector<128x128xi32> to vector<1x128xi32>
    %slice3A_1847 = vector.extract_strided_slice %select_n3A {offsets = [105, 0], sizes = [1, 128], strides = [1, 1]} : vector<128x128xi32> to vector<1x128xi32>
    %concatenate3A_1848 = tpu.concatenate %slice3A_1846, %slice3A_1847 in 1 : vector<1x128xi32>, vector<1x128xi32> -> vector<1x256xi32>
    %eq3A_1849 = vector.broadcast %iota3A : vector<128x1xi32> to vector<128x256xi32>
    %eq3A_1850 = vector.broadcast %concatenate3A_1848 : vector<1x256xi32> to vector<128x256xi32>
    %eq3A_1851 = arith.cmpi eq, %eq3A_1849, %eq3A_1850 : vector<128x256xi32>
    %convert_element_type3A_1852 = arith.extui %eq3A_1851 : vector<128x256xi1> to vector<128x256xi32>
    %convert_element_type3A_1853 = arith.sitofp %convert_element_type3A_1852 : vector<128x256xi32> to vector<128x256xf32>
    %convert_element_type3A_1854 = arith.truncf %convert_element_type3A_1853 : vector<128x256xf32> to vector<128x256xbf16>
    %dot_general3A_1855 = arith.constant dense<0.000000e+00> : vector<64x256xf32>
    %dot_general3A_1856 = tpu.matmul %convert_element_type3A, %convert_element_type3A_1854, %dot_general3A_1855 {dimension_numbers = #tpu.dot_dimension_numbers<[1], [0], [0], [1], [0, 0, 1, 1], [], []>, transpose_lhs_hint = false} : vector<64x128xbf16>, vector<128x256xbf16>, vector<64x256xf32> -> vector<64x256xf32>
    %slice3A_1857 = vector.extract_strided_slice %dot_general3A_1856 {offsets = [0, 0], sizes = [64, 128], strides = [1, 1]} : vector<64x256xf32> to vector<64x128xf32>
    %add3A_1858 = arith.addf %slice3A_1857, %transpose3A : vector<64x128xf32>
    %slice3A_1859 = vector.extract_strided_slice %transpose3A {offsets = [0, 104], sizes = [64, 1], strides = [1, 1]} : vector<64x128xf32> to vector<64x1xf32>
    %add3A_1860 = vector.broadcast %slice3A_1859 : vector<64x1xf32> to vector<64x128xf32>
    %add3A_1861 = arith.addf %add3A_1858, %add3A_1860 : vector<64x128xf32>
    %swap3A_1862 = arith.constant 0 : index
    %swap3A_1863 = arith.constant 104 : index
    %swap3A_1864 = arith.constant 0 : index
    %swap3A_1865 = arith.constant 0 : index
    %swap3A_1866 = vector.load %arg6[%swap3A_1862, %swap3A_1863, %swap3A_1864, %swap3A_1865] : memref<2x128x64x128xf32, #tpu.memory_space<vmem>>, vector<1x1x64x128xf32>
    %swap3A_1867 = vector.shape_cast %swap3A_1866 : vector<1x1x64x128xf32> to vector<64x128xf32>
    %swap3A_1868 = vector.shape_cast %add3A_1861 : vector<64x128xf32> to vector<1x1x64x128xf32>
    tpu.vector_store %arg6[%swap3A_1862, %swap3A_1863, %swap3A_1864, %swap3A_1865], %swap3A_1868 {strides = array<i32>} : memref<2x128x64x128xf32, #tpu.memory_space<vmem>>, vector<1x1x64x128xf32>,
    %slice3A_1869 = vector.extract_strided_slice %dot_general3A_1856 {offsets = [0, 128], sizes = [64, 128], strides = [1, 1]} : vector<64x256xf32> to vector<64x128xf32>
    %add3A_1870 = arith.addf %slice3A_1869, %transpose3A : vector<64x128xf32>
    %slice3A_1871 = vector.extract_strided_slice %transpose3A {offsets = [0, 105], sizes = [64, 1], strides = [1, 1]} : vector<64x128xf32> to vector<64x1xf32>
    %add3A_1872 = vector.broadcast %slice3A_1871 : vector<64x1xf32> to vector<64x128xf32>
    %add3A_1873 = arith.addf %add3A_1870, %add3A_1872 : vector<64x128xf32>
    %swap3A_1874 = arith.constant 0 : index
    %swap3A_1875 = arith.constant 105 : index
    %swap3A_1876 = arith.constant 0 : index
    %swap3A_1877 = arith.constant 0 : index
    %swap3A_1878 = vector.load %arg6[%swap3A_1874, %swap3A_1875, %swap3A_1876, %swap3A_1877] : memref<2x128x64x128xf32, #tpu.memory_space<vmem>>, vector<1x1x64x128xf32>
    %swap3A_1879 = vector.shape_cast %swap3A_1878 : vector<1x1x64x128xf32> to vector<64x128xf32>
    %swap3A_1880 = vector.shape_cast %add3A_1873 : vector<64x128xf32> to vector<1x1x64x128xf32>
    tpu.vector_store %arg6[%swap3A_1874, %swap3A_1875, %swap3A_1876, %swap3A_1877], %swap3A_1880 {strides = array<i32>} : memref<2x128x64x128xf32, #tpu.memory_space<vmem>>, vector<1x1x64x128xf32>,
    %slice3A_1881 = vector.extract_strided_slice %select_n3A {offsets = [106, 0], sizes = [1, 128], strides = [1, 1]} : vector<128x128xi32> to vector<1x128xi32>
    %slice3A_1882 = vector.extract_strided_slice %select_n3A {offsets = [107, 0], sizes = [1, 128], strides = [1, 1]} : vector<128x128xi32> to vector<1x128xi32>
    %concatenate3A_1883 = tpu.concatenate %slice3A_1881, %slice3A_1882 in 1 : vector<1x128xi32>, vector<1x128xi32> -> vector<1x256xi32>
    %eq3A_1884 = vector.broadcast %iota3A : vector<128x1xi32> to vector<128x256xi32>
    %eq3A_1885 = vector.broadcast %concatenate3A_1883 : vector<1x256xi32> to vector<128x256xi32>
    %eq3A_1886 = arith.cmpi eq, %eq3A_1884, %eq3A_1885 : vector<128x256xi32>
    %convert_element_type3A_1887 = arith.extui %eq3A_1886 : vector<128x256xi1> to vector<128x256xi32>
    %convert_element_type3A_1888 = arith.sitofp %convert_element_type3A_1887 : vector<128x256xi32> to vector<128x256xf32>
    %convert_element_type3A_1889 = arith.truncf %convert_element_type3A_1888 : vector<128x256xf32> to vector<128x256xbf16>
    %dot_general3A_1890 = arith.constant dense<0.000000e+00> : vector<64x256xf32>
    %dot_general3A_1891 = tpu.matmul %convert_element_type3A, %convert_element_type3A_1889, %dot_general3A_1890 {dimension_numbers = #tpu.dot_dimension_numbers<[1], [0], [0], [1], [0, 0, 1, 1], [], []>, transpose_lhs_hint = false} : vector<64x128xbf16>, vector<128x256xbf16>, vector<64x256xf32> -> vector<64x256xf32>
    %slice3A_1892 = vector.extract_strided_slice %dot_general3A_1891 {offsets = [0, 0], sizes = [64, 128], strides = [1, 1]} : vector<64x256xf32> to vector<64x128xf32>
    %add3A_1893 = arith.addf %slice3A_1892, %transpose3A : vector<64x128xf32>
    %slice3A_1894 = vector.extract_strided_slice %transpose3A {offsets = [0, 106], sizes = [64, 1], strides = [1, 1]} : vector<64x128xf32> to vector<64x1xf32>
    %add3A_1895 = vector.broadcast %slice3A_1894 : vector<64x1xf32> to vector<64x128xf32>
    %add3A_1896 = arith.addf %add3A_1893, %add3A_1895 : vector<64x128xf32>
    %swap3A_1897 = arith.constant 0 : index
    %swap3A_1898 = arith.constant 106 : index
    %swap3A_1899 = arith.constant 0 : index
    %swap3A_1900 = arith.constant 0 : index
    %swap3A_1901 = vector.load %arg6[%swap3A_1897, %swap3A_1898, %swap3A_1899, %swap3A_1900] : memref<2x128x64x128xf32, #tpu.memory_space<vmem>>, vector<1x1x64x128xf32>
    %swap3A_1902 = vector.shape_cast %swap3A_1901 : vector<1x1x64x128xf32> to vector<64x128xf32>
    %swap3A_1903 = vector.shape_cast %add3A_1896 : vector<64x128xf32> to vector<1x1x64x128xf32>
    tpu.vector_store %arg6[%swap3A_1897, %swap3A_1898, %swap3A_1899, %swap3A_1900], %swap3A_1903 {strides = array<i32>} : memref<2x128x64x128xf32, #tpu.memory_space<vmem>>, vector<1x1x64x128xf32>,
    %slice3A_1904 = vector.extract_strided_slice %dot_general3A_1891 {offsets = [0, 128], sizes = [64, 128], strides = [1, 1]} : vector<64x256xf32> to vector<64x128xf32>
    %add3A_1905 = arith.addf %slice3A_1904, %transpose3A : vector<64x128xf32>
    %slice3A_1906 = vector.extract_strided_slice %transpose3A {offsets = [0, 107], sizes = [64, 1], strides = [1, 1]} : vector<64x128xf32> to vector<64x1xf32>
    %add3A_1907 = vector.broadcast %slice3A_1906 : vector<64x1xf32> to vector<64x128xf32>
    %add3A_1908 = arith.addf %add3A_1905, %add3A_1907 : vector<64x128xf32>
    %swap3A_1909 = arith.constant 0 : index
    %swap3A_1910 = arith.constant 107 : index
    %swap3A_1911 = arith.constant 0 : index
    %swap3A_1912 = arith.constant 0 : index
    %swap3A_1913 = vector.load %arg6[%swap3A_1909, %swap3A_1910, %swap3A_1911, %swap3A_1912] : memref<2x128x64x128xf32, #tpu.memory_space<vmem>>, vector<1x1x64x128xf32>
    %swap3A_1914 = vector.shape_cast %swap3A_1913 : vector<1x1x64x128xf32> to vector<64x128xf32>
    %swap3A_1915 = vector.shape_cast %add3A_1908 : vector<64x128xf32> to vector<1x1x64x128xf32>
    tpu.vector_store %arg6[%swap3A_1909, %swap3A_1910, %swap3A_1911, %swap3A_1912], %swap3A_1915 {strides = array<i32>} : memref<2x128x64x128xf32, #tpu.memory_space<vmem>>, vector<1x1x64x128xf32>,
    %slice3A_1916 = vector.extract_strided_slice %select_n3A {offsets = [108, 0], sizes = [1, 128], strides = [1, 1]} : vector<128x128xi32> to vector<1x128xi32>
    %slice3A_1917 = vector.extract_strided_slice %select_n3A {offsets = [109, 0], sizes = [1, 128], strides = [1, 1]} : vector<128x128xi32> to vector<1x128xi32>
    %concatenate3A_1918 = tpu.concatenate %slice3A_1916, %slice3A_1917 in 1 : vector<1x128xi32>, vector<1x128xi32> -> vector<1x256xi32>
    %eq3A_1919 = vector.broadcast %iota3A : vector<128x1xi32> to vector<128x256xi32>
    %eq3A_1920 = vector.broadcast %concatenate3A_1918 : vector<1x256xi32> to vector<128x256xi32>
    %eq3A_1921 = arith.cmpi eq, %eq3A_1919, %eq3A_1920 : vector<128x256xi32>
    %convert_element_type3A_1922 = arith.extui %eq3A_1921 : vector<128x256xi1> to vector<128x256xi32>
    %convert_element_type3A_1923 = arith.sitofp %convert_element_type3A_1922 : vector<128x256xi32> to vector<128x256xf32>
    %convert_element_type3A_1924 = arith.truncf %convert_element_type3A_1923 : vector<128x256xf32> to vector<128x256xbf16>
    %dot_general3A_1925 = arith.constant dense<0.000000e+00> : vector<64x256xf32>
    %dot_general3A_1926 = tpu.matmul %convert_element_type3A, %convert_element_type3A_1924, %dot_general3A_1925 {dimension_numbers = #tpu.dot_dimension_numbers<[1], [0], [0], [1], [0, 0, 1, 1], [], []>, transpose_lhs_hint = false} : vector<64x128xbf16>, vector<128x256xbf16>, vector<64x256xf32> -> vector<64x256xf32>
    %slice3A_1927 = vector.extract_strided_slice %dot_general3A_1926 {offsets = [0, 0], sizes = [64, 128], strides = [1, 1]} : vector<64x256xf32> to vector<64x128xf32>
    %add3A_1928 = arith.addf %slice3A_1927, %transpose3A : vector<64x128xf32>
    %slice3A_1929 = vector.extract_strided_slice %transpose3A {offsets = [0, 108], sizes = [64, 1], strides = [1, 1]} : vector<64x128xf32> to vector<64x1xf32>
    %add3A_1930 = vector.broadcast %slice3A_1929 : vector<64x1xf32> to vector<64x128xf32>
    %add3A_1931 = arith.addf %add3A_1928, %add3A_1930 : vector<64x128xf32>
    %swap3A_1932 = arith.constant 0 : index
    %swap3A_1933 = arith.constant 108 : index
    %swap3A_1934 = arith.constant 0 : index
    %swap3A_1935 = arith.constant 0 : index
    %swap3A_1936 = vector.load %arg6[%swap3A_1932, %swap3A_1933, %swap3A_1934, %swap3A_1935] : memref<2x128x64x128xf32, #tpu.memory_space<vmem>>, vector<1x1x64x128xf32>
    %swap3A_1937 = vector.shape_cast %swap3A_1936 : vector<1x1x64x128xf32> to vector<64x128xf32>
    %swap3A_1938 = vector.shape_cast %add3A_1931 : vector<64x128xf32> to vector<1x1x64x128xf32>
    tpu.vector_store %arg6[%swap3A_1932, %swap3A_1933, %swap3A_1934, %swap3A_1935], %swap3A_1938 {strides = array<i32>} : memref<2x128x64x128xf32, #tpu.memory_space<vmem>>, vector<1x1x64x128xf32>,
    %slice3A_1939 = vector.extract_strided_slice %dot_general3A_1926 {offsets = [0, 128], sizes = [64, 128], strides = [1, 1]} : vector<64x256xf32> to vector<64x128xf32>
    %add3A_1940 = arith.addf %slice3A_1939, %transpose3A : vector<64x128xf32>
    %slice3A_1941 = vector.extract_strided_slice %transpose3A {offsets = [0, 109], sizes = [64, 1], strides = [1, 1]} : vector<64x128xf32> to vector<64x1xf32>
    %add3A_1942 = vector.broadcast %slice3A_1941 : vector<64x1xf32> to vector<64x128xf32>
    %add3A_1943 = arith.addf %add3A_1940, %add3A_1942 : vector<64x128xf32>
    %swap3A_1944 = arith.constant 0 : index
    %swap3A_1945 = arith.constant 109 : index
    %swap3A_1946 = arith.constant 0 : index
    %swap3A_1947 = arith.constant 0 : index
    %swap3A_1948 = vector.load %arg6[%swap3A_1944, %swap3A_1945, %swap3A_1946, %swap3A_1947] : memref<2x128x64x128xf32, #tpu.memory_space<vmem>>, vector<1x1x64x128xf32>
    %swap3A_1949 = vector.shape_cast %swap3A_1948 : vector<1x1x64x128xf32> to vector<64x128xf32>
    %swap3A_1950 = vector.shape_cast %add3A_1943 : vector<64x128xf32> to vector<1x1x64x128xf32>
    tpu.vector_store %arg6[%swap3A_1944, %swap3A_1945, %swap3A_1946, %swap3A_1947], %swap3A_1950 {strides = array<i32>} : memref<2x128x64x128xf32, #tpu.memory_space<vmem>>, vector<1x1x64x128xf32>,
    %slice3A_1951 = vector.extract_strided_slice %select_n3A {offsets = [110, 0], sizes = [1, 128], strides = [1, 1]} : vector<128x128xi32> to vector<1x128xi32>
    %slice3A_1952 = vector.extract_strided_slice %select_n3A {offsets = [111, 0], sizes = [1, 128], strides = [1, 1]} : vector<128x128xi32> to vector<1x128xi32>
    %concatenate3A_1953 = tpu.concatenate %slice3A_1951, %slice3A_1952 in 1 : vector<1x128xi32>, vector<1x128xi32> -> vector<1x256xi32>
    %eq3A_1954 = vector.broadcast %iota3A : vector<128x1xi32> to vector<128x256xi32>
    %eq3A_1955 = vector.broadcast %concatenate3A_1953 : vector<1x256xi32> to vector<128x256xi32>
    %eq3A_1956 = arith.cmpi eq, %eq3A_1954, %eq3A_1955 : vector<128x256xi32>
    %convert_element_type3A_1957 = arith.extui %eq3A_1956 : vector<128x256xi1> to vector<128x256xi32>
    %convert_element_type3A_1958 = arith.sitofp %convert_element_type3A_1957 : vector<128x256xi32> to vector<128x256xf32>
    %convert_element_type3A_1959 = arith.truncf %convert_element_type3A_1958 : vector<128x256xf32> to vector<128x256xbf16>
    %dot_general3A_1960 = arith.constant dense<0.000000e+00> : vector<64x256xf32>
    %dot_general3A_1961 = tpu.matmul %convert_element_type3A, %convert_element_type3A_1959, %dot_general3A_1960 {dimension_numbers = #tpu.dot_dimension_numbers<[1], [0], [0], [1], [0, 0, 1, 1], [], []>, transpose_lhs_hint = false} : vector<64x128xbf16>, vector<128x256xbf16>, vector<64x256xf32> -> vector<64x256xf32>
    %slice3A_1962 = vector.extract_strided_slice %dot_general3A_1961 {offsets = [0, 0], sizes = [64, 128], strides = [1, 1]} : vector<64x256xf32> to vector<64x128xf32>
    %add3A_1963 = arith.addf %slice3A_1962, %transpose3A : vector<64x128xf32>
    %slice3A_1964 = vector.extract_strided_slice %transpose3A {offsets = [0, 110], sizes = [64, 1], strides = [1, 1]} : vector<64x128xf32> to vector<64x1xf32>
    %add3A_1965 = vector.broadcast %slice3A_1964 : vector<64x1xf32> to vector<64x128xf32>
    %add3A_1966 = arith.addf %add3A_1963, %add3A_1965 : vector<64x128xf32>
    %swap3A_1967 = arith.constant 0 : index
    %swap3A_1968 = arith.constant 110 : index
    %swap3A_1969 = arith.constant 0 : index
    %swap3A_1970 = arith.constant 0 : index
    %swap3A_1971 = vector.load %arg6[%swap3A_1967, %swap3A_1968, %swap3A_1969, %swap3A_1970] : memref<2x128x64x128xf32, #tpu.memory_space<vmem>>, vector<1x1x64x128xf32>
    %swap3A_1972 = vector.shape_cast %swap3A_1971 : vector<1x1x64x128xf32> to vector<64x128xf32>
    %swap3A_1973 = vector.shape_cast %add3A_1966 : vector<64x128xf32> to vector<1x1x64x128xf32>
    tpu.vector_store %arg6[%swap3A_1967, %swap3A_1968, %swap3A_1969, %swap3A_1970], %swap3A_1973 {strides = array<i32>} : memref<2x128x64x128xf32, #tpu.memory_space<vmem>>, vector<1x1x64x128xf32>,
    %slice3A_1974 = vector.extract_strided_slice %dot_general3A_1961 {offsets = [0, 128], sizes = [64, 128], strides = [1, 1]} : vector<64x256xf32> to vector<64x128xf32>
    %add3A_1975 = arith.addf %slice3A_1974, %transpose3A : vector<64x128xf32>
    %slice3A_1976 = vector.extract_strided_slice %transpose3A {offsets = [0, 111], sizes = [64, 1], strides = [1, 1]} : vector<64x128xf32> to vector<64x1xf32>
    %add3A_1977 = vector.broadcast %slice3A_1976 : vector<64x1xf32> to vector<64x128xf32>
    %add3A_1978 = arith.addf %add3A_1975, %add3A_1977 : vector<64x128xf32>
    %swap3A_1979 = arith.constant 0 : index
    %swap3A_1980 = arith.constant 111 : index
    %swap3A_1981 = arith.constant 0 : index
    %swap3A_1982 = arith.constant 0 : index
    %swap3A_1983 = vector.load %arg6[%swap3A_1979, %swap3A_1980, %swap3A_1981, %swap3A_1982] : memref<2x128x64x128xf32, #tpu.memory_space<vmem>>, vector<1x1x64x128xf32>
    %swap3A_1984 = vector.shape_cast %swap3A_1983 : vector<1x1x64x128xf32> to vector<64x128xf32>
    %swap3A_1985 = vector.shape_cast %add3A_1978 : vector<64x128xf32> to vector<1x1x64x128xf32>
    tpu.vector_store %arg6[%swap3A_1979, %swap3A_1980, %swap3A_1981, %swap3A_1982], %swap3A_1985 {strides = array<i32>} : memref<2x128x64x128xf32, #tpu.memory_space<vmem>>, vector<1x1x64x128xf32>,
    %slice3A_1986 = vector.extract_strided_slice %select_n3A {offsets = [112, 0], sizes = [1, 128], strides = [1, 1]} : vector<128x128xi32> to vector<1x128xi32>
    %slice3A_1987 = vector.extract_strided_slice %select_n3A {offsets = [113, 0], sizes = [1, 128], strides = [1, 1]} : vector<128x128xi32> to vector<1x128xi32>
    %concatenate3A_1988 = tpu.concatenate %slice3A_1986, %slice3A_1987 in 1 : vector<1x128xi32>, vector<1x128xi32> -> vector<1x256xi32>
    %eq3A_1989 = vector.broadcast %iota3A : vector<128x1xi32> to vector<128x256xi32>
    %eq3A_1990 = vector.broadcast %concatenate3A_1988 : vector<1x256xi32> to vector<128x256xi32>
    %eq3A_1991 = arith.cmpi eq, %eq3A_1989, %eq3A_1990 : vector<128x256xi32>
    %convert_element_type3A_1992 = arith.extui %eq3A_1991 : vector<128x256xi1> to vector<128x256xi32>
    %convert_element_type3A_1993 = arith.sitofp %convert_element_type3A_1992 : vector<128x256xi32> to vector<128x256xf32>
    %convert_element_type3A_1994 = arith.truncf %convert_element_type3A_1993 : vector<128x256xf32> to vector<128x256xbf16>
    %dot_general3A_1995 = arith.constant dense<0.000000e+00> : vector<64x256xf32>
    %dot_general3A_1996 = tpu.matmul %convert_element_type3A, %convert_element_type3A_1994, %dot_general3A_1995 {dimension_numbers = #tpu.dot_dimension_numbers<[1], [0], [0], [1], [0, 0, 1, 1], [], []>, transpose_lhs_hint = false} : vector<64x128xbf16>, vector<128x256xbf16>, vector<64x256xf32> -> vector<64x256xf32>
    %slice3A_1997 = vector.extract_strided_slice %dot_general3A_1996 {offsets = [0, 0], sizes = [64, 128], strides = [1, 1]} : vector<64x256xf32> to vector<64x128xf32>
    %add3A_1998 = arith.addf %slice3A_1997, %transpose3A : vector<64x128xf32>
    %slice3A_1999 = vector.extract_strided_slice %transpose3A {offsets = [0, 112], sizes = [64, 1], strides = [1, 1]} : vector<64x128xf32> to vector<64x1xf32>
    %add3A_2000 = vector.broadcast %slice3A_1999 : vector<64x1xf32> to vector<64x128xf32>
    %add3A_2001 = arith.addf %add3A_1998, %add3A_2000 : vector<64x128xf32>
    %swap3A_2002 = arith.constant 0 : index
    %swap3A_2003 = arith.constant 112 : index
    %swap3A_2004 = arith.constant 0 : index
    %swap3A_2005 = arith.constant 0 : index
    %swap3A_2006 = vector.load %arg6[%swap3A_2002, %swap3A_2003, %swap3A_2004, %swap3A_2005] : memref<2x128x64x128xf32, #tpu.memory_space<vmem>>, vector<1x1x64x128xf32>
    %swap3A_2007 = vector.shape_cast %swap3A_2006 : vector<1x1x64x128xf32> to vector<64x128xf32>
    %swap3A_2008 = vector.shape_cast %add3A_2001 : vector<64x128xf32> to vector<1x1x64x128xf32>
    tpu.vector_store %arg6[%swap3A_2002, %swap3A_2003, %swap3A_2004, %swap3A_2005], %swap3A_2008 {strides = array<i32>} : memref<2x128x64x128xf32, #tpu.memory_space<vmem>>, vector<1x1x64x128xf32>,
    %slice3A_2009 = vector.extract_strided_slice %dot_general3A_1996 {offsets = [0, 128], sizes = [64, 128], strides = [1, 1]} : vector<64x256xf32> to vector<64x128xf32>
    %add3A_2010 = arith.addf %slice3A_2009, %transpose3A : vector<64x128xf32>
    %slice3A_2011 = vector.extract_strided_slice %transpose3A {offsets = [0, 113], sizes = [64, 1], strides = [1, 1]} : vector<64x128xf32> to vector<64x1xf32>
    %add3A_2012 = vector.broadcast %slice3A_2011 : vector<64x1xf32> to vector<64x128xf32>
    %add3A_2013 = arith.addf %add3A_2010, %add3A_2012 : vector<64x128xf32>
    %swap3A_2014 = arith.constant 0 : index
    %swap3A_2015 = arith.constant 113 : index
    %swap3A_2016 = arith.constant 0 : index
    %swap3A_2017 = arith.constant 0 : index
    %swap3A_2018 = vector.load %arg6[%swap3A_2014, %swap3A_2015, %swap3A_2016, %swap3A_2017] : memref<2x128x64x128xf32, #tpu.memory_space<vmem>>, vector<1x1x64x128xf32>
    %swap3A_2019 = vector.shape_cast %swap3A_2018 : vector<1x1x64x128xf32> to vector<64x128xf32>
    %swap3A_2020 = vector.shape_cast %add3A_2013 : vector<64x128xf32> to vector<1x1x64x128xf32>
    tpu.vector_store %arg6[%swap3A_2014, %swap3A_2015, %swap3A_2016, %swap3A_2017], %swap3A_2020 {strides = array<i32>} : memref<2x128x64x128xf32, #tpu.memory_space<vmem>>, vector<1x1x64x128xf32>,
    %slice3A_2021 = vector.extract_strided_slice %select_n3A {offsets = [114, 0], sizes = [1, 128], strides = [1, 1]} : vector<128x128xi32> to vector<1x128xi32>
    %slice3A_2022 = vector.extract_strided_slice %select_n3A {offsets = [115, 0], sizes = [1, 128], strides = [1, 1]} : vector<128x128xi32> to vector<1x128xi32>
    %concatenate3A_2023 = tpu.concatenate %slice3A_2021, %slice3A_2022 in 1 : vector<1x128xi32>, vector<1x128xi32> -> vector<1x256xi32>
    %eq3A_2024 = vector.broadcast %iota3A : vector<128x1xi32> to vector<128x256xi32>
    %eq3A_2025 = vector.broadcast %concatenate3A_2023 : vector<1x256xi32> to vector<128x256xi32>
    %eq3A_2026 = arith.cmpi eq, %eq3A_2024, %eq3A_2025 : vector<128x256xi32>
    %convert_element_type3A_2027 = arith.extui %eq3A_2026 : vector<128x256xi1> to vector<128x256xi32>
    %convert_element_type3A_2028 = arith.sitofp %convert_element_type3A_2027 : vector<128x256xi32> to vector<128x256xf32>
    %convert_element_type3A_2029 = arith.truncf %convert_element_type3A_2028 : vector<128x256xf32> to vector<128x256xbf16>
    %dot_general3A_2030 = arith.constant dense<0.000000e+00> : vector<64x256xf32>
    %dot_general3A_2031 = tpu.matmul %convert_element_type3A, %convert_element_type3A_2029, %dot_general3A_2030 {dimension_numbers = #tpu.dot_dimension_numbers<[1], [0], [0], [1], [0, 0, 1, 1], [], []>, transpose_lhs_hint = false} : vector<64x128xbf16>, vector<128x256xbf16>, vector<64x256xf32> -> vector<64x256xf32>
    %slice3A_2032 = vector.extract_strided_slice %dot_general3A_2031 {offsets = [0, 0], sizes = [64, 128], strides = [1, 1]} : vector<64x256xf32> to vector<64x128xf32>
    %add3A_2033 = arith.addf %slice3A_2032, %transpose3A : vector<64x128xf32>
    %slice3A_2034 = vector.extract_strided_slice %transpose3A {offsets = [0, 114], sizes = [64, 1], strides = [1, 1]} : vector<64x128xf32> to vector<64x1xf32>
    %add3A_2035 = vector.broadcast %slice3A_2034 : vector<64x1xf32> to vector<64x128xf32>
    %add3A_2036 = arith.addf %add3A_2033, %add3A_2035 : vector<64x128xf32>
    %swap3A_2037 = arith.constant 0 : index
    %swap3A_2038 = arith.constant 114 : index
    %swap3A_2039 = arith.constant 0 : index
    %swap3A_2040 = arith.constant 0 : index
    %swap3A_2041 = vector.load %arg6[%swap3A_2037, %swap3A_2038, %swap3A_2039, %swap3A_2040] : memref<2x128x64x128xf32, #tpu.memory_space<vmem>>, vector<1x1x64x128xf32>
    %swap3A_2042 = vector.shape_cast %swap3A_2041 : vector<1x1x64x128xf32> to vector<64x128xf32>
    %swap3A_2043 = vector.shape_cast %add3A_2036 : vector<64x128xf32> to vector<1x1x64x128xf32>
    tpu.vector_store %arg6[%swap3A_2037, %swap3A_2038, %swap3A_2039, %swap3A_2040], %swap3A_2043 {strides = array<i32>} : memref<2x128x64x128xf32, #tpu.memory_space<vmem>>, vector<1x1x64x128xf32>,
    %slice3A_2044 = vector.extract_strided_slice %dot_general3A_2031 {offsets = [0, 128], sizes = [64, 128], strides = [1, 1]} : vector<64x256xf32> to vector<64x128xf32>
    %add3A_2045 = arith.addf %slice3A_2044, %transpose3A : vector<64x128xf32>
    %slice3A_2046 = vector.extract_strided_slice %transpose3A {offsets = [0, 115], sizes = [64, 1], strides = [1, 1]} : vector<64x128xf32> to vector<64x1xf32>
    %add3A_2047 = vector.broadcast %slice3A_2046 : vector<64x1xf32> to vector<64x128xf32>
    %add3A_2048 = arith.addf %add3A_2045, %add3A_2047 : vector<64x128xf32>
    %swap3A_2049 = arith.constant 0 : index
    %swap3A_2050 = arith.constant 115 : index
    %swap3A_2051 = arith.constant 0 : index
    %swap3A_2052 = arith.constant 0 : index
    %swap3A_2053 = vector.load %arg6[%swap3A_2049, %swap3A_2050, %swap3A_2051, %swap3A_2052] : memref<2x128x64x128xf32, #tpu.memory_space<vmem>>, vector<1x1x64x128xf32>
    %swap3A_2054 = vector.shape_cast %swap3A_2053 : vector<1x1x64x128xf32> to vector<64x128xf32>
    %swap3A_2055 = vector.shape_cast %add3A_2048 : vector<64x128xf32> to vector<1x1x64x128xf32>
    tpu.vector_store %arg6[%swap3A_2049, %swap3A_2050, %swap3A_2051, %swap3A_2052], %swap3A_2055 {strides = array<i32>} : memref<2x128x64x128xf32, #tpu.memory_space<vmem>>, vector<1x1x64x128xf32>,
    %slice3A_2056 = vector.extract_strided_slice %select_n3A {offsets = [116, 0], sizes = [1, 128], strides = [1, 1]} : vector<128x128xi32> to vector<1x128xi32>
    %slice3A_2057 = vector.extract_strided_slice %select_n3A {offsets = [117, 0], sizes = [1, 128], strides = [1, 1]} : vector<128x128xi32> to vector<1x128xi32>
    %concatenate3A_2058 = tpu.concatenate %slice3A_2056, %slice3A_2057 in 1 : vector<1x128xi32>, vector<1x128xi32> -> vector<1x256xi32>
    %eq3A_2059 = vector.broadcast %iota3A : vector<128x1xi32> to vector<128x256xi32>
    %eq3A_2060 = vector.broadcast %concatenate3A_2058 : vector<1x256xi32> to vector<128x256xi32>
    %eq3A_2061 = arith.cmpi eq, %eq3A_2059, %eq3A_2060 : vector<128x256xi32>
    %convert_element_type3A_2062 = arith.extui %eq3A_2061 : vector<128x256xi1> to vector<128x256xi32>
    %convert_element_type3A_2063 = arith.sitofp %convert_element_type3A_2062 : vector<128x256xi32> to vector<128x256xf32>
    %convert_element_type3A_2064 = arith.truncf %convert_element_type3A_2063 : vector<128x256xf32> to vector<128x256xbf16>
    %dot_general3A_2065 = arith.constant dense<0.000000e+00> : vector<64x256xf32>
    %dot_general3A_2066 = tpu.matmul %convert_element_type3A, %convert_element_type3A_2064, %dot_general3A_2065 {dimension_numbers = #tpu.dot_dimension_numbers<[1], [0], [0], [1], [0, 0, 1, 1], [], []>, transpose_lhs_hint = false} : vector<64x128xbf16>, vector<128x256xbf16>, vector<64x256xf32> -> vector<64x256xf32>
    %slice3A_2067 = vector.extract_strided_slice %dot_general3A_2066 {offsets = [0, 0], sizes = [64, 128], strides = [1, 1]} : vector<64x256xf32> to vector<64x128xf32>
    %add3A_2068 = arith.addf %slice3A_2067, %transpose3A : vector<64x128xf32>
    %slice3A_2069 = vector.extract_strided_slice %transpose3A {offsets = [0, 116], sizes = [64, 1], strides = [1, 1]} : vector<64x128xf32> to vector<64x1xf32>
    %add3A_2070 = vector.broadcast %slice3A_2069 : vector<64x1xf32> to vector<64x128xf32>
    %add3A_2071 = arith.addf %add3A_2068, %add3A_2070 : vector<64x128xf32>
    %swap3A_2072 = arith.constant 0 : index
    %swap3A_2073 = arith.constant 116 : index
    %swap3A_2074 = arith.constant 0 : index
    %swap3A_2075 = arith.constant 0 : index
    %swap3A_2076 = vector.load %arg6[%swap3A_2072, %swap3A_2073, %swap3A_2074, %swap3A_2075] : memref<2x128x64x128xf32, #tpu.memory_space<vmem>>, vector<1x1x64x128xf32>
    %swap3A_2077 = vector.shape_cast %swap3A_2076 : vector<1x1x64x128xf32> to vector<64x128xf32>
    %swap3A_2078 = vector.shape_cast %add3A_2071 : vector<64x128xf32> to vector<1x1x64x128xf32>
    tpu.vector_store %arg6[%swap3A_2072, %swap3A_2073, %swap3A_2074, %swap3A_2075], %swap3A_2078 {strides = array<i32>} : memref<2x128x64x128xf32, #tpu.memory_space<vmem>>, vector<1x1x64x128xf32>,
    %slice3A_2079 = vector.extract_strided_slice %dot_general3A_2066 {offsets = [0, 128], sizes = [64, 128], strides = [1, 1]} : vector<64x256xf32> to vector<64x128xf32>
    %add3A_2080 = arith.addf %slice3A_2079, %transpose3A : vector<64x128xf32>
    %slice3A_2081 = vector.extract_strided_slice %transpose3A {offsets = [0, 117], sizes = [64, 1], strides = [1, 1]} : vector<64x128xf32> to vector<64x1xf32>
    %add3A_2082 = vector.broadcast %slice3A_2081 : vector<64x1xf32> to vector<64x128xf32>
    %add3A_2083 = arith.addf %add3A_2080, %add3A_2082 : vector<64x128xf32>
    %swap3A_2084 = arith.constant 0 : index
    %swap3A_2085 = arith.constant 117 : index
    %swap3A_2086 = arith.constant 0 : index
    %swap3A_2087 = arith.constant 0 : index
    %swap3A_2088 = vector.load %arg6[%swap3A_2084, %swap3A_2085, %swap3A_2086, %swap3A_2087] : memref<2x128x64x128xf32, #tpu.memory_space<vmem>>, vector<1x1x64x128xf32>
    %swap3A_2089 = vector.shape_cast %swap3A_2088 : vector<1x1x64x128xf32> to vector<64x128xf32>
    %swap3A_2090 = vector.shape_cast %add3A_2083 : vector<64x128xf32> to vector<1x1x64x128xf32>
    tpu.vector_store %arg6[%swap3A_2084, %swap3A_2085, %swap3A_2086, %swap3A_2087], %swap3A_2090 {strides = array<i32>} : memref<2x128x64x128xf32, #tpu.memory_space<vmem>>, vector<1x1x64x128xf32>,
    %slice3A_2091 = vector.extract_strided_slice %select_n3A {offsets = [118, 0], sizes = [1, 128], strides = [1, 1]} : vector<128x128xi32> to vector<1x128xi32>
    %slice3A_2092 = vector.extract_strided_slice %select_n3A {offsets = [119, 0], sizes = [1, 128], strides = [1, 1]} : vector<128x128xi32> to vector<1x128xi32>
    %concatenate3A_2093 = tpu.concatenate %slice3A_2091, %slice3A_2092 in 1 : vector<1x128xi32>, vector<1x128xi32> -> vector<1x256xi32>
    %eq3A_2094 = vector.broadcast %iota3A : vector<128x1xi32> to vector<128x256xi32>
    %eq3A_2095 = vector.broadcast %concatenate3A_2093 : vector<1x256xi32> to vector<128x256xi32>
    %eq3A_2096 = arith.cmpi eq, %eq3A_2094, %eq3A_2095 : vector<128x256xi32>
    %convert_element_type3A_2097 = arith.extui %eq3A_2096 : vector<128x256xi1> to vector<128x256xi32>
    %convert_element_type3A_2098 = arith.sitofp %convert_element_type3A_2097 : vector<128x256xi32> to vector<128x256xf32>
    %convert_element_type3A_2099 = arith.truncf %convert_element_type3A_2098 : vector<128x256xf32> to vector<128x256xbf16>
    %dot_general3A_2100 = arith.constant dense<0.000000e+00> : vector<64x256xf32>
    %dot_general3A_2101 = tpu.matmul %convert_element_type3A, %convert_element_type3A_2099, %dot_general3A_2100 {dimension_numbers = #tpu.dot_dimension_numbers<[1], [0], [0], [1], [0, 0, 1, 1], [], []>, transpose_lhs_hint = false} : vector<64x128xbf16>, vector<128x256xbf16>, vector<64x256xf32> -> vector<64x256xf32>
    %slice3A_2102 = vector.extract_strided_slice %dot_general3A_2101 {offsets = [0, 0], sizes = [64, 128], strides = [1, 1]} : vector<64x256xf32> to vector<64x128xf32>
    %add3A_2103 = arith.addf %slice3A_2102, %transpose3A : vector<64x128xf32>
    %slice3A_2104 = vector.extract_strided_slice %transpose3A {offsets = [0, 118], sizes = [64, 1], strides = [1, 1]} : vector<64x128xf32> to vector<64x1xf32>
    %add3A_2105 = vector.broadcast %slice3A_2104 : vector<64x1xf32> to vector<64x128xf32>
    %add3A_2106 = arith.addf %add3A_2103, %add3A_2105 : vector<64x128xf32>
    %swap3A_2107 = arith.constant 0 : index
    %swap3A_2108 = arith.constant 118 : index
    %swap3A_2109 = arith.constant 0 : index
    %swap3A_2110 = arith.constant 0 : index
    %swap3A_2111 = vector.load %arg6[%swap3A_2107, %swap3A_2108, %swap3A_2109, %swap3A_2110] : memref<2x128x64x128xf32, #tpu.memory_space<vmem>>, vector<1x1x64x128xf32>
    %swap3A_2112 = vector.shape_cast %swap3A_2111 : vector<1x1x64x128xf32> to vector<64x128xf32>
    %swap3A_2113 = vector.shape_cast %add3A_2106 : vector<64x128xf32> to vector<1x1x64x128xf32>
    tpu.vector_store %arg6[%swap3A_2107, %swap3A_2108, %swap3A_2109, %swap3A_2110], %swap3A_2113 {strides = array<i32>} : memref<2x128x64x128xf32, #tpu.memory_space<vmem>>, vector<1x1x64x128xf32>,
    %slice3A_2114 = vector.extract_strided_slice %dot_general3A_2101 {offsets = [0, 128], sizes = [64, 128], strides = [1, 1]} : vector<64x256xf32> to vector<64x128xf32>
    %add3A_2115 = arith.addf %slice3A_2114, %transpose3A : vector<64x128xf32>
    %slice3A_2116 = vector.extract_strided_slice %transpose3A {offsets = [0, 119], sizes = [64, 1], strides = [1, 1]} : vector<64x128xf32> to vector<64x1xf32>
    %add3A_2117 = vector.broadcast %slice3A_2116 : vector<64x1xf32> to vector<64x128xf32>
    %add3A_2118 = arith.addf %add3A_2115, %add3A_2117 : vector<64x128xf32>
    %swap3A_2119 = arith.constant 0 : index
    %swap3A_2120 = arith.constant 119 : index
    %swap3A_2121 = arith.constant 0 : index
    %swap3A_2122 = arith.constant 0 : index
    %swap3A_2123 = vector.load %arg6[%swap3A_2119, %swap3A_2120, %swap3A_2121, %swap3A_2122] : memref<2x128x64x128xf32, #tpu.memory_space<vmem>>, vector<1x1x64x128xf32>
    %swap3A_2124 = vector.shape_cast %swap3A_2123 : vector<1x1x64x128xf32> to vector<64x128xf32>
    %swap3A_2125 = vector.shape_cast %add3A_2118 : vector<64x128xf32> to vector<1x1x64x128xf32>
    tpu.vector_store %arg6[%swap3A_2119, %swap3A_2120, %swap3A_2121, %swap3A_2122], %swap3A_2125 {strides = array<i32>} : memref<2x128x64x128xf32, #tpu.memory_space<vmem>>, vector<1x1x64x128xf32>,
    %slice3A_2126 = vector.extract_strided_slice %select_n3A {offsets = [120, 0], sizes = [1, 128], strides = [1, 1]} : vector<128x128xi32> to vector<1x128xi32>
    %slice3A_2127 = vector.extract_strided_slice %select_n3A {offsets = [121, 0], sizes = [1, 128], strides = [1, 1]} : vector<128x128xi32> to vector<1x128xi32>
    %concatenate3A_2128 = tpu.concatenate %slice3A_2126, %slice3A_2127 in 1 : vector<1x128xi32>, vector<1x128xi32> -> vector<1x256xi32>
    %eq3A_2129 = vector.broadcast %iota3A : vector<128x1xi32> to vector<128x256xi32>
    %eq3A_2130 = vector.broadcast %concatenate3A_2128 : vector<1x256xi32> to vector<128x256xi32>
    %eq3A_2131 = arith.cmpi eq, %eq3A_2129, %eq3A_2130 : vector<128x256xi32>
    %convert_element_type3A_2132 = arith.extui %eq3A_2131 : vector<128x256xi1> to vector<128x256xi32>
    %convert_element_type3A_2133 = arith.sitofp %convert_element_type3A_2132 : vector<128x256xi32> to vector<128x256xf32>
    %convert_element_type3A_2134 = arith.truncf %convert_element_type3A_2133 : vector<128x256xf32> to vector<128x256xbf16>
    %dot_general3A_2135 = arith.constant dense<0.000000e+00> : vector<64x256xf32>
    %dot_general3A_2136 = tpu.matmul %convert_element_type3A, %convert_element_type3A_2134, %dot_general3A_2135 {dimension_numbers = #tpu.dot_dimension_numbers<[1], [0], [0], [1], [0, 0, 1, 1], [], []>, transpose_lhs_hint = false} : vector<64x128xbf16>, vector<128x256xbf16>, vector<64x256xf32> -> vector<64x256xf32>
    %slice3A_2137 = vector.extract_strided_slice %dot_general3A_2136 {offsets = [0, 0], sizes = [64, 128], strides = [1, 1]} : vector<64x256xf32> to vector<64x128xf32>
    %add3A_2138 = arith.addf %slice3A_2137, %transpose3A : vector<64x128xf32>
    %slice3A_2139 = vector.extract_strided_slice %transpose3A {offsets = [0, 120], sizes = [64, 1], strides = [1, 1]} : vector<64x128xf32> to vector<64x1xf32>
    %add3A_2140 = vector.broadcast %slice3A_2139 : vector<64x1xf32> to vector<64x128xf32>
    %add3A_2141 = arith.addf %add3A_2138, %add3A_2140 : vector<64x128xf32>
    %swap3A_2142 = arith.constant 0 : index
    %swap3A_2143 = arith.constant 120 : index
    %swap3A_2144 = arith.constant 0 : index
    %swap3A_2145 = arith.constant 0 : index
    %swap3A_2146 = vector.load %arg6[%swap3A_2142, %swap3A_2143, %swap3A_2144, %swap3A_2145] : memref<2x128x64x128xf32, #tpu.memory_space<vmem>>, vector<1x1x64x128xf32>
    %swap3A_2147 = vector.shape_cast %swap3A_2146 : vector<1x1x64x128xf32> to vector<64x128xf32>
    %swap3A_2148 = vector.shape_cast %add3A_2141 : vector<64x128xf32> to vector<1x1x64x128xf32>
    tpu.vector_store %arg6[%swap3A_2142, %swap3A_2143, %swap3A_2144, %swap3A_2145], %swap3A_2148 {strides = array<i32>} : memref<2x128x64x128xf32, #tpu.memory_space<vmem>>, vector<1x1x64x128xf32>,
    %slice3A_2149 = vector.extract_strided_slice %dot_general3A_2136 {offsets = [0, 128], sizes = [64, 128], strides = [1, 1]} : vector<64x256xf32> to vector<64x128xf32>
    %add3A_2150 = arith.addf %slice3A_2149, %transpose3A : vector<64x128xf32>
    %slice3A_2151 = vector.extract_strided_slice %transpose3A {offsets = [0, 121], sizes = [64, 1], strides = [1, 1]} : vector<64x128xf32> to vector<64x1xf32>
    %add3A_2152 = vector.broadcast %slice3A_2151 : vector<64x1xf32> to vector<64x128xf32>
    %add3A_2153 = arith.addf %add3A_2150, %add3A_2152 : vector<64x128xf32>
    %swap3A_2154 = arith.constant 0 : index
    %swap3A_2155 = arith.constant 121 : index
    %swap3A_2156 = arith.constant 0 : index
    %swap3A_2157 = arith.constant 0 : index
    %swap3A_2158 = vector.load %arg6[%swap3A_2154, %swap3A_2155, %swap3A_2156, %swap3A_2157] : memref<2x128x64x128xf32, #tpu.memory_space<vmem>>, vector<1x1x64x128xf32>
    %swap3A_2159 = vector.shape_cast %swap3A_2158 : vector<1x1x64x128xf32> to vector<64x128xf32>
    %swap3A_2160 = vector.shape_cast %add3A_2153 : vector<64x128xf32> to vector<1x1x64x128xf32>
    tpu.vector_store %arg6[%swap3A_2154, %swap3A_2155, %swap3A_2156, %swap3A_2157], %swap3A_2160 {strides = array<i32>} : memref<2x128x64x128xf32, #tpu.memory_space<vmem>>, vector<1x1x64x128xf32>,
    %slice3A_2161 = vector.extract_strided_slice %select_n3A {offsets = [122, 0], sizes = [1, 128], strides = [1, 1]} : vector<128x128xi32> to vector<1x128xi32>
    %slice3A_2162 = vector.extract_strided_slice %select_n3A {offsets = [123, 0], sizes = [1, 128], strides = [1, 1]} : vector<128x128xi32> to vector<1x128xi32>
    %concatenate3A_2163 = tpu.concatenate %slice3A_2161, %slice3A_2162 in 1 : vector<1x128xi32>, vector<1x128xi32> -> vector<1x256xi32>
    %eq3A_2164 = vector.broadcast %iota3A : vector<128x1xi32> to vector<128x256xi32>
    %eq3A_2165 = vector.broadcast %concatenate3A_2163 : vector<1x256xi32> to vector<128x256xi32>
    %eq3A_2166 = arith.cmpi eq, %eq3A_2164, %eq3A_2165 : vector<128x256xi32>
    %convert_element_type3A_2167 = arith.extui %eq3A_2166 : vector<128x256xi1> to vector<128x256xi32>
    %convert_element_type3A_2168 = arith.sitofp %convert_element_type3A_2167 : vector<128x256xi32> to vector<128x256xf32>
    %convert_element_type3A_2169 = arith.truncf %convert_element_type3A_2168 : vector<128x256xf32> to vector<128x256xbf16>
    %dot_general3A_2170 = arith.constant dense<0.000000e+00> : vector<64x256xf32>
    %dot_general3A_2171 = tpu.matmul %convert_element_type3A, %convert_element_type3A_2169, %dot_general3A_2170 {dimension_numbers = #tpu.dot_dimension_numbers<[1], [0], [0], [1], [0, 0, 1, 1], [], []>, transpose_lhs_hint = false} : vector<64x128xbf16>, vector<128x256xbf16>, vector<64x256xf32> -> vector<64x256xf32>
    %slice3A_2172 = vector.extract_strided_slice %dot_general3A_2171 {offsets = [0, 0], sizes = [64, 128], strides = [1, 1]} : vector<64x256xf32> to vector<64x128xf32>
    %add3A_2173 = arith.addf %slice3A_2172, %transpose3A : vector<64x128xf32>
    %slice3A_2174 = vector.extract_strided_slice %transpose3A {offsets = [0, 122], sizes = [64, 1], strides = [1, 1]} : vector<64x128xf32> to vector<64x1xf32>
    %add3A_2175 = vector.broadcast %slice3A_2174 : vector<64x1xf32> to vector<64x128xf32>
    %add3A_2176 = arith.addf %add3A_2173, %add3A_2175 : vector<64x128xf32>
    %swap3A_2177 = arith.constant 0 : index
    %swap3A_2178 = arith.constant 122 : index
    %swap3A_2179 = arith.constant 0 : index
    %swap3A_2180 = arith.constant 0 : index
    %swap3A_2181 = vector.load %arg6[%swap3A_2177, %swap3A_2178, %swap3A_2179, %swap3A_2180] : memref<2x128x64x128xf32, #tpu.memory_space<vmem>>, vector<1x1x64x128xf32>
    %swap3A_2182 = vector.shape_cast %swap3A_2181 : vector<1x1x64x128xf32> to vector<64x128xf32>
    %swap3A_2183 = vector.shape_cast %add3A_2176 : vector<64x128xf32> to vector<1x1x64x128xf32>
    tpu.vector_store %arg6[%swap3A_2177, %swap3A_2178, %swap3A_2179, %swap3A_2180], %swap3A_2183 {strides = array<i32>} : memref<2x128x64x128xf32, #tpu.memory_space<vmem>>, vector<1x1x64x128xf32>,
    %slice3A_2184 = vector.extract_strided_slice %dot_general3A_2171 {offsets = [0, 128], sizes = [64, 128], strides = [1, 1]} : vector<64x256xf32> to vector<64x128xf32>
    %add3A_2185 = arith.addf %slice3A_2184, %transpose3A : vector<64x128xf32>
    %slice3A_2186 = vector.extract_strided_slice %transpose3A {offsets = [0, 123], sizes = [64, 1], strides = [1, 1]} : vector<64x128xf32> to vector<64x1xf32>
    %add3A_2187 = vector.broadcast %slice3A_2186 : vector<64x1xf32> to vector<64x128xf32>
    %add3A_2188 = arith.addf %add3A_2185, %add3A_2187 : vector<64x128xf32>
    %swap3A_2189 = arith.constant 0 : index
    %swap3A_2190 = arith.constant 123 : index
    %swap3A_2191 = arith.constant 0 : index
    %swap3A_2192 = arith.constant 0 : index
    %swap3A_2193 = vector.load %arg6[%swap3A_2189, %swap3A_2190, %swap3A_2191, %swap3A_2192] : memref<2x128x64x128xf32, #tpu.memory_space<vmem>>, vector<1x1x64x128xf32>
    %swap3A_2194 = vector.shape_cast %swap3A_2193 : vector<1x1x64x128xf32> to vector<64x128xf32>
    %swap3A_2195 = vector.shape_cast %add3A_2188 : vector<64x128xf32> to vector<1x1x64x128xf32>
    tpu.vector_store %arg6[%swap3A_2189, %swap3A_2190, %swap3A_2191, %swap3A_2192], %swap3A_2195 {strides = array<i32>} : memref<2x128x64x128xf32, #tpu.memory_space<vmem>>, vector<1x1x64x128xf32>,
    %slice3A_2196 = vector.extract_strided_slice %select_n3A {offsets = [124, 0], sizes = [1, 128], strides = [1, 1]} : vector<128x128xi32> to vector<1x128xi32>
    %slice3A_2197 = vector.extract_strided_slice %select_n3A {offsets = [125, 0], sizes = [1, 128], strides = [1, 1]} : vector<128x128xi32> to vector<1x128xi32>
    %concatenate3A_2198 = tpu.concatenate %slice3A_2196, %slice3A_2197 in 1 : vector<1x128xi32>, vector<1x128xi32> -> vector<1x256xi32>
    %eq3A_2199 = vector.broadcast %iota3A : vector<128x1xi32> to vector<128x256xi32>
    %eq3A_2200 = vector.broadcast %concatenate3A_2198 : vector<1x256xi32> to vector<128x256xi32>
    %eq3A_2201 = arith.cmpi eq, %eq3A_2199, %eq3A_2200 : vector<128x256xi32>
    %convert_element_type3A_2202 = arith.extui %eq3A_2201 : vector<128x256xi1> to vector<128x256xi32>
    %convert_element_type3A_2203 = arith.sitofp %convert_element_type3A_2202 : vector<128x256xi32> to vector<128x256xf32>
    %convert_element_type3A_2204 = arith.truncf %convert_element_type3A_2203 : vector<128x256xf32> to vector<128x256xbf16>
    %dot_general3A_2205 = arith.constant dense<0.000000e+00> : vector<64x256xf32>
    %dot_general3A_2206 = tpu.matmul %convert_element_type3A, %convert_element_type3A_2204, %dot_general3A_2205 {dimension_numbers = #tpu.dot_dimension_numbers<[1], [0], [0], [1], [0, 0, 1, 1], [], []>, transpose_lhs_hint = false} : vector<64x128xbf16>, vector<128x256xbf16>, vector<64x256xf32> -> vector<64x256xf32>
    %slice3A_2207 = vector.extract_strided_slice %dot_general3A_2206 {offsets = [0, 0], sizes = [64, 128], strides = [1, 1]} : vector<64x256xf32> to vector<64x128xf32>
    %add3A_2208 = arith.addf %slice3A_2207, %transpose3A : vector<64x128xf32>
    %slice3A_2209 = vector.extract_strided_slice %transpose3A {offsets = [0, 124], sizes = [64, 1], strides = [1, 1]} : vector<64x128xf32> to vector<64x1xf32>
    %add3A_2210 = vector.broadcast %slice3A_2209 : vector<64x1xf32> to vector<64x128xf32>
    %add3A_2211 = arith.addf %add3A_2208, %add3A_2210 : vector<64x128xf32>
    %swap3A_2212 = arith.constant 0 : index
    %swap3A_2213 = arith.constant 124 : index
    %swap3A_2214 = arith.constant 0 : index
    %swap3A_2215 = arith.constant 0 : index
    %swap3A_2216 = vector.load %arg6[%swap3A_2212, %swap3A_2213, %swap3A_2214, %swap3A_2215] : memref<2x128x64x128xf32, #tpu.memory_space<vmem>>, vector<1x1x64x128xf32>
    %swap3A_2217 = vector.shape_cast %swap3A_2216 : vector<1x1x64x128xf32> to vector<64x128xf32>
    %swap3A_2218 = vector.shape_cast %add3A_2211 : vector<64x128xf32> to vector<1x1x64x128xf32>
    tpu.vector_store %arg6[%swap3A_2212, %swap3A_2213, %swap3A_2214, %swap3A_2215], %swap3A_2218 {strides = array<i32>} : memref<2x128x64x128xf32, #tpu.memory_space<vmem>>, vector<1x1x64x128xf32>,
    %slice3A_2219 = vector.extract_strided_slice %dot_general3A_2206 {offsets = [0, 128], sizes = [64, 128], strides = [1, 1]} : vector<64x256xf32> to vector<64x128xf32>
    %add3A_2220 = arith.addf %slice3A_2219, %transpose3A : vector<64x128xf32>
    %slice3A_2221 = vector.extract_strided_slice %transpose3A {offsets = [0, 125], sizes = [64, 1], strides = [1, 1]} : vector<64x128xf32> to vector<64x1xf32>
    %add3A_2222 = vector.broadcast %slice3A_2221 : vector<64x1xf32> to vector<64x128xf32>
    %add3A_2223 = arith.addf %add3A_2220, %add3A_2222 : vector<64x128xf32>
    %swap3A_2224 = arith.constant 0 : index
    %swap3A_2225 = arith.constant 125 : index
    %swap3A_2226 = arith.constant 0 : index
    %swap3A_2227 = arith.constant 0 : index
    %swap3A_2228 = vector.load %arg6[%swap3A_2224, %swap3A_2225, %swap3A_2226, %swap3A_2227] : memref<2x128x64x128xf32, #tpu.memory_space<vmem>>, vector<1x1x64x128xf32>
    %swap3A_2229 = vector.shape_cast %swap3A_2228 : vector<1x1x64x128xf32> to vector<64x128xf32>
    %swap3A_2230 = vector.shape_cast %add3A_2223 : vector<64x128xf32> to vector<1x1x64x128xf32>
    tpu.vector_store %arg6[%swap3A_2224, %swap3A_2225, %swap3A_2226, %swap3A_2227], %swap3A_2230 {strides = array<i32>} : memref<2x128x64x128xf32, #tpu.memory_space<vmem>>, vector<1x1x64x128xf32>,
    %slice3A_2231 = vector.extract_strided_slice %select_n3A {offsets = [126, 0], sizes = [1, 128], strides = [1, 1]} : vector<128x128xi32> to vector<1x128xi32>
    %slice3A_2232 = vector.extract_strided_slice %select_n3A {offsets = [127, 0], sizes = [1, 128], strides = [1, 1]} : vector<128x128xi32> to vector<1x128xi32>
    %concatenate3A_2233 = tpu.concatenate %slice3A_2231, %slice3A_2232 in 1 : vector<1x128xi32>, vector<1x128xi32> -> vector<1x256xi32>
    %eq3A_2234 = vector.broadcast %iota3A : vector<128x1xi32> to vector<128x256xi32>
    %eq3A_2235 = vector.broadcast %concatenate3A_2233 : vector<1x256xi32> to vector<128x256xi32>
    %eq3A_2236 = arith.cmpi eq, %eq3A_2234, %eq3A_2235 : vector<128x256xi32>
    %convert_element_type3A_2237 = arith.extui %eq3A_2236 : vector<128x256xi1> to vector<128x256xi32>
    %convert_element_type3A_2238 = arith.sitofp %convert_element_type3A_2237 : vector<128x256xi32> to vector<128x256xf32>
    %convert_element_type3A_2239 = arith.truncf %convert_element_type3A_2238 : vector<128x256xf32> to vector<128x256xbf16>
    %dot_general3A_2240 = arith.constant dense<0.000000e+00> : vector<64x256xf32>
    %dot_general3A_2241 = tpu.matmul %convert_element_type3A, %convert_element_type3A_2239, %dot_general3A_2240 {dimension_numbers = #tpu.dot_dimension_numbers<[1], [0], [0], [1], [0, 0, 1, 1], [], []>, transpose_lhs_hint = false} : vector<64x128xbf16>, vector<128x256xbf16>, vector<64x256xf32> -> vector<64x256xf32>
    %slice3A_2242 = vector.extract_strided_slice %dot_general3A_2241 {offsets = [0, 0], sizes = [64, 128], strides = [1, 1]} : vector<64x256xf32> to vector<64x128xf32>
    %add3A_2243 = arith.addf %slice3A_2242, %transpose3A : vector<64x128xf32>
    %slice3A_2244 = vector.extract_strided_slice %transpose3A {offsets = [0, 126], sizes = [64, 1], strides = [1, 1]} : vector<64x128xf32> to vector<64x1xf32>
    %add3A_2245 = vector.broadcast %slice3A_2244 : vector<64x1xf32> to vector<64x128xf32>
    %add3A_2246 = arith.addf %add3A_2243, %add3A_2245 : vector<64x128xf32>
    %swap3A_2247 = arith.constant 0 : index
    %swap3A_2248 = arith.constant 126 : index
    %swap3A_2249 = arith.constant 0 : index
    %swap3A_2250 = arith.constant 0 : index
    %swap3A_2251 = vector.load %arg6[%swap3A_2247, %swap3A_2248, %swap3A_2249, %swap3A_2250] : memref<2x128x64x128xf32, #tpu.memory_space<vmem>>, vector<1x1x64x128xf32>
    %swap3A_2252 = vector.shape_cast %swap3A_2251 : vector<1x1x64x128xf32> to vector<64x128xf32>
    %swap3A_2253 = vector.shape_cast %add3A_2246 : vector<64x128xf32> to vector<1x1x64x128xf32>
    tpu.vector_store %arg6[%swap3A_2247, %swap3A_2248, %swap3A_2249, %swap3A_2250], %swap3A_2253 {strides = array<i32>} : memref<2x128x64x128xf32, #tpu.memory_space<vmem>>, vector<1x1x64x128xf32>,
    %slice3A_2254 = vector.extract_strided_slice %dot_general3A_2241 {offsets = [0, 128], sizes = [64, 128], strides = [1, 1]} : vector<64x256xf32> to vector<64x128xf32>
    %add3A_2255 = arith.addf %slice3A_2254, %transpose3A : vector<64x128xf32>
    %slice3A_2256 = vector.extract_strided_slice %transpose3A {offsets = [0, 127], sizes = [64, 1], strides = [1, 1]} : vector<64x128xf32> to vector<64x1xf32>
    %add3A_2257 = vector.broadcast %slice3A_2256 : vector<64x1xf32> to vector<64x128xf32>
    %add3A_2258 = arith.addf %add3A_2255, %add3A_2257 : vector<64x128xf32>
    %swap3A_2259 = arith.constant 0 : index
    %swap3A_2260 = arith.constant 127 : index
    %swap3A_2261 = arith.constant 0 : index
    %swap3A_2262 = arith.constant 0 : index
    %swap3A_2263 = vector.load %arg6[%swap3A_2259, %swap3A_2260, %swap3A_2261, %swap3A_2262] : memref<2x128x64x128xf32, #tpu.memory_space<vmem>>, vector<1x1x64x128xf32>
    %swap3A_2264 = vector.shape_cast %swap3A_2263 : vector<1x1x64x128xf32> to vector<64x128xf32>
    %swap3A_2265 = vector.shape_cast %add3A_2258 : vector<64x128xf32> to vector<1x1x64x128xf32>
    tpu.vector_store %arg6[%swap3A_2259, %swap3A_2260, %swap3A_2261, %swap3A_2262], %swap3A_2265 {strides = array<i32>} : memref<2x128x64x128xf32, #tpu.memory_space<vmem>>, vector<1x1x64x128xf32>,
    %get3A_2266 = arith.constant 1 : index
    %get3A_2267 = arith.constant 0 : index
    %get3A_2268 = arith.constant 0 : index
    %get3A_2269 = vector.load %arg3[%get3A_2266, %get3A_2267, %get3A_2268] : memref<2x128x64xf32, #tpu.memory_space<vmem>>, vector<1x128x64xf32>
    %get3A_2270 = vector.shape_cast %get3A_2269 : vector<1x128x64xf32> to vector<128x64xf32>
    %transpose3A_2271 = tpu.transpose %get3A_2270, [1, 0] : vector<128x64xf32> -> vector<64x128xf32>
    %get3A_2272 = arith.constant 1 : index
    %get3A_2273 = arith.constant 0 : index
    %get3A_2274 = arith.constant 0 : index
    %get3A_2275 = vector.load %arg4[%get3A_2272, %get3A_2273, %get3A_2274] : memref<2x128x64xf32, #tpu.memory_space<vmem>>, vector<1x128x64xf32>
    %get3A_2276 = vector.shape_cast %get3A_2275 : vector<1x128x64xf32> to vector<128x64xf32>
    %transpose3A_2277 = tpu.transpose %get3A_2276, [1, 0] : vector<128x64xf32> -> vector<64x128xf32>
    %add3A_2278 = arith.addf %transpose3A_2277, %transpose3A_2271 : vector<64x128xf32>
    %swap3A_2279 = arith.constant 1 : index
    %swap3A_2280 = arith.constant 0 : index
    %swap3A_2281 = arith.constant 0 : index
    %swap3A_2282 = vector.load %arg7[%swap3A_2279, %swap3A_2280, %swap3A_2281] : memref<2x64x128xf32, #tpu.memory_space<vmem>>, vector<1x64x128xf32>
    %swap3A_2283 = vector.shape_cast %swap3A_2282 : vector<1x64x128xf32> to vector<64x128xf32>
    %swap3A_2284 = vector.shape_cast %add3A_2278 : vector<64x128xf32> to vector<1x64x128xf32>
    tpu.vector_store %arg7[%swap3A_2279, %swap3A_2280, %swap3A_2281], %swap3A_2284 {strides = array<i32>} : memref<2x64x128xf32, #tpu.memory_space<vmem>>, vector<1x64x128xf32>,
    %gt3A_2285 = arith.cmpi sgt, %iota3A_2, %iota3A_3 : vector<128x128xi32>
    %get3A_2286 = arith.constant 1 : index
    %get3A_2287 = arith.constant 0 : index
    %get3A_2288 = arith.constant 0 : index
    %get3A_2289 = vector.load %arg2[%get3A_2286, %get3A_2287, %get3A_2288] : memref<2x128x128xi32, #tpu.memory_space<vmem>>, vector<1x128x128xi32>
    %get3A_2290 = vector.shape_cast %get3A_2289 : vector<1x128x128xi32> to vector<128x128xi32>
    %get3A_2291 = arith.constant 1 : index
    %get3A_2292 = arith.constant 0 : index
    %get3A_2293 = arith.constant 0 : index
    %get3A_2294 = vector.load %arg1[%get3A_2291, %get3A_2292, %get3A_2293] : memref<2x128x128xi32, #tpu.memory_space<vmem>>, vector<1x128x128xi32>
    %get3A_2295 = vector.shape_cast %get3A_2294 : vector<1x128x128xi32> to vector<128x128xi32>
    %select_n3A_2296 = arith.select %gt3A_2285, %get3A_2290, %get3A_2295 : vector<128x128xi1>, vector<128x128xi32>
    %slice3A_2297 = vector.extract_strided_slice %select_n3A_2296 {offsets = [0, 0], sizes = [1, 128], strides = [1, 1]} : vector<128x128xi32> to vector<1x128xi32>
    %slice3A_2298 = vector.extract_strided_slice %select_n3A_2296 {offsets = [1, 0], sizes = [1, 128], strides = [1, 1]} : vector<128x128xi32> to vector<1x128xi32>
    %concatenate3A_2299 = tpu.concatenate %slice3A_2297, %slice3A_2298 in 1 : vector<1x128xi32>, vector<1x128xi32> -> vector<1x256xi32>
    %eq3A_2300 = vector.broadcast %iota3A : vector<128x1xi32> to vector<128x256xi32>
    %eq3A_2301 = vector.broadcast %concatenate3A_2299 : vector<1x256xi32> to vector<128x256xi32>
    %eq3A_2302 = arith.cmpi eq, %eq3A_2300, %eq3A_2301 : vector<128x256xi32>
    %convert_element_type3A_2303 = arith.extui %eq3A_2302 : vector<128x256xi1> to vector<128x256xi32>
    %convert_element_type3A_2304 = arith.sitofp %convert_element_type3A_2303 : vector<128x256xi32> to vector<128x256xf32>
    %convert_element_type3A_2305 = arith.truncf %convert_element_type3A_2304 : vector<128x256xf32> to vector<128x256xbf16>
    %dot_general3A_2306 = arith.constant dense<0.000000e+00> : vector<64x256xf32>
    %dot_general3A_2307 = tpu.matmul %convert_element_type3A, %convert_element_type3A_2305, %dot_general3A_2306 {dimension_numbers = #tpu.dot_dimension_numbers<[1], [0], [0], [1], [0, 0, 1, 1], [], []>, transpose_lhs_hint = false} : vector<64x128xbf16>, vector<128x256xbf16>, vector<64x256xf32> -> vector<64x256xf32>
    %slice3A_2308 = vector.extract_strided_slice %dot_general3A_2307 {offsets = [0, 0], sizes = [64, 128], strides = [1, 1]} : vector<64x256xf32> to vector<64x128xf32>
    %add3A_2309 = arith.addf %slice3A_2308, %transpose3A_2271 : vector<64x128xf32>
    %slice3A_2310 = vector.extract_strided_slice %transpose3A_2271 {offsets = [0, 0], sizes = [64, 1], strides = [1, 1]} : vector<64x128xf32> to vector<64x1xf32>
    %add3A_2311 = vector.broadcast %slice3A_2310 : vector<64x1xf32> to vector<64x128xf32>
    %add3A_2312 = arith.addf %add3A_2309, %add3A_2311 : vector<64x128xf32>
    %swap3A_2313 = arith.constant 1 : index
    %swap3A_2314 = arith.constant 0 : index
    %swap3A_2315 = arith.constant 0 : index
    %swap3A_2316 = arith.constant 0 : index
    %swap3A_2317 = vector.load %arg6[%swap3A_2313, %swap3A_2314, %swap3A_2315, %swap3A_2316] : memref<2x128x64x128xf32, #tpu.memory_space<vmem>>, vector<1x1x64x128xf32>
    %swap3A_2318 = vector.shape_cast %swap3A_2317 : vector<1x1x64x128xf32> to vector<64x128xf32>
    %swap3A_2319 = vector.shape_cast %add3A_2312 : vector<64x128xf32> to vector<1x1x64x128xf32>
    tpu.vector_store %arg6[%swap3A_2313, %swap3A_2314, %swap3A_2315, %swap3A_2316], %swap3A_2319 {strides = array<i32>} : memref<2x128x64x128xf32, #tpu.memory_space<vmem>>, vector<1x1x64x128xf32>,
    %slice3A_2320 = vector.extract_strided_slice %dot_general3A_2307 {offsets = [0, 128], sizes = [64, 128], strides = [1, 1]} : vector<64x256xf32> to vector<64x128xf32>
    %add3A_2321 = arith.addf %slice3A_2320, %transpose3A_2271 : vector<64x128xf32>
    %slice3A_2322 = vector.extract_strided_slice %transpose3A_2271 {offsets = [0, 1], sizes = [64, 1], strides = [1, 1]} : vector<64x128xf32> to vector<64x1xf32>
    %add3A_2323 = vector.broadcast %slice3A_2322 : vector<64x1xf32> to vector<64x128xf32>
    %add3A_2324 = arith.addf %add3A_2321, %add3A_2323 : vector<64x128xf32>
    %swap3A_2325 = arith.constant 1 : index
    %swap3A_2326 = arith.constant 1 : index
    %swap3A_2327 = arith.constant 0 : index
    %swap3A_2328 = arith.constant 0 : index
    %swap3A_2329 = vector.load %arg6[%swap3A_2325, %swap3A_2326, %swap3A_2327, %swap3A_2328] : memref<2x128x64x128xf32, #tpu.memory_space<vmem>>, vector<1x1x64x128xf32>
    %swap3A_2330 = vector.shape_cast %swap3A_2329 : vector<1x1x64x128xf32> to vector<64x128xf32>
    %swap3A_2331 = vector.shape_cast %add3A_2324 : vector<64x128xf32> to vector<1x1x64x128xf32>
    tpu.vector_store %arg6[%swap3A_2325, %swap3A_2326, %swap3A_2327, %swap3A_2328], %swap3A_2331 {strides = array<i32>} : memref<2x128x64x128xf32, #tpu.memory_space<vmem>>, vector<1x1x64x128xf32>,
    %slice3A_2332 = vector.extract_strided_slice %select_n3A_2296 {offsets = [2, 0], sizes = [1, 128], strides = [1, 1]} : vector<128x128xi32> to vector<1x128xi32>
    %slice3A_2333 = vector.extract_strided_slice %select_n3A_2296 {offsets = [3, 0], sizes = [1, 128], strides = [1, 1]} : vector<128x128xi32> to vector<1x128xi32>
    %concatenate3A_2334 = tpu.concatenate %slice3A_2332, %slice3A_2333 in 1 : vector<1x128xi32>, vector<1x128xi32> -> vector<1x256xi32>
    %eq3A_2335 = vector.broadcast %iota3A : vector<128x1xi32> to vector<128x256xi32>
    %eq3A_2336 = vector.broadcast %concatenate3A_2334 : vector<1x256xi32> to vector<128x256xi32>
    %eq3A_2337 = arith.cmpi eq, %eq3A_2335, %eq3A_2336 : vector<128x256xi32>
    %convert_element_type3A_2338 = arith.extui %eq3A_2337 : vector<128x256xi1> to vector<128x256xi32>
    %convert_element_type3A_2339 = arith.sitofp %convert_element_type3A_2338 : vector<128x256xi32> to vector<128x256xf32>
    %convert_element_type3A_2340 = arith.truncf %convert_element_type3A_2339 : vector<128x256xf32> to vector<128x256xbf16>
    %dot_general3A_2341 = arith.constant dense<0.000000e+00> : vector<64x256xf32>
    %dot_general3A_2342 = tpu.matmul %convert_element_type3A, %convert_element_type3A_2340, %dot_general3A_2341 {dimension_numbers = #tpu.dot_dimension_numbers<[1], [0], [0], [1], [0, 0, 1, 1], [], []>, transpose_lhs_hint = false} : vector<64x128xbf16>, vector<128x256xbf16>, vector<64x256xf32> -> vector<64x256xf32>
    %slice3A_2343 = vector.extract_strided_slice %dot_general3A_2342 {offsets = [0, 0], sizes = [64, 128], strides = [1, 1]} : vector<64x256xf32> to vector<64x128xf32>
    %add3A_2344 = arith.addf %slice3A_2343, %transpose3A_2271 : vector<64x128xf32>
    %slice3A_2345 = vector.extract_strided_slice %transpose3A_2271 {offsets = [0, 2], sizes = [64, 1], strides = [1, 1]} : vector<64x128xf32> to vector<64x1xf32>
    %add3A_2346 = vector.broadcast %slice3A_2345 : vector<64x1xf32> to vector<64x128xf32>
    %add3A_2347 = arith.addf %add3A_2344, %add3A_2346 : vector<64x128xf32>
    %swap3A_2348 = arith.constant 1 : index
    %swap3A_2349 = arith.constant 2 : index
    %swap3A_2350 = arith.constant 0 : index
    %swap3A_2351 = arith.constant 0 : index
    %swap3A_2352 = vector.load %arg6[%swap3A_2348, %swap3A_2349, %swap3A_2350, %swap3A_2351] : memref<2x128x64x128xf32, #tpu.memory_space<vmem>>, vector<1x1x64x128xf32>
    %swap3A_2353 = vector.shape_cast %swap3A_2352 : vector<1x1x64x128xf32> to vector<64x128xf32>
    %swap3A_2354 = vector.shape_cast %add3A_2347 : vector<64x128xf32> to vector<1x1x64x128xf32>
    tpu.vector_store %arg6[%swap3A_2348, %swap3A_2349, %swap3A_2350, %swap3A_2351], %swap3A_2354 {strides = array<i32>} : memref<2x128x64x128xf32, #tpu.memory_space<vmem>>, vector<1x1x64x128xf32>,
    %slice3A_2355 = vector.extract_strided_slice %dot_general3A_2342 {offsets = [0, 128], sizes = [64, 128], strides = [1, 1]} : vector<64x256xf32> to vector<64x128xf32>
    %add3A_2356 = arith.addf %slice3A_2355, %transpose3A_2271 : vector<64x128xf32>
    %slice3A_2357 = vector.extract_strided_slice %transpose3A_2271 {offsets = [0, 3], sizes = [64, 1], strides = [1, 1]} : vector<64x128xf32> to vector<64x1xf32>
    %add3A_2358 = vector.broadcast %slice3A_2357 : vector<64x1xf32> to vector<64x128xf32>
    %add3A_2359 = arith.addf %add3A_2356, %add3A_2358 : vector<64x128xf32>
    %swap3A_2360 = arith.constant 1 : index
    %swap3A_2361 = arith.constant 3 : index
    %swap3A_2362 = arith.constant 0 : index
    %swap3A_2363 = arith.constant 0 : index
    %swap3A_2364 = vector.load %arg6[%swap3A_2360, %swap3A_2361, %swap3A_2362, %swap3A_2363] : memref<2x128x64x128xf32, #tpu.memory_space<vmem>>, vector<1x1x64x128xf32>
    %swap3A_2365 = vector.shape_cast %swap3A_2364 : vector<1x1x64x128xf32> to vector<64x128xf32>
    %swap3A_2366 = vector.shape_cast %add3A_2359 : vector<64x128xf32> to vector<1x1x64x128xf32>
    tpu.vector_store %arg6[%swap3A_2360, %swap3A_2361, %swap3A_2362, %swap3A_2363], %swap3A_2366 {strides = array<i32>} : memref<2x128x64x128xf32, #tpu.memory_space<vmem>>, vector<1x1x64x128xf32>,
    %slice3A_2367 = vector.extract_strided_slice %select_n3A_2296 {offsets = [4, 0], sizes = [1, 128], strides = [1, 1]} : vector<128x128xi32> to vector<1x128xi32>
    %slice3A_2368 = vector.extract_strided_slice %select_n3A_2296 {offsets = [5, 0], sizes = [1, 128], strides = [1, 1]} : vector<128x128xi32> to vector<1x128xi32>
    %concatenate3A_2369 = tpu.concatenate %slice3A_2367, %slice3A_2368 in 1 : vector<1x128xi32>, vector<1x128xi32> -> vector<1x256xi32>
    %eq3A_2370 = vector.broadcast %iota3A : vector<128x1xi32> to vector<128x256xi32>
    %eq3A_2371 = vector.broadcast %concatenate3A_2369 : vector<1x256xi32> to vector<128x256xi32>
    %eq3A_2372 = arith.cmpi eq, %eq3A_2370, %eq3A_2371 : vector<128x256xi32>
    %convert_element_type3A_2373 = arith.extui %eq3A_2372 : vector<128x256xi1> to vector<128x256xi32>
    %convert_element_type3A_2374 = arith.sitofp %convert_element_type3A_2373 : vector<128x256xi32> to vector<128x256xf32>
    %convert_element_type3A_2375 = arith.truncf %convert_element_type3A_2374 : vector<128x256xf32> to vector<128x256xbf16>
    %dot_general3A_2376 = arith.constant dense<0.000000e+00> : vector<64x256xf32>
    %dot_general3A_2377 = tpu.matmul %convert_element_type3A, %convert_element_type3A_2375, %dot_general3A_2376 {dimension_numbers = #tpu.dot_dimension_numbers<[1], [0], [0], [1], [0, 0, 1, 1], [], []>, transpose_lhs_hint = false} : vector<64x128xbf16>, vector<128x256xbf16>, vector<64x256xf32> -> vector<64x256xf32>
    %slice3A_2378 = vector.extract_strided_slice %dot_general3A_2377 {offsets = [0, 0], sizes = [64, 128], strides = [1, 1]} : vector<64x256xf32> to vector<64x128xf32>
    %add3A_2379 = arith.addf %slice3A_2378, %transpose3A_2271 : vector<64x128xf32>
    %slice3A_2380 = vector.extract_strided_slice %transpose3A_2271 {offsets = [0, 4], sizes = [64, 1], strides = [1, 1]} : vector<64x128xf32> to vector<64x1xf32>
    %add3A_2381 = vector.broadcast %slice3A_2380 : vector<64x1xf32> to vector<64x128xf32>
    %add3A_2382 = arith.addf %add3A_2379, %add3A_2381 : vector<64x128xf32>
    %swap3A_2383 = arith.constant 1 : index
    %swap3A_2384 = arith.constant 4 : index
    %swap3A_2385 = arith.constant 0 : index
    %swap3A_2386 = arith.constant 0 : index
    %swap3A_2387 = vector.load %arg6[%swap3A_2383, %swap3A_2384, %swap3A_2385, %swap3A_2386] : memref<2x128x64x128xf32, #tpu.memory_space<vmem>>, vector<1x1x64x128xf32>
    %swap3A_2388 = vector.shape_cast %swap3A_2387 : vector<1x1x64x128xf32> to vector<64x128xf32>
    %swap3A_2389 = vector.shape_cast %add3A_2382 : vector<64x128xf32> to vector<1x1x64x128xf32>
    tpu.vector_store %arg6[%swap3A_2383, %swap3A_2384, %swap3A_2385, %swap3A_2386], %swap3A_2389 {strides = array<i32>} : memref<2x128x64x128xf32, #tpu.memory_space<vmem>>, vector<1x1x64x128xf32>,
    %slice3A_2390 = vector.extract_strided_slice %dot_general3A_2377 {offsets = [0, 128], sizes = [64, 128], strides = [1, 1]} : vector<64x256xf32> to vector<64x128xf32>
    %add3A_2391 = arith.addf %slice3A_2390, %transpose3A_2271 : vector<64x128xf32>
    %slice3A_2392 = vector.extract_strided_slice %transpose3A_2271 {offsets = [0, 5], sizes = [64, 1], strides = [1, 1]} : vector<64x128xf32> to vector<64x1xf32>
    %add3A_2393 = vector.broadcast %slice3A_2392 : vector<64x1xf32> to vector<64x128xf32>
    %add3A_2394 = arith.addf %add3A_2391, %add3A_2393 : vector<64x128xf32>
    %swap3A_2395 = arith.constant 1 : index
    %swap3A_2396 = arith.constant 5 : index
    %swap3A_2397 = arith.constant 0 : index
    %swap3A_2398 = arith.constant 0 : index
    %swap3A_2399 = vector.load %arg6[%swap3A_2395, %swap3A_2396, %swap3A_2397, %swap3A_2398] : memref<2x128x64x128xf32, #tpu.memory_space<vmem>>, vector<1x1x64x128xf32>
    %swap3A_2400 = vector.shape_cast %swap3A_2399 : vector<1x1x64x128xf32> to vector<64x128xf32>
    %swap3A_2401 = vector.shape_cast %add3A_2394 : vector<64x128xf32> to vector<1x1x64x128xf32>
    tpu.vector_store %arg6[%swap3A_2395, %swap3A_2396, %swap3A_2397, %swap3A_2398], %swap3A_2401 {strides = array<i32>} : memref<2x128x64x128xf32, #tpu.memory_space<vmem>>, vector<1x1x64x128xf32>,
    %slice3A_2402 = vector.extract_strided_slice %select_n3A_2296 {offsets = [6, 0], sizes = [1, 128], strides = [1, 1]} : vector<128x128xi32> to vector<1x128xi32>
    %slice3A_2403 = vector.extract_strided_slice %select_n3A_2296 {offsets = [7, 0], sizes = [1, 128], strides = [1, 1]} : vector<128x128xi32> to vector<1x128xi32>
    %concatenate3A_2404 = tpu.concatenate %slice3A_2402, %slice3A_2403 in 1 : vector<1x128xi32>, vector<1x128xi32> -> vector<1x256xi32>
    %eq3A_2405 = vector.broadcast %iota3A : vector<128x1xi32> to vector<128x256xi32>
    %eq3A_2406 = vector.broadcast %concatenate3A_2404 : vector<1x256xi32> to vector<128x256xi32>
    %eq3A_2407 = arith.cmpi eq, %eq3A_2405, %eq3A_2406 : vector<128x256xi32>
    %convert_element_type3A_2408 = arith.extui %eq3A_2407 : vector<128x256xi1> to vector<128x256xi32>
    %convert_element_type3A_2409 = arith.sitofp %convert_element_type3A_2408 : vector<128x256xi32> to vector<128x256xf32>
    %convert_element_type3A_2410 = arith.truncf %convert_element_type3A_2409 : vector<128x256xf32> to vector<128x256xbf16>
    %dot_general3A_2411 = arith.constant dense<0.000000e+00> : vector<64x256xf32>
    %dot_general3A_2412 = tpu.matmul %convert_element_type3A, %convert_element_type3A_2410, %dot_general3A_2411 {dimension_numbers = #tpu.dot_dimension_numbers<[1], [0], [0], [1], [0, 0, 1, 1], [], []>, transpose_lhs_hint = false} : vector<64x128xbf16>, vector<128x256xbf16>, vector<64x256xf32> -> vector<64x256xf32>
    %slice3A_2413 = vector.extract_strided_slice %dot_general3A_2412 {offsets = [0, 0], sizes = [64, 128], strides = [1, 1]} : vector<64x256xf32> to vector<64x128xf32>
    %add3A_2414 = arith.addf %slice3A_2413, %transpose3A_2271 : vector<64x128xf32>
    %slice3A_2415 = vector.extract_strided_slice %transpose3A_2271 {offsets = [0, 6], sizes = [64, 1], strides = [1, 1]} : vector<64x128xf32> to vector<64x1xf32>
    %add3A_2416 = vector.broadcast %slice3A_2415 : vector<64x1xf32> to vector<64x128xf32>
    %add3A_2417 = arith.addf %add3A_2414, %add3A_2416 : vector<64x128xf32>
    %swap3A_2418 = arith.constant 1 : index
    %swap3A_2419 = arith.constant 6 : index
    %swap3A_2420 = arith.constant 0 : index
    %swap3A_2421 = arith.constant 0 : index
    %swap3A_2422 = vector.load %arg6[%swap3A_2418, %swap3A_2419, %swap3A_2420, %swap3A_2421] : memref<2x128x64x128xf32, #tpu.memory_space<vmem>>, vector<1x1x64x128xf32>
    %swap3A_2423 = vector.shape_cast %swap3A_2422 : vector<1x1x64x128xf32> to vector<64x128xf32>
    %swap3A_2424 = vector.shape_cast %add3A_2417 : vector<64x128xf32> to vector<1x1x64x128xf32>
    tpu.vector_store %arg6[%swap3A_2418, %swap3A_2419, %swap3A_2420, %swap3A_2421], %swap3A_2424 {strides = array<i32>} : memref<2x128x64x128xf32, #tpu.memory_space<vmem>>, vector<1x1x64x128xf32>,
    %slice3A_2425 = vector.extract_strided_slice %dot_general3A_2412 {offsets = [0, 128], sizes = [64, 128], strides = [1, 1]} : vector<64x256xf32> to vector<64x128xf32>
    %add3A_2426 = arith.addf %slice3A_2425, %transpose3A_2271 : vector<64x128xf32>
    %slice3A_2427 = vector.extract_strided_slice %transpose3A_2271 {offsets = [0, 7], sizes = [64, 1], strides = [1, 1]} : vector<64x128xf32> to vector<64x1xf32>
    %add3A_2428 = vector.broadcast %slice3A_2427 : vector<64x1xf32> to vector<64x128xf32>
    %add3A_2429 = arith.addf %add3A_2426, %add3A_2428 : vector<64x128xf32>
    %swap3A_2430 = arith.constant 1 : index
    %swap3A_2431 = arith.constant 7 : index
    %swap3A_2432 = arith.constant 0 : index
    %swap3A_2433 = arith.constant 0 : index
    %swap3A_2434 = vector.load %arg6[%swap3A_2430, %swap3A_2431, %swap3A_2432, %swap3A_2433] : memref<2x128x64x128xf32, #tpu.memory_space<vmem>>, vector<1x1x64x128xf32>
    %swap3A_2435 = vector.shape_cast %swap3A_2434 : vector<1x1x64x128xf32> to vector<64x128xf32>
    %swap3A_2436 = vector.shape_cast %add3A_2429 : vector<64x128xf32> to vector<1x1x64x128xf32>
    tpu.vector_store %arg6[%swap3A_2430, %swap3A_2431, %swap3A_2432, %swap3A_2433], %swap3A_2436 {strides = array<i32>} : memref<2x128x64x128xf32, #tpu.memory_space<vmem>>, vector<1x1x64x128xf32>,
    %slice3A_2437 = vector.extract_strided_slice %select_n3A_2296 {offsets = [8, 0], sizes = [1, 128], strides = [1, 1]} : vector<128x128xi32> to vector<1x128xi32>
    %slice3A_2438 = vector.extract_strided_slice %select_n3A_2296 {offsets = [9, 0], sizes = [1, 128], strides = [1, 1]} : vector<128x128xi32> to vector<1x128xi32>
    %concatenate3A_2439 = tpu.concatenate %slice3A_2437, %slice3A_2438 in 1 : vector<1x128xi32>, vector<1x128xi32> -> vector<1x256xi32>
    %eq3A_2440 = vector.broadcast %iota3A : vector<128x1xi32> to vector<128x256xi32>
    %eq3A_2441 = vector.broadcast %concatenate3A_2439 : vector<1x256xi32> to vector<128x256xi32>
    %eq3A_2442 = arith.cmpi eq, %eq3A_2440, %eq3A_2441 : vector<128x256xi32>
    %convert_element_type3A_2443 = arith.extui %eq3A_2442 : vector<128x256xi1> to vector<128x256xi32>
    %convert_element_type3A_2444 = arith.sitofp %convert_element_type3A_2443 : vector<128x256xi32> to vector<128x256xf32>
    %convert_element_type3A_2445 = arith.truncf %convert_element_type3A_2444 : vector<128x256xf32> to vector<128x256xbf16>
    %dot_general3A_2446 = arith.constant dense<0.000000e+00> : vector<64x256xf32>
    %dot_general3A_2447 = tpu.matmul %convert_element_type3A, %convert_element_type3A_2445, %dot_general3A_2446 {dimension_numbers = #tpu.dot_dimension_numbers<[1], [0], [0], [1], [0, 0, 1, 1], [], []>, transpose_lhs_hint = false} : vector<64x128xbf16>, vector<128x256xbf16>, vector<64x256xf32> -> vector<64x256xf32>
    %slice3A_2448 = vector.extract_strided_slice %dot_general3A_2447 {offsets = [0, 0], sizes = [64, 128], strides = [1, 1]} : vector<64x256xf32> to vector<64x128xf32>
    %add3A_2449 = arith.addf %slice3A_2448, %transpose3A_2271 : vector<64x128xf32>
    %slice3A_2450 = vector.extract_strided_slice %transpose3A_2271 {offsets = [0, 8], sizes = [64, 1], strides = [1, 1]} : vector<64x128xf32> to vector<64x1xf32>
    %add3A_2451 = vector.broadcast %slice3A_2450 : vector<64x1xf32> to vector<64x128xf32>
    %add3A_2452 = arith.addf %add3A_2449, %add3A_2451 : vector<64x128xf32>
    %swap3A_2453 = arith.constant 1 : index
    %swap3A_2454 = arith.constant 8 : index
    %swap3A_2455 = arith.constant 0 : index
    %swap3A_2456 = arith.constant 0 : index
    %swap3A_2457 = vector.load %arg6[%swap3A_2453, %swap3A_2454, %swap3A_2455, %swap3A_2456] : memref<2x128x64x128xf32, #tpu.memory_space<vmem>>, vector<1x1x64x128xf32>
    %swap3A_2458 = vector.shape_cast %swap3A_2457 : vector<1x1x64x128xf32> to vector<64x128xf32>
    %swap3A_2459 = vector.shape_cast %add3A_2452 : vector<64x128xf32> to vector<1x1x64x128xf32>
    tpu.vector_store %arg6[%swap3A_2453, %swap3A_2454, %swap3A_2455, %swap3A_2456], %swap3A_2459 {strides = array<i32>} : memref<2x128x64x128xf32, #tpu.memory_space<vmem>>, vector<1x1x64x128xf32>,
    %slice3A_2460 = vector.extract_strided_slice %dot_general3A_2447 {offsets = [0, 128], sizes = [64, 128], strides = [1, 1]} : vector<64x256xf32> to vector<64x128xf32>
    %add3A_2461 = arith.addf %slice3A_2460, %transpose3A_2271 : vector<64x128xf32>
    %slice3A_2462 = vector.extract_strided_slice %transpose3A_2271 {offsets = [0, 9], sizes = [64, 1], strides = [1, 1]} : vector<64x128xf32> to vector<64x1xf32>
    %add3A_2463 = vector.broadcast %slice3A_2462 : vector<64x1xf32> to vector<64x128xf32>
    %add3A_2464 = arith.addf %add3A_2461, %add3A_2463 : vector<64x128xf32>
    %swap3A_2465 = arith.constant 1 : index
    %swap3A_2466 = arith.constant 9 : index
    %swap3A_2467 = arith.constant 0 : index
    %swap3A_2468 = arith.constant 0 : index
    %swap3A_2469 = vector.load %arg6[%swap3A_2465, %swap3A_2466, %swap3A_2467, %swap3A_2468] : memref<2x128x64x128xf32, #tpu.memory_space<vmem>>, vector<1x1x64x128xf32>
    %swap3A_2470 = vector.shape_cast %swap3A_2469 : vector<1x1x64x128xf32> to vector<64x128xf32>
    %swap3A_2471 = vector.shape_cast %add3A_2464 : vector<64x128xf32> to vector<1x1x64x128xf32>
    tpu.vector_store %arg6[%swap3A_2465, %swap3A_2466, %swap3A_2467, %swap3A_2468], %swap3A_2471 {strides = array<i32>} : memref<2x128x64x128xf32, #tpu.memory_space<vmem>>, vector<1x1x64x128xf32>,
    %slice3A_2472 = vector.extract_strided_slice %select_n3A_2296 {offsets = [10, 0], sizes = [1, 128], strides = [1, 1]} : vector<128x128xi32> to vector<1x128xi32>
    %slice3A_2473 = vector.extract_strided_slice %select_n3A_2296 {offsets = [11, 0], sizes = [1, 128], strides = [1, 1]} : vector<128x128xi32> to vector<1x128xi32>
    %concatenate3A_2474 = tpu.concatenate %slice3A_2472, %slice3A_2473 in 1 : vector<1x128xi32>, vector<1x128xi32> -> vector<1x256xi32>
    %eq3A_2475 = vector.broadcast %iota3A : vector<128x1xi32> to vector<128x256xi32>
    %eq3A_2476 = vector.broadcast %concatenate3A_2474 : vector<1x256xi32> to vector<128x256xi32>
    %eq3A_2477 = arith.cmpi eq, %eq3A_2475, %eq3A_2476 : vector<128x256xi32>
    %convert_element_type3A_2478 = arith.extui %eq3A_2477 : vector<128x256xi1> to vector<128x256xi32>
    %convert_element_type3A_2479 = arith.sitofp %convert_element_type3A_2478 : vector<128x256xi32> to vector<128x256xf32>
    %convert_element_type3A_2480 = arith.truncf %convert_element_type3A_2479 : vector<128x256xf32> to vector<128x256xbf16>
    %dot_general3A_2481 = arith.constant dense<0.000000e+00> : vector<64x256xf32>
    %dot_general3A_2482 = tpu.matmul %convert_element_type3A, %convert_element_type3A_2480, %dot_general3A_2481 {dimension_numbers = #tpu.dot_dimension_numbers<[1], [0], [0], [1], [0, 0, 1, 1], [], []>, transpose_lhs_hint = false} : vector<64x128xbf16>, vector<128x256xbf16>, vector<64x256xf32> -> vector<64x256xf32>
    %slice3A_2483 = vector.extract_strided_slice %dot_general3A_2482 {offsets = [0, 0], sizes = [64, 128], strides = [1, 1]} : vector<64x256xf32> to vector<64x128xf32>
    %add3A_2484 = arith.addf %slice3A_2483, %transpose3A_2271 : vector<64x128xf32>
    %slice3A_2485 = vector.extract_strided_slice %transpose3A_2271 {offsets = [0, 10], sizes = [64, 1], strides = [1, 1]} : vector<64x128xf32> to vector<64x1xf32>
    %add3A_2486 = vector.broadcast %slice3A_2485 : vector<64x1xf32> to vector<64x128xf32>
    %add3A_2487 = arith.addf %add3A_2484, %add3A_2486 : vector<64x128xf32>
    %swap3A_2488 = arith.constant 1 : index
    %swap3A_2489 = arith.constant 10 : index
    %swap3A_2490 = arith.constant 0 : index
    %swap3A_2491 = arith.constant 0 : index
    %swap3A_2492 = vector.load %arg6[%swap3A_2488, %swap3A_2489, %swap3A_2490, %swap3A_2491] : memref<2x128x64x128xf32, #tpu.memory_space<vmem>>, vector<1x1x64x128xf32>
    %swap3A_2493 = vector.shape_cast %swap3A_2492 : vector<1x1x64x128xf32> to vector<64x128xf32>
    %swap3A_2494 = vector.shape_cast %add3A_2487 : vector<64x128xf32> to vector<1x1x64x128xf32>
    tpu.vector_store %arg6[%swap3A_2488, %swap3A_2489, %swap3A_2490, %swap3A_2491], %swap3A_2494 {strides = array<i32>} : memref<2x128x64x128xf32, #tpu.memory_space<vmem>>, vector<1x1x64x128xf32>,
    %slice3A_2495 = vector.extract_strided_slice %dot_general3A_2482 {offsets = [0, 128], sizes = [64, 128], strides = [1, 1]} : vector<64x256xf32> to vector<64x128xf32>
    %add3A_2496 = arith.addf %slice3A_2495, %transpose3A_2271 : vector<64x128xf32>
    %slice3A_2497 = vector.extract_strided_slice %transpose3A_2271 {offsets = [0, 11], sizes = [64, 1], strides = [1, 1]} : vector<64x128xf32> to vector<64x1xf32>
    %add3A_2498 = vector.broadcast %slice3A_2497 : vector<64x1xf32> to vector<64x128xf32>
    %add3A_2499 = arith.addf %add3A_2496, %add3A_2498 : vector<64x128xf32>
    %swap3A_2500 = arith.constant 1 : index
    %swap3A_2501 = arith.constant 11 : index
    %swap3A_2502 = arith.constant 0 : index
    %swap3A_2503 = arith.constant 0 : index
    %swap3A_2504 = vector.load %arg6[%swap3A_2500, %swap3A_2501, %swap3A_2502, %swap3A_2503] : memref<2x128x64x128xf32, #tpu.memory_space<vmem>>, vector<1x1x64x128xf32>
    %swap3A_2505 = vector.shape_cast %swap3A_2504 : vector<1x1x64x128xf32> to vector<64x128xf32>
    %swap3A_2506 = vector.shape_cast %add3A_2499 : vector<64x128xf32> to vector<1x1x64x128xf32>
    tpu.vector_store %arg6[%swap3A_2500, %swap3A_2501, %swap3A_2502, %swap3A_2503], %swap3A_2506 {strides = array<i32>} : memref<2x128x64x128xf32, #tpu.memory_space<vmem>>, vector<1x1x64x128xf32>,
    %slice3A_2507 = vector.extract_strided_slice %select_n3A_2296 {offsets = [12, 0], sizes = [1, 128], strides = [1, 1]} : vector<128x128xi32> to vector<1x128xi32>
    %slice3A_2508 = vector.extract_strided_slice %select_n3A_2296 {offsets = [13, 0], sizes = [1, 128], strides = [1, 1]} : vector<128x128xi32> to vector<1x128xi32>
    %concatenate3A_2509 = tpu.concatenate %slice3A_2507, %slice3A_2508 in 1 : vector<1x128xi32>, vector<1x128xi32> -> vector<1x256xi32>
    %eq3A_2510 = vector.broadcast %iota3A : vector<128x1xi32> to vector<128x256xi32>
    %eq3A_2511 = vector.broadcast %concatenate3A_2509 : vector<1x256xi32> to vector<128x256xi32>
    %eq3A_2512 = arith.cmpi eq, %eq3A_2510, %eq3A_2511 : vector<128x256xi32>
    %convert_element_type3A_2513 = arith.extui %eq3A_2512 : vector<128x256xi1> to vector<128x256xi32>
    %convert_element_type3A_2514 = arith.sitofp %convert_element_type3A_2513 : vector<128x256xi32> to vector<128x256xf32>
    %convert_element_type3A_2515 = arith.truncf %convert_element_type3A_2514 : vector<128x256xf32> to vector<128x256xbf16>
    %dot_general3A_2516 = arith.constant dense<0.000000e+00> : vector<64x256xf32>
    %dot_general3A_2517 = tpu.matmul %convert_element_type3A, %convert_element_type3A_2515, %dot_general3A_2516 {dimension_numbers = #tpu.dot_dimension_numbers<[1], [0], [0], [1], [0, 0, 1, 1], [], []>, transpose_lhs_hint = false} : vector<64x128xbf16>, vector<128x256xbf16>, vector<64x256xf32> -> vector<64x256xf32>
    %slice3A_2518 = vector.extract_strided_slice %dot_general3A_2517 {offsets = [0, 0], sizes = [64, 128], strides = [1, 1]} : vector<64x256xf32> to vector<64x128xf32>
    %add3A_2519 = arith.addf %slice3A_2518, %transpose3A_2271 : vector<64x128xf32>
    %slice3A_2520 = vector.extract_strided_slice %transpose3A_2271 {offsets = [0, 12], sizes = [64, 1], strides = [1, 1]} : vector<64x128xf32> to vector<64x1xf32>
    %add3A_2521 = vector.broadcast %slice3A_2520 : vector<64x1xf32> to vector<64x128xf32>
    %add3A_2522 = arith.addf %add3A_2519, %add3A_2521 : vector<64x128xf32>
    %swap3A_2523 = arith.constant 1 : index
    %swap3A_2524 = arith.constant 12 : index
    %swap3A_2525 = arith.constant 0 : index
    %swap3A_2526 = arith.constant 0 : index
    %swap3A_2527 = vector.load %arg6[%swap3A_2523, %swap3A_2524, %swap3A_2525, %swap3A_2526] : memref<2x128x64x128xf32, #tpu.memory_space<vmem>>, vector<1x1x64x128xf32>
    %swap3A_2528 = vector.shape_cast %swap3A_2527 : vector<1x1x64x128xf32> to vector<64x128xf32>
    %swap3A_2529 = vector.shape_cast %add3A_2522 : vector<64x128xf32> to vector<1x1x64x128xf32>
    tpu.vector_store %arg6[%swap3A_2523, %swap3A_2524, %swap3A_2525, %swap3A_2526], %swap3A_2529 {strides = array<i32>} : memref<2x128x64x128xf32, #tpu.memory_space<vmem>>, vector<1x1x64x128xf32>,
    %slice3A_2530 = vector.extract_strided_slice %dot_general3A_2517 {offsets = [0, 128], sizes = [64, 128], strides = [1, 1]} : vector<64x256xf32> to vector<64x128xf32>
    %add3A_2531 = arith.addf %slice3A_2530, %transpose3A_2271 : vector<64x128xf32>
    %slice3A_2532 = vector.extract_strided_slice %transpose3A_2271 {offsets = [0, 13], sizes = [64, 1], strides = [1, 1]} : vector<64x128xf32> to vector<64x1xf32>
    %add3A_2533 = vector.broadcast %slice3A_2532 : vector<64x1xf32> to vector<64x128xf32>
    %add3A_2534 = arith.addf %add3A_2531, %add3A_2533 : vector<64x128xf32>
    %swap3A_2535 = arith.constant 1 : index
    %swap3A_2536 = arith.constant 13 : index
    %swap3A_2537 = arith.constant 0 : index
    %swap3A_2538 = arith.constant 0 : index
    %swap3A_2539 = vector.load %arg6[%swap3A_2535, %swap3A_2536, %swap3A_2537, %swap3A_2538] : memref<2x128x64x128xf32, #tpu.memory_space<vmem>>, vector<1x1x64x128xf32>
    %swap3A_2540 = vector.shape_cast %swap3A_2539 : vector<1x1x64x128xf32> to vector<64x128xf32>
    %swap3A_2541 = vector.shape_cast %add3A_2534 : vector<64x128xf32> to vector<1x1x64x128xf32>
    tpu.vector_store %arg6[%swap3A_2535, %swap3A_2536, %swap3A_2537, %swap3A_2538], %swap3A_2541 {strides = array<i32>} : memref<2x128x64x128xf32, #tpu.memory_space<vmem>>, vector<1x1x64x128xf32>,
    %slice3A_2542 = vector.extract_strided_slice %select_n3A_2296 {offsets = [14, 0], sizes = [1, 128], strides = [1, 1]} : vector<128x128xi32> to vector<1x128xi32>
    %slice3A_2543 = vector.extract_strided_slice %select_n3A_2296 {offsets = [15, 0], sizes = [1, 128], strides = [1, 1]} : vector<128x128xi32> to vector<1x128xi32>
    %concatenate3A_2544 = tpu.concatenate %slice3A_2542, %slice3A_2543 in 1 : vector<1x128xi32>, vector<1x128xi32> -> vector<1x256xi32>
    %eq3A_2545 = vector.broadcast %iota3A : vector<128x1xi32> to vector<128x256xi32>
    %eq3A_2546 = vector.broadcast %concatenate3A_2544 : vector<1x256xi32> to vector<128x256xi32>
    %eq3A_2547 = arith.cmpi eq, %eq3A_2545, %eq3A_2546 : vector<128x256xi32>
    %convert_element_type3A_2548 = arith.extui %eq3A_2547 : vector<128x256xi1> to vector<128x256xi32>
    %convert_element_type3A_2549 = arith.sitofp %convert_element_type3A_2548 : vector<128x256xi32> to vector<128x256xf32>
    %convert_element_type3A_2550 = arith.truncf %convert_element_type3A_2549 : vector<128x256xf32> to vector<128x256xbf16>
    %dot_general3A_2551 = arith.constant dense<0.000000e+00> : vector<64x256xf32>
    %dot_general3A_2552 = tpu.matmul %convert_element_type3A, %convert_element_type3A_2550, %dot_general3A_2551 {dimension_numbers = #tpu.dot_dimension_numbers<[1], [0], [0], [1], [0, 0, 1, 1], [], []>, transpose_lhs_hint = false} : vector<64x128xbf16>, vector<128x256xbf16>, vector<64x256xf32> -> vector<64x256xf32>
    %slice3A_2553 = vector.extract_strided_slice %dot_general3A_2552 {offsets = [0, 0], sizes = [64, 128], strides = [1, 1]} : vector<64x256xf32> to vector<64x128xf32>
    %add3A_2554 = arith.addf %slice3A_2553, %transpose3A_2271 : vector<64x128xf32>
    %slice3A_2555 = vector.extract_strided_slice %transpose3A_2271 {offsets = [0, 14], sizes = [64, 1], strides = [1, 1]} : vector<64x128xf32> to vector<64x1xf32>
    %add3A_2556 = vector.broadcast %slice3A_2555 : vector<64x1xf32> to vector<64x128xf32>
    %add3A_2557 = arith.addf %add3A_2554, %add3A_2556 : vector<64x128xf32>
    %swap3A_2558 = arith.constant 1 : index
    %swap3A_2559 = arith.constant 14 : index
    %swap3A_2560 = arith.constant 0 : index
    %swap3A_2561 = arith.constant 0 : index
    %swap3A_2562 = vector.load %arg6[%swap3A_2558, %swap3A_2559, %swap3A_2560, %swap3A_2561] : memref<2x128x64x128xf32, #tpu.memory_space<vmem>>, vector<1x1x64x128xf32>
    %swap3A_2563 = vector.shape_cast %swap3A_2562 : vector<1x1x64x128xf32> to vector<64x128xf32>
    %swap3A_2564 = vector.shape_cast %add3A_2557 : vector<64x128xf32> to vector<1x1x64x128xf32>
    tpu.vector_store %arg6[%swap3A_2558, %swap3A_2559, %swap3A_2560, %swap3A_2561], %swap3A_2564 {strides = array<i32>} : memref<2x128x64x128xf32, #tpu.memory_space<vmem>>, vector<1x1x64x128xf32>,
    %slice3A_2565 = vector.extract_strided_slice %dot_general3A_2552 {offsets = [0, 128], sizes = [64, 128], strides = [1, 1]} : vector<64x256xf32> to vector<64x128xf32>
    %add3A_2566 = arith.addf %slice3A_2565, %transpose3A_2271 : vector<64x128xf32>
    %slice3A_2567 = vector.extract_strided_slice %transpose3A_2271 {offsets = [0, 15], sizes = [64, 1], strides = [1, 1]} : vector<64x128xf32> to vector<64x1xf32>
    %add3A_2568 = vector.broadcast %slice3A_2567 : vector<64x1xf32> to vector<64x128xf32>
    %add3A_2569 = arith.addf %add3A_2566, %add3A_2568 : vector<64x128xf32>
    %swap3A_2570 = arith.constant 1 : index
    %swap3A_2571 = arith.constant 15 : index
    %swap3A_2572 = arith.constant 0 : index
    %swap3A_2573 = arith.constant 0 : index
    %swap3A_2574 = vector.load %arg6[%swap3A_2570, %swap3A_2571, %swap3A_2572, %swap3A_2573] : memref<2x128x64x128xf32, #tpu.memory_space<vmem>>, vector<1x1x64x128xf32>
    %swap3A_2575 = vector.shape_cast %swap3A_2574 : vector<1x1x64x128xf32> to vector<64x128xf32>
    %swap3A_2576 = vector.shape_cast %add3A_2569 : vector<64x128xf32> to vector<1x1x64x128xf32>
    tpu.vector_store %arg6[%swap3A_2570, %swap3A_2571, %swap3A_2572, %swap3A_2573], %swap3A_2576 {strides = array<i32>} : memref<2x128x64x128xf32, #tpu.memory_space<vmem>>, vector<1x1x64x128xf32>,
    %slice3A_2577 = vector.extract_strided_slice %select_n3A_2296 {offsets = [16, 0], sizes = [1, 128], strides = [1, 1]} : vector<128x128xi32> to vector<1x128xi32>
    %slice3A_2578 = vector.extract_strided_slice %select_n3A_2296 {offsets = [17, 0], sizes = [1, 128], strides = [1, 1]} : vector<128x128xi32> to vector<1x128xi32>
    %concatenate3A_2579 = tpu.concatenate %slice3A_2577, %slice3A_2578 in 1 : vector<1x128xi32>, vector<1x128xi32> -> vector<1x256xi32>
    %eq3A_2580 = vector.broadcast %iota3A : vector<128x1xi32> to vector<128x256xi32>
    %eq3A_2581 = vector.broadcast %concatenate3A_2579 : vector<1x256xi32> to vector<128x256xi32>
    %eq3A_2582 = arith.cmpi eq, %eq3A_2580, %eq3A_2581 : vector<128x256xi32>
    %convert_element_type3A_2583 = arith.extui %eq3A_2582 : vector<128x256xi1> to vector<128x256xi32>
    %convert_element_type3A_2584 = arith.sitofp %convert_element_type3A_2583 : vector<128x256xi32> to vector<128x256xf32>
    %convert_element_type3A_2585 = arith.truncf %convert_element_type3A_2584 : vector<128x256xf32> to vector<128x256xbf16>
    %dot_general3A_2586 = arith.constant dense<0.000000e+00> : vector<64x256xf32>
    %dot_general3A_2587 = tpu.matmul %convert_element_type3A, %convert_element_type3A_2585, %dot_general3A_2586 {dimension_numbers = #tpu.dot_dimension_numbers<[1], [0], [0], [1], [0, 0, 1, 1], [], []>, transpose_lhs_hint = false} : vector<64x128xbf16>, vector<128x256xbf16>, vector<64x256xf32> -> vector<64x256xf32>
    %slice3A_2588 = vector.extract_strided_slice %dot_general3A_2587 {offsets = [0, 0], sizes = [64, 128], strides = [1, 1]} : vector<64x256xf32> to vector<64x128xf32>
    %add3A_2589 = arith.addf %slice3A_2588, %transpose3A_2271 : vector<64x128xf32>
    %slice3A_2590 = vector.extract_strided_slice %transpose3A_2271 {offsets = [0, 16], sizes = [64, 1], strides = [1, 1]} : vector<64x128xf32> to vector<64x1xf32>
    %add3A_2591 = vector.broadcast %slice3A_2590 : vector<64x1xf32> to vector<64x128xf32>
    %add3A_2592 = arith.addf %add3A_2589, %add3A_2591 : vector<64x128xf32>
    %swap3A_2593 = arith.constant 1 : index
    %swap3A_2594 = arith.constant 16 : index
    %swap3A_2595 = arith.constant 0 : index
    %swap3A_2596 = arith.constant 0 : index
    %swap3A_2597 = vector.load %arg6[%swap3A_2593, %swap3A_2594, %swap3A_2595, %swap3A_2596] : memref<2x128x64x128xf32, #tpu.memory_space<vmem>>, vector<1x1x64x128xf32>
    %swap3A_2598 = vector.shape_cast %swap3A_2597 : vector<1x1x64x128xf32> to vector<64x128xf32>
    %swap3A_2599 = vector.shape_cast %add3A_2592 : vector<64x128xf32> to vector<1x1x64x128xf32>
    tpu.vector_store %arg6[%swap3A_2593, %swap3A_2594, %swap3A_2595, %swap3A_2596], %swap3A_2599 {strides = array<i32>} : memref<2x128x64x128xf32, #tpu.memory_space<vmem>>, vector<1x1x64x128xf32>,
    %slice3A_2600 = vector.extract_strided_slice %dot_general3A_2587 {offsets = [0, 128], sizes = [64, 128], strides = [1, 1]} : vector<64x256xf32> to vector<64x128xf32>
    %add3A_2601 = arith.addf %slice3A_2600, %transpose3A_2271 : vector<64x128xf32>
    %slice3A_2602 = vector.extract_strided_slice %transpose3A_2271 {offsets = [0, 17], sizes = [64, 1], strides = [1, 1]} : vector<64x128xf32> to vector<64x1xf32>
    %add3A_2603 = vector.broadcast %slice3A_2602 : vector<64x1xf32> to vector<64x128xf32>
    %add3A_2604 = arith.addf %add3A_2601, %add3A_2603 : vector<64x128xf32>
    %swap3A_2605 = arith.constant 1 : index
    %swap3A_2606 = arith.constant 17 : index
    %swap3A_2607 = arith.constant 0 : index
    %swap3A_2608 = arith.constant 0 : index
    %swap3A_2609 = vector.load %arg6[%swap3A_2605, %swap3A_2606, %swap3A_2607, %swap3A_2608] : memref<2x128x64x128xf32, #tpu.memory_space<vmem>>, vector<1x1x64x128xf32>
    %swap3A_2610 = vector.shape_cast %swap3A_2609 : vector<1x1x64x128xf32> to vector<64x128xf32>
    %swap3A_2611 = vector.shape_cast %add3A_2604 : vector<64x128xf32> to vector<1x1x64x128xf32>
    tpu.vector_store %arg6[%swap3A_2605, %swap3A_2606, %swap3A_2607, %swap3A_2608], %swap3A_2611 {strides = array<i32>} : memref<2x128x64x128xf32, #tpu.memory_space<vmem>>, vector<1x1x64x128xf32>,
    %slice3A_2612 = vector.extract_strided_slice %select_n3A_2296 {offsets = [18, 0], sizes = [1, 128], strides = [1, 1]} : vector<128x128xi32> to vector<1x128xi32>
    %slice3A_2613 = vector.extract_strided_slice %select_n3A_2296 {offsets = [19, 0], sizes = [1, 128], strides = [1, 1]} : vector<128x128xi32> to vector<1x128xi32>
    %concatenate3A_2614 = tpu.concatenate %slice3A_2612, %slice3A_2613 in 1 : vector<1x128xi32>, vector<1x128xi32> -> vector<1x256xi32>
    %eq3A_2615 = vector.broadcast %iota3A : vector<128x1xi32> to vector<128x256xi32>
    %eq3A_2616 = vector.broadcast %concatenate3A_2614 : vector<1x256xi32> to vector<128x256xi32>
    %eq3A_2617 = arith.cmpi eq, %eq3A_2615, %eq3A_2616 : vector<128x256xi32>
    %convert_element_type3A_2618 = arith.extui %eq3A_2617 : vector<128x256xi1> to vector<128x256xi32>
    %convert_element_type3A_2619 = arith.sitofp %convert_element_type3A_2618 : vector<128x256xi32> to vector<128x256xf32>
    %convert_element_type3A_2620 = arith.truncf %convert_element_type3A_2619 : vector<128x256xf32> to vector<128x256xbf16>
    %dot_general3A_2621 = arith.constant dense<0.000000e+00> : vector<64x256xf32>
    %dot_general3A_2622 = tpu.matmul %convert_element_type3A, %convert_element_type3A_2620, %dot_general3A_2621 {dimension_numbers = #tpu.dot_dimension_numbers<[1], [0], [0], [1], [0, 0, 1, 1], [], []>, transpose_lhs_hint = false} : vector<64x128xbf16>, vector<128x256xbf16>, vector<64x256xf32> -> vector<64x256xf32>
    %slice3A_2623 = vector.extract_strided_slice %dot_general3A_2622 {offsets = [0, 0], sizes = [64, 128], strides = [1, 1]} : vector<64x256xf32> to vector<64x128xf32>
    %add3A_2624 = arith.addf %slice3A_2623, %transpose3A_2271 : vector<64x128xf32>
    %slice3A_2625 = vector.extract_strided_slice %transpose3A_2271 {offsets = [0, 18], sizes = [64, 1], strides = [1, 1]} : vector<64x128xf32> to vector<64x1xf32>
    %add3A_2626 = vector.broadcast %slice3A_2625 : vector<64x1xf32> to vector<64x128xf32>
    %add3A_2627 = arith.addf %add3A_2624, %add3A_2626 : vector<64x128xf32>
    %swap3A_2628 = arith.constant 1 : index
    %swap3A_2629 = arith.constant 18 : index
    %swap3A_2630 = arith.constant 0 : index
    %swap3A_2631 = arith.constant 0 : index
    %swap3A_2632 = vector.load %arg6[%swap3A_2628, %swap3A_2629, %swap3A_2630, %swap3A_2631] : memref<2x128x64x128xf32, #tpu.memory_space<vmem>>, vector<1x1x64x128xf32>
    %swap3A_2633 = vector.shape_cast %swap3A_2632 : vector<1x1x64x128xf32> to vector<64x128xf32>
    %swap3A_2634 = vector.shape_cast %add3A_2627 : vector<64x128xf32> to vector<1x1x64x128xf32>
    tpu.vector_store %arg6[%swap3A_2628, %swap3A_2629, %swap3A_2630, %swap3A_2631], %swap3A_2634 {strides = array<i32>} : memref<2x128x64x128xf32, #tpu.memory_space<vmem>>, vector<1x1x64x128xf32>,
    %slice3A_2635 = vector.extract_strided_slice %dot_general3A_2622 {offsets = [0, 128], sizes = [64, 128], strides = [1, 1]} : vector<64x256xf32> to vector<64x128xf32>
    %add3A_2636 = arith.addf %slice3A_2635, %transpose3A_2271 : vector<64x128xf32>
    %slice3A_2637 = vector.extract_strided_slice %transpose3A_2271 {offsets = [0, 19], sizes = [64, 1], strides = [1, 1]} : vector<64x128xf32> to vector<64x1xf32>
    %add3A_2638 = vector.broadcast %slice3A_2637 : vector<64x1xf32> to vector<64x128xf32>
    %add3A_2639 = arith.addf %add3A_2636, %add3A_2638 : vector<64x128xf32>
    %swap3A_2640 = arith.constant 1 : index
    %swap3A_2641 = arith.constant 19 : index
    %swap3A_2642 = arith.constant 0 : index
    %swap3A_2643 = arith.constant 0 : index
    %swap3A_2644 = vector.load %arg6[%swap3A_2640, %swap3A_2641, %swap3A_2642, %swap3A_2643] : memref<2x128x64x128xf32, #tpu.memory_space<vmem>>, vector<1x1x64x128xf32>
    %swap3A_2645 = vector.shape_cast %swap3A_2644 : vector<1x1x64x128xf32> to vector<64x128xf32>
    %swap3A_2646 = vector.shape_cast %add3A_2639 : vector<64x128xf32> to vector<1x1x64x128xf32>
    tpu.vector_store %arg6[%swap3A_2640, %swap3A_2641, %swap3A_2642, %swap3A_2643], %swap3A_2646 {strides = array<i32>} : memref<2x128x64x128xf32, #tpu.memory_space<vmem>>, vector<1x1x64x128xf32>,
    %slice3A_2647 = vector.extract_strided_slice %select_n3A_2296 {offsets = [20, 0], sizes = [1, 128], strides = [1, 1]} : vector<128x128xi32> to vector<1x128xi32>
    %slice3A_2648 = vector.extract_strided_slice %select_n3A_2296 {offsets = [21, 0], sizes = [1, 128], strides = [1, 1]} : vector<128x128xi32> to vector<1x128xi32>
    %concatenate3A_2649 = tpu.concatenate %slice3A_2647, %slice3A_2648 in 1 : vector<1x128xi32>, vector<1x128xi32> -> vector<1x256xi32>
    %eq3A_2650 = vector.broadcast %iota3A : vector<128x1xi32> to vector<128x256xi32>
    %eq3A_2651 = vector.broadcast %concatenate3A_2649 : vector<1x256xi32> to vector<128x256xi32>
    %eq3A_2652 = arith.cmpi eq, %eq3A_2650, %eq3A_2651 : vector<128x256xi32>
    %convert_element_type3A_2653 = arith.extui %eq3A_2652 : vector<128x256xi1> to vector<128x256xi32>
    %convert_element_type3A_2654 = arith.sitofp %convert_element_type3A_2653 : vector<128x256xi32> to vector<128x256xf32>
    %convert_element_type3A_2655 = arith.truncf %convert_element_type3A_2654 : vector<128x256xf32> to vector<128x256xbf16>
    %dot_general3A_2656 = arith.constant dense<0.000000e+00> : vector<64x256xf32>
    %dot_general3A_2657 = tpu.matmul %convert_element_type3A, %convert_element_type3A_2655, %dot_general3A_2656 {dimension_numbers = #tpu.dot_dimension_numbers<[1], [0], [0], [1], [0, 0, 1, 1], [], []>, transpose_lhs_hint = false} : vector<64x128xbf16>, vector<128x256xbf16>, vector<64x256xf32> -> vector<64x256xf32>
    %slice3A_2658 = vector.extract_strided_slice %dot_general3A_2657 {offsets = [0, 0], sizes = [64, 128], strides = [1, 1]} : vector<64x256xf32> to vector<64x128xf32>
    %add3A_2659 = arith.addf %slice3A_2658, %transpose3A_2271 : vector<64x128xf32>
    %slice3A_2660 = vector.extract_strided_slice %transpose3A_2271 {offsets = [0, 20], sizes = [64, 1], strides = [1, 1]} : vector<64x128xf32> to vector<64x1xf32>
    %add3A_2661 = vector.broadcast %slice3A_2660 : vector<64x1xf32> to vector<64x128xf32>
    %add3A_2662 = arith.addf %add3A_2659, %add3A_2661 : vector<64x128xf32>
    %swap3A_2663 = arith.constant 1 : index
    %swap3A_2664 = arith.constant 20 : index
    %swap3A_2665 = arith.constant 0 : index
    %swap3A_2666 = arith.constant 0 : index
    %swap3A_2667 = vector.load %arg6[%swap3A_2663, %swap3A_2664, %swap3A_2665, %swap3A_2666] : memref<2x128x64x128xf32, #tpu.memory_space<vmem>>, vector<1x1x64x128xf32>
    %swap3A_2668 = vector.shape_cast %swap3A_2667 : vector<1x1x64x128xf32> to vector<64x128xf32>
    %swap3A_2669 = vector.shape_cast %add3A_2662 : vector<64x128xf32> to vector<1x1x64x128xf32>
    tpu.vector_store %arg6[%swap3A_2663, %swap3A_2664, %swap3A_2665, %swap3A_2666], %swap3A_2669 {strides = array<i32>} : memref<2x128x64x128xf32, #tpu.memory_space<vmem>>, vector<1x1x64x128xf32>,
    %slice3A_2670 = vector.extract_strided_slice %dot_general3A_2657 {offsets = [0, 128], sizes = [64, 128], strides = [1, 1]} : vector<64x256xf32> to vector<64x128xf32>
    %add3A_2671 = arith.addf %slice3A_2670, %transpose3A_2271 : vector<64x128xf32>
    %slice3A_2672 = vector.extract_strided_slice %transpose3A_2271 {offsets = [0, 21], sizes = [64, 1], strides = [1, 1]} : vector<64x128xf32> to vector<64x1xf32>
    %add3A_2673 = vector.broadcast %slice3A_2672 : vector<64x1xf32> to vector<64x128xf32>
    %add3A_2674 = arith.addf %add3A_2671, %add3A_2673 : vector<64x128xf32>
    %swap3A_2675 = arith.constant 1 : index
    %swap3A_2676 = arith.constant 21 : index
    %swap3A_2677 = arith.constant 0 : index
    %swap3A_2678 = arith.constant 0 : index
    %swap3A_2679 = vector.load %arg6[%swap3A_2675, %swap3A_2676, %swap3A_2677, %swap3A_2678] : memref<2x128x64x128xf32, #tpu.memory_space<vmem>>, vector<1x1x64x128xf32>
    %swap3A_2680 = vector.shape_cast %swap3A_2679 : vector<1x1x64x128xf32> to vector<64x128xf32>
    %swap3A_2681 = vector.shape_cast %add3A_2674 : vector<64x128xf32> to vector<1x1x64x128xf32>
    tpu.vector_store %arg6[%swap3A_2675, %swap3A_2676, %swap3A_2677, %swap3A_2678], %swap3A_2681 {strides = array<i32>} : memref<2x128x64x128xf32, #tpu.memory_space<vmem>>, vector<1x1x64x128xf32>,
    %slice3A_2682 = vector.extract_strided_slice %select_n3A_2296 {offsets = [22, 0], sizes = [1, 128], strides = [1, 1]} : vector<128x128xi32> to vector<1x128xi32>
    %slice3A_2683 = vector.extract_strided_slice %select_n3A_2296 {offsets = [23, 0], sizes = [1, 128], strides = [1, 1]} : vector<128x128xi32> to vector<1x128xi32>
    %concatenate3A_2684 = tpu.concatenate %slice3A_2682, %slice3A_2683 in 1 : vector<1x128xi32>, vector<1x128xi32> -> vector<1x256xi32>
    %eq3A_2685 = vector.broadcast %iota3A : vector<128x1xi32> to vector<128x256xi32>
    %eq3A_2686 = vector.broadcast %concatenate3A_2684 : vector<1x256xi32> to vector<128x256xi32>
    %eq3A_2687 = arith.cmpi eq, %eq3A_2685, %eq3A_2686 : vector<128x256xi32>
    %convert_element_type3A_2688 = arith.extui %eq3A_2687 : vector<128x256xi1> to vector<128x256xi32>
    %convert_element_type3A_2689 = arith.sitofp %convert_element_type3A_2688 : vector<128x256xi32> to vector<128x256xf32>
    %convert_element_type3A_2690 = arith.truncf %convert_element_type3A_2689 : vector<128x256xf32> to vector<128x256xbf16>
    %dot_general3A_2691 = arith.constant dense<0.000000e+00> : vector<64x256xf32>
    %dot_general3A_2692 = tpu.matmul %convert_element_type3A, %convert_element_type3A_2690, %dot_general3A_2691 {dimension_numbers = #tpu.dot_dimension_numbers<[1], [0], [0], [1], [0, 0, 1, 1], [], []>, transpose_lhs_hint = false} : vector<64x128xbf16>, vector<128x256xbf16>, vector<64x256xf32> -> vector<64x256xf32>
    %slice3A_2693 = vector.extract_strided_slice %dot_general3A_2692 {offsets = [0, 0], sizes = [64, 128], strides = [1, 1]} : vector<64x256xf32> to vector<64x128xf32>
    %add3A_2694 = arith.addf %slice3A_2693, %transpose3A_2271 : vector<64x128xf32>
    %slice3A_2695 = vector.extract_strided_slice %transpose3A_2271 {offsets = [0, 22], sizes = [64, 1], strides = [1, 1]} : vector<64x128xf32> to vector<64x1xf32>
    %add3A_2696 = vector.broadcast %slice3A_2695 : vector<64x1xf32> to vector<64x128xf32>
    %add3A_2697 = arith.addf %add3A_2694, %add3A_2696 : vector<64x128xf32>
    %swap3A_2698 = arith.constant 1 : index
    %swap3A_2699 = arith.constant 22 : index
    %swap3A_2700 = arith.constant 0 : index
    %swap3A_2701 = arith.constant 0 : index
    %swap3A_2702 = vector.load %arg6[%swap3A_2698, %swap3A_2699, %swap3A_2700, %swap3A_2701] : memref<2x128x64x128xf32, #tpu.memory_space<vmem>>, vector<1x1x64x128xf32>
    %swap3A_2703 = vector.shape_cast %swap3A_2702 : vector<1x1x64x128xf32> to vector<64x128xf32>
    %swap3A_2704 = vector.shape_cast %add3A_2697 : vector<64x128xf32> to vector<1x1x64x128xf32>
    tpu.vector_store %arg6[%swap3A_2698, %swap3A_2699, %swap3A_2700, %swap3A_2701], %swap3A_2704 {strides = array<i32>} : memref<2x128x64x128xf32, #tpu.memory_space<vmem>>, vector<1x1x64x128xf32>,
    %slice3A_2705 = vector.extract_strided_slice %dot_general3A_2692 {offsets = [0, 128], sizes = [64, 128], strides = [1, 1]} : vector<64x256xf32> to vector<64x128xf32>
    %add3A_2706 = arith.addf %slice3A_2705, %transpose3A_2271 : vector<64x128xf32>
    %slice3A_2707 = vector.extract_strided_slice %transpose3A_2271 {offsets = [0, 23], sizes = [64, 1], strides = [1, 1]} : vector<64x128xf32> to vector<64x1xf32>
    %add3A_2708 = vector.broadcast %slice3A_2707 : vector<64x1xf32> to vector<64x128xf32>
    %add3A_2709 = arith.addf %add3A_2706, %add3A_2708 : vector<64x128xf32>
    %swap3A_2710 = arith.constant 1 : index
    %swap3A_2711 = arith.constant 23 : index
    %swap3A_2712 = arith.constant 0 : index
    %swap3A_2713 = arith.constant 0 : index
    %swap3A_2714 = vector.load %arg6[%swap3A_2710, %swap3A_2711, %swap3A_2712, %swap3A_2713] : memref<2x128x64x128xf32, #tpu.memory_space<vmem>>, vector<1x1x64x128xf32>
    %swap3A_2715 = vector.shape_cast %swap3A_2714 : vector<1x1x64x128xf32> to vector<64x128xf32>
    %swap3A_2716 = vector.shape_cast %add3A_2709 : vector<64x128xf32> to vector<1x1x64x128xf32>
    tpu.vector_store %arg6[%swap3A_2710, %swap3A_2711, %swap3A_2712, %swap3A_2713], %swap3A_2716 {strides = array<i32>} : memref<2x128x64x128xf32, #tpu.memory_space<vmem>>, vector<1x1x64x128xf32>,
    %slice3A_2717 = vector.extract_strided_slice %select_n3A_2296 {offsets = [24, 0], sizes = [1, 128], strides = [1, 1]} : vector<128x128xi32> to vector<1x128xi32>
    %slice3A_2718 = vector.extract_strided_slice %select_n3A_2296 {offsets = [25, 0], sizes = [1, 128], strides = [1, 1]} : vector<128x128xi32> to vector<1x128xi32>
    %concatenate3A_2719 = tpu.concatenate %slice3A_2717, %slice3A_2718 in 1 : vector<1x128xi32>, vector<1x128xi32> -> vector<1x256xi32>
    %eq3A_2720 = vector.broadcast %iota3A : vector<128x1xi32> to vector<128x256xi32>
    %eq3A_2721 = vector.broadcast %concatenate3A_2719 : vector<1x256xi32> to vector<128x256xi32>
    %eq3A_2722 = arith.cmpi eq, %eq3A_2720, %eq3A_2721 : vector<128x256xi32>
    %convert_element_type3A_2723 = arith.extui %eq3A_2722 : vector<128x256xi1> to vector<128x256xi32>
    %convert_element_type3A_2724 = arith.sitofp %convert_element_type3A_2723 : vector<128x256xi32> to vector<128x256xf32>
    %convert_element_type3A_2725 = arith.truncf %convert_element_type3A_2724 : vector<128x256xf32> to vector<128x256xbf16>
    %dot_general3A_2726 = arith.constant dense<0.000000e+00> : vector<64x256xf32>
    %dot_general3A_2727 = tpu.matmul %convert_element_type3A, %convert_element_type3A_2725, %dot_general3A_2726 {dimension_numbers = #tpu.dot_dimension_numbers<[1], [0], [0], [1], [0, 0, 1, 1], [], []>, transpose_lhs_hint = false} : vector<64x128xbf16>, vector<128x256xbf16>, vector<64x256xf32> -> vector<64x256xf32>
    %slice3A_2728 = vector.extract_strided_slice %dot_general3A_2727 {offsets = [0, 0], sizes = [64, 128], strides = [1, 1]} : vector<64x256xf32> to vector<64x128xf32>
    %add3A_2729 = arith.addf %slice3A_2728, %transpose3A_2271 : vector<64x128xf32>
    %slice3A_2730 = vector.extract_strided_slice %transpose3A_2271 {offsets = [0, 24], sizes = [64, 1], strides = [1, 1]} : vector<64x128xf32> to vector<64x1xf32>
    %add3A_2731 = vector.broadcast %slice3A_2730 : vector<64x1xf32> to vector<64x128xf32>
    %add3A_2732 = arith.addf %add3A_2729, %add3A_2731 : vector<64x128xf32>
    %swap3A_2733 = arith.constant 1 : index
    %swap3A_2734 = arith.constant 24 : index
    %swap3A_2735 = arith.constant 0 : index
    %swap3A_2736 = arith.constant 0 : index
    %swap3A_2737 = vector.load %arg6[%swap3A_2733, %swap3A_2734, %swap3A_2735, %swap3A_2736] : memref<2x128x64x128xf32, #tpu.memory_space<vmem>>, vector<1x1x64x128xf32>
    %swap3A_2738 = vector.shape_cast %swap3A_2737 : vector<1x1x64x128xf32> to vector<64x128xf32>
    %swap3A_2739 = vector.shape_cast %add3A_2732 : vector<64x128xf32> to vector<1x1x64x128xf32>
    tpu.vector_store %arg6[%swap3A_2733, %swap3A_2734, %swap3A_2735, %swap3A_2736], %swap3A_2739 {strides = array<i32>} : memref<2x128x64x128xf32, #tpu.memory_space<vmem>>, vector<1x1x64x128xf32>,
    %slice3A_2740 = vector.extract_strided_slice %dot_general3A_2727 {offsets = [0, 128], sizes = [64, 128], strides = [1, 1]} : vector<64x256xf32> to vector<64x128xf32>
    %add3A_2741 = arith.addf %slice3A_2740, %transpose3A_2271 : vector<64x128xf32>
    %slice3A_2742 = vector.extract_strided_slice %transpose3A_2271 {offsets = [0, 25], sizes = [64, 1], strides = [1, 1]} : vector<64x128xf32> to vector<64x1xf32>
    %add3A_2743 = vector.broadcast %slice3A_2742 : vector<64x1xf32> to vector<64x128xf32>
    %add3A_2744 = arith.addf %add3A_2741, %add3A_2743 : vector<64x128xf32>
    %swap3A_2745 = arith.constant 1 : index
    %swap3A_2746 = arith.constant 25 : index
    %swap3A_2747 = arith.constant 0 : index
    %swap3A_2748 = arith.constant 0 : index
    %swap3A_2749 = vector.load %arg6[%swap3A_2745, %swap3A_2746, %swap3A_2747, %swap3A_2748] : memref<2x128x64x128xf32, #tpu.memory_space<vmem>>, vector<1x1x64x128xf32>
    %swap3A_2750 = vector.shape_cast %swap3A_2749 : vector<1x1x64x128xf32> to vector<64x128xf32>
    %swap3A_2751 = vector.shape_cast %add3A_2744 : vector<64x128xf32> to vector<1x1x64x128xf32>
    tpu.vector_store %arg6[%swap3A_2745, %swap3A_2746, %swap3A_2747, %swap3A_2748], %swap3A_2751 {strides = array<i32>} : memref<2x128x64x128xf32, #tpu.memory_space<vmem>>, vector<1x1x64x128xf32>,
    %slice3A_2752 = vector.extract_strided_slice %select_n3A_2296 {offsets = [26, 0], sizes = [1, 128], strides = [1, 1]} : vector<128x128xi32> to vector<1x128xi32>
    %slice3A_2753 = vector.extract_strided_slice %select_n3A_2296 {offsets = [27, 0], sizes = [1, 128], strides = [1, 1]} : vector<128x128xi32> to vector<1x128xi32>
    %concatenate3A_2754 = tpu.concatenate %slice3A_2752, %slice3A_2753 in 1 : vector<1x128xi32>, vector<1x128xi32> -> vector<1x256xi32>
    %eq3A_2755 = vector.broadcast %iota3A : vector<128x1xi32> to vector<128x256xi32>
    %eq3A_2756 = vector.broadcast %concatenate3A_2754 : vector<1x256xi32> to vector<128x256xi32>
    %eq3A_2757 = arith.cmpi eq, %eq3A_2755, %eq3A_2756 : vector<128x256xi32>
    %convert_element_type3A_2758 = arith.extui %eq3A_2757 : vector<128x256xi1> to vector<128x256xi32>
    %convert_element_type3A_2759 = arith.sitofp %convert_element_type3A_2758 : vector<128x256xi32> to vector<128x256xf32>
    %convert_element_type3A_2760 = arith.truncf %convert_element_type3A_2759 : vector<128x256xf32> to vector<128x256xbf16>
    %dot_general3A_2761 = arith.constant dense<0.000000e+00> : vector<64x256xf32>
    %dot_general3A_2762 = tpu.matmul %convert_element_type3A, %convert_element_type3A_2760, %dot_general3A_2761 {dimension_numbers = #tpu.dot_dimension_numbers<[1], [0], [0], [1], [0, 0, 1, 1], [], []>, transpose_lhs_hint = false} : vector<64x128xbf16>, vector<128x256xbf16>, vector<64x256xf32> -> vector<64x256xf32>
    %slice3A_2763 = vector.extract_strided_slice %dot_general3A_2762 {offsets = [0, 0], sizes = [64, 128], strides = [1, 1]} : vector<64x256xf32> to vector<64x128xf32>
    %add3A_2764 = arith.addf %slice3A_2763, %transpose3A_2271 : vector<64x128xf32>
    %slice3A_2765 = vector.extract_strided_slice %transpose3A_2271 {offsets = [0, 26], sizes = [64, 1], strides = [1, 1]} : vector<64x128xf32> to vector<64x1xf32>
    %add3A_2766 = vector.broadcast %slice3A_2765 : vector<64x1xf32> to vector<64x128xf32>
    %add3A_2767 = arith.addf %add3A_2764, %add3A_2766 : vector<64x128xf32>
    %swap3A_2768 = arith.constant 1 : index
    %swap3A_2769 = arith.constant 26 : index
    %swap3A_2770 = arith.constant 0 : index
    %swap3A_2771 = arith.constant 0 : index
    %swap3A_2772 = vector.load %arg6[%swap3A_2768, %swap3A_2769, %swap3A_2770, %swap3A_2771] : memref<2x128x64x128xf32, #tpu.memory_space<vmem>>, vector<1x1x64x128xf32>
    %swap3A_2773 = vector.shape_cast %swap3A_2772 : vector<1x1x64x128xf32> to vector<64x128xf32>
    %swap3A_2774 = vector.shape_cast %add3A_2767 : vector<64x128xf32> to vector<1x1x64x128xf32>
    tpu.vector_store %arg6[%swap3A_2768, %swap3A_2769, %swap3A_2770, %swap3A_2771], %swap3A_2774 {strides = array<i32>} : memref<2x128x64x128xf32, #tpu.memory_space<vmem>>, vector<1x1x64x128xf32>,
    %slice3A_2775 = vector.extract_strided_slice %dot_general3A_2762 {offsets = [0, 128], sizes = [64, 128], strides = [1, 1]} : vector<64x256xf32> to vector<64x128xf32>
    %add3A_2776 = arith.addf %slice3A_2775, %transpose3A_2271 : vector<64x128xf32>
    %slice3A_2777 = vector.extract_strided_slice %transpose3A_2271 {offsets = [0, 27], sizes = [64, 1], strides = [1, 1]} : vector<64x128xf32> to vector<64x1xf32>
    %add3A_2778 = vector.broadcast %slice3A_2777 : vector<64x1xf32> to vector<64x128xf32>
    %add3A_2779 = arith.addf %add3A_2776, %add3A_2778 : vector<64x128xf32>
    %swap3A_2780 = arith.constant 1 : index
    %swap3A_2781 = arith.constant 27 : index
    %swap3A_2782 = arith.constant 0 : index
    %swap3A_2783 = arith.constant 0 : index
    %swap3A_2784 = vector.load %arg6[%swap3A_2780, %swap3A_2781, %swap3A_2782, %swap3A_2783] : memref<2x128x64x128xf32, #tpu.memory_space<vmem>>, vector<1x1x64x128xf32>
    %swap3A_2785 = vector.shape_cast %swap3A_2784 : vector<1x1x64x128xf32> to vector<64x128xf32>
    %swap3A_2786 = vector.shape_cast %add3A_2779 : vector<64x128xf32> to vector<1x1x64x128xf32>
    tpu.vector_store %arg6[%swap3A_2780, %swap3A_2781, %swap3A_2782, %swap3A_2783], %swap3A_2786 {strides = array<i32>} : memref<2x128x64x128xf32, #tpu.memory_space<vmem>>, vector<1x1x64x128xf32>,
    %slice3A_2787 = vector.extract_strided_slice %select_n3A_2296 {offsets = [28, 0], sizes = [1, 128], strides = [1, 1]} : vector<128x128xi32> to vector<1x128xi32>
    %slice3A_2788 = vector.extract_strided_slice %select_n3A_2296 {offsets = [29, 0], sizes = [1, 128], strides = [1, 1]} : vector<128x128xi32> to vector<1x128xi32>
    %concatenate3A_2789 = tpu.concatenate %slice3A_2787, %slice3A_2788 in 1 : vector<1x128xi32>, vector<1x128xi32> -> vector<1x256xi32>
    %eq3A_2790 = vector.broadcast %iota3A : vector<128x1xi32> to vector<128x256xi32>
    %eq3A_2791 = vector.broadcast %concatenate3A_2789 : vector<1x256xi32> to vector<128x256xi32>
    %eq3A_2792 = arith.cmpi eq, %eq3A_2790, %eq3A_2791 : vector<128x256xi32>
    %convert_element_type3A_2793 = arith.extui %eq3A_2792 : vector<128x256xi1> to vector<128x256xi32>
    %convert_element_type3A_2794 = arith.sitofp %convert_element_type3A_2793 : vector<128x256xi32> to vector<128x256xf32>
    %convert_element_type3A_2795 = arith.truncf %convert_element_type3A_2794 : vector<128x256xf32> to vector<128x256xbf16>
    %dot_general3A_2796 = arith.constant dense<0.000000e+00> : vector<64x256xf32>
    %dot_general3A_2797 = tpu.matmul %convert_element_type3A, %convert_element_type3A_2795, %dot_general3A_2796 {dimension_numbers = #tpu.dot_dimension_numbers<[1], [0], [0], [1], [0, 0, 1, 1], [], []>, transpose_lhs_hint = false} : vector<64x128xbf16>, vector<128x256xbf16>, vector<64x256xf32> -> vector<64x256xf32>
    %slice3A_2798 = vector.extract_strided_slice %dot_general3A_2797 {offsets = [0, 0], sizes = [64, 128], strides = [1, 1]} : vector<64x256xf32> to vector<64x128xf32>
    %add3A_2799 = arith.addf %slice3A_2798, %transpose3A_2271 : vector<64x128xf32>
    %slice3A_2800 = vector.extract_strided_slice %transpose3A_2271 {offsets = [0, 28], sizes = [64, 1], strides = [1, 1]} : vector<64x128xf32> to vector<64x1xf32>
    %add3A_2801 = vector.broadcast %slice3A_2800 : vector<64x1xf32> to vector<64x128xf32>
    %add3A_2802 = arith.addf %add3A_2799, %add3A_2801 : vector<64x128xf32>
    %swap3A_2803 = arith.constant 1 : index
    %swap3A_2804 = arith.constant 28 : index
    %swap3A_2805 = arith.constant 0 : index
    %swap3A_2806 = arith.constant 0 : index
    %swap3A_2807 = vector.load %arg6[%swap3A_2803, %swap3A_2804, %swap3A_2805, %swap3A_2806] : memref<2x128x64x128xf32, #tpu.memory_space<vmem>>, vector<1x1x64x128xf32>
    %swap3A_2808 = vector.shape_cast %swap3A_2807 : vector<1x1x64x128xf32> to vector<64x128xf32>
    %swap3A_2809 = vector.shape_cast %add3A_2802 : vector<64x128xf32> to vector<1x1x64x128xf32>
    tpu.vector_store %arg6[%swap3A_2803, %swap3A_2804, %swap3A_2805, %swap3A_2806], %swap3A_2809 {strides = array<i32>} : memref<2x128x64x128xf32, #tpu.memory_space<vmem>>, vector<1x1x64x128xf32>,
    %slice3A_2810 = vector.extract_strided_slice %dot_general3A_2797 {offsets = [0, 128], sizes = [64, 128], strides = [1, 1]} : vector<64x256xf32> to vector<64x128xf32>
    %add3A_2811 = arith.addf %slice3A_2810, %transpose3A_2271 : vector<64x128xf32>
    %slice3A_2812 = vector.extract_strided_slice %transpose3A_2271 {offsets = [0, 29], sizes = [64, 1], strides = [1, 1]} : vector<64x128xf32> to vector<64x1xf32>
    %add3A_2813 = vector.broadcast %slice3A_2812 : vector<64x1xf32> to vector<64x128xf32>
    %add3A_2814 = arith.addf %add3A_2811, %add3A_2813 : vector<64x128xf32>
    %swap3A_2815 = arith.constant 1 : index
    %swap3A_2816 = arith.constant 29 : index
    %swap3A_2817 = arith.constant 0 : index
    %swap3A_2818 = arith.constant 0 : index
    %swap3A_2819 = vector.load %arg6[%swap3A_2815, %swap3A_2816, %swap3A_2817, %swap3A_2818] : memref<2x128x64x128xf32, #tpu.memory_space<vmem>>, vector<1x1x64x128xf32>
    %swap3A_2820 = vector.shape_cast %swap3A_2819 : vector<1x1x64x128xf32> to vector<64x128xf32>
    %swap3A_2821 = vector.shape_cast %add3A_2814 : vector<64x128xf32> to vector<1x1x64x128xf32>
    tpu.vector_store %arg6[%swap3A_2815, %swap3A_2816, %swap3A_2817, %swap3A_2818], %swap3A_2821 {strides = array<i32>} : memref<2x128x64x128xf32, #tpu.memory_space<vmem>>, vector<1x1x64x128xf32>,
    %slice3A_2822 = vector.extract_strided_slice %select_n3A_2296 {offsets = [30, 0], sizes = [1, 128], strides = [1, 1]} : vector<128x128xi32> to vector<1x128xi32>
    %slice3A_2823 = vector.extract_strided_slice %select_n3A_2296 {offsets = [31, 0], sizes = [1, 128], strides = [1, 1]} : vector<128x128xi32> to vector<1x128xi32>
    %concatenate3A_2824 = tpu.concatenate %slice3A_2822, %slice3A_2823 in 1 : vector<1x128xi32>, vector<1x128xi32> -> vector<1x256xi32>
    %eq3A_2825 = vector.broadcast %iota3A : vector<128x1xi32> to vector<128x256xi32>
    %eq3A_2826 = vector.broadcast %concatenate3A_2824 : vector<1x256xi32> to vector<128x256xi32>
    %eq3A_2827 = arith.cmpi eq, %eq3A_2825, %eq3A_2826 : vector<128x256xi32>
    %convert_element_type3A_2828 = arith.extui %eq3A_2827 : vector<128x256xi1> to vector<128x256xi32>
    %convert_element_type3A_2829 = arith.sitofp %convert_element_type3A_2828 : vector<128x256xi32> to vector<128x256xf32>
    %convert_element_type3A_2830 = arith.truncf %convert_element_type3A_2829 : vector<128x256xf32> to vector<128x256xbf16>
    %dot_general3A_2831 = arith.constant dense<0.000000e+00> : vector<64x256xf32>
    %dot_general3A_2832 = tpu.matmul %convert_element_type3A, %convert_element_type3A_2830, %dot_general3A_2831 {dimension_numbers = #tpu.dot_dimension_numbers<[1], [0], [0], [1], [0, 0, 1, 1], [], []>, transpose_lhs_hint = false} : vector<64x128xbf16>, vector<128x256xbf16>, vector<64x256xf32> -> vector<64x256xf32>
    %slice3A_2833 = vector.extract_strided_slice %dot_general3A_2832 {offsets = [0, 0], sizes = [64, 128], strides = [1, 1]} : vector<64x256xf32> to vector<64x128xf32>
    %add3A_2834 = arith.addf %slice3A_2833, %transpose3A_2271 : vector<64x128xf32>
    %slice3A_2835 = vector.extract_strided_slice %transpose3A_2271 {offsets = [0, 30], sizes = [64, 1], strides = [1, 1]} : vector<64x128xf32> to vector<64x1xf32>
    %add3A_2836 = vector.broadcast %slice3A_2835 : vector<64x1xf32> to vector<64x128xf32>
    %add3A_2837 = arith.addf %add3A_2834, %add3A_2836 : vector<64x128xf32>
    %swap3A_2838 = arith.constant 1 : index
    %swap3A_2839 = arith.constant 30 : index
    %swap3A_2840 = arith.constant 0 : index
    %swap3A_2841 = arith.constant 0 : index
    %swap3A_2842 = vector.load %arg6[%swap3A_2838, %swap3A_2839, %swap3A_2840, %swap3A_2841] : memref<2x128x64x128xf32, #tpu.memory_space<vmem>>, vector<1x1x64x128xf32>
    %swap3A_2843 = vector.shape_cast %swap3A_2842 : vector<1x1x64x128xf32> to vector<64x128xf32>
    %swap3A_2844 = vector.shape_cast %add3A_2837 : vector<64x128xf32> to vector<1x1x64x128xf32>
    tpu.vector_store %arg6[%swap3A_2838, %swap3A_2839, %swap3A_2840, %swap3A_2841], %swap3A_2844 {strides = array<i32>} : memref<2x128x64x128xf32, #tpu.memory_space<vmem>>, vector<1x1x64x128xf32>,
    %slice3A_2845 = vector.extract_strided_slice %dot_general3A_2832 {offsets = [0, 128], sizes = [64, 128], strides = [1, 1]} : vector<64x256xf32> to vector<64x128xf32>
    %add3A_2846 = arith.addf %slice3A_2845, %transpose3A_2271 : vector<64x128xf32>
    %slice3A_2847 = vector.extract_strided_slice %transpose3A_2271 {offsets = [0, 31], sizes = [64, 1], strides = [1, 1]} : vector<64x128xf32> to vector<64x1xf32>
    %add3A_2848 = vector.broadcast %slice3A_2847 : vector<64x1xf32> to vector<64x128xf32>
    %add3A_2849 = arith.addf %add3A_2846, %add3A_2848 : vector<64x128xf32>
    %swap3A_2850 = arith.constant 1 : index
    %swap3A_2851 = arith.constant 31 : index
    %swap3A_2852 = arith.constant 0 : index
    %swap3A_2853 = arith.constant 0 : index
    %swap3A_2854 = vector.load %arg6[%swap3A_2850, %swap3A_2851, %swap3A_2852, %swap3A_2853] : memref<2x128x64x128xf32, #tpu.memory_space<vmem>>, vector<1x1x64x128xf32>
    %swap3A_2855 = vector.shape_cast %swap3A_2854 : vector<1x1x64x128xf32> to vector<64x128xf32>
    %swap3A_2856 = vector.shape_cast %add3A_2849 : vector<64x128xf32> to vector<1x1x64x128xf32>
    tpu.vector_store %arg6[%swap3A_2850, %swap3A_2851, %swap3A_2852, %swap3A_2853], %swap3A_2856 {strides = array<i32>} : memref<2x128x64x128xf32, #tpu.memory_space<vmem>>, vector<1x1x64x128xf32>,
    %slice3A_2857 = vector.extract_strided_slice %select_n3A_2296 {offsets = [32, 0], sizes = [1, 128], strides = [1, 1]} : vector<128x128xi32> to vector<1x128xi32>
    %slice3A_2858 = vector.extract_strided_slice %select_n3A_2296 {offsets = [33, 0], sizes = [1, 128], strides = [1, 1]} : vector<128x128xi32> to vector<1x128xi32>
    %concatenate3A_2859 = tpu.concatenate %slice3A_2857, %slice3A_2858 in 1 : vector<1x128xi32>, vector<1x128xi32> -> vector<1x256xi32>
    %eq3A_2860 = vector.broadcast %iota3A : vector<128x1xi32> to vector<128x256xi32>
    %eq3A_2861 = vector.broadcast %concatenate3A_2859 : vector<1x256xi32> to vector<128x256xi32>
    %eq3A_2862 = arith.cmpi eq, %eq3A_2860, %eq3A_2861 : vector<128x256xi32>
    %convert_element_type3A_2863 = arith.extui %eq3A_2862 : vector<128x256xi1> to vector<128x256xi32>
    %convert_element_type3A_2864 = arith.sitofp %convert_element_type3A_2863 : vector<128x256xi32> to vector<128x256xf32>
    %convert_element_type3A_2865 = arith.truncf %convert_element_type3A_2864 : vector<128x256xf32> to vector<128x256xbf16>
    %dot_general3A_2866 = arith.constant dense<0.000000e+00> : vector<64x256xf32>
    %dot_general3A_2867 = tpu.matmul %convert_element_type3A, %convert_element_type3A_2865, %dot_general3A_2866 {dimension_numbers = #tpu.dot_dimension_numbers<[1], [0], [0], [1], [0, 0, 1, 1], [], []>, transpose_lhs_hint = false} : vector<64x128xbf16>, vector<128x256xbf16>, vector<64x256xf32> -> vector<64x256xf32>
    %slice3A_2868 = vector.extract_strided_slice %dot_general3A_2867 {offsets = [0, 0], sizes = [64, 128], strides = [1, 1]} : vector<64x256xf32> to vector<64x128xf32>
    %add3A_2869 = arith.addf %slice3A_2868, %transpose3A_2271 : vector<64x128xf32>
    %slice3A_2870 = vector.extract_strided_slice %transpose3A_2271 {offsets = [0, 32], sizes = [64, 1], strides = [1, 1]} : vector<64x128xf32> to vector<64x1xf32>
    %add3A_2871 = vector.broadcast %slice3A_2870 : vector<64x1xf32> to vector<64x128xf32>
    %add3A_2872 = arith.addf %add3A_2869, %add3A_2871 : vector<64x128xf32>
    %swap3A_2873 = arith.constant 1 : index
    %swap3A_2874 = arith.constant 32 : index
    %swap3A_2875 = arith.constant 0 : index
    %swap3A_2876 = arith.constant 0 : index
    %swap3A_2877 = vector.load %arg6[%swap3A_2873, %swap3A_2874, %swap3A_2875, %swap3A_2876] : memref<2x128x64x128xf32, #tpu.memory_space<vmem>>, vector<1x1x64x128xf32>
    %swap3A_2878 = vector.shape_cast %swap3A_2877 : vector<1x1x64x128xf32> to vector<64x128xf32>
    %swap3A_2879 = vector.shape_cast %add3A_2872 : vector<64x128xf32> to vector<1x1x64x128xf32>
    tpu.vector_store %arg6[%swap3A_2873, %swap3A_2874, %swap3A_2875, %swap3A_2876], %swap3A_2879 {strides = array<i32>} : memref<2x128x64x128xf32, #tpu.memory_space<vmem>>, vector<1x1x64x128xf32>,
    %slice3A_2880 = vector.extract_strided_slice %dot_general3A_2867 {offsets = [0, 128], sizes = [64, 128], strides = [1, 1]} : vector<64x256xf32> to vector<64x128xf32>
    %add3A_2881 = arith.addf %slice3A_2880, %transpose3A_2271 : vector<64x128xf32>
    %slice3A_2882 = vector.extract_strided_slice %transpose3A_2271 {offsets = [0, 33], sizes = [64, 1], strides = [1, 1]} : vector<64x128xf32> to vector<64x1xf32>
    %add3A_2883 = vector.broadcast %slice3A_2882 : vector<64x1xf32> to vector<64x128xf32>
    %add3A_2884 = arith.addf %add3A_2881, %add3A_2883 : vector<64x128xf32>
    %swap3A_2885 = arith.constant 1 : index
    %swap3A_2886 = arith.constant 33 : index
    %swap3A_2887 = arith.constant 0 : index
    %swap3A_2888 = arith.constant 0 : index
    %swap3A_2889 = vector.load %arg6[%swap3A_2885, %swap3A_2886, %swap3A_2887, %swap3A_2888] : memref<2x128x64x128xf32, #tpu.memory_space<vmem>>, vector<1x1x64x128xf32>
    %swap3A_2890 = vector.shape_cast %swap3A_2889 : vector<1x1x64x128xf32> to vector<64x128xf32>
    %swap3A_2891 = vector.shape_cast %add3A_2884 : vector<64x128xf32> to vector<1x1x64x128xf32>
    tpu.vector_store %arg6[%swap3A_2885, %swap3A_2886, %swap3A_2887, %swap3A_2888], %swap3A_2891 {strides = array<i32>} : memref<2x128x64x128xf32, #tpu.memory_space<vmem>>, vector<1x1x64x128xf32>,
    %slice3A_2892 = vector.extract_strided_slice %select_n3A_2296 {offsets = [34, 0], sizes = [1, 128], strides = [1, 1]} : vector<128x128xi32> to vector<1x128xi32>
    %slice3A_2893 = vector.extract_strided_slice %select_n3A_2296 {offsets = [35, 0], sizes = [1, 128], strides = [1, 1]} : vector<128x128xi32> to vector<1x128xi32>
    %concatenate3A_2894 = tpu.concatenate %slice3A_2892, %slice3A_2893 in 1 : vector<1x128xi32>, vector<1x128xi32> -> vector<1x256xi32>
    %eq3A_2895 = vector.broadcast %iota3A : vector<128x1xi32> to vector<128x256xi32>
    %eq3A_2896 = vector.broadcast %concatenate3A_2894 : vector<1x256xi32> to vector<128x256xi32>
    %eq3A_2897 = arith.cmpi eq, %eq3A_2895, %eq3A_2896 : vector<128x256xi32>
    %convert_element_type3A_2898 = arith.extui %eq3A_2897 : vector<128x256xi1> to vector<128x256xi32>
    %convert_element_type3A_2899 = arith.sitofp %convert_element_type3A_2898 : vector<128x256xi32> to vector<128x256xf32>
    %convert_element_type3A_2900 = arith.truncf %convert_element_type3A_2899 : vector<128x256xf32> to vector<128x256xbf16>
    %dot_general3A_2901 = arith.constant dense<0.000000e+00> : vector<64x256xf32>
    %dot_general3A_2902 = tpu.matmul %convert_element_type3A, %convert_element_type3A_2900, %dot_general3A_2901 {dimension_numbers = #tpu.dot_dimension_numbers<[1], [0], [0], [1], [0, 0, 1, 1], [], []>, transpose_lhs_hint = false} : vector<64x128xbf16>, vector<128x256xbf16>, vector<64x256xf32> -> vector<64x256xf32>
    %slice3A_2903 = vector.extract_strided_slice %dot_general3A_2902 {offsets = [0, 0], sizes = [64, 128], strides = [1, 1]} : vector<64x256xf32> to vector<64x128xf32>
    %add3A_2904 = arith.addf %slice3A_2903, %transpose3A_2271 : vector<64x128xf32>
    %slice3A_2905 = vector.extract_strided_slice %transpose3A_2271 {offsets = [0, 34], sizes = [64, 1], strides = [1, 1]} : vector<64x128xf32> to vector<64x1xf32>
    %add3A_2906 = vector.broadcast %slice3A_2905 : vector<64x1xf32> to vector<64x128xf32>
    %add3A_2907 = arith.addf %add3A_2904, %add3A_2906 : vector<64x128xf32>
    %swap3A_2908 = arith.constant 1 : index
    %swap3A_2909 = arith.constant 34 : index
    %swap3A_2910 = arith.constant 0 : index
    %swap3A_2911 = arith.constant 0 : index
    %swap3A_2912 = vector.load %arg6[%swap3A_2908, %swap3A_2909, %swap3A_2910, %swap3A_2911] : memref<2x128x64x128xf32, #tpu.memory_space<vmem>>, vector<1x1x64x128xf32>
    %swap3A_2913 = vector.shape_cast %swap3A_2912 : vector<1x1x64x128xf32> to vector<64x128xf32>
    %swap3A_2914 = vector.shape_cast %add3A_2907 : vector<64x128xf32> to vector<1x1x64x128xf32>
    tpu.vector_store %arg6[%swap3A_2908, %swap3A_2909, %swap3A_2910, %swap3A_2911], %swap3A_2914 {strides = array<i32>} : memref<2x128x64x128xf32, #tpu.memory_space<vmem>>, vector<1x1x64x128xf32>,
    %slice3A_2915 = vector.extract_strided_slice %dot_general3A_2902 {offsets = [0, 128], sizes = [64, 128], strides = [1, 1]} : vector<64x256xf32> to vector<64x128xf32>
    %add3A_2916 = arith.addf %slice3A_2915, %transpose3A_2271 : vector<64x128xf32>
    %slice3A_2917 = vector.extract_strided_slice %transpose3A_2271 {offsets = [0, 35], sizes = [64, 1], strides = [1, 1]} : vector<64x128xf32> to vector<64x1xf32>
    %add3A_2918 = vector.broadcast %slice3A_2917 : vector<64x1xf32> to vector<64x128xf32>
    %add3A_2919 = arith.addf %add3A_2916, %add3A_2918 : vector<64x128xf32>
    %swap3A_2920 = arith.constant 1 : index
    %swap3A_2921 = arith.constant 35 : index
    %swap3A_2922 = arith.constant 0 : index
    %swap3A_2923 = arith.constant 0 : index
    %swap3A_2924 = vector.load %arg6[%swap3A_2920, %swap3A_2921, %swap3A_2922, %swap3A_2923] : memref<2x128x64x128xf32, #tpu.memory_space<vmem>>, vector<1x1x64x128xf32>
    %swap3A_2925 = vector.shape_cast %swap3A_2924 : vector<1x1x64x128xf32> to vector<64x128xf32>
    %swap3A_2926 = vector.shape_cast %add3A_2919 : vector<64x128xf32> to vector<1x1x64x128xf32>
    tpu.vector_store %arg6[%swap3A_2920, %swap3A_2921, %swap3A_2922, %swap3A_2923], %swap3A_2926 {strides = array<i32>} : memref<2x128x64x128xf32, #tpu.memory_space<vmem>>, vector<1x1x64x128xf32>,
    %slice3A_2927 = vector.extract_strided_slice %select_n3A_2296 {offsets = [36, 0], sizes = [1, 128], strides = [1, 1]} : vector<128x128xi32> to vector<1x128xi32>
    %slice3A_2928 = vector.extract_strided_slice %select_n3A_2296 {offsets = [37, 0], sizes = [1, 128], strides = [1, 1]} : vector<128x128xi32> to vector<1x128xi32>
    %concatenate3A_2929 = tpu.concatenate %slice3A_2927, %slice3A_2928 in 1 : vector<1x128xi32>, vector<1x128xi32> -> vector<1x256xi32>
    %eq3A_2930 = vector.broadcast %iota3A : vector<128x1xi32> to vector<128x256xi32>
    %eq3A_2931 = vector.broadcast %concatenate3A_2929 : vector<1x256xi32> to vector<128x256xi32>
    %eq3A_2932 = arith.cmpi eq, %eq3A_2930, %eq3A_2931 : vector<128x256xi32>
    %convert_element_type3A_2933 = arith.extui %eq3A_2932 : vector<128x256xi1> to vector<128x256xi32>
    %convert_element_type3A_2934 = arith.sitofp %convert_element_type3A_2933 : vector<128x256xi32> to vector<128x256xf32>
    %convert_element_type3A_2935 = arith.truncf %convert_element_type3A_2934 : vector<128x256xf32> to vector<128x256xbf16>
    %dot_general3A_2936 = arith.constant dense<0.000000e+00> : vector<64x256xf32>
    %dot_general3A_2937 = tpu.matmul %convert_element_type3A, %convert_element_type3A_2935, %dot_general3A_2936 {dimension_numbers = #tpu.dot_dimension_numbers<[1], [0], [0], [1], [0, 0, 1, 1], [], []>, transpose_lhs_hint = false} : vector<64x128xbf16>, vector<128x256xbf16>, vector<64x256xf32> -> vector<64x256xf32>
    %slice3A_2938 = vector.extract_strided_slice %dot_general3A_2937 {offsets = [0, 0], sizes = [64, 128], strides = [1, 1]} : vector<64x256xf32> to vector<64x128xf32>
    %add3A_2939 = arith.addf %slice3A_2938, %transpose3A_2271 : vector<64x128xf32>
    %slice3A_2940 = vector.extract_strided_slice %transpose3A_2271 {offsets = [0, 36], sizes = [64, 1], strides = [1, 1]} : vector<64x128xf32> to vector<64x1xf32>
    %add3A_2941 = vector.broadcast %slice3A_2940 : vector<64x1xf32> to vector<64x128xf32>
    %add3A_2942 = arith.addf %add3A_2939, %add3A_2941 : vector<64x128xf32>
    %swap3A_2943 = arith.constant 1 : index
    %swap3A_2944 = arith.constant 36 : index
    %swap3A_2945 = arith.constant 0 : index
    %swap3A_2946 = arith.constant 0 : index
    %swap3A_2947 = vector.load %arg6[%swap3A_2943, %swap3A_2944, %swap3A_2945, %swap3A_2946] : memref<2x128x64x128xf32, #tpu.memory_space<vmem>>, vector<1x1x64x128xf32>
    %swap3A_2948 = vector.shape_cast %swap3A_2947 : vector<1x1x64x128xf32> to vector<64x128xf32>
    %swap3A_2949 = vector.shape_cast %add3A_2942 : vector<64x128xf32> to vector<1x1x64x128xf32>
    tpu.vector_store %arg6[%swap3A_2943, %swap3A_2944, %swap3A_2945, %swap3A_2946], %swap3A_2949 {strides = array<i32>} : memref<2x128x64x128xf32, #tpu.memory_space<vmem>>, vector<1x1x64x128xf32>,
    %slice3A_2950 = vector.extract_strided_slice %dot_general3A_2937 {offsets = [0, 128], sizes = [64, 128], strides = [1, 1]} : vector<64x256xf32> to vector<64x128xf32>
    %add3A_2951 = arith.addf %slice3A_2950, %transpose3A_2271 : vector<64x128xf32>
    %slice3A_2952 = vector.extract_strided_slice %transpose3A_2271 {offsets = [0, 37], sizes = [64, 1], strides = [1, 1]} : vector<64x128xf32> to vector<64x1xf32>
    %add3A_2953 = vector.broadcast %slice3A_2952 : vector<64x1xf32> to vector<64x128xf32>
    %add3A_2954 = arith.addf %add3A_2951, %add3A_2953 : vector<64x128xf32>
    %swap3A_2955 = arith.constant 1 : index
    %swap3A_2956 = arith.constant 37 : index
    %swap3A_2957 = arith.constant 0 : index
    %swap3A_2958 = arith.constant 0 : index
    %swap3A_2959 = vector.load %arg6[%swap3A_2955, %swap3A_2956, %swap3A_2957, %swap3A_2958] : memref<2x128x64x128xf32, #tpu.memory_space<vmem>>, vector<1x1x64x128xf32>
    %swap3A_2960 = vector.shape_cast %swap3A_2959 : vector<1x1x64x128xf32> to vector<64x128xf32>
    %swap3A_2961 = vector.shape_cast %add3A_2954 : vector<64x128xf32> to vector<1x1x64x128xf32>
    tpu.vector_store %arg6[%swap3A_2955, %swap3A_2956, %swap3A_2957, %swap3A_2958], %swap3A_2961 {strides = array<i32>} : memref<2x128x64x128xf32, #tpu.memory_space<vmem>>, vector<1x1x64x128xf32>,
    %slice3A_2962 = vector.extract_strided_slice %select_n3A_2296 {offsets = [38, 0], sizes = [1, 128], strides = [1, 1]} : vector<128x128xi32> to vector<1x128xi32>
    %slice3A_2963 = vector.extract_strided_slice %select_n3A_2296 {offsets = [39, 0], sizes = [1, 128], strides = [1, 1]} : vector<128x128xi32> to vector<1x128xi32>
    %concatenate3A_2964 = tpu.concatenate %slice3A_2962, %slice3A_2963 in 1 : vector<1x128xi32>, vector<1x128xi32> -> vector<1x256xi32>
    %eq3A_2965 = vector.broadcast %iota3A : vector<128x1xi32> to vector<128x256xi32>
    %eq3A_2966 = vector.broadcast %concatenate3A_2964 : vector<1x256xi32> to vector<128x256xi32>
    %eq3A_2967 = arith.cmpi eq, %eq3A_2965, %eq3A_2966 : vector<128x256xi32>
    %convert_element_type3A_2968 = arith.extui %eq3A_2967 : vector<128x256xi1> to vector<128x256xi32>
    %convert_element_type3A_2969 = arith.sitofp %convert_element_type3A_2968 : vector<128x256xi32> to vector<128x256xf32>
    %convert_element_type3A_2970 = arith.truncf %convert_element_type3A_2969 : vector<128x256xf32> to vector<128x256xbf16>
    %dot_general3A_2971 = arith.constant dense<0.000000e+00> : vector<64x256xf32>
    %dot_general3A_2972 = tpu.matmul %convert_element_type3A, %convert_element_type3A_2970, %dot_general3A_2971 {dimension_numbers = #tpu.dot_dimension_numbers<[1], [0], [0], [1], [0, 0, 1, 1], [], []>, transpose_lhs_hint = false} : vector<64x128xbf16>, vector<128x256xbf16>, vector<64x256xf32> -> vector<64x256xf32>
    %slice3A_2973 = vector.extract_strided_slice %dot_general3A_2972 {offsets = [0, 0], sizes = [64, 128], strides = [1, 1]} : vector<64x256xf32> to vector<64x128xf32>
    %add3A_2974 = arith.addf %slice3A_2973, %transpose3A_2271 : vector<64x128xf32>
    %slice3A_2975 = vector.extract_strided_slice %transpose3A_2271 {offsets = [0, 38], sizes = [64, 1], strides = [1, 1]} : vector<64x128xf32> to vector<64x1xf32>
    %add3A_2976 = vector.broadcast %slice3A_2975 : vector<64x1xf32> to vector<64x128xf32>
    %add3A_2977 = arith.addf %add3A_2974, %add3A_2976 : vector<64x128xf32>
    %swap3A_2978 = arith.constant 1 : index
    %swap3A_2979 = arith.constant 38 : index
    %swap3A_2980 = arith.constant 0 : index
    %swap3A_2981 = arith.constant 0 : index
    %swap3A_2982 = vector.load %arg6[%swap3A_2978, %swap3A_2979, %swap3A_2980, %swap3A_2981] : memref<2x128x64x128xf32, #tpu.memory_space<vmem>>, vector<1x1x64x128xf32>
    %swap3A_2983 = vector.shape_cast %swap3A_2982 : vector<1x1x64x128xf32> to vector<64x128xf32>
    %swap3A_2984 = vector.shape_cast %add3A_2977 : vector<64x128xf32> to vector<1x1x64x128xf32>
    tpu.vector_store %arg6[%swap3A_2978, %swap3A_2979, %swap3A_2980, %swap3A_2981], %swap3A_2984 {strides = array<i32>} : memref<2x128x64x128xf32, #tpu.memory_space<vmem>>, vector<1x1x64x128xf32>,
    %slice3A_2985 = vector.extract_strided_slice %dot_general3A_2972 {offsets = [0, 128], sizes = [64, 128], strides = [1, 1]} : vector<64x256xf32> to vector<64x128xf32>
    %add3A_2986 = arith.addf %slice3A_2985, %transpose3A_2271 : vector<64x128xf32>
    %slice3A_2987 = vector.extract_strided_slice %transpose3A_2271 {offsets = [0, 39], sizes = [64, 1], strides = [1, 1]} : vector<64x128xf32> to vector<64x1xf32>
    %add3A_2988 = vector.broadcast %slice3A_2987 : vector<64x1xf32> to vector<64x128xf32>
    %add3A_2989 = arith.addf %add3A_2986, %add3A_2988 : vector<64x128xf32>
    %swap3A_2990 = arith.constant 1 : index
    %swap3A_2991 = arith.constant 39 : index
    %swap3A_2992 = arith.constant 0 : index
    %swap3A_2993 = arith.constant 0 : index
    %swap3A_2994 = vector.load %arg6[%swap3A_2990, %swap3A_2991, %swap3A_2992, %swap3A_2993] : memref<2x128x64x128xf32, #tpu.memory_space<vmem>>, vector<1x1x64x128xf32>
    %swap3A_2995 = vector.shape_cast %swap3A_2994 : vector<1x1x64x128xf32> to vector<64x128xf32>
    %swap3A_2996 = vector.shape_cast %add3A_2989 : vector<64x128xf32> to vector<1x1x64x128xf32>
    tpu.vector_store %arg6[%swap3A_2990, %swap3A_2991, %swap3A_2992, %swap3A_2993], %swap3A_2996 {strides = array<i32>} : memref<2x128x64x128xf32, #tpu.memory_space<vmem>>, vector<1x1x64x128xf32>,
    %slice3A_2997 = vector.extract_strided_slice %select_n3A_2296 {offsets = [40, 0], sizes = [1, 128], strides = [1, 1]} : vector<128x128xi32> to vector<1x128xi32>
    %slice3A_2998 = vector.extract_strided_slice %select_n3A_2296 {offsets = [41, 0], sizes = [1, 128], strides = [1, 1]} : vector<128x128xi32> to vector<1x128xi32>
    %concatenate3A_2999 = tpu.concatenate %slice3A_2997, %slice3A_2998 in 1 : vector<1x128xi32>, vector<1x128xi32> -> vector<1x256xi32>
    %eq3A_3000 = vector.broadcast %iota3A : vector<128x1xi32> to vector<128x256xi32>
    %eq3A_3001 = vector.broadcast %concatenate3A_2999 : vector<1x256xi32> to vector<128x256xi32>
    %eq3A_3002 = arith.cmpi eq, %eq3A_3000, %eq3A_3001 : vector<128x256xi32>
    %convert_element_type3A_3003 = arith.extui %eq3A_3002 : vector<128x256xi1> to vector<128x256xi32>
    %convert_element_type3A_3004 = arith.sitofp %convert_element_type3A_3003 : vector<128x256xi32> to vector<128x256xf32>
    %convert_element_type3A_3005 = arith.truncf %convert_element_type3A_3004 : vector<128x256xf32> to vector<128x256xbf16>
    %dot_general3A_3006 = arith.constant dense<0.000000e+00> : vector<64x256xf32>
    %dot_general3A_3007 = tpu.matmul %convert_element_type3A, %convert_element_type3A_3005, %dot_general3A_3006 {dimension_numbers = #tpu.dot_dimension_numbers<[1], [0], [0], [1], [0, 0, 1, 1], [], []>, transpose_lhs_hint = false} : vector<64x128xbf16>, vector<128x256xbf16>, vector<64x256xf32> -> vector<64x256xf32>
    %slice3A_3008 = vector.extract_strided_slice %dot_general3A_3007 {offsets = [0, 0], sizes = [64, 128], strides = [1, 1]} : vector<64x256xf32> to vector<64x128xf32>
    %add3A_3009 = arith.addf %slice3A_3008, %transpose3A_2271 : vector<64x128xf32>
    %slice3A_3010 = vector.extract_strided_slice %transpose3A_2271 {offsets = [0, 40], sizes = [64, 1], strides = [1, 1]} : vector<64x128xf32> to vector<64x1xf32>
    %add3A_3011 = vector.broadcast %slice3A_3010 : vector<64x1xf32> to vector<64x128xf32>
    %add3A_3012 = arith.addf %add3A_3009, %add3A_3011 : vector<64x128xf32>
    %swap3A_3013 = arith.constant 1 : index
    %swap3A_3014 = arith.constant 40 : index
    %swap3A_3015 = arith.constant 0 : index
    %swap3A_3016 = arith.constant 0 : index
    %swap3A_3017 = vector.load %arg6[%swap3A_3013, %swap3A_3014, %swap3A_3015, %swap3A_3016] : memref<2x128x64x128xf32, #tpu.memory_space<vmem>>, vector<1x1x64x128xf32>
    %swap3A_3018 = vector.shape_cast %swap3A_3017 : vector<1x1x64x128xf32> to vector<64x128xf32>
    %swap3A_3019 = vector.shape_cast %add3A_3012 : vector<64x128xf32> to vector<1x1x64x128xf32>
    tpu.vector_store %arg6[%swap3A_3013, %swap3A_3014, %swap3A_3015, %swap3A_3016], %swap3A_3019 {strides = array<i32>} : memref<2x128x64x128xf32, #tpu.memory_space<vmem>>, vector<1x1x64x128xf32>,
    %slice3A_3020 = vector.extract_strided_slice %dot_general3A_3007 {offsets = [0, 128], sizes = [64, 128], strides = [1, 1]} : vector<64x256xf32> to vector<64x128xf32>
    %add3A_3021 = arith.addf %slice3A_3020, %transpose3A_2271 : vector<64x128xf32>
    %slice3A_3022 = vector.extract_strided_slice %transpose3A_2271 {offsets = [0, 41], sizes = [64, 1], strides = [1, 1]} : vector<64x128xf32> to vector<64x1xf32>
    %add3A_3023 = vector.broadcast %slice3A_3022 : vector<64x1xf32> to vector<64x128xf32>
    %add3A_3024 = arith.addf %add3A_3021, %add3A_3023 : vector<64x128xf32>
    %swap3A_3025 = arith.constant 1 : index
    %swap3A_3026 = arith.constant 41 : index
    %swap3A_3027 = arith.constant 0 : index
    %swap3A_3028 = arith.constant 0 : index
    %swap3A_3029 = vector.load %arg6[%swap3A_3025, %swap3A_3026, %swap3A_3027, %swap3A_3028] : memref<2x128x64x128xf32, #tpu.memory_space<vmem>>, vector<1x1x64x128xf32>
    %swap3A_3030 = vector.shape_cast %swap3A_3029 : vector<1x1x64x128xf32> to vector<64x128xf32>
    %swap3A_3031 = vector.shape_cast %add3A_3024 : vector<64x128xf32> to vector<1x1x64x128xf32>
    tpu.vector_store %arg6[%swap3A_3025, %swap3A_3026, %swap3A_3027, %swap3A_3028], %swap3A_3031 {strides = array<i32>} : memref<2x128x64x128xf32, #tpu.memory_space<vmem>>, vector<1x1x64x128xf32>,
    %slice3A_3032 = vector.extract_strided_slice %select_n3A_2296 {offsets = [42, 0], sizes = [1, 128], strides = [1, 1]} : vector<128x128xi32> to vector<1x128xi32>
    %slice3A_3033 = vector.extract_strided_slice %select_n3A_2296 {offsets = [43, 0], sizes = [1, 128], strides = [1, 1]} : vector<128x128xi32> to vector<1x128xi32>
    %concatenate3A_3034 = tpu.concatenate %slice3A_3032, %slice3A_3033 in 1 : vector<1x128xi32>, vector<1x128xi32> -> vector<1x256xi32>
    %eq3A_3035 = vector.broadcast %iota3A : vector<128x1xi32> to vector<128x256xi32>
    %eq3A_3036 = vector.broadcast %concatenate3A_3034 : vector<1x256xi32> to vector<128x256xi32>
    %eq3A_3037 = arith.cmpi eq, %eq3A_3035, %eq3A_3036 : vector<128x256xi32>
    %convert_element_type3A_3038 = arith.extui %eq3A_3037 : vector<128x256xi1> to vector<128x256xi32>
    %convert_element_type3A_3039 = arith.sitofp %convert_element_type3A_3038 : vector<128x256xi32> to vector<128x256xf32>
    %convert_element_type3A_3040 = arith.truncf %convert_element_type3A_3039 : vector<128x256xf32> to vector<128x256xbf16>
    %dot_general3A_3041 = arith.constant dense<0.000000e+00> : vector<64x256xf32>
    %dot_general3A_3042 = tpu.matmul %convert_element_type3A, %convert_element_type3A_3040, %dot_general3A_3041 {dimension_numbers = #tpu.dot_dimension_numbers<[1], [0], [0], [1], [0, 0, 1, 1], [], []>, transpose_lhs_hint = false} : vector<64x128xbf16>, vector<128x256xbf16>, vector<64x256xf32> -> vector<64x256xf32>
    %slice3A_3043 = vector.extract_strided_slice %dot_general3A_3042 {offsets = [0, 0], sizes = [64, 128], strides = [1, 1]} : vector<64x256xf32> to vector<64x128xf32>
    %add3A_3044 = arith.addf %slice3A_3043, %transpose3A_2271 : vector<64x128xf32>
    %slice3A_3045 = vector.extract_strided_slice %transpose3A_2271 {offsets = [0, 42], sizes = [64, 1], strides = [1, 1]} : vector<64x128xf32> to vector<64x1xf32>
    %add3A_3046 = vector.broadcast %slice3A_3045 : vector<64x1xf32> to vector<64x128xf32>
    %add3A_3047 = arith.addf %add3A_3044, %add3A_3046 : vector<64x128xf32>
    %swap3A_3048 = arith.constant 1 : index
    %swap3A_3049 = arith.constant 42 : index
    %swap3A_3050 = arith.constant 0 : index
    %swap3A_3051 = arith.constant 0 : index
    %swap3A_3052 = vector.load %arg6[%swap3A_3048, %swap3A_3049, %swap3A_3050, %swap3A_3051] : memref<2x128x64x128xf32, #tpu.memory_space<vmem>>, vector<1x1x64x128xf32>
    %swap3A_3053 = vector.shape_cast %swap3A_3052 : vector<1x1x64x128xf32> to vector<64x128xf32>
    %swap3A_3054 = vector.shape_cast %add3A_3047 : vector<64x128xf32> to vector<1x1x64x128xf32>
    tpu.vector_store %arg6[%swap3A_3048, %swap3A_3049, %swap3A_3050, %swap3A_3051], %swap3A_3054 {strides = array<i32>} : memref<2x128x64x128xf32, #tpu.memory_space<vmem>>, vector<1x1x64x128xf32>,
    %slice3A_3055 = vector.extract_strided_slice %dot_general3A_3042 {offsets = [0, 128], sizes = [64, 128], strides = [1, 1]} : vector<64x256xf32> to vector<64x128xf32>
    %add3A_3056 = arith.addf %slice3A_3055, %transpose3A_2271 : vector<64x128xf32>
    %slice3A_3057 = vector.extract_strided_slice %transpose3A_2271 {offsets = [0, 43], sizes = [64, 1], strides = [1, 1]} : vector<64x128xf32> to vector<64x1xf32>
    %add3A_3058 = vector.broadcast %slice3A_3057 : vector<64x1xf32> to vector<64x128xf32>
    %add3A_3059 = arith.addf %add3A_3056, %add3A_3058 : vector<64x128xf32>
    %swap3A_3060 = arith.constant 1 : index
    %swap3A_3061 = arith.constant 43 : index
    %swap3A_3062 = arith.constant 0 : index
    %swap3A_3063 = arith.constant 0 : index
    %swap3A_3064 = vector.load %arg6[%swap3A_3060, %swap3A_3061, %swap3A_3062, %swap3A_3063] : memref<2x128x64x128xf32, #tpu.memory_space<vmem>>, vector<1x1x64x128xf32>
    %swap3A_3065 = vector.shape_cast %swap3A_3064 : vector<1x1x64x128xf32> to vector<64x128xf32>
    %swap3A_3066 = vector.shape_cast %add3A_3059 : vector<64x128xf32> to vector<1x1x64x128xf32>
    tpu.vector_store %arg6[%swap3A_3060, %swap3A_3061, %swap3A_3062, %swap3A_3063], %swap3A_3066 {strides = array<i32>} : memref<2x128x64x128xf32, #tpu.memory_space<vmem>>, vector<1x1x64x128xf32>,
    %slice3A_3067 = vector.extract_strided_slice %select_n3A_2296 {offsets = [44, 0], sizes = [1, 128], strides = [1, 1]} : vector<128x128xi32> to vector<1x128xi32>
    %slice3A_3068 = vector.extract_strided_slice %select_n3A_2296 {offsets = [45, 0], sizes = [1, 128], strides = [1, 1]} : vector<128x128xi32> to vector<1x128xi32>
    %concatenate3A_3069 = tpu.concatenate %slice3A_3067, %slice3A_3068 in 1 : vector<1x128xi32>, vector<1x128xi32> -> vector<1x256xi32>
    %eq3A_3070 = vector.broadcast %iota3A : vector<128x1xi32> to vector<128x256xi32>
    %eq3A_3071 = vector.broadcast %concatenate3A_3069 : vector<1x256xi32> to vector<128x256xi32>
    %eq3A_3072 = arith.cmpi eq, %eq3A_3070, %eq3A_3071 : vector<128x256xi32>
    %convert_element_type3A_3073 = arith.extui %eq3A_3072 : vector<128x256xi1> to vector<128x256xi32>
    %convert_element_type3A_3074 = arith.sitofp %convert_element_type3A_3073 : vector<128x256xi32> to vector<128x256xf32>
    %convert_element_type3A_3075 = arith.truncf %convert_element_type3A_3074 : vector<128x256xf32> to vector<128x256xbf16>
    %dot_general3A_3076 = arith.constant dense<0.000000e+00> : vector<64x256xf32>
    %dot_general3A_3077 = tpu.matmul %convert_element_type3A, %convert_element_type3A_3075, %dot_general3A_3076 {dimension_numbers = #tpu.dot_dimension_numbers<[1], [0], [0], [1], [0, 0, 1, 1], [], []>, transpose_lhs_hint = false} : vector<64x128xbf16>, vector<128x256xbf16>, vector<64x256xf32> -> vector<64x256xf32>
    %slice3A_3078 = vector.extract_strided_slice %dot_general3A_3077 {offsets = [0, 0], sizes = [64, 128], strides = [1, 1]} : vector<64x256xf32> to vector<64x128xf32>
    %add3A_3079 = arith.addf %slice3A_3078, %transpose3A_2271 : vector<64x128xf32>
    %slice3A_3080 = vector.extract_strided_slice %transpose3A_2271 {offsets = [0, 44], sizes = [64, 1], strides = [1, 1]} : vector<64x128xf32> to vector<64x1xf32>
    %add3A_3081 = vector.broadcast %slice3A_3080 : vector<64x1xf32> to vector<64x128xf32>
    %add3A_3082 = arith.addf %add3A_3079, %add3A_3081 : vector<64x128xf32>
    %swap3A_3083 = arith.constant 1 : index
    %swap3A_3084 = arith.constant 44 : index
    %swap3A_3085 = arith.constant 0 : index
    %swap3A_3086 = arith.constant 0 : index
    %swap3A_3087 = vector.load %arg6[%swap3A_3083, %swap3A_3084, %swap3A_3085, %swap3A_3086] : memref<2x128x64x128xf32, #tpu.memory_space<vmem>>, vector<1x1x64x128xf32>
    %swap3A_3088 = vector.shape_cast %swap3A_3087 : vector<1x1x64x128xf32> to vector<64x128xf32>
    %swap3A_3089 = vector.shape_cast %add3A_3082 : vector<64x128xf32> to vector<1x1x64x128xf32>
    tpu.vector_store %arg6[%swap3A_3083, %swap3A_3084, %swap3A_3085, %swap3A_3086], %swap3A_3089 {strides = array<i32>} : memref<2x128x64x128xf32, #tpu.memory_space<vmem>>, vector<1x1x64x128xf32>,
    %slice3A_3090 = vector.extract_strided_slice %dot_general3A_3077 {offsets = [0, 128], sizes = [64, 128], strides = [1, 1]} : vector<64x256xf32> to vector<64x128xf32>
    %add3A_3091 = arith.addf %slice3A_3090, %transpose3A_2271 : vector<64x128xf32>
    %slice3A_3092 = vector.extract_strided_slice %transpose3A_2271 {offsets = [0, 45], sizes = [64, 1], strides = [1, 1]} : vector<64x128xf32> to vector<64x1xf32>
    %add3A_3093 = vector.broadcast %slice3A_3092 : vector<64x1xf32> to vector<64x128xf32>
    %add3A_3094 = arith.addf %add3A_3091, %add3A_3093 : vector<64x128xf32>
    %swap3A_3095 = arith.constant 1 : index
    %swap3A_3096 = arith.constant 45 : index
    %swap3A_3097 = arith.constant 0 : index
    %swap3A_3098 = arith.constant 0 : index
    %swap3A_3099 = vector.load %arg6[%swap3A_3095, %swap3A_3096, %swap3A_3097, %swap3A_3098] : memref<2x128x64x128xf32, #tpu.memory_space<vmem>>, vector<1x1x64x128xf32>
    %swap3A_3100 = vector.shape_cast %swap3A_3099 : vector<1x1x64x128xf32> to vector<64x128xf32>
    %swap3A_3101 = vector.shape_cast %add3A_3094 : vector<64x128xf32> to vector<1x1x64x128xf32>
    tpu.vector_store %arg6[%swap3A_3095, %swap3A_3096, %swap3A_3097, %swap3A_3098], %swap3A_3101 {strides = array<i32>} : memref<2x128x64x128xf32, #tpu.memory_space<vmem>>, vector<1x1x64x128xf32>,
    %slice3A_3102 = vector.extract_strided_slice %select_n3A_2296 {offsets = [46, 0], sizes = [1, 128], strides = [1, 1]} : vector<128x128xi32> to vector<1x128xi32>
    %slice3A_3103 = vector.extract_strided_slice %select_n3A_2296 {offsets = [47, 0], sizes = [1, 128], strides = [1, 1]} : vector<128x128xi32> to vector<1x128xi32>
    %concatenate3A_3104 = tpu.concatenate %slice3A_3102, %slice3A_3103 in 1 : vector<1x128xi32>, vector<1x128xi32> -> vector<1x256xi32>
    %eq3A_3105 = vector.broadcast %iota3A : vector<128x1xi32> to vector<128x256xi32>
    %eq3A_3106 = vector.broadcast %concatenate3A_3104 : vector<1x256xi32> to vector<128x256xi32>
    %eq3A_3107 = arith.cmpi eq, %eq3A_3105, %eq3A_3106 : vector<128x256xi32>
    %convert_element_type3A_3108 = arith.extui %eq3A_3107 : vector<128x256xi1> to vector<128x256xi32>
    %convert_element_type3A_3109 = arith.sitofp %convert_element_type3A_3108 : vector<128x256xi32> to vector<128x256xf32>
    %convert_element_type3A_3110 = arith.truncf %convert_element_type3A_3109 : vector<128x256xf32> to vector<128x256xbf16>
    %dot_general3A_3111 = arith.constant dense<0.000000e+00> : vector<64x256xf32>
    %dot_general3A_3112 = tpu.matmul %convert_element_type3A, %convert_element_type3A_3110, %dot_general3A_3111 {dimension_numbers = #tpu.dot_dimension_numbers<[1], [0], [0], [1], [0, 0, 1, 1], [], []>, transpose_lhs_hint = false} : vector<64x128xbf16>, vector<128x256xbf16>, vector<64x256xf32> -> vector<64x256xf32>
    %slice3A_3113 = vector.extract_strided_slice %dot_general3A_3112 {offsets = [0, 0], sizes = [64, 128], strides = [1, 1]} : vector<64x256xf32> to vector<64x128xf32>
    %add3A_3114 = arith.addf %slice3A_3113, %transpose3A_2271 : vector<64x128xf32>
    %slice3A_3115 = vector.extract_strided_slice %transpose3A_2271 {offsets = [0, 46], sizes = [64, 1], strides = [1, 1]} : vector<64x128xf32> to vector<64x1xf32>
    %add3A_3116 = vector.broadcast %slice3A_3115 : vector<64x1xf32> to vector<64x128xf32>
    %add3A_3117 = arith.addf %add3A_3114, %add3A_3116 : vector<64x128xf32>
    %swap3A_3118 = arith.constant 1 : index
    %swap3A_3119 = arith.constant 46 : index
    %swap3A_3120 = arith.constant 0 : index
    %swap3A_3121 = arith.constant 0 : index
    %swap3A_3122 = vector.load %arg6[%swap3A_3118, %swap3A_3119, %swap3A_3120, %swap3A_3121] : memref<2x128x64x128xf32, #tpu.memory_space<vmem>>, vector<1x1x64x128xf32>
    %swap3A_3123 = vector.shape_cast %swap3A_3122 : vector<1x1x64x128xf32> to vector<64x128xf32>
    %swap3A_3124 = vector.shape_cast %add3A_3117 : vector<64x128xf32> to vector<1x1x64x128xf32>
    tpu.vector_store %arg6[%swap3A_3118, %swap3A_3119, %swap3A_3120, %swap3A_3121], %swap3A_3124 {strides = array<i32>} : memref<2x128x64x128xf32, #tpu.memory_space<vmem>>, vector<1x1x64x128xf32>,
    %slice3A_3125 = vector.extract_strided_slice %dot_general3A_3112 {offsets = [0, 128], sizes = [64, 128], strides = [1, 1]} : vector<64x256xf32> to vector<64x128xf32>
    %add3A_3126 = arith.addf %slice3A_3125, %transpose3A_2271 : vector<64x128xf32>
    %slice3A_3127 = vector.extract_strided_slice %transpose3A_2271 {offsets = [0, 47], sizes = [64, 1], strides = [1, 1]} : vector<64x128xf32> to vector<64x1xf32>
    %add3A_3128 = vector.broadcast %slice3A_3127 : vector<64x1xf32> to vector<64x128xf32>
    %add3A_3129 = arith.addf %add3A_3126, %add3A_3128 : vector<64x128xf32>
    %swap3A_3130 = arith.constant 1 : index
    %swap3A_3131 = arith.constant 47 : index
    %swap3A_3132 = arith.constant 0 : index
    %swap3A_3133 = arith.constant 0 : index
    %swap3A_3134 = vector.load %arg6[%swap3A_3130, %swap3A_3131, %swap3A_3132, %swap3A_3133] : memref<2x128x64x128xf32, #tpu.memory_space<vmem>>, vector<1x1x64x128xf32>
    %swap3A_3135 = vector.shape_cast %swap3A_3134 : vector<1x1x64x128xf32> to vector<64x128xf32>
    %swap3A_3136 = vector.shape_cast %add3A_3129 : vector<64x128xf32> to vector<1x1x64x128xf32>
    tpu.vector_store %arg6[%swap3A_3130, %swap3A_3131, %swap3A_3132, %swap3A_3133], %swap3A_3136 {strides = array<i32>} : memref<2x128x64x128xf32, #tpu.memory_space<vmem>>, vector<1x1x64x128xf32>,
    %slice3A_3137 = vector.extract_strided_slice %select_n3A_2296 {offsets = [48, 0], sizes = [1, 128], strides = [1, 1]} : vector<128x128xi32> to vector<1x128xi32>
    %slice3A_3138 = vector.extract_strided_slice %select_n3A_2296 {offsets = [49, 0], sizes = [1, 128], strides = [1, 1]} : vector<128x128xi32> to vector<1x128xi32>
    %concatenate3A_3139 = tpu.concatenate %slice3A_3137, %slice3A_3138 in 1 : vector<1x128xi32>, vector<1x128xi32> -> vector<1x256xi32>
    %eq3A_3140 = vector.broadcast %iota3A : vector<128x1xi32> to vector<128x256xi32>
    %eq3A_3141 = vector.broadcast %concatenate3A_3139 : vector<1x256xi32> to vector<128x256xi32>
    %eq3A_3142 = arith.cmpi eq, %eq3A_3140, %eq3A_3141 : vector<128x256xi32>
    %convert_element_type3A_3143 = arith.extui %eq3A_3142 : vector<128x256xi1> to vector<128x256xi32>
    %convert_element_type3A_3144 = arith.sitofp %convert_element_type3A_3143 : vector<128x256xi32> to vector<128x256xf32>
    %convert_element_type3A_3145 = arith.truncf %convert_element_type3A_3144 : vector<128x256xf32> to vector<128x256xbf16>
    %dot_general3A_3146 = arith.constant dense<0.000000e+00> : vector<64x256xf32>
    %dot_general3A_3147 = tpu.matmul %convert_element_type3A, %convert_element_type3A_3145, %dot_general3A_3146 {dimension_numbers = #tpu.dot_dimension_numbers<[1], [0], [0], [1], [0, 0, 1, 1], [], []>, transpose_lhs_hint = false} : vector<64x128xbf16>, vector<128x256xbf16>, vector<64x256xf32> -> vector<64x256xf32>
    %slice3A_3148 = vector.extract_strided_slice %dot_general3A_3147 {offsets = [0, 0], sizes = [64, 128], strides = [1, 1]} : vector<64x256xf32> to vector<64x128xf32>
    %add3A_3149 = arith.addf %slice3A_3148, %transpose3A_2271 : vector<64x128xf32>
    %slice3A_3150 = vector.extract_strided_slice %transpose3A_2271 {offsets = [0, 48], sizes = [64, 1], strides = [1, 1]} : vector<64x128xf32> to vector<64x1xf32>
    %add3A_3151 = vector.broadcast %slice3A_3150 : vector<64x1xf32> to vector<64x128xf32>
    %add3A_3152 = arith.addf %add3A_3149, %add3A_3151 : vector<64x128xf32>
    %swap3A_3153 = arith.constant 1 : index
    %swap3A_3154 = arith.constant 48 : index
    %swap3A_3155 = arith.constant 0 : index
    %swap3A_3156 = arith.constant 0 : index
    %swap3A_3157 = vector.load %arg6[%swap3A_3153, %swap3A_3154, %swap3A_3155, %swap3A_3156] : memref<2x128x64x128xf32, #tpu.memory_space<vmem>>, vector<1x1x64x128xf32>
    %swap3A_3158 = vector.shape_cast %swap3A_3157 : vector<1x1x64x128xf32> to vector<64x128xf32>
    %swap3A_3159 = vector.shape_cast %add3A_3152 : vector<64x128xf32> to vector<1x1x64x128xf32>
    tpu.vector_store %arg6[%swap3A_3153, %swap3A_3154, %swap3A_3155, %swap3A_3156], %swap3A_3159 {strides = array<i32>} : memref<2x128x64x128xf32, #tpu.memory_space<vmem>>, vector<1x1x64x128xf32>,
    %slice3A_3160 = vector.extract_strided_slice %dot_general3A_3147 {offsets = [0, 128], sizes = [64, 128], strides = [1, 1]} : vector<64x256xf32> to vector<64x128xf32>
    %add3A_3161 = arith.addf %slice3A_3160, %transpose3A_2271 : vector<64x128xf32>
    %slice3A_3162 = vector.extract_strided_slice %transpose3A_2271 {offsets = [0, 49], sizes = [64, 1], strides = [1, 1]} : vector<64x128xf32> to vector<64x1xf32>
    %add3A_3163 = vector.broadcast %slice3A_3162 : vector<64x1xf32> to vector<64x128xf32>
    %add3A_3164 = arith.addf %add3A_3161, %add3A_3163 : vector<64x128xf32>
    %swap3A_3165 = arith.constant 1 : index
    %swap3A_3166 = arith.constant 49 : index
    %swap3A_3167 = arith.constant 0 : index
    %swap3A_3168 = arith.constant 0 : index
    %swap3A_3169 = vector.load %arg6[%swap3A_3165, %swap3A_3166, %swap3A_3167, %swap3A_3168] : memref<2x128x64x128xf32, #tpu.memory_space<vmem>>, vector<1x1x64x128xf32>
    %swap3A_3170 = vector.shape_cast %swap3A_3169 : vector<1x1x64x128xf32> to vector<64x128xf32>
    %swap3A_3171 = vector.shape_cast %add3A_3164 : vector<64x128xf32> to vector<1x1x64x128xf32>
    tpu.vector_store %arg6[%swap3A_3165, %swap3A_3166, %swap3A_3167, %swap3A_3168], %swap3A_3171 {strides = array<i32>} : memref<2x128x64x128xf32, #tpu.memory_space<vmem>>, vector<1x1x64x128xf32>,
    %slice3A_3172 = vector.extract_strided_slice %select_n3A_2296 {offsets = [50, 0], sizes = [1, 128], strides = [1, 1]} : vector<128x128xi32> to vector<1x128xi32>
    %slice3A_3173 = vector.extract_strided_slice %select_n3A_2296 {offsets = [51, 0], sizes = [1, 128], strides = [1, 1]} : vector<128x128xi32> to vector<1x128xi32>
    %concatenate3A_3174 = tpu.concatenate %slice3A_3172, %slice3A_3173 in 1 : vector<1x128xi32>, vector<1x128xi32> -> vector<1x256xi32>
    %eq3A_3175 = vector.broadcast %iota3A : vector<128x1xi32> to vector<128x256xi32>
    %eq3A_3176 = vector.broadcast %concatenate3A_3174 : vector<1x256xi32> to vector<128x256xi32>
    %eq3A_3177 = arith.cmpi eq, %eq3A_3175, %eq3A_3176 : vector<128x256xi32>
    %convert_element_type3A_3178 = arith.extui %eq3A_3177 : vector<128x256xi1> to vector<128x256xi32>
    %convert_element_type3A_3179 = arith.sitofp %convert_element_type3A_3178 : vector<128x256xi32> to vector<128x256xf32>
    %convert_element_type3A_3180 = arith.truncf %convert_element_type3A_3179 : vector<128x256xf32> to vector<128x256xbf16>
    %dot_general3A_3181 = arith.constant dense<0.000000e+00> : vector<64x256xf32>
    %dot_general3A_3182 = tpu.matmul %convert_element_type3A, %convert_element_type3A_3180, %dot_general3A_3181 {dimension_numbers = #tpu.dot_dimension_numbers<[1], [0], [0], [1], [0, 0, 1, 1], [], []>, transpose_lhs_hint = false} : vector<64x128xbf16>, vector<128x256xbf16>, vector<64x256xf32> -> vector<64x256xf32>
    %slice3A_3183 = vector.extract_strided_slice %dot_general3A_3182 {offsets = [0, 0], sizes = [64, 128], strides = [1, 1]} : vector<64x256xf32> to vector<64x128xf32>
    %add3A_3184 = arith.addf %slice3A_3183, %transpose3A_2271 : vector<64x128xf32>
    %slice3A_3185 = vector.extract_strided_slice %transpose3A_2271 {offsets = [0, 50], sizes = [64, 1], strides = [1, 1]} : vector<64x128xf32> to vector<64x1xf32>
    %add3A_3186 = vector.broadcast %slice3A_3185 : vector<64x1xf32> to vector<64x128xf32>
    %add3A_3187 = arith.addf %add3A_3184, %add3A_3186 : vector<64x128xf32>
    %swap3A_3188 = arith.constant 1 : index
    %swap3A_3189 = arith.constant 50 : index
    %swap3A_3190 = arith.constant 0 : index
    %swap3A_3191 = arith.constant 0 : index
    %swap3A_3192 = vector.load %arg6[%swap3A_3188, %swap3A_3189, %swap3A_3190, %swap3A_3191] : memref<2x128x64x128xf32, #tpu.memory_space<vmem>>, vector<1x1x64x128xf32>
    %swap3A_3193 = vector.shape_cast %swap3A_3192 : vector<1x1x64x128xf32> to vector<64x128xf32>
    %swap3A_3194 = vector.shape_cast %add3A_3187 : vector<64x128xf32> to vector<1x1x64x128xf32>
    tpu.vector_store %arg6[%swap3A_3188, %swap3A_3189, %swap3A_3190, %swap3A_3191], %swap3A_3194 {strides = array<i32>} : memref<2x128x64x128xf32, #tpu.memory_space<vmem>>, vector<1x1x64x128xf32>,
    %slice3A_3195 = vector.extract_strided_slice %dot_general3A_3182 {offsets = [0, 128], sizes = [64, 128], strides = [1, 1]} : vector<64x256xf32> to vector<64x128xf32>
    %add3A_3196 = arith.addf %slice3A_3195, %transpose3A_2271 : vector<64x128xf32>
    %slice3A_3197 = vector.extract_strided_slice %transpose3A_2271 {offsets = [0, 51], sizes = [64, 1], strides = [1, 1]} : vector<64x128xf32> to vector<64x1xf32>
    %add3A_3198 = vector.broadcast %slice3A_3197 : vector<64x1xf32> to vector<64x128xf32>
    %add3A_3199 = arith.addf %add3A_3196, %add3A_3198 : vector<64x128xf32>
    %swap3A_3200 = arith.constant 1 : index
    %swap3A_3201 = arith.constant 51 : index
    %swap3A_3202 = arith.constant 0 : index
    %swap3A_3203 = arith.constant 0 : index
    %swap3A_3204 = vector.load %arg6[%swap3A_3200, %swap3A_3201, %swap3A_3202, %swap3A_3203] : memref<2x128x64x128xf32, #tpu.memory_space<vmem>>, vector<1x1x64x128xf32>
    %swap3A_3205 = vector.shape_cast %swap3A_3204 : vector<1x1x64x128xf32> to vector<64x128xf32>
    %swap3A_3206 = vector.shape_cast %add3A_3199 : vector<64x128xf32> to vector<1x1x64x128xf32>
    tpu.vector_store %arg6[%swap3A_3200, %swap3A_3201, %swap3A_3202, %swap3A_3203], %swap3A_3206 {strides = array<i32>} : memref<2x128x64x128xf32, #tpu.memory_space<vmem>>, vector<1x1x64x128xf32>,
    %slice3A_3207 = vector.extract_strided_slice %select_n3A_2296 {offsets = [52, 0], sizes = [1, 128], strides = [1, 1]} : vector<128x128xi32> to vector<1x128xi32>
    %slice3A_3208 = vector.extract_strided_slice %select_n3A_2296 {offsets = [53, 0], sizes = [1, 128], strides = [1, 1]} : vector<128x128xi32> to vector<1x128xi32>
    %concatenate3A_3209 = tpu.concatenate %slice3A_3207, %slice3A_3208 in 1 : vector<1x128xi32>, vector<1x128xi32> -> vector<1x256xi32>
    %eq3A_3210 = vector.broadcast %iota3A : vector<128x1xi32> to vector<128x256xi32>
    %eq3A_3211 = vector.broadcast %concatenate3A_3209 : vector<1x256xi32> to vector<128x256xi32>
    %eq3A_3212 = arith.cmpi eq, %eq3A_3210, %eq3A_3211 : vector<128x256xi32>
    %convert_element_type3A_3213 = arith.extui %eq3A_3212 : vector<128x256xi1> to vector<128x256xi32>
    %convert_element_type3A_3214 = arith.sitofp %convert_element_type3A_3213 : vector<128x256xi32> to vector<128x256xf32>
    %convert_element_type3A_3215 = arith.truncf %convert_element_type3A_3214 : vector<128x256xf32> to vector<128x256xbf16>
    %dot_general3A_3216 = arith.constant dense<0.000000e+00> : vector<64x256xf32>
    %dot_general3A_3217 = tpu.matmul %convert_element_type3A, %convert_element_type3A_3215, %dot_general3A_3216 {dimension_numbers = #tpu.dot_dimension_numbers<[1], [0], [0], [1], [0, 0, 1, 1], [], []>, transpose_lhs_hint = false} : vector<64x128xbf16>, vector<128x256xbf16>, vector<64x256xf32> -> vector<64x256xf32>
    %slice3A_3218 = vector.extract_strided_slice %dot_general3A_3217 {offsets = [0, 0], sizes = [64, 128], strides = [1, 1]} : vector<64x256xf32> to vector<64x128xf32>
    %add3A_3219 = arith.addf %slice3A_3218, %transpose3A_2271 : vector<64x128xf32>
    %slice3A_3220 = vector.extract_strided_slice %transpose3A_2271 {offsets = [0, 52], sizes = [64, 1], strides = [1, 1]} : vector<64x128xf32> to vector<64x1xf32>
    %add3A_3221 = vector.broadcast %slice3A_3220 : vector<64x1xf32> to vector<64x128xf32>
    %add3A_3222 = arith.addf %add3A_3219, %add3A_3221 : vector<64x128xf32>
    %swap3A_3223 = arith.constant 1 : index
    %swap3A_3224 = arith.constant 52 : index
    %swap3A_3225 = arith.constant 0 : index
    %swap3A_3226 = arith.constant 0 : index
    %swap3A_3227 = vector.load %arg6[%swap3A_3223, %swap3A_3224, %swap3A_3225, %swap3A_3226] : memref<2x128x64x128xf32, #tpu.memory_space<vmem>>, vector<1x1x64x128xf32>
    %swap3A_3228 = vector.shape_cast %swap3A_3227 : vector<1x1x64x128xf32> to vector<64x128xf32>
    %swap3A_3229 = vector.shape_cast %add3A_3222 : vector<64x128xf32> to vector<1x1x64x128xf32>
    tpu.vector_store %arg6[%swap3A_3223, %swap3A_3224, %swap3A_3225, %swap3A_3226], %swap3A_3229 {strides = array<i32>} : memref<2x128x64x128xf32, #tpu.memory_space<vmem>>, vector<1x1x64x128xf32>,
    %slice3A_3230 = vector.extract_strided_slice %dot_general3A_3217 {offsets = [0, 128], sizes = [64, 128], strides = [1, 1]} : vector<64x256xf32> to vector<64x128xf32>
    %add3A_3231 = arith.addf %slice3A_3230, %transpose3A_2271 : vector<64x128xf32>
    %slice3A_3232 = vector.extract_strided_slice %transpose3A_2271 {offsets = [0, 53], sizes = [64, 1], strides = [1, 1]} : vector<64x128xf32> to vector<64x1xf32>
    %add3A_3233 = vector.broadcast %slice3A_3232 : vector<64x1xf32> to vector<64x128xf32>
    %add3A_3234 = arith.addf %add3A_3231, %add3A_3233 : vector<64x128xf32>
    %swap3A_3235 = arith.constant 1 : index
    %swap3A_3236 = arith.constant 53 : index
    %swap3A_3237 = arith.constant 0 : index
    %swap3A_3238 = arith.constant 0 : index
    %swap3A_3239 = vector.load %arg6[%swap3A_3235, %swap3A_3236, %swap3A_3237, %swap3A_3238] : memref<2x128x64x128xf32, #tpu.memory_space<vmem>>, vector<1x1x64x128xf32>
    %swap3A_3240 = vector.shape_cast %swap3A_3239 : vector<1x1x64x128xf32> to vector<64x128xf32>
    %swap3A_3241 = vector.shape_cast %add3A_3234 : vector<64x128xf32> to vector<1x1x64x128xf32>
    tpu.vector_store %arg6[%swap3A_3235, %swap3A_3236, %swap3A_3237, %swap3A_3238], %swap3A_3241 {strides = array<i32>} : memref<2x128x64x128xf32, #tpu.memory_space<vmem>>, vector<1x1x64x128xf32>,
    %slice3A_3242 = vector.extract_strided_slice %select_n3A_2296 {offsets = [54, 0], sizes = [1, 128], strides = [1, 1]} : vector<128x128xi32> to vector<1x128xi32>
    %slice3A_3243 = vector.extract_strided_slice %select_n3A_2296 {offsets = [55, 0], sizes = [1, 128], strides = [1, 1]} : vector<128x128xi32> to vector<1x128xi32>
    %concatenate3A_3244 = tpu.concatenate %slice3A_3242, %slice3A_3243 in 1 : vector<1x128xi32>, vector<1x128xi32> -> vector<1x256xi32>
    %eq3A_3245 = vector.broadcast %iota3A : vector<128x1xi32> to vector<128x256xi32>
    %eq3A_3246 = vector.broadcast %concatenate3A_3244 : vector<1x256xi32> to vector<128x256xi32>
    %eq3A_3247 = arith.cmpi eq, %eq3A_3245, %eq3A_3246 : vector<128x256xi32>
    %convert_element_type3A_3248 = arith.extui %eq3A_3247 : vector<128x256xi1> to vector<128x256xi32>
    %convert_element_type3A_3249 = arith.sitofp %convert_element_type3A_3248 : vector<128x256xi32> to vector<128x256xf32>
    %convert_element_type3A_3250 = arith.truncf %convert_element_type3A_3249 : vector<128x256xf32> to vector<128x256xbf16>
    %dot_general3A_3251 = arith.constant dense<0.000000e+00> : vector<64x256xf32>
    %dot_general3A_3252 = tpu.matmul %convert_element_type3A, %convert_element_type3A_3250, %dot_general3A_3251 {dimension_numbers = #tpu.dot_dimension_numbers<[1], [0], [0], [1], [0, 0, 1, 1], [], []>, transpose_lhs_hint = false} : vector<64x128xbf16>, vector<128x256xbf16>, vector<64x256xf32> -> vector<64x256xf32>
    %slice3A_3253 = vector.extract_strided_slice %dot_general3A_3252 {offsets = [0, 0], sizes = [64, 128], strides = [1, 1]} : vector<64x256xf32> to vector<64x128xf32>
    %add3A_3254 = arith.addf %slice3A_3253, %transpose3A_2271 : vector<64x128xf32>
    %slice3A_3255 = vector.extract_strided_slice %transpose3A_2271 {offsets = [0, 54], sizes = [64, 1], strides = [1, 1]} : vector<64x128xf32> to vector<64x1xf32>
    %add3A_3256 = vector.broadcast %slice3A_3255 : vector<64x1xf32> to vector<64x128xf32>
    %add3A_3257 = arith.addf %add3A_3254, %add3A_3256 : vector<64x128xf32>
    %swap3A_3258 = arith.constant 1 : index
    %swap3A_3259 = arith.constant 54 : index
    %swap3A_3260 = arith.constant 0 : index
    %swap3A_3261 = arith.constant 0 : index
    %swap3A_3262 = vector.load %arg6[%swap3A_3258, %swap3A_3259, %swap3A_3260, %swap3A_3261] : memref<2x128x64x128xf32, #tpu.memory_space<vmem>>, vector<1x1x64x128xf32>
    %swap3A_3263 = vector.shape_cast %swap3A_3262 : vector<1x1x64x128xf32> to vector<64x128xf32>
    %swap3A_3264 = vector.shape_cast %add3A_3257 : vector<64x128xf32> to vector<1x1x64x128xf32>
    tpu.vector_store %arg6[%swap3A_3258, %swap3A_3259, %swap3A_3260, %swap3A_3261], %swap3A_3264 {strides = array<i32>} : memref<2x128x64x128xf32, #tpu.memory_space<vmem>>, vector<1x1x64x128xf32>,
    %slice3A_3265 = vector.extract_strided_slice %dot_general3A_3252 {offsets = [0, 128], sizes = [64, 128], strides = [1, 1]} : vector<64x256xf32> to vector<64x128xf32>
    %add3A_3266 = arith.addf %slice3A_3265, %transpose3A_2271 : vector<64x128xf32>
    %slice3A_3267 = vector.extract_strided_slice %transpose3A_2271 {offsets = [0, 55], sizes = [64, 1], strides = [1, 1]} : vector<64x128xf32> to vector<64x1xf32>
    %add3A_3268 = vector.broadcast %slice3A_3267 : vector<64x1xf32> to vector<64x128xf32>
    %add3A_3269 = arith.addf %add3A_3266, %add3A_3268 : vector<64x128xf32>
    %swap3A_3270 = arith.constant 1 : index
    %swap3A_3271 = arith.constant 55 : index
    %swap3A_3272 = arith.constant 0 : index
    %swap3A_3273 = arith.constant 0 : index
    %swap3A_3274 = vector.load %arg6[%swap3A_3270, %swap3A_3271, %swap3A_3272, %swap3A_3273] : memref<2x128x64x128xf32, #tpu.memory_space<vmem>>, vector<1x1x64x128xf32>
    %swap3A_3275 = vector.shape_cast %swap3A_3274 : vector<1x1x64x128xf32> to vector<64x128xf32>
    %swap3A_3276 = vector.shape_cast %add3A_3269 : vector<64x128xf32> to vector<1x1x64x128xf32>
    tpu.vector_store %arg6[%swap3A_3270, %swap3A_3271, %swap3A_3272, %swap3A_3273], %swap3A_3276 {strides = array<i32>} : memref<2x128x64x128xf32, #tpu.memory_space<vmem>>, vector<1x1x64x128xf32>,
    %slice3A_3277 = vector.extract_strided_slice %select_n3A_2296 {offsets = [56, 0], sizes = [1, 128], strides = [1, 1]} : vector<128x128xi32> to vector<1x128xi32>
    %slice3A_3278 = vector.extract_strided_slice %select_n3A_2296 {offsets = [57, 0], sizes = [1, 128], strides = [1, 1]} : vector<128x128xi32> to vector<1x128xi32>
    %concatenate3A_3279 = tpu.concatenate %slice3A_3277, %slice3A_3278 in 1 : vector<1x128xi32>, vector<1x128xi32> -> vector<1x256xi32>
    %eq3A_3280 = vector.broadcast %iota3A : vector<128x1xi32> to vector<128x256xi32>
    %eq3A_3281 = vector.broadcast %concatenate3A_3279 : vector<1x256xi32> to vector<128x256xi32>
    %eq3A_3282 = arith.cmpi eq, %eq3A_3280, %eq3A_3281 : vector<128x256xi32>
    %convert_element_type3A_3283 = arith.extui %eq3A_3282 : vector<128x256xi1> to vector<128x256xi32>
    %convert_element_type3A_3284 = arith.sitofp %convert_element_type3A_3283 : vector<128x256xi32> to vector<128x256xf32>
    %convert_element_type3A_3285 = arith.truncf %convert_element_type3A_3284 : vector<128x256xf32> to vector<128x256xbf16>
    %dot_general3A_3286 = arith.constant dense<0.000000e+00> : vector<64x256xf32>
    %dot_general3A_3287 = tpu.matmul %convert_element_type3A, %convert_element_type3A_3285, %dot_general3A_3286 {dimension_numbers = #tpu.dot_dimension_numbers<[1], [0], [0], [1], [0, 0, 1, 1], [], []>, transpose_lhs_hint = false} : vector<64x128xbf16>, vector<128x256xbf16>, vector<64x256xf32> -> vector<64x256xf32>
    %slice3A_3288 = vector.extract_strided_slice %dot_general3A_3287 {offsets = [0, 0], sizes = [64, 128], strides = [1, 1]} : vector<64x256xf32> to vector<64x128xf32>
    %add3A_3289 = arith.addf %slice3A_3288, %transpose3A_2271 : vector<64x128xf32>
    %slice3A_3290 = vector.extract_strided_slice %transpose3A_2271 {offsets = [0, 56], sizes = [64, 1], strides = [1, 1]} : vector<64x128xf32> to vector<64x1xf32>
    %add3A_3291 = vector.broadcast %slice3A_3290 : vector<64x1xf32> to vector<64x128xf32>
    %add3A_3292 = arith.addf %add3A_3289, %add3A_3291 : vector<64x128xf32>
    %swap3A_3293 = arith.constant 1 : index
    %swap3A_3294 = arith.constant 56 : index
    %swap3A_3295 = arith.constant 0 : index
    %swap3A_3296 = arith.constant 0 : index
    %swap3A_3297 = vector.load %arg6[%swap3A_3293, %swap3A_3294, %swap3A_3295, %swap3A_3296] : memref<2x128x64x128xf32, #tpu.memory_space<vmem>>, vector<1x1x64x128xf32>
    %swap3A_3298 = vector.shape_cast %swap3A_3297 : vector<1x1x64x128xf32> to vector<64x128xf32>
    %swap3A_3299 = vector.shape_cast %add3A_3292 : vector<64x128xf32> to vector<1x1x64x128xf32>
    tpu.vector_store %arg6[%swap3A_3293, %swap3A_3294, %swap3A_3295, %swap3A_3296], %swap3A_3299 {strides = array<i32>} : memref<2x128x64x128xf32, #tpu.memory_space<vmem>>, vector<1x1x64x128xf32>,
    %slice3A_3300 = vector.extract_strided_slice %dot_general3A_3287 {offsets = [0, 128], sizes = [64, 128], strides = [1, 1]} : vector<64x256xf32> to vector<64x128xf32>
    %add3A_3301 = arith.addf %slice3A_3300, %transpose3A_2271 : vector<64x128xf32>
    %slice3A_3302 = vector.extract_strided_slice %transpose3A_2271 {offsets = [0, 57], sizes = [64, 1], strides = [1, 1]} : vector<64x128xf32> to vector<64x1xf32>
    %add3A_3303 = vector.broadcast %slice3A_3302 : vector<64x1xf32> to vector<64x128xf32>
    %add3A_3304 = arith.addf %add3A_3301, %add3A_3303 : vector<64x128xf32>
    %swap3A_3305 = arith.constant 1 : index
    %swap3A_3306 = arith.constant 57 : index
    %swap3A_3307 = arith.constant 0 : index
    %swap3A_3308 = arith.constant 0 : index
    %swap3A_3309 = vector.load %arg6[%swap3A_3305, %swap3A_3306, %swap3A_3307, %swap3A_3308] : memref<2x128x64x128xf32, #tpu.memory_space<vmem>>, vector<1x1x64x128xf32>
    %swap3A_3310 = vector.shape_cast %swap3A_3309 : vector<1x1x64x128xf32> to vector<64x128xf32>
    %swap3A_3311 = vector.shape_cast %add3A_3304 : vector<64x128xf32> to vector<1x1x64x128xf32>
    tpu.vector_store %arg6[%swap3A_3305, %swap3A_3306, %swap3A_3307, %swap3A_3308], %swap3A_3311 {strides = array<i32>} : memref<2x128x64x128xf32, #tpu.memory_space<vmem>>, vector<1x1x64x128xf32>,
    %slice3A_3312 = vector.extract_strided_slice %select_n3A_2296 {offsets = [58, 0], sizes = [1, 128], strides = [1, 1]} : vector<128x128xi32> to vector<1x128xi32>
    %slice3A_3313 = vector.extract_strided_slice %select_n3A_2296 {offsets = [59, 0], sizes = [1, 128], strides = [1, 1]} : vector<128x128xi32> to vector<1x128xi32>
    %concatenate3A_3314 = tpu.concatenate %slice3A_3312, %slice3A_3313 in 1 : vector<1x128xi32>, vector<1x128xi32> -> vector<1x256xi32>
    %eq3A_3315 = vector.broadcast %iota3A : vector<128x1xi32> to vector<128x256xi32>
    %eq3A_3316 = vector.broadcast %concatenate3A_3314 : vector<1x256xi32> to vector<128x256xi32>
    %eq3A_3317 = arith.cmpi eq, %eq3A_3315, %eq3A_3316 : vector<128x256xi32>
    %convert_element_type3A_3318 = arith.extui %eq3A_3317 : vector<128x256xi1> to vector<128x256xi32>
    %convert_element_type3A_3319 = arith.sitofp %convert_element_type3A_3318 : vector<128x256xi32> to vector<128x256xf32>
    %convert_element_type3A_3320 = arith.truncf %convert_element_type3A_3319 : vector<128x256xf32> to vector<128x256xbf16>
    %dot_general3A_3321 = arith.constant dense<0.000000e+00> : vector<64x256xf32>
    %dot_general3A_3322 = tpu.matmul %convert_element_type3A, %convert_element_type3A_3320, %dot_general3A_3321 {dimension_numbers = #tpu.dot_dimension_numbers<[1], [0], [0], [1], [0, 0, 1, 1], [], []>, transpose_lhs_hint = false} : vector<64x128xbf16>, vector<128x256xbf16>, vector<64x256xf32> -> vector<64x256xf32>
    %slice3A_3323 = vector.extract_strided_slice %dot_general3A_3322 {offsets = [0, 0], sizes = [64, 128], strides = [1, 1]} : vector<64x256xf32> to vector<64x128xf32>
    %add3A_3324 = arith.addf %slice3A_3323, %transpose3A_2271 : vector<64x128xf32>
    %slice3A_3325 = vector.extract_strided_slice %transpose3A_2271 {offsets = [0, 58], sizes = [64, 1], strides = [1, 1]} : vector<64x128xf32> to vector<64x1xf32>
    %add3A_3326 = vector.broadcast %slice3A_3325 : vector<64x1xf32> to vector<64x128xf32>
    %add3A_3327 = arith.addf %add3A_3324, %add3A_3326 : vector<64x128xf32>
    %swap3A_3328 = arith.constant 1 : index
    %swap3A_3329 = arith.constant 58 : index
    %swap3A_3330 = arith.constant 0 : index
    %swap3A_3331 = arith.constant 0 : index
    %swap3A_3332 = vector.load %arg6[%swap3A_3328, %swap3A_3329, %swap3A_3330, %swap3A_3331] : memref<2x128x64x128xf32, #tpu.memory_space<vmem>>, vector<1x1x64x128xf32>
    %swap3A_3333 = vector.shape_cast %swap3A_3332 : vector<1x1x64x128xf32> to vector<64x128xf32>
    %swap3A_3334 = vector.shape_cast %add3A_3327 : vector<64x128xf32> to vector<1x1x64x128xf32>
    tpu.vector_store %arg6[%swap3A_3328, %swap3A_3329, %swap3A_3330, %swap3A_3331], %swap3A_3334 {strides = array<i32>} : memref<2x128x64x128xf32, #tpu.memory_space<vmem>>, vector<1x1x64x128xf32>,
    %slice3A_3335 = vector.extract_strided_slice %dot_general3A_3322 {offsets = [0, 128], sizes = [64, 128], strides = [1, 1]} : vector<64x256xf32> to vector<64x128xf32>
    %add3A_3336 = arith.addf %slice3A_3335, %transpose3A_2271 : vector<64x128xf32>
    %slice3A_3337 = vector.extract_strided_slice %transpose3A_2271 {offsets = [0, 59], sizes = [64, 1], strides = [1, 1]} : vector<64x128xf32> to vector<64x1xf32>
    %add3A_3338 = vector.broadcast %slice3A_3337 : vector<64x1xf32> to vector<64x128xf32>
    %add3A_3339 = arith.addf %add3A_3336, %add3A_3338 : vector<64x128xf32>
    %swap3A_3340 = arith.constant 1 : index
    %swap3A_3341 = arith.constant 59 : index
    %swap3A_3342 = arith.constant 0 : index
    %swap3A_3343 = arith.constant 0 : index
    %swap3A_3344 = vector.load %arg6[%swap3A_3340, %swap3A_3341, %swap3A_3342, %swap3A_3343] : memref<2x128x64x128xf32, #tpu.memory_space<vmem>>, vector<1x1x64x128xf32>
    %swap3A_3345 = vector.shape_cast %swap3A_3344 : vector<1x1x64x128xf32> to vector<64x128xf32>
    %swap3A_3346 = vector.shape_cast %add3A_3339 : vector<64x128xf32> to vector<1x1x64x128xf32>
    tpu.vector_store %arg6[%swap3A_3340, %swap3A_3341, %swap3A_3342, %swap3A_3343], %swap3A_3346 {strides = array<i32>} : memref<2x128x64x128xf32, #tpu.memory_space<vmem>>, vector<1x1x64x128xf32>,
    %slice3A_3347 = vector.extract_strided_slice %select_n3A_2296 {offsets = [60, 0], sizes = [1, 128], strides = [1, 1]} : vector<128x128xi32> to vector<1x128xi32>
    %slice3A_3348 = vector.extract_strided_slice %select_n3A_2296 {offsets = [61, 0], sizes = [1, 128], strides = [1, 1]} : vector<128x128xi32> to vector<1x128xi32>
    %concatenate3A_3349 = tpu.concatenate %slice3A_3347, %slice3A_3348 in 1 : vector<1x128xi32>, vector<1x128xi32> -> vector<1x256xi32>
    %eq3A_3350 = vector.broadcast %iota3A : vector<128x1xi32> to vector<128x256xi32>
    %eq3A_3351 = vector.broadcast %concatenate3A_3349 : vector<1x256xi32> to vector<128x256xi32>
    %eq3A_3352 = arith.cmpi eq, %eq3A_3350, %eq3A_3351 : vector<128x256xi32>
    %convert_element_type3A_3353 = arith.extui %eq3A_3352 : vector<128x256xi1> to vector<128x256xi32>
    %convert_element_type3A_3354 = arith.sitofp %convert_element_type3A_3353 : vector<128x256xi32> to vector<128x256xf32>
    %convert_element_type3A_3355 = arith.truncf %convert_element_type3A_3354 : vector<128x256xf32> to vector<128x256xbf16>
    %dot_general3A_3356 = arith.constant dense<0.000000e+00> : vector<64x256xf32>
    %dot_general3A_3357 = tpu.matmul %convert_element_type3A, %convert_element_type3A_3355, %dot_general3A_3356 {dimension_numbers = #tpu.dot_dimension_numbers<[1], [0], [0], [1], [0, 0, 1, 1], [], []>, transpose_lhs_hint = false} : vector<64x128xbf16>, vector<128x256xbf16>, vector<64x256xf32> -> vector<64x256xf32>
    %slice3A_3358 = vector.extract_strided_slice %dot_general3A_3357 {offsets = [0, 0], sizes = [64, 128], strides = [1, 1]} : vector<64x256xf32> to vector<64x128xf32>
    %add3A_3359 = arith.addf %slice3A_3358, %transpose3A_2271 : vector<64x128xf32>
    %slice3A_3360 = vector.extract_strided_slice %transpose3A_2271 {offsets = [0, 60], sizes = [64, 1], strides = [1, 1]} : vector<64x128xf32> to vector<64x1xf32>
    %add3A_3361 = vector.broadcast %slice3A_3360 : vector<64x1xf32> to vector<64x128xf32>
    %add3A_3362 = arith.addf %add3A_3359, %add3A_3361 : vector<64x128xf32>
    %swap3A_3363 = arith.constant 1 : index
    %swap3A_3364 = arith.constant 60 : index
    %swap3A_3365 = arith.constant 0 : index
    %swap3A_3366 = arith.constant 0 : index
    %swap3A_3367 = vector.load %arg6[%swap3A_3363, %swap3A_3364, %swap3A_3365, %swap3A_3366] : memref<2x128x64x128xf32, #tpu.memory_space<vmem>>, vector<1x1x64x128xf32>
    %swap3A_3368 = vector.shape_cast %swap3A_3367 : vector<1x1x64x128xf32> to vector<64x128xf32>
    %swap3A_3369 = vector.shape_cast %add3A_3362 : vector<64x128xf32> to vector<1x1x64x128xf32>
    tpu.vector_store %arg6[%swap3A_3363, %swap3A_3364, %swap3A_3365, %swap3A_3366], %swap3A_3369 {strides = array<i32>} : memref<2x128x64x128xf32, #tpu.memory_space<vmem>>, vector<1x1x64x128xf32>,
    %slice3A_3370 = vector.extract_strided_slice %dot_general3A_3357 {offsets = [0, 128], sizes = [64, 128], strides = [1, 1]} : vector<64x256xf32> to vector<64x128xf32>
    %add3A_3371 = arith.addf %slice3A_3370, %transpose3A_2271 : vector<64x128xf32>
    %slice3A_3372 = vector.extract_strided_slice %transpose3A_2271 {offsets = [0, 61], sizes = [64, 1], strides = [1, 1]} : vector<64x128xf32> to vector<64x1xf32>
    %add3A_3373 = vector.broadcast %slice3A_3372 : vector<64x1xf32> to vector<64x128xf32>
    %add3A_3374 = arith.addf %add3A_3371, %add3A_3373 : vector<64x128xf32>
    %swap3A_3375 = arith.constant 1 : index
    %swap3A_3376 = arith.constant 61 : index
    %swap3A_3377 = arith.constant 0 : index
    %swap3A_3378 = arith.constant 0 : index
    %swap3A_3379 = vector.load %arg6[%swap3A_3375, %swap3A_3376, %swap3A_3377, %swap3A_3378] : memref<2x128x64x128xf32, #tpu.memory_space<vmem>>, vector<1x1x64x128xf32>
    %swap3A_3380 = vector.shape_cast %swap3A_3379 : vector<1x1x64x128xf32> to vector<64x128xf32>
    %swap3A_3381 = vector.shape_cast %add3A_3374 : vector<64x128xf32> to vector<1x1x64x128xf32>
    tpu.vector_store %arg6[%swap3A_3375, %swap3A_3376, %swap3A_3377, %swap3A_3378], %swap3A_3381 {strides = array<i32>} : memref<2x128x64x128xf32, #tpu.memory_space<vmem>>, vector<1x1x64x128xf32>,
    %slice3A_3382 = vector.extract_strided_slice %select_n3A_2296 {offsets = [62, 0], sizes = [1, 128], strides = [1, 1]} : vector<128x128xi32> to vector<1x128xi32>
    %slice3A_3383 = vector.extract_strided_slice %select_n3A_2296 {offsets = [63, 0], sizes = [1, 128], strides = [1, 1]} : vector<128x128xi32> to vector<1x128xi32>
    %concatenate3A_3384 = tpu.concatenate %slice3A_3382, %slice3A_3383 in 1 : vector<1x128xi32>, vector<1x128xi32> -> vector<1x256xi32>
    %eq3A_3385 = vector.broadcast %iota3A : vector<128x1xi32> to vector<128x256xi32>
    %eq3A_3386 = vector.broadcast %concatenate3A_3384 : vector<1x256xi32> to vector<128x256xi32>
    %eq3A_3387 = arith.cmpi eq, %eq3A_3385, %eq3A_3386 : vector<128x256xi32>
    %convert_element_type3A_3388 = arith.extui %eq3A_3387 : vector<128x256xi1> to vector<128x256xi32>
    %convert_element_type3A_3389 = arith.sitofp %convert_element_type3A_3388 : vector<128x256xi32> to vector<128x256xf32>
    %convert_element_type3A_3390 = arith.truncf %convert_element_type3A_3389 : vector<128x256xf32> to vector<128x256xbf16>
    %dot_general3A_3391 = arith.constant dense<0.000000e+00> : vector<64x256xf32>
    %dot_general3A_3392 = tpu.matmul %convert_element_type3A, %convert_element_type3A_3390, %dot_general3A_3391 {dimension_numbers = #tpu.dot_dimension_numbers<[1], [0], [0], [1], [0, 0, 1, 1], [], []>, transpose_lhs_hint = false} : vector<64x128xbf16>, vector<128x256xbf16>, vector<64x256xf32> -> vector<64x256xf32>
    %slice3A_3393 = vector.extract_strided_slice %dot_general3A_3392 {offsets = [0, 0], sizes = [64, 128], strides = [1, 1]} : vector<64x256xf32> to vector<64x128xf32>
    %add3A_3394 = arith.addf %slice3A_3393, %transpose3A_2271 : vector<64x128xf32>
    %slice3A_3395 = vector.extract_strided_slice %transpose3A_2271 {offsets = [0, 62], sizes = [64, 1], strides = [1, 1]} : vector<64x128xf32> to vector<64x1xf32>
    %add3A_3396 = vector.broadcast %slice3A_3395 : vector<64x1xf32> to vector<64x128xf32>
    %add3A_3397 = arith.addf %add3A_3394, %add3A_3396 : vector<64x128xf32>
    %swap3A_3398 = arith.constant 1 : index
    %swap3A_3399 = arith.constant 62 : index
    %swap3A_3400 = arith.constant 0 : index
    %swap3A_3401 = arith.constant 0 : index
    %swap3A_3402 = vector.load %arg6[%swap3A_3398, %swap3A_3399, %swap3A_3400, %swap3A_3401] : memref<2x128x64x128xf32, #tpu.memory_space<vmem>>, vector<1x1x64x128xf32>
    %swap3A_3403 = vector.shape_cast %swap3A_3402 : vector<1x1x64x128xf32> to vector<64x128xf32>
    %swap3A_3404 = vector.shape_cast %add3A_3397 : vector<64x128xf32> to vector<1x1x64x128xf32>
    tpu.vector_store %arg6[%swap3A_3398, %swap3A_3399, %swap3A_3400, %swap3A_3401], %swap3A_3404 {strides = array<i32>} : memref<2x128x64x128xf32, #tpu.memory_space<vmem>>, vector<1x1x64x128xf32>,
    %slice3A_3405 = vector.extract_strided_slice %dot_general3A_3392 {offsets = [0, 128], sizes = [64, 128], strides = [1, 1]} : vector<64x256xf32> to vector<64x128xf32>
    %add3A_3406 = arith.addf %slice3A_3405, %transpose3A_2271 : vector<64x128xf32>
    %slice3A_3407 = vector.extract_strided_slice %transpose3A_2271 {offsets = [0, 63], sizes = [64, 1], strides = [1, 1]} : vector<64x128xf32> to vector<64x1xf32>
    %add3A_3408 = vector.broadcast %slice3A_3407 : vector<64x1xf32> to vector<64x128xf32>
    %add3A_3409 = arith.addf %add3A_3406, %add3A_3408 : vector<64x128xf32>
    %swap3A_3410 = arith.constant 1 : index
    %swap3A_3411 = arith.constant 63 : index
    %swap3A_3412 = arith.constant 0 : index
    %swap3A_3413 = arith.constant 0 : index
    %swap3A_3414 = vector.load %arg6[%swap3A_3410, %swap3A_3411, %swap3A_3412, %swap3A_3413] : memref<2x128x64x128xf32, #tpu.memory_space<vmem>>, vector<1x1x64x128xf32>
    %swap3A_3415 = vector.shape_cast %swap3A_3414 : vector<1x1x64x128xf32> to vector<64x128xf32>
    %swap3A_3416 = vector.shape_cast %add3A_3409 : vector<64x128xf32> to vector<1x1x64x128xf32>
    tpu.vector_store %arg6[%swap3A_3410, %swap3A_3411, %swap3A_3412, %swap3A_3413], %swap3A_3416 {strides = array<i32>} : memref<2x128x64x128xf32, #tpu.memory_space<vmem>>, vector<1x1x64x128xf32>,
    %slice3A_3417 = vector.extract_strided_slice %select_n3A_2296 {offsets = [64, 0], sizes = [1, 128], strides = [1, 1]} : vector<128x128xi32> to vector<1x128xi32>
    %slice3A_3418 = vector.extract_strided_slice %select_n3A_2296 {offsets = [65, 0], sizes = [1, 128], strides = [1, 1]} : vector<128x128xi32> to vector<1x128xi32>
    %concatenate3A_3419 = tpu.concatenate %slice3A_3417, %slice3A_3418 in 1 : vector<1x128xi32>, vector<1x128xi32> -> vector<1x256xi32>
    %eq3A_3420 = vector.broadcast %iota3A : vector<128x1xi32> to vector<128x256xi32>
    %eq3A_3421 = vector.broadcast %concatenate3A_3419 : vector<1x256xi32> to vector<128x256xi32>
    %eq3A_3422 = arith.cmpi eq, %eq3A_3420, %eq3A_3421 : vector<128x256xi32>
    %convert_element_type3A_3423 = arith.extui %eq3A_3422 : vector<128x256xi1> to vector<128x256xi32>
    %convert_element_type3A_3424 = arith.sitofp %convert_element_type3A_3423 : vector<128x256xi32> to vector<128x256xf32>
    %convert_element_type3A_3425 = arith.truncf %convert_element_type3A_3424 : vector<128x256xf32> to vector<128x256xbf16>
    %dot_general3A_3426 = arith.constant dense<0.000000e+00> : vector<64x256xf32>
    %dot_general3A_3427 = tpu.matmul %convert_element_type3A, %convert_element_type3A_3425, %dot_general3A_3426 {dimension_numbers = #tpu.dot_dimension_numbers<[1], [0], [0], [1], [0, 0, 1, 1], [], []>, transpose_lhs_hint = false} : vector<64x128xbf16>, vector<128x256xbf16>, vector<64x256xf32> -> vector<64x256xf32>
    %slice3A_3428 = vector.extract_strided_slice %dot_general3A_3427 {offsets = [0, 0], sizes = [64, 128], strides = [1, 1]} : vector<64x256xf32> to vector<64x128xf32>
    %add3A_3429 = arith.addf %slice3A_3428, %transpose3A_2271 : vector<64x128xf32>
    %slice3A_3430 = vector.extract_strided_slice %transpose3A_2271 {offsets = [0, 64], sizes = [64, 1], strides = [1, 1]} : vector<64x128xf32> to vector<64x1xf32>
    %add3A_3431 = vector.broadcast %slice3A_3430 : vector<64x1xf32> to vector<64x128xf32>
    %add3A_3432 = arith.addf %add3A_3429, %add3A_3431 : vector<64x128xf32>
    %swap3A_3433 = arith.constant 1 : index
    %swap3A_3434 = arith.constant 64 : index
    %swap3A_3435 = arith.constant 0 : index
    %swap3A_3436 = arith.constant 0 : index
    %swap3A_3437 = vector.load %arg6[%swap3A_3433, %swap3A_3434, %swap3A_3435, %swap3A_3436] : memref<2x128x64x128xf32, #tpu.memory_space<vmem>>, vector<1x1x64x128xf32>
    %swap3A_3438 = vector.shape_cast %swap3A_3437 : vector<1x1x64x128xf32> to vector<64x128xf32>
    %swap3A_3439 = vector.shape_cast %add3A_3432 : vector<64x128xf32> to vector<1x1x64x128xf32>
    tpu.vector_store %arg6[%swap3A_3433, %swap3A_3434, %swap3A_3435, %swap3A_3436], %swap3A_3439 {strides = array<i32>} : memref<2x128x64x128xf32, #tpu.memory_space<vmem>>, vector<1x1x64x128xf32>,
    %slice3A_3440 = vector.extract_strided_slice %dot_general3A_3427 {offsets = [0, 128], sizes = [64, 128], strides = [1, 1]} : vector<64x256xf32> to vector<64x128xf32>
    %add3A_3441 = arith.addf %slice3A_3440, %transpose3A_2271 : vector<64x128xf32>
    %slice3A_3442 = vector.extract_strided_slice %transpose3A_2271 {offsets = [0, 65], sizes = [64, 1], strides = [1, 1]} : vector<64x128xf32> to vector<64x1xf32>
    %add3A_3443 = vector.broadcast %slice3A_3442 : vector<64x1xf32> to vector<64x128xf32>
    %add3A_3444 = arith.addf %add3A_3441, %add3A_3443 : vector<64x128xf32>
    %swap3A_3445 = arith.constant 1 : index
    %swap3A_3446 = arith.constant 65 : index
    %swap3A_3447 = arith.constant 0 : index
    %swap3A_3448 = arith.constant 0 : index
    %swap3A_3449 = vector.load %arg6[%swap3A_3445, %swap3A_3446, %swap3A_3447, %swap3A_3448] : memref<2x128x64x128xf32, #tpu.memory_space<vmem>>, vector<1x1x64x128xf32>
    %swap3A_3450 = vector.shape_cast %swap3A_3449 : vector<1x1x64x128xf32> to vector<64x128xf32>
    %swap3A_3451 = vector.shape_cast %add3A_3444 : vector<64x128xf32> to vector<1x1x64x128xf32>
    tpu.vector_store %arg6[%swap3A_3445, %swap3A_3446, %swap3A_3447, %swap3A_3448], %swap3A_3451 {strides = array<i32>} : memref<2x128x64x128xf32, #tpu.memory_space<vmem>>, vector<1x1x64x128xf32>,
    %slice3A_3452 = vector.extract_strided_slice %select_n3A_2296 {offsets = [66, 0], sizes = [1, 128], strides = [1, 1]} : vector<128x128xi32> to vector<1x128xi32>
    %slice3A_3453 = vector.extract_strided_slice %select_n3A_2296 {offsets = [67, 0], sizes = [1, 128], strides = [1, 1]} : vector<128x128xi32> to vector<1x128xi32>
    %concatenate3A_3454 = tpu.concatenate %slice3A_3452, %slice3A_3453 in 1 : vector<1x128xi32>, vector<1x128xi32> -> vector<1x256xi32>
    %eq3A_3455 = vector.broadcast %iota3A : vector<128x1xi32> to vector<128x256xi32>
    %eq3A_3456 = vector.broadcast %concatenate3A_3454 : vector<1x256xi32> to vector<128x256xi32>
    %eq3A_3457 = arith.cmpi eq, %eq3A_3455, %eq3A_3456 : vector<128x256xi32>
    %convert_element_type3A_3458 = arith.extui %eq3A_3457 : vector<128x256xi1> to vector<128x256xi32>
    %convert_element_type3A_3459 = arith.sitofp %convert_element_type3A_3458 : vector<128x256xi32> to vector<128x256xf32>
    %convert_element_type3A_3460 = arith.truncf %convert_element_type3A_3459 : vector<128x256xf32> to vector<128x256xbf16>
    %dot_general3A_3461 = arith.constant dense<0.000000e+00> : vector<64x256xf32>
    %dot_general3A_3462 = tpu.matmul %convert_element_type3A, %convert_element_type3A_3460, %dot_general3A_3461 {dimension_numbers = #tpu.dot_dimension_numbers<[1], [0], [0], [1], [0, 0, 1, 1], [], []>, transpose_lhs_hint = false} : vector<64x128xbf16>, vector<128x256xbf16>, vector<64x256xf32> -> vector<64x256xf32>
    %slice3A_3463 = vector.extract_strided_slice %dot_general3A_3462 {offsets = [0, 0], sizes = [64, 128], strides = [1, 1]} : vector<64x256xf32> to vector<64x128xf32>
    %add3A_3464 = arith.addf %slice3A_3463, %transpose3A_2271 : vector<64x128xf32>
    %slice3A_3465 = vector.extract_strided_slice %transpose3A_2271 {offsets = [0, 66], sizes = [64, 1], strides = [1, 1]} : vector<64x128xf32> to vector<64x1xf32>
    %add3A_3466 = vector.broadcast %slice3A_3465 : vector<64x1xf32> to vector<64x128xf32>
    %add3A_3467 = arith.addf %add3A_3464, %add3A_3466 : vector<64x128xf32>
    %swap3A_3468 = arith.constant 1 : index
    %swap3A_3469 = arith.constant 66 : index
    %swap3A_3470 = arith.constant 0 : index
    %swap3A_3471 = arith.constant 0 : index
    %swap3A_3472 = vector.load %arg6[%swap3A_3468, %swap3A_3469, %swap3A_3470, %swap3A_3471] : memref<2x128x64x128xf32, #tpu.memory_space<vmem>>, vector<1x1x64x128xf32>
    %swap3A_3473 = vector.shape_cast %swap3A_3472 : vector<1x1x64x128xf32> to vector<64x128xf32>
    %swap3A_3474 = vector.shape_cast %add3A_3467 : vector<64x128xf32> to vector<1x1x64x128xf32>
    tpu.vector_store %arg6[%swap3A_3468, %swap3A_3469, %swap3A_3470, %swap3A_3471], %swap3A_3474 {strides = array<i32>} : memref<2x128x64x128xf32, #tpu.memory_space<vmem>>, vector<1x1x64x128xf32>,
    %slice3A_3475 = vector.extract_strided_slice %dot_general3A_3462 {offsets = [0, 128], sizes = [64, 128], strides = [1, 1]} : vector<64x256xf32> to vector<64x128xf32>
    %add3A_3476 = arith.addf %slice3A_3475, %transpose3A_2271 : vector<64x128xf32>
    %slice3A_3477 = vector.extract_strided_slice %transpose3A_2271 {offsets = [0, 67], sizes = [64, 1], strides = [1, 1]} : vector<64x128xf32> to vector<64x1xf32>
    %add3A_3478 = vector.broadcast %slice3A_3477 : vector<64x1xf32> to vector<64x128xf32>
    %add3A_3479 = arith.addf %add3A_3476, %add3A_3478 : vector<64x128xf32>
    %swap3A_3480 = arith.constant 1 : index
    %swap3A_3481 = arith.constant 67 : index
    %swap3A_3482 = arith.constant 0 : index
    %swap3A_3483 = arith.constant 0 : index
    %swap3A_3484 = vector.load %arg6[%swap3A_3480, %swap3A_3481, %swap3A_3482, %swap3A_3483] : memref<2x128x64x128xf32, #tpu.memory_space<vmem>>, vector<1x1x64x128xf32>
    %swap3A_3485 = vector.shape_cast %swap3A_3484 : vector<1x1x64x128xf32> to vector<64x128xf32>
    %swap3A_3486 = vector.shape_cast %add3A_3479 : vector<64x128xf32> to vector<1x1x64x128xf32>
    tpu.vector_store %arg6[%swap3A_3480, %swap3A_3481, %swap3A_3482, %swap3A_3483], %swap3A_3486 {strides = array<i32>} : memref<2x128x64x128xf32, #tpu.memory_space<vmem>>, vector<1x1x64x128xf32>,
    %slice3A_3487 = vector.extract_strided_slice %select_n3A_2296 {offsets = [68, 0], sizes = [1, 128], strides = [1, 1]} : vector<128x128xi32> to vector<1x128xi32>
    %slice3A_3488 = vector.extract_strided_slice %select_n3A_2296 {offsets = [69, 0], sizes = [1, 128], strides = [1, 1]} : vector<128x128xi32> to vector<1x128xi32>
    %concatenate3A_3489 = tpu.concatenate %slice3A_3487, %slice3A_3488 in 1 : vector<1x128xi32>, vector<1x128xi32> -> vector<1x256xi32>
    %eq3A_3490 = vector.broadcast %iota3A : vector<128x1xi32> to vector<128x256xi32>
    %eq3A_3491 = vector.broadcast %concatenate3A_3489 : vector<1x256xi32> to vector<128x256xi32>
    %eq3A_3492 = arith.cmpi eq, %eq3A_3490, %eq3A_3491 : vector<128x256xi32>
    %convert_element_type3A_3493 = arith.extui %eq3A_3492 : vector<128x256xi1> to vector<128x256xi32>
    %convert_element_type3A_3494 = arith.sitofp %convert_element_type3A_3493 : vector<128x256xi32> to vector<128x256xf32>
    %convert_element_type3A_3495 = arith.truncf %convert_element_type3A_3494 : vector<128x256xf32> to vector<128x256xbf16>
    %dot_general3A_3496 = arith.constant dense<0.000000e+00> : vector<64x256xf32>
    %dot_general3A_3497 = tpu.matmul %convert_element_type3A, %convert_element_type3A_3495, %dot_general3A_3496 {dimension_numbers = #tpu.dot_dimension_numbers<[1], [0], [0], [1], [0, 0, 1, 1], [], []>, transpose_lhs_hint = false} : vector<64x128xbf16>, vector<128x256xbf16>, vector<64x256xf32> -> vector<64x256xf32>
    %slice3A_3498 = vector.extract_strided_slice %dot_general3A_3497 {offsets = [0, 0], sizes = [64, 128], strides = [1, 1]} : vector<64x256xf32> to vector<64x128xf32>
    %add3A_3499 = arith.addf %slice3A_3498, %transpose3A_2271 : vector<64x128xf32>
    %slice3A_3500 = vector.extract_strided_slice %transpose3A_2271 {offsets = [0, 68], sizes = [64, 1], strides = [1, 1]} : vector<64x128xf32> to vector<64x1xf32>
    %add3A_3501 = vector.broadcast %slice3A_3500 : vector<64x1xf32> to vector<64x128xf32>
    %add3A_3502 = arith.addf %add3A_3499, %add3A_3501 : vector<64x128xf32>
    %swap3A_3503 = arith.constant 1 : index
    %swap3A_3504 = arith.constant 68 : index
    %swap3A_3505 = arith.constant 0 : index
    %swap3A_3506 = arith.constant 0 : index
    %swap3A_3507 = vector.load %arg6[%swap3A_3503, %swap3A_3504, %swap3A_3505, %swap3A_3506] : memref<2x128x64x128xf32, #tpu.memory_space<vmem>>, vector<1x1x64x128xf32>
    %swap3A_3508 = vector.shape_cast %swap3A_3507 : vector<1x1x64x128xf32> to vector<64x128xf32>
    %swap3A_3509 = vector.shape_cast %add3A_3502 : vector<64x128xf32> to vector<1x1x64x128xf32>
    tpu.vector_store %arg6[%swap3A_3503, %swap3A_3504, %swap3A_3505, %swap3A_3506], %swap3A_3509 {strides = array<i32>} : memref<2x128x64x128xf32, #tpu.memory_space<vmem>>, vector<1x1x64x128xf32>,
    %slice3A_3510 = vector.extract_strided_slice %dot_general3A_3497 {offsets = [0, 128], sizes = [64, 128], strides = [1, 1]} : vector<64x256xf32> to vector<64x128xf32>
    %add3A_3511 = arith.addf %slice3A_3510, %transpose3A_2271 : vector<64x128xf32>
    %slice3A_3512 = vector.extract_strided_slice %transpose3A_2271 {offsets = [0, 69], sizes = [64, 1], strides = [1, 1]} : vector<64x128xf32> to vector<64x1xf32>
    %add3A_3513 = vector.broadcast %slice3A_3512 : vector<64x1xf32> to vector<64x128xf32>
    %add3A_3514 = arith.addf %add3A_3511, %add3A_3513 : vector<64x128xf32>
    %swap3A_3515 = arith.constant 1 : index
    %swap3A_3516 = arith.constant 69 : index
    %swap3A_3517 = arith.constant 0 : index
    %swap3A_3518 = arith.constant 0 : index
    %swap3A_3519 = vector.load %arg6[%swap3A_3515, %swap3A_3516, %swap3A_3517, %swap3A_3518] : memref<2x128x64x128xf32, #tpu.memory_space<vmem>>, vector<1x1x64x128xf32>
    %swap3A_3520 = vector.shape_cast %swap3A_3519 : vector<1x1x64x128xf32> to vector<64x128xf32>
    %swap3A_3521 = vector.shape_cast %add3A_3514 : vector<64x128xf32> to vector<1x1x64x128xf32>
    tpu.vector_store %arg6[%swap3A_3515, %swap3A_3516, %swap3A_3517, %swap3A_3518], %swap3A_3521 {strides = array<i32>} : memref<2x128x64x128xf32, #tpu.memory_space<vmem>>, vector<1x1x64x128xf32>,
    %slice3A_3522 = vector.extract_strided_slice %select_n3A_2296 {offsets = [70, 0], sizes = [1, 128], strides = [1, 1]} : vector<128x128xi32> to vector<1x128xi32>
    %slice3A_3523 = vector.extract_strided_slice %select_n3A_2296 {offsets = [71, 0], sizes = [1, 128], strides = [1, 1]} : vector<128x128xi32> to vector<1x128xi32>
    %concatenate3A_3524 = tpu.concatenate %slice3A_3522, %slice3A_3523 in 1 : vector<1x128xi32>, vector<1x128xi32> -> vector<1x256xi32>
    %eq3A_3525 = vector.broadcast %iota3A : vector<128x1xi32> to vector<128x256xi32>
    %eq3A_3526 = vector.broadcast %concatenate3A_3524 : vector<1x256xi32> to vector<128x256xi32>
    %eq3A_3527 = arith.cmpi eq, %eq3A_3525, %eq3A_3526 : vector<128x256xi32>
    %convert_element_type3A_3528 = arith.extui %eq3A_3527 : vector<128x256xi1> to vector<128x256xi32>
    %convert_element_type3A_3529 = arith.sitofp %convert_element_type3A_3528 : vector<128x256xi32> to vector<128x256xf32>
    %convert_element_type3A_3530 = arith.truncf %convert_element_type3A_3529 : vector<128x256xf32> to vector<128x256xbf16>
    %dot_general3A_3531 = arith.constant dense<0.000000e+00> : vector<64x256xf32>
    %dot_general3A_3532 = tpu.matmul %convert_element_type3A, %convert_element_type3A_3530, %dot_general3A_3531 {dimension_numbers = #tpu.dot_dimension_numbers<[1], [0], [0], [1], [0, 0, 1, 1], [], []>, transpose_lhs_hint = false} : vector<64x128xbf16>, vector<128x256xbf16>, vector<64x256xf32> -> vector<64x256xf32>
    %slice3A_3533 = vector.extract_strided_slice %dot_general3A_3532 {offsets = [0, 0], sizes = [64, 128], strides = [1, 1]} : vector<64x256xf32> to vector<64x128xf32>
    %add3A_3534 = arith.addf %slice3A_3533, %transpose3A_2271 : vector<64x128xf32>
    %slice3A_3535 = vector.extract_strided_slice %transpose3A_2271 {offsets = [0, 70], sizes = [64, 1], strides = [1, 1]} : vector<64x128xf32> to vector<64x1xf32>
    %add3A_3536 = vector.broadcast %slice3A_3535 : vector<64x1xf32> to vector<64x128xf32>
    %add3A_3537 = arith.addf %add3A_3534, %add3A_3536 : vector<64x128xf32>
    %swap3A_3538 = arith.constant 1 : index
    %swap3A_3539 = arith.constant 70 : index
    %swap3A_3540 = arith.constant 0 : index
    %swap3A_3541 = arith.constant 0 : index
    %swap3A_3542 = vector.load %arg6[%swap3A_3538, %swap3A_3539, %swap3A_3540, %swap3A_3541] : memref<2x128x64x128xf32, #tpu.memory_space<vmem>>, vector<1x1x64x128xf32>
    %swap3A_3543 = vector.shape_cast %swap3A_3542 : vector<1x1x64x128xf32> to vector<64x128xf32>
    %swap3A_3544 = vector.shape_cast %add3A_3537 : vector<64x128xf32> to vector<1x1x64x128xf32>
    tpu.vector_store %arg6[%swap3A_3538, %swap3A_3539, %swap3A_3540, %swap3A_3541], %swap3A_3544 {strides = array<i32>} : memref<2x128x64x128xf32, #tpu.memory_space<vmem>>, vector<1x1x64x128xf32>,
    %slice3A_3545 = vector.extract_strided_slice %dot_general3A_3532 {offsets = [0, 128], sizes = [64, 128], strides = [1, 1]} : vector<64x256xf32> to vector<64x128xf32>
    %add3A_3546 = arith.addf %slice3A_3545, %transpose3A_2271 : vector<64x128xf32>
    %slice3A_3547 = vector.extract_strided_slice %transpose3A_2271 {offsets = [0, 71], sizes = [64, 1], strides = [1, 1]} : vector<64x128xf32> to vector<64x1xf32>
    %add3A_3548 = vector.broadcast %slice3A_3547 : vector<64x1xf32> to vector<64x128xf32>
    %add3A_3549 = arith.addf %add3A_3546, %add3A_3548 : vector<64x128xf32>
    %swap3A_3550 = arith.constant 1 : index
    %swap3A_3551 = arith.constant 71 : index
    %swap3A_3552 = arith.constant 0 : index
    %swap3A_3553 = arith.constant 0 : index
    %swap3A_3554 = vector.load %arg6[%swap3A_3550, %swap3A_3551, %swap3A_3552, %swap3A_3553] : memref<2x128x64x128xf32, #tpu.memory_space<vmem>>, vector<1x1x64x128xf32>
    %swap3A_3555 = vector.shape_cast %swap3A_3554 : vector<1x1x64x128xf32> to vector<64x128xf32>
    %swap3A_3556 = vector.shape_cast %add3A_3549 : vector<64x128xf32> to vector<1x1x64x128xf32>
    tpu.vector_store %arg6[%swap3A_3550, %swap3A_3551, %swap3A_3552, %swap3A_3553], %swap3A_3556 {strides = array<i32>} : memref<2x128x64x128xf32, #tpu.memory_space<vmem>>, vector<1x1x64x128xf32>,
    %slice3A_3557 = vector.extract_strided_slice %select_n3A_2296 {offsets = [72, 0], sizes = [1, 128], strides = [1, 1]} : vector<128x128xi32> to vector<1x128xi32>
    %slice3A_3558 = vector.extract_strided_slice %select_n3A_2296 {offsets = [73, 0], sizes = [1, 128], strides = [1, 1]} : vector<128x128xi32> to vector<1x128xi32>
    %concatenate3A_3559 = tpu.concatenate %slice3A_3557, %slice3A_3558 in 1 : vector<1x128xi32>, vector<1x128xi32> -> vector<1x256xi32>
    %eq3A_3560 = vector.broadcast %iota3A : vector<128x1xi32> to vector<128x256xi32>
    %eq3A_3561 = vector.broadcast %concatenate3A_3559 : vector<1x256xi32> to vector<128x256xi32>
    %eq3A_3562 = arith.cmpi eq, %eq3A_3560, %eq3A_3561 : vector<128x256xi32>
    %convert_element_type3A_3563 = arith.extui %eq3A_3562 : vector<128x256xi1> to vector<128x256xi32>
    %convert_element_type3A_3564 = arith.sitofp %convert_element_type3A_3563 : vector<128x256xi32> to vector<128x256xf32>
    %convert_element_type3A_3565 = arith.truncf %convert_element_type3A_3564 : vector<128x256xf32> to vector<128x256xbf16>
    %dot_general3A_3566 = arith.constant dense<0.000000e+00> : vector<64x256xf32>
    %dot_general3A_3567 = tpu.matmul %convert_element_type3A, %convert_element_type3A_3565, %dot_general3A_3566 {dimension_numbers = #tpu.dot_dimension_numbers<[1], [0], [0], [1], [0, 0, 1, 1], [], []>, transpose_lhs_hint = false} : vector<64x128xbf16>, vector<128x256xbf16>, vector<64x256xf32> -> vector<64x256xf32>
    %slice3A_3568 = vector.extract_strided_slice %dot_general3A_3567 {offsets = [0, 0], sizes = [64, 128], strides = [1, 1]} : vector<64x256xf32> to vector<64x128xf32>
    %add3A_3569 = arith.addf %slice3A_3568, %transpose3A_2271 : vector<64x128xf32>
    %slice3A_3570 = vector.extract_strided_slice %transpose3A_2271 {offsets = [0, 72], sizes = [64, 1], strides = [1, 1]} : vector<64x128xf32> to vector<64x1xf32>
    %add3A_3571 = vector.broadcast %slice3A_3570 : vector<64x1xf32> to vector<64x128xf32>
    %add3A_3572 = arith.addf %add3A_3569, %add3A_3571 : vector<64x128xf32>
    %swap3A_3573 = arith.constant 1 : index
    %swap3A_3574 = arith.constant 72 : index
    %swap3A_3575 = arith.constant 0 : index
    %swap3A_3576 = arith.constant 0 : index
    %swap3A_3577 = vector.load %arg6[%swap3A_3573, %swap3A_3574, %swap3A_3575, %swap3A_3576] : memref<2x128x64x128xf32, #tpu.memory_space<vmem>>, vector<1x1x64x128xf32>
    %swap3A_3578 = vector.shape_cast %swap3A_3577 : vector<1x1x64x128xf32> to vector<64x128xf32>
    %swap3A_3579 = vector.shape_cast %add3A_3572 : vector<64x128xf32> to vector<1x1x64x128xf32>
    tpu.vector_store %arg6[%swap3A_3573, %swap3A_3574, %swap3A_3575, %swap3A_3576], %swap3A_3579 {strides = array<i32>} : memref<2x128x64x128xf32, #tpu.memory_space<vmem>>, vector<1x1x64x128xf32>,
    %slice3A_3580 = vector.extract_strided_slice %dot_general3A_3567 {offsets = [0, 128], sizes = [64, 128], strides = [1, 1]} : vector<64x256xf32> to vector<64x128xf32>
    %add3A_3581 = arith.addf %slice3A_3580, %transpose3A_2271 : vector<64x128xf32>
    %slice3A_3582 = vector.extract_strided_slice %transpose3A_2271 {offsets = [0, 73], sizes = [64, 1], strides = [1, 1]} : vector<64x128xf32> to vector<64x1xf32>
    %add3A_3583 = vector.broadcast %slice3A_3582 : vector<64x1xf32> to vector<64x128xf32>
    %add3A_3584 = arith.addf %add3A_3581, %add3A_3583 : vector<64x128xf32>
    %swap3A_3585 = arith.constant 1 : index
    %swap3A_3586 = arith.constant 73 : index
    %swap3A_3587 = arith.constant 0 : index
    %swap3A_3588 = arith.constant 0 : index
    %swap3A_3589 = vector.load %arg6[%swap3A_3585, %swap3A_3586, %swap3A_3587, %swap3A_3588] : memref<2x128x64x128xf32, #tpu.memory_space<vmem>>, vector<1x1x64x128xf32>
    %swap3A_3590 = vector.shape_cast %swap3A_3589 : vector<1x1x64x128xf32> to vector<64x128xf32>
    %swap3A_3591 = vector.shape_cast %add3A_3584 : vector<64x128xf32> to vector<1x1x64x128xf32>
    tpu.vector_store %arg6[%swap3A_3585, %swap3A_3586, %swap3A_3587, %swap3A_3588], %swap3A_3591 {strides = array<i32>} : memref<2x128x64x128xf32, #tpu.memory_space<vmem>>, vector<1x1x64x128xf32>,
    %slice3A_3592 = vector.extract_strided_slice %select_n3A_2296 {offsets = [74, 0], sizes = [1, 128], strides = [1, 1]} : vector<128x128xi32> to vector<1x128xi32>
    %slice3A_3593 = vector.extract_strided_slice %select_n3A_2296 {offsets = [75, 0], sizes = [1, 128], strides = [1, 1]} : vector<128x128xi32> to vector<1x128xi32>
    %concatenate3A_3594 = tpu.concatenate %slice3A_3592, %slice3A_3593 in 1 : vector<1x128xi32>, vector<1x128xi32> -> vector<1x256xi32>
    %eq3A_3595 = vector.broadcast %iota3A : vector<128x1xi32> to vector<128x256xi32>
    %eq3A_3596 = vector.broadcast %concatenate3A_3594 : vector<1x256xi32> to vector<128x256xi32>
    %eq3A_3597 = arith.cmpi eq, %eq3A_3595, %eq3A_3596 : vector<128x256xi32>
    %convert_element_type3A_3598 = arith.extui %eq3A_3597 : vector<128x256xi1> to vector<128x256xi32>
    %convert_element_type3A_3599 = arith.sitofp %convert_element_type3A_3598 : vector<128x256xi32> to vector<128x256xf32>
    %convert_element_type3A_3600 = arith.truncf %convert_element_type3A_3599 : vector<128x256xf32> to vector<128x256xbf16>
    %dot_general3A_3601 = arith.constant dense<0.000000e+00> : vector<64x256xf32>
    %dot_general3A_3602 = tpu.matmul %convert_element_type3A, %convert_element_type3A_3600, %dot_general3A_3601 {dimension_numbers = #tpu.dot_dimension_numbers<[1], [0], [0], [1], [0, 0, 1, 1], [], []>, transpose_lhs_hint = false} : vector<64x128xbf16>, vector<128x256xbf16>, vector<64x256xf32> -> vector<64x256xf32>
    %slice3A_3603 = vector.extract_strided_slice %dot_general3A_3602 {offsets = [0, 0], sizes = [64, 128], strides = [1, 1]} : vector<64x256xf32> to vector<64x128xf32>
    %add3A_3604 = arith.addf %slice3A_3603, %transpose3A_2271 : vector<64x128xf32>
    %slice3A_3605 = vector.extract_strided_slice %transpose3A_2271 {offsets = [0, 74], sizes = [64, 1], strides = [1, 1]} : vector<64x128xf32> to vector<64x1xf32>
    %add3A_3606 = vector.broadcast %slice3A_3605 : vector<64x1xf32> to vector<64x128xf32>
    %add3A_3607 = arith.addf %add3A_3604, %add3A_3606 : vector<64x128xf32>
    %swap3A_3608 = arith.constant 1 : index
    %swap3A_3609 = arith.constant 74 : index
    %swap3A_3610 = arith.constant 0 : index
    %swap3A_3611 = arith.constant 0 : index
    %swap3A_3612 = vector.load %arg6[%swap3A_3608, %swap3A_3609, %swap3A_3610, %swap3A_3611] : memref<2x128x64x128xf32, #tpu.memory_space<vmem>>, vector<1x1x64x128xf32>
    %swap3A_3613 = vector.shape_cast %swap3A_3612 : vector<1x1x64x128xf32> to vector<64x128xf32>
    %swap3A_3614 = vector.shape_cast %add3A_3607 : vector<64x128xf32> to vector<1x1x64x128xf32>
    tpu.vector_store %arg6[%swap3A_3608, %swap3A_3609, %swap3A_3610, %swap3A_3611], %swap3A_3614 {strides = array<i32>} : memref<2x128x64x128xf32, #tpu.memory_space<vmem>>, vector<1x1x64x128xf32>,
    %slice3A_3615 = vector.extract_strided_slice %dot_general3A_3602 {offsets = [0, 128], sizes = [64, 128], strides = [1, 1]} : vector<64x256xf32> to vector<64x128xf32>
    %add3A_3616 = arith.addf %slice3A_3615, %transpose3A_2271 : vector<64x128xf32>
    %slice3A_3617 = vector.extract_strided_slice %transpose3A_2271 {offsets = [0, 75], sizes = [64, 1], strides = [1, 1]} : vector<64x128xf32> to vector<64x1xf32>
    %add3A_3618 = vector.broadcast %slice3A_3617 : vector<64x1xf32> to vector<64x128xf32>
    %add3A_3619 = arith.addf %add3A_3616, %add3A_3618 : vector<64x128xf32>
    %swap3A_3620 = arith.constant 1 : index
    %swap3A_3621 = arith.constant 75 : index
    %swap3A_3622 = arith.constant 0 : index
    %swap3A_3623 = arith.constant 0 : index
    %swap3A_3624 = vector.load %arg6[%swap3A_3620, %swap3A_3621, %swap3A_3622, %swap3A_3623] : memref<2x128x64x128xf32, #tpu.memory_space<vmem>>, vector<1x1x64x128xf32>
    %swap3A_3625 = vector.shape_cast %swap3A_3624 : vector<1x1x64x128xf32> to vector<64x128xf32>
    %swap3A_3626 = vector.shape_cast %add3A_3619 : vector<64x128xf32> to vector<1x1x64x128xf32>
    tpu.vector_store %arg6[%swap3A_3620, %swap3A_3621, %swap3A_3622, %swap3A_3623], %swap3A_3626 {strides = array<i32>} : memref<2x128x64x128xf32, #tpu.memory_space<vmem>>, vector<1x1x64x128xf32>,
    %slice3A_3627 = vector.extract_strided_slice %select_n3A_2296 {offsets = [76, 0], sizes = [1, 128], strides = [1, 1]} : vector<128x128xi32> to vector<1x128xi32>
    %slice3A_3628 = vector.extract_strided_slice %select_n3A_2296 {offsets = [77, 0], sizes = [1, 128], strides = [1, 1]} : vector<128x128xi32> to vector<1x128xi32>
    %concatenate3A_3629 = tpu.concatenate %slice3A_3627, %slice3A_3628 in 1 : vector<1x128xi32>, vector<1x128xi32> -> vector<1x256xi32>
    %eq3A_3630 = vector.broadcast %iota3A : vector<128x1xi32> to vector<128x256xi32>
    %eq3A_3631 = vector.broadcast %concatenate3A_3629 : vector<1x256xi32> to vector<128x256xi32>
    %eq3A_3632 = arith.cmpi eq, %eq3A_3630, %eq3A_3631 : vector<128x256xi32>
    %convert_element_type3A_3633 = arith.extui %eq3A_3632 : vector<128x256xi1> to vector<128x256xi32>
    %convert_element_type3A_3634 = arith.sitofp %convert_element_type3A_3633 : vector<128x256xi32> to vector<128x256xf32>
    %convert_element_type3A_3635 = arith.truncf %convert_element_type3A_3634 : vector<128x256xf32> to vector<128x256xbf16>
    %dot_general3A_3636 = arith.constant dense<0.000000e+00> : vector<64x256xf32>
    %dot_general3A_3637 = tpu.matmul %convert_element_type3A, %convert_element_type3A_3635, %dot_general3A_3636 {dimension_numbers = #tpu.dot_dimension_numbers<[1], [0], [0], [1], [0, 0, 1, 1], [], []>, transpose_lhs_hint = false} : vector<64x128xbf16>, vector<128x256xbf16>, vector<64x256xf32> -> vector<64x256xf32>
    %slice3A_3638 = vector.extract_strided_slice %dot_general3A_3637 {offsets = [0, 0], sizes = [64, 128], strides = [1, 1]} : vector<64x256xf32> to vector<64x128xf32>
    %add3A_3639 = arith.addf %slice3A_3638, %transpose3A_2271 : vector<64x128xf32>
    %slice3A_3640 = vector.extract_strided_slice %transpose3A_2271 {offsets = [0, 76], sizes = [64, 1], strides = [1, 1]} : vector<64x128xf32> to vector<64x1xf32>
    %add3A_3641 = vector.broadcast %slice3A_3640 : vector<64x1xf32> to vector<64x128xf32>
    %add3A_3642 = arith.addf %add3A_3639, %add3A_3641 : vector<64x128xf32>
    %swap3A_3643 = arith.constant 1 : index
    %swap3A_3644 = arith.constant 76 : index
    %swap3A_3645 = arith.constant 0 : index
    %swap3A_3646 = arith.constant 0 : index
    %swap3A_3647 = vector.load %arg6[%swap3A_3643, %swap3A_3644, %swap3A_3645, %swap3A_3646] : memref<2x128x64x128xf32, #tpu.memory_space<vmem>>, vector<1x1x64x128xf32>
    %swap3A_3648 = vector.shape_cast %swap3A_3647 : vector<1x1x64x128xf32> to vector<64x128xf32>
    %swap3A_3649 = vector.shape_cast %add3A_3642 : vector<64x128xf32> to vector<1x1x64x128xf32>
    tpu.vector_store %arg6[%swap3A_3643, %swap3A_3644, %swap3A_3645, %swap3A_3646], %swap3A_3649 {strides = array<i32>} : memref<2x128x64x128xf32, #tpu.memory_space<vmem>>, vector<1x1x64x128xf32>,
    %slice3A_3650 = vector.extract_strided_slice %dot_general3A_3637 {offsets = [0, 128], sizes = [64, 128], strides = [1, 1]} : vector<64x256xf32> to vector<64x128xf32>
    %add3A_3651 = arith.addf %slice3A_3650, %transpose3A_2271 : vector<64x128xf32>
    %slice3A_3652 = vector.extract_strided_slice %transpose3A_2271 {offsets = [0, 77], sizes = [64, 1], strides = [1, 1]} : vector<64x128xf32> to vector<64x1xf32>
    %add3A_3653 = vector.broadcast %slice3A_3652 : vector<64x1xf32> to vector<64x128xf32>
    %add3A_3654 = arith.addf %add3A_3651, %add3A_3653 : vector<64x128xf32>
    %swap3A_3655 = arith.constant 1 : index
    %swap3A_3656 = arith.constant 77 : index
    %swap3A_3657 = arith.constant 0 : index
    %swap3A_3658 = arith.constant 0 : index
    %swap3A_3659 = vector.load %arg6[%swap3A_3655, %swap3A_3656, %swap3A_3657, %swap3A_3658] : memref<2x128x64x128xf32, #tpu.memory_space<vmem>>, vector<1x1x64x128xf32>
    %swap3A_3660 = vector.shape_cast %swap3A_3659 : vector<1x1x64x128xf32> to vector<64x128xf32>
    %swap3A_3661 = vector.shape_cast %add3A_3654 : vector<64x128xf32> to vector<1x1x64x128xf32>
    tpu.vector_store %arg6[%swap3A_3655, %swap3A_3656, %swap3A_3657, %swap3A_3658], %swap3A_3661 {strides = array<i32>} : memref<2x128x64x128xf32, #tpu.memory_space<vmem>>, vector<1x1x64x128xf32>,
    %slice3A_3662 = vector.extract_strided_slice %select_n3A_2296 {offsets = [78, 0], sizes = [1, 128], strides = [1, 1]} : vector<128x128xi32> to vector<1x128xi32>
    %slice3A_3663 = vector.extract_strided_slice %select_n3A_2296 {offsets = [79, 0], sizes = [1, 128], strides = [1, 1]} : vector<128x128xi32> to vector<1x128xi32>
    %concatenate3A_3664 = tpu.concatenate %slice3A_3662, %slice3A_3663 in 1 : vector<1x128xi32>, vector<1x128xi32> -> vector<1x256xi32>
    %eq3A_3665 = vector.broadcast %iota3A : vector<128x1xi32> to vector<128x256xi32>
    %eq3A_3666 = vector.broadcast %concatenate3A_3664 : vector<1x256xi32> to vector<128x256xi32>
    %eq3A_3667 = arith.cmpi eq, %eq3A_3665, %eq3A_3666 : vector<128x256xi32>
    %convert_element_type3A_3668 = arith.extui %eq3A_3667 : vector<128x256xi1> to vector<128x256xi32>
    %convert_element_type3A_3669 = arith.sitofp %convert_element_type3A_3668 : vector<128x256xi32> to vector<128x256xf32>
    %convert_element_type3A_3670 = arith.truncf %convert_element_type3A_3669 : vector<128x256xf32> to vector<128x256xbf16>
    %dot_general3A_3671 = arith.constant dense<0.000000e+00> : vector<64x256xf32>
    %dot_general3A_3672 = tpu.matmul %convert_element_type3A, %convert_element_type3A_3670, %dot_general3A_3671 {dimension_numbers = #tpu.dot_dimension_numbers<[1], [0], [0], [1], [0, 0, 1, 1], [], []>, transpose_lhs_hint = false} : vector<64x128xbf16>, vector<128x256xbf16>, vector<64x256xf32> -> vector<64x256xf32>
    %slice3A_3673 = vector.extract_strided_slice %dot_general3A_3672 {offsets = [0, 0], sizes = [64, 128], strides = [1, 1]} : vector<64x256xf32> to vector<64x128xf32>
    %add3A_3674 = arith.addf %slice3A_3673, %transpose3A_2271 : vector<64x128xf32>
    %slice3A_3675 = vector.extract_strided_slice %transpose3A_2271 {offsets = [0, 78], sizes = [64, 1], strides = [1, 1]} : vector<64x128xf32> to vector<64x1xf32>
    %add3A_3676 = vector.broadcast %slice3A_3675 : vector<64x1xf32> to vector<64x128xf32>
    %add3A_3677 = arith.addf %add3A_3674, %add3A_3676 : vector<64x128xf32>
    %swap3A_3678 = arith.constant 1 : index
    %swap3A_3679 = arith.constant 78 : index
    %swap3A_3680 = arith.constant 0 : index
    %swap3A_3681 = arith.constant 0 : index
    %swap3A_3682 = vector.load %arg6[%swap3A_3678, %swap3A_3679, %swap3A_3680, %swap3A_3681] : memref<2x128x64x128xf32, #tpu.memory_space<vmem>>, vector<1x1x64x128xf32>
    %swap3A_3683 = vector.shape_cast %swap3A_3682 : vector<1x1x64x128xf32> to vector<64x128xf32>
    %swap3A_3684 = vector.shape_cast %add3A_3677 : vector<64x128xf32> to vector<1x1x64x128xf32>
    tpu.vector_store %arg6[%swap3A_3678, %swap3A_3679, %swap3A_3680, %swap3A_3681], %swap3A_3684 {strides = array<i32>} : memref<2x128x64x128xf32, #tpu.memory_space<vmem>>, vector<1x1x64x128xf32>,
    %slice3A_3685 = vector.extract_strided_slice %dot_general3A_3672 {offsets = [0, 128], sizes = [64, 128], strides = [1, 1]} : vector<64x256xf32> to vector<64x128xf32>
    %add3A_3686 = arith.addf %slice3A_3685, %transpose3A_2271 : vector<64x128xf32>
    %slice3A_3687 = vector.extract_strided_slice %transpose3A_2271 {offsets = [0, 79], sizes = [64, 1], strides = [1, 1]} : vector<64x128xf32> to vector<64x1xf32>
    %add3A_3688 = vector.broadcast %slice3A_3687 : vector<64x1xf32> to vector<64x128xf32>
    %add3A_3689 = arith.addf %add3A_3686, %add3A_3688 : vector<64x128xf32>
    %swap3A_3690 = arith.constant 1 : index
    %swap3A_3691 = arith.constant 79 : index
    %swap3A_3692 = arith.constant 0 : index
    %swap3A_3693 = arith.constant 0 : index
    %swap3A_3694 = vector.load %arg6[%swap3A_3690, %swap3A_3691, %swap3A_3692, %swap3A_3693] : memref<2x128x64x128xf32, #tpu.memory_space<vmem>>, vector<1x1x64x128xf32>
    %swap3A_3695 = vector.shape_cast %swap3A_3694 : vector<1x1x64x128xf32> to vector<64x128xf32>
    %swap3A_3696 = vector.shape_cast %add3A_3689 : vector<64x128xf32> to vector<1x1x64x128xf32>
    tpu.vector_store %arg6[%swap3A_3690, %swap3A_3691, %swap3A_3692, %swap3A_3693], %swap3A_3696 {strides = array<i32>} : memref<2x128x64x128xf32, #tpu.memory_space<vmem>>, vector<1x1x64x128xf32>,
    %slice3A_3697 = vector.extract_strided_slice %select_n3A_2296 {offsets = [80, 0], sizes = [1, 128], strides = [1, 1]} : vector<128x128xi32> to vector<1x128xi32>
    %slice3A_3698 = vector.extract_strided_slice %select_n3A_2296 {offsets = [81, 0], sizes = [1, 128], strides = [1, 1]} : vector<128x128xi32> to vector<1x128xi32>
    %concatenate3A_3699 = tpu.concatenate %slice3A_3697, %slice3A_3698 in 1 : vector<1x128xi32>, vector<1x128xi32> -> vector<1x256xi32>
    %eq3A_3700 = vector.broadcast %iota3A : vector<128x1xi32> to vector<128x256xi32>
    %eq3A_3701 = vector.broadcast %concatenate3A_3699 : vector<1x256xi32> to vector<128x256xi32>
    %eq3A_3702 = arith.cmpi eq, %eq3A_3700, %eq3A_3701 : vector<128x256xi32>
    %convert_element_type3A_3703 = arith.extui %eq3A_3702 : vector<128x256xi1> to vector<128x256xi32>
    %convert_element_type3A_3704 = arith.sitofp %convert_element_type3A_3703 : vector<128x256xi32> to vector<128x256xf32>
    %convert_element_type3A_3705 = arith.truncf %convert_element_type3A_3704 : vector<128x256xf32> to vector<128x256xbf16>
    %dot_general3A_3706 = arith.constant dense<0.000000e+00> : vector<64x256xf32>
    %dot_general3A_3707 = tpu.matmul %convert_element_type3A, %convert_element_type3A_3705, %dot_general3A_3706 {dimension_numbers = #tpu.dot_dimension_numbers<[1], [0], [0], [1], [0, 0, 1, 1], [], []>, transpose_lhs_hint = false} : vector<64x128xbf16>, vector<128x256xbf16>, vector<64x256xf32> -> vector<64x256xf32>
    %slice3A_3708 = vector.extract_strided_slice %dot_general3A_3707 {offsets = [0, 0], sizes = [64, 128], strides = [1, 1]} : vector<64x256xf32> to vector<64x128xf32>
    %add3A_3709 = arith.addf %slice3A_3708, %transpose3A_2271 : vector<64x128xf32>
    %slice3A_3710 = vector.extract_strided_slice %transpose3A_2271 {offsets = [0, 80], sizes = [64, 1], strides = [1, 1]} : vector<64x128xf32> to vector<64x1xf32>
    %add3A_3711 = vector.broadcast %slice3A_3710 : vector<64x1xf32> to vector<64x128xf32>
    %add3A_3712 = arith.addf %add3A_3709, %add3A_3711 : vector<64x128xf32>
    %swap3A_3713 = arith.constant 1 : index
    %swap3A_3714 = arith.constant 80 : index
    %swap3A_3715 = arith.constant 0 : index
    %swap3A_3716 = arith.constant 0 : index
    %swap3A_3717 = vector.load %arg6[%swap3A_3713, %swap3A_3714, %swap3A_3715, %swap3A_3716] : memref<2x128x64x128xf32, #tpu.memory_space<vmem>>, vector<1x1x64x128xf32>
    %swap3A_3718 = vector.shape_cast %swap3A_3717 : vector<1x1x64x128xf32> to vector<64x128xf32>
    %swap3A_3719 = vector.shape_cast %add3A_3712 : vector<64x128xf32> to vector<1x1x64x128xf32>
    tpu.vector_store %arg6[%swap3A_3713, %swap3A_3714, %swap3A_3715, %swap3A_3716], %swap3A_3719 {strides = array<i32>} : memref<2x128x64x128xf32, #tpu.memory_space<vmem>>, vector<1x1x64x128xf32>,
    %slice3A_3720 = vector.extract_strided_slice %dot_general3A_3707 {offsets = [0, 128], sizes = [64, 128], strides = [1, 1]} : vector<64x256xf32> to vector<64x128xf32>
    %add3A_3721 = arith.addf %slice3A_3720, %transpose3A_2271 : vector<64x128xf32>
    %slice3A_3722 = vector.extract_strided_slice %transpose3A_2271 {offsets = [0, 81], sizes = [64, 1], strides = [1, 1]} : vector<64x128xf32> to vector<64x1xf32>
    %add3A_3723 = vector.broadcast %slice3A_3722 : vector<64x1xf32> to vector<64x128xf32>
    %add3A_3724 = arith.addf %add3A_3721, %add3A_3723 : vector<64x128xf32>
    %swap3A_3725 = arith.constant 1 : index
    %swap3A_3726 = arith.constant 81 : index
    %swap3A_3727 = arith.constant 0 : index
    %swap3A_3728 = arith.constant 0 : index
    %swap3A_3729 = vector.load %arg6[%swap3A_3725, %swap3A_3726, %swap3A_3727, %swap3A_3728] : memref<2x128x64x128xf32, #tpu.memory_space<vmem>>, vector<1x1x64x128xf32>
    %swap3A_3730 = vector.shape_cast %swap3A_3729 : vector<1x1x64x128xf32> to vector<64x128xf32>
    %swap3A_3731 = vector.shape_cast %add3A_3724 : vector<64x128xf32> to vector<1x1x64x128xf32>
    tpu.vector_store %arg6[%swap3A_3725, %swap3A_3726, %swap3A_3727, %swap3A_3728], %swap3A_3731 {strides = array<i32>} : memref<2x128x64x128xf32, #tpu.memory_space<vmem>>, vector<1x1x64x128xf32>,
    %slice3A_3732 = vector.extract_strided_slice %select_n3A_2296 {offsets = [82, 0], sizes = [1, 128], strides = [1, 1]} : vector<128x128xi32> to vector<1x128xi32>
    %slice3A_3733 = vector.extract_strided_slice %select_n3A_2296 {offsets = [83, 0], sizes = [1, 128], strides = [1, 1]} : vector<128x128xi32> to vector<1x128xi32>
    %concatenate3A_3734 = tpu.concatenate %slice3A_3732, %slice3A_3733 in 1 : vector<1x128xi32>, vector<1x128xi32> -> vector<1x256xi32>
    %eq3A_3735 = vector.broadcast %iota3A : vector<128x1xi32> to vector<128x256xi32>
    %eq3A_3736 = vector.broadcast %concatenate3A_3734 : vector<1x256xi32> to vector<128x256xi32>
    %eq3A_3737 = arith.cmpi eq, %eq3A_3735, %eq3A_3736 : vector<128x256xi32>
    %convert_element_type3A_3738 = arith.extui %eq3A_3737 : vector<128x256xi1> to vector<128x256xi32>
    %convert_element_type3A_3739 = arith.sitofp %convert_element_type3A_3738 : vector<128x256xi32> to vector<128x256xf32>
    %convert_element_type3A_3740 = arith.truncf %convert_element_type3A_3739 : vector<128x256xf32> to vector<128x256xbf16>
    %dot_general3A_3741 = arith.constant dense<0.000000e+00> : vector<64x256xf32>
    %dot_general3A_3742 = tpu.matmul %convert_element_type3A, %convert_element_type3A_3740, %dot_general3A_3741 {dimension_numbers = #tpu.dot_dimension_numbers<[1], [0], [0], [1], [0, 0, 1, 1], [], []>, transpose_lhs_hint = false} : vector<64x128xbf16>, vector<128x256xbf16>, vector<64x256xf32> -> vector<64x256xf32>
    %slice3A_3743 = vector.extract_strided_slice %dot_general3A_3742 {offsets = [0, 0], sizes = [64, 128], strides = [1, 1]} : vector<64x256xf32> to vector<64x128xf32>
    %add3A_3744 = arith.addf %slice3A_3743, %transpose3A_2271 : vector<64x128xf32>
    %slice3A_3745 = vector.extract_strided_slice %transpose3A_2271 {offsets = [0, 82], sizes = [64, 1], strides = [1, 1]} : vector<64x128xf32> to vector<64x1xf32>
    %add3A_3746 = vector.broadcast %slice3A_3745 : vector<64x1xf32> to vector<64x128xf32>
    %add3A_3747 = arith.addf %add3A_3744, %add3A_3746 : vector<64x128xf32>
    %swap3A_3748 = arith.constant 1 : index
    %swap3A_3749 = arith.constant 82 : index
    %swap3A_3750 = arith.constant 0 : index
    %swap3A_3751 = arith.constant 0 : index
    %swap3A_3752 = vector.load %arg6[%swap3A_3748, %swap3A_3749, %swap3A_3750, %swap3A_3751] : memref<2x128x64x128xf32, #tpu.memory_space<vmem>>, vector<1x1x64x128xf32>
    %swap3A_3753 = vector.shape_cast %swap3A_3752 : vector<1x1x64x128xf32> to vector<64x128xf32>
    %swap3A_3754 = vector.shape_cast %add3A_3747 : vector<64x128xf32> to vector<1x1x64x128xf32>
    tpu.vector_store %arg6[%swap3A_3748, %swap3A_3749, %swap3A_3750, %swap3A_3751], %swap3A_3754 {strides = array<i32>} : memref<2x128x64x128xf32, #tpu.memory_space<vmem>>, vector<1x1x64x128xf32>,
    %slice3A_3755 = vector.extract_strided_slice %dot_general3A_3742 {offsets = [0, 128], sizes = [64, 128], strides = [1, 1]} : vector<64x256xf32> to vector<64x128xf32>
    %add3A_3756 = arith.addf %slice3A_3755, %transpose3A_2271 : vector<64x128xf32>
    %slice3A_3757 = vector.extract_strided_slice %transpose3A_2271 {offsets = [0, 83], sizes = [64, 1], strides = [1, 1]} : vector<64x128xf32> to vector<64x1xf32>
    %add3A_3758 = vector.broadcast %slice3A_3757 : vector<64x1xf32> to vector<64x128xf32>
    %add3A_3759 = arith.addf %add3A_3756, %add3A_3758 : vector<64x128xf32>
    %swap3A_3760 = arith.constant 1 : index
    %swap3A_3761 = arith.constant 83 : index
    %swap3A_3762 = arith.constant 0 : index
    %swap3A_3763 = arith.constant 0 : index
    %swap3A_3764 = vector.load %arg6[%swap3A_3760, %swap3A_3761, %swap3A_3762, %swap3A_3763] : memref<2x128x64x128xf32, #tpu.memory_space<vmem>>, vector<1x1x64x128xf32>
    %swap3A_3765 = vector.shape_cast %swap3A_3764 : vector<1x1x64x128xf32> to vector<64x128xf32>
    %swap3A_3766 = vector.shape_cast %add3A_3759 : vector<64x128xf32> to vector<1x1x64x128xf32>
    tpu.vector_store %arg6[%swap3A_3760, %swap3A_3761, %swap3A_3762, %swap3A_3763], %swap3A_3766 {strides = array<i32>} : memref<2x128x64x128xf32, #tpu.memory_space<vmem>>, vector<1x1x64x128xf32>,
    %slice3A_3767 = vector.extract_strided_slice %select_n3A_2296 {offsets = [84, 0], sizes = [1, 128], strides = [1, 1]} : vector<128x128xi32> to vector<1x128xi32>
    %slice3A_3768 = vector.extract_strided_slice %select_n3A_2296 {offsets = [85, 0], sizes = [1, 128], strides = [1, 1]} : vector<128x128xi32> to vector<1x128xi32>
    %concatenate3A_3769 = tpu.concatenate %slice3A_3767, %slice3A_3768 in 1 : vector<1x128xi32>, vector<1x128xi32> -> vector<1x256xi32>
    %eq3A_3770 = vector.broadcast %iota3A : vector<128x1xi32> to vector<128x256xi32>
    %eq3A_3771 = vector.broadcast %concatenate3A_3769 : vector<1x256xi32> to vector<128x256xi32>
    %eq3A_3772 = arith.cmpi eq, %eq3A_3770, %eq3A_3771 : vector<128x256xi32>
    %convert_element_type3A_3773 = arith.extui %eq3A_3772 : vector<128x256xi1> to vector<128x256xi32>
    %convert_element_type3A_3774 = arith.sitofp %convert_element_type3A_3773 : vector<128x256xi32> to vector<128x256xf32>
    %convert_element_type3A_3775 = arith.truncf %convert_element_type3A_3774 : vector<128x256xf32> to vector<128x256xbf16>
    %dot_general3A_3776 = arith.constant dense<0.000000e+00> : vector<64x256xf32>
    %dot_general3A_3777 = tpu.matmul %convert_element_type3A, %convert_element_type3A_3775, %dot_general3A_3776 {dimension_numbers = #tpu.dot_dimension_numbers<[1], [0], [0], [1], [0, 0, 1, 1], [], []>, transpose_lhs_hint = false} : vector<64x128xbf16>, vector<128x256xbf16>, vector<64x256xf32> -> vector<64x256xf32>
    %slice3A_3778 = vector.extract_strided_slice %dot_general3A_3777 {offsets = [0, 0], sizes = [64, 128], strides = [1, 1]} : vector<64x256xf32> to vector<64x128xf32>
    %add3A_3779 = arith.addf %slice3A_3778, %transpose3A_2271 : vector<64x128xf32>
    %slice3A_3780 = vector.extract_strided_slice %transpose3A_2271 {offsets = [0, 84], sizes = [64, 1], strides = [1, 1]} : vector<64x128xf32> to vector<64x1xf32>
    %add3A_3781 = vector.broadcast %slice3A_3780 : vector<64x1xf32> to vector<64x128xf32>
    %add3A_3782 = arith.addf %add3A_3779, %add3A_3781 : vector<64x128xf32>
    %swap3A_3783 = arith.constant 1 : index
    %swap3A_3784 = arith.constant 84 : index
    %swap3A_3785 = arith.constant 0 : index
    %swap3A_3786 = arith.constant 0 : index
    %swap3A_3787 = vector.load %arg6[%swap3A_3783, %swap3A_3784, %swap3A_3785, %swap3A_3786] : memref<2x128x64x128xf32, #tpu.memory_space<vmem>>, vector<1x1x64x128xf32>
    %swap3A_3788 = vector.shape_cast %swap3A_3787 : vector<1x1x64x128xf32> to vector<64x128xf32>
    %swap3A_3789 = vector.shape_cast %add3A_3782 : vector<64x128xf32> to vector<1x1x64x128xf32>
    tpu.vector_store %arg6[%swap3A_3783, %swap3A_3784, %swap3A_3785, %swap3A_3786], %swap3A_3789 {strides = array<i32>} : memref<2x128x64x128xf32, #tpu.memory_space<vmem>>, vector<1x1x64x128xf32>,
    %slice3A_3790 = vector.extract_strided_slice %dot_general3A_3777 {offsets = [0, 128], sizes = [64, 128], strides = [1, 1]} : vector<64x256xf32> to vector<64x128xf32>
    %add3A_3791 = arith.addf %slice3A_3790, %transpose3A_2271 : vector<64x128xf32>
    %slice3A_3792 = vector.extract_strided_slice %transpose3A_2271 {offsets = [0, 85], sizes = [64, 1], strides = [1, 1]} : vector<64x128xf32> to vector<64x1xf32>
    %add3A_3793 = vector.broadcast %slice3A_3792 : vector<64x1xf32> to vector<64x128xf32>
    %add3A_3794 = arith.addf %add3A_3791, %add3A_3793 : vector<64x128xf32>
    %swap3A_3795 = arith.constant 1 : index
    %swap3A_3796 = arith.constant 85 : index
    %swap3A_3797 = arith.constant 0 : index
    %swap3A_3798 = arith.constant 0 : index
    %swap3A_3799 = vector.load %arg6[%swap3A_3795, %swap3A_3796, %swap3A_3797, %swap3A_3798] : memref<2x128x64x128xf32, #tpu.memory_space<vmem>>, vector<1x1x64x128xf32>
    %swap3A_3800 = vector.shape_cast %swap3A_3799 : vector<1x1x64x128xf32> to vector<64x128xf32>
    %swap3A_3801 = vector.shape_cast %add3A_3794 : vector<64x128xf32> to vector<1x1x64x128xf32>
    tpu.vector_store %arg6[%swap3A_3795, %swap3A_3796, %swap3A_3797, %swap3A_3798], %swap3A_3801 {strides = array<i32>} : memref<2x128x64x128xf32, #tpu.memory_space<vmem>>, vector<1x1x64x128xf32>,
    %slice3A_3802 = vector.extract_strided_slice %select_n3A_2296 {offsets = [86, 0], sizes = [1, 128], strides = [1, 1]} : vector<128x128xi32> to vector<1x128xi32>
    %slice3A_3803 = vector.extract_strided_slice %select_n3A_2296 {offsets = [87, 0], sizes = [1, 128], strides = [1, 1]} : vector<128x128xi32> to vector<1x128xi32>
    %concatenate3A_3804 = tpu.concatenate %slice3A_3802, %slice3A_3803 in 1 : vector<1x128xi32>, vector<1x128xi32> -> vector<1x256xi32>
    %eq3A_3805 = vector.broadcast %iota3A : vector<128x1xi32> to vector<128x256xi32>
    %eq3A_3806 = vector.broadcast %concatenate3A_3804 : vector<1x256xi32> to vector<128x256xi32>
    %eq3A_3807 = arith.cmpi eq, %eq3A_3805, %eq3A_3806 : vector<128x256xi32>
    %convert_element_type3A_3808 = arith.extui %eq3A_3807 : vector<128x256xi1> to vector<128x256xi32>
    %convert_element_type3A_3809 = arith.sitofp %convert_element_type3A_3808 : vector<128x256xi32> to vector<128x256xf32>
    %convert_element_type3A_3810 = arith.truncf %convert_element_type3A_3809 : vector<128x256xf32> to vector<128x256xbf16>
    %dot_general3A_3811 = arith.constant dense<0.000000e+00> : vector<64x256xf32>
    %dot_general3A_3812 = tpu.matmul %convert_element_type3A, %convert_element_type3A_3810, %dot_general3A_3811 {dimension_numbers = #tpu.dot_dimension_numbers<[1], [0], [0], [1], [0, 0, 1, 1], [], []>, transpose_lhs_hint = false} : vector<64x128xbf16>, vector<128x256xbf16>, vector<64x256xf32> -> vector<64x256xf32>
    %slice3A_3813 = vector.extract_strided_slice %dot_general3A_3812 {offsets = [0, 0], sizes = [64, 128], strides = [1, 1]} : vector<64x256xf32> to vector<64x128xf32>
    %add3A_3814 = arith.addf %slice3A_3813, %transpose3A_2271 : vector<64x128xf32>
    %slice3A_3815 = vector.extract_strided_slice %transpose3A_2271 {offsets = [0, 86], sizes = [64, 1], strides = [1, 1]} : vector<64x128xf32> to vector<64x1xf32>
    %add3A_3816 = vector.broadcast %slice3A_3815 : vector<64x1xf32> to vector<64x128xf32>
    %add3A_3817 = arith.addf %add3A_3814, %add3A_3816 : vector<64x128xf32>
    %swap3A_3818 = arith.constant 1 : index
    %swap3A_3819 = arith.constant 86 : index
    %swap3A_3820 = arith.constant 0 : index
    %swap3A_3821 = arith.constant 0 : index
    %swap3A_3822 = vector.load %arg6[%swap3A_3818, %swap3A_3819, %swap3A_3820, %swap3A_3821] : memref<2x128x64x128xf32, #tpu.memory_space<vmem>>, vector<1x1x64x128xf32>
    %swap3A_3823 = vector.shape_cast %swap3A_3822 : vector<1x1x64x128xf32> to vector<64x128xf32>
    %swap3A_3824 = vector.shape_cast %add3A_3817 : vector<64x128xf32> to vector<1x1x64x128xf32>
    tpu.vector_store %arg6[%swap3A_3818, %swap3A_3819, %swap3A_3820, %swap3A_3821], %swap3A_3824 {strides = array<i32>} : memref<2x128x64x128xf32, #tpu.memory_space<vmem>>, vector<1x1x64x128xf32>,
    %slice3A_3825 = vector.extract_strided_slice %dot_general3A_3812 {offsets = [0, 128], sizes = [64, 128], strides = [1, 1]} : vector<64x256xf32> to vector<64x128xf32>
    %add3A_3826 = arith.addf %slice3A_3825, %transpose3A_2271 : vector<64x128xf32>
    %slice3A_3827 = vector.extract_strided_slice %transpose3A_2271 {offsets = [0, 87], sizes = [64, 1], strides = [1, 1]} : vector<64x128xf32> to vector<64x1xf32>
    %add3A_3828 = vector.broadcast %slice3A_3827 : vector<64x1xf32> to vector<64x128xf32>
    %add3A_3829 = arith.addf %add3A_3826, %add3A_3828 : vector<64x128xf32>
    %swap3A_3830 = arith.constant 1 : index
    %swap3A_3831 = arith.constant 87 : index
    %swap3A_3832 = arith.constant 0 : index
    %swap3A_3833 = arith.constant 0 : index
    %swap3A_3834 = vector.load %arg6[%swap3A_3830, %swap3A_3831, %swap3A_3832, %swap3A_3833] : memref<2x128x64x128xf32, #tpu.memory_space<vmem>>, vector<1x1x64x128xf32>
    %swap3A_3835 = vector.shape_cast %swap3A_3834 : vector<1x1x64x128xf32> to vector<64x128xf32>
    %swap3A_3836 = vector.shape_cast %add3A_3829 : vector<64x128xf32> to vector<1x1x64x128xf32>
    tpu.vector_store %arg6[%swap3A_3830, %swap3A_3831, %swap3A_3832, %swap3A_3833], %swap3A_3836 {strides = array<i32>} : memref<2x128x64x128xf32, #tpu.memory_space<vmem>>, vector<1x1x64x128xf32>,
    %slice3A_3837 = vector.extract_strided_slice %select_n3A_2296 {offsets = [88, 0], sizes = [1, 128], strides = [1, 1]} : vector<128x128xi32> to vector<1x128xi32>
    %slice3A_3838 = vector.extract_strided_slice %select_n3A_2296 {offsets = [89, 0], sizes = [1, 128], strides = [1, 1]} : vector<128x128xi32> to vector<1x128xi32>
    %concatenate3A_3839 = tpu.concatenate %slice3A_3837, %slice3A_3838 in 1 : vector<1x128xi32>, vector<1x128xi32> -> vector<1x256xi32>
    %eq3A_3840 = vector.broadcast %iota3A : vector<128x1xi32> to vector<128x256xi32>
    %eq3A_3841 = vector.broadcast %concatenate3A_3839 : vector<1x256xi32> to vector<128x256xi32>
    %eq3A_3842 = arith.cmpi eq, %eq3A_3840, %eq3A_3841 : vector<128x256xi32>
    %convert_element_type3A_3843 = arith.extui %eq3A_3842 : vector<128x256xi1> to vector<128x256xi32>
    %convert_element_type3A_3844 = arith.sitofp %convert_element_type3A_3843 : vector<128x256xi32> to vector<128x256xf32>
    %convert_element_type3A_3845 = arith.truncf %convert_element_type3A_3844 : vector<128x256xf32> to vector<128x256xbf16>
    %dot_general3A_3846 = arith.constant dense<0.000000e+00> : vector<64x256xf32>
    %dot_general3A_3847 = tpu.matmul %convert_element_type3A, %convert_element_type3A_3845, %dot_general3A_3846 {dimension_numbers = #tpu.dot_dimension_numbers<[1], [0], [0], [1], [0, 0, 1, 1], [], []>, transpose_lhs_hint = false} : vector<64x128xbf16>, vector<128x256xbf16>, vector<64x256xf32> -> vector<64x256xf32>
    %slice3A_3848 = vector.extract_strided_slice %dot_general3A_3847 {offsets = [0, 0], sizes = [64, 128], strides = [1, 1]} : vector<64x256xf32> to vector<64x128xf32>
    %add3A_3849 = arith.addf %slice3A_3848, %transpose3A_2271 : vector<64x128xf32>
    %slice3A_3850 = vector.extract_strided_slice %transpose3A_2271 {offsets = [0, 88], sizes = [64, 1], strides = [1, 1]} : vector<64x128xf32> to vector<64x1xf32>
    %add3A_3851 = vector.broadcast %slice3A_3850 : vector<64x1xf32> to vector<64x128xf32>
    %add3A_3852 = arith.addf %add3A_3849, %add3A_3851 : vector<64x128xf32>
    %swap3A_3853 = arith.constant 1 : index
    %swap3A_3854 = arith.constant 88 : index
    %swap3A_3855 = arith.constant 0 : index
    %swap3A_3856 = arith.constant 0 : index
    %swap3A_3857 = vector.load %arg6[%swap3A_3853, %swap3A_3854, %swap3A_3855, %swap3A_3856] : memref<2x128x64x128xf32, #tpu.memory_space<vmem>>, vector<1x1x64x128xf32>
    %swap3A_3858 = vector.shape_cast %swap3A_3857 : vector<1x1x64x128xf32> to vector<64x128xf32>
    %swap3A_3859 = vector.shape_cast %add3A_3852 : vector<64x128xf32> to vector<1x1x64x128xf32>
    tpu.vector_store %arg6[%swap3A_3853, %swap3A_3854, %swap3A_3855, %swap3A_3856], %swap3A_3859 {strides = array<i32>} : memref<2x128x64x128xf32, #tpu.memory_space<vmem>>, vector<1x1x64x128xf32>,
    %slice3A_3860 = vector.extract_strided_slice %dot_general3A_3847 {offsets = [0, 128], sizes = [64, 128], strides = [1, 1]} : vector<64x256xf32> to vector<64x128xf32>
    %add3A_3861 = arith.addf %slice3A_3860, %transpose3A_2271 : vector<64x128xf32>
    %slice3A_3862 = vector.extract_strided_slice %transpose3A_2271 {offsets = [0, 89], sizes = [64, 1], strides = [1, 1]} : vector<64x128xf32> to vector<64x1xf32>
    %add3A_3863 = vector.broadcast %slice3A_3862 : vector<64x1xf32> to vector<64x128xf32>
    %add3A_3864 = arith.addf %add3A_3861, %add3A_3863 : vector<64x128xf32>
    %swap3A_3865 = arith.constant 1 : index
    %swap3A_3866 = arith.constant 89 : index
    %swap3A_3867 = arith.constant 0 : index
    %swap3A_3868 = arith.constant 0 : index
    %swap3A_3869 = vector.load %arg6[%swap3A_3865, %swap3A_3866, %swap3A_3867, %swap3A_3868] : memref<2x128x64x128xf32, #tpu.memory_space<vmem>>, vector<1x1x64x128xf32>
    %swap3A_3870 = vector.shape_cast %swap3A_3869 : vector<1x1x64x128xf32> to vector<64x128xf32>
    %swap3A_3871 = vector.shape_cast %add3A_3864 : vector<64x128xf32> to vector<1x1x64x128xf32>
    tpu.vector_store %arg6[%swap3A_3865, %swap3A_3866, %swap3A_3867, %swap3A_3868], %swap3A_3871 {strides = array<i32>} : memref<2x128x64x128xf32, #tpu.memory_space<vmem>>, vector<1x1x64x128xf32>,
    %slice3A_3872 = vector.extract_strided_slice %select_n3A_2296 {offsets = [90, 0], sizes = [1, 128], strides = [1, 1]} : vector<128x128xi32> to vector<1x128xi32>
    %slice3A_3873 = vector.extract_strided_slice %select_n3A_2296 {offsets = [91, 0], sizes = [1, 128], strides = [1, 1]} : vector<128x128xi32> to vector<1x128xi32>
    %concatenate3A_3874 = tpu.concatenate %slice3A_3872, %slice3A_3873 in 1 : vector<1x128xi32>, vector<1x128xi32> -> vector<1x256xi32>
    %eq3A_3875 = vector.broadcast %iota3A : vector<128x1xi32> to vector<128x256xi32>
    %eq3A_3876 = vector.broadcast %concatenate3A_3874 : vector<1x256xi32> to vector<128x256xi32>
    %eq3A_3877 = arith.cmpi eq, %eq3A_3875, %eq3A_3876 : vector<128x256xi32>
    %convert_element_type3A_3878 = arith.extui %eq3A_3877 : vector<128x256xi1> to vector<128x256xi32>
    %convert_element_type3A_3879 = arith.sitofp %convert_element_type3A_3878 : vector<128x256xi32> to vector<128x256xf32>
    %convert_element_type3A_3880 = arith.truncf %convert_element_type3A_3879 : vector<128x256xf32> to vector<128x256xbf16>
    %dot_general3A_3881 = arith.constant dense<0.000000e+00> : vector<64x256xf32>
    %dot_general3A_3882 = tpu.matmul %convert_element_type3A, %convert_element_type3A_3880, %dot_general3A_3881 {dimension_numbers = #tpu.dot_dimension_numbers<[1], [0], [0], [1], [0, 0, 1, 1], [], []>, transpose_lhs_hint = false} : vector<64x128xbf16>, vector<128x256xbf16>, vector<64x256xf32> -> vector<64x256xf32>
    %slice3A_3883 = vector.extract_strided_slice %dot_general3A_3882 {offsets = [0, 0], sizes = [64, 128], strides = [1, 1]} : vector<64x256xf32> to vector<64x128xf32>
    %add3A_3884 = arith.addf %slice3A_3883, %transpose3A_2271 : vector<64x128xf32>
    %slice3A_3885 = vector.extract_strided_slice %transpose3A_2271 {offsets = [0, 90], sizes = [64, 1], strides = [1, 1]} : vector<64x128xf32> to vector<64x1xf32>
    %add3A_3886 = vector.broadcast %slice3A_3885 : vector<64x1xf32> to vector<64x128xf32>
    %add3A_3887 = arith.addf %add3A_3884, %add3A_3886 : vector<64x128xf32>
    %swap3A_3888 = arith.constant 1 : index
    %swap3A_3889 = arith.constant 90 : index
    %swap3A_3890 = arith.constant 0 : index
    %swap3A_3891 = arith.constant 0 : index
    %swap3A_3892 = vector.load %arg6[%swap3A_3888, %swap3A_3889, %swap3A_3890, %swap3A_3891] : memref<2x128x64x128xf32, #tpu.memory_space<vmem>>, vector<1x1x64x128xf32>
    %swap3A_3893 = vector.shape_cast %swap3A_3892 : vector<1x1x64x128xf32> to vector<64x128xf32>
    %swap3A_3894 = vector.shape_cast %add3A_3887 : vector<64x128xf32> to vector<1x1x64x128xf32>
    tpu.vector_store %arg6[%swap3A_3888, %swap3A_3889, %swap3A_3890, %swap3A_3891], %swap3A_3894 {strides = array<i32>} : memref<2x128x64x128xf32, #tpu.memory_space<vmem>>, vector<1x1x64x128xf32>,
    %slice3A_3895 = vector.extract_strided_slice %dot_general3A_3882 {offsets = [0, 128], sizes = [64, 128], strides = [1, 1]} : vector<64x256xf32> to vector<64x128xf32>
    %add3A_3896 = arith.addf %slice3A_3895, %transpose3A_2271 : vector<64x128xf32>
    %slice3A_3897 = vector.extract_strided_slice %transpose3A_2271 {offsets = [0, 91], sizes = [64, 1], strides = [1, 1]} : vector<64x128xf32> to vector<64x1xf32>
    %add3A_3898 = vector.broadcast %slice3A_3897 : vector<64x1xf32> to vector<64x128xf32>
    %add3A_3899 = arith.addf %add3A_3896, %add3A_3898 : vector<64x128xf32>
    %swap3A_3900 = arith.constant 1 : index
    %swap3A_3901 = arith.constant 91 : index
    %swap3A_3902 = arith.constant 0 : index
    %swap3A_3903 = arith.constant 0 : index
    %swap3A_3904 = vector.load %arg6[%swap3A_3900, %swap3A_3901, %swap3A_3902, %swap3A_3903] : memref<2x128x64x128xf32, #tpu.memory_space<vmem>>, vector<1x1x64x128xf32>
    %swap3A_3905 = vector.shape_cast %swap3A_3904 : vector<1x1x64x128xf32> to vector<64x128xf32>
    %swap3A_3906 = vector.shape_cast %add3A_3899 : vector<64x128xf32> to vector<1x1x64x128xf32>
    tpu.vector_store %arg6[%swap3A_3900, %swap3A_3901, %swap3A_3902, %swap3A_3903], %swap3A_3906 {strides = array<i32>} : memref<2x128x64x128xf32, #tpu.memory_space<vmem>>, vector<1x1x64x128xf32>,
    %slice3A_3907 = vector.extract_strided_slice %select_n3A_2296 {offsets = [92, 0], sizes = [1, 128], strides = [1, 1]} : vector<128x128xi32> to vector<1x128xi32>
    %slice3A_3908 = vector.extract_strided_slice %select_n3A_2296 {offsets = [93, 0], sizes = [1, 128], strides = [1, 1]} : vector<128x128xi32> to vector<1x128xi32>
    %concatenate3A_3909 = tpu.concatenate %slice3A_3907, %slice3A_3908 in 1 : vector<1x128xi32>, vector<1x128xi32> -> vector<1x256xi32>
    %eq3A_3910 = vector.broadcast %iota3A : vector<128x1xi32> to vector<128x256xi32>
    %eq3A_3911 = vector.broadcast %concatenate3A_3909 : vector<1x256xi32> to vector<128x256xi32>
    %eq3A_3912 = arith.cmpi eq, %eq3A_3910, %eq3A_3911 : vector<128x256xi32>
    %convert_element_type3A_3913 = arith.extui %eq3A_3912 : vector<128x256xi1> to vector<128x256xi32>
    %convert_element_type3A_3914 = arith.sitofp %convert_element_type3A_3913 : vector<128x256xi32> to vector<128x256xf32>
    %convert_element_type3A_3915 = arith.truncf %convert_element_type3A_3914 : vector<128x256xf32> to vector<128x256xbf16>
    %dot_general3A_3916 = arith.constant dense<0.000000e+00> : vector<64x256xf32>
    %dot_general3A_3917 = tpu.matmul %convert_element_type3A, %convert_element_type3A_3915, %dot_general3A_3916 {dimension_numbers = #tpu.dot_dimension_numbers<[1], [0], [0], [1], [0, 0, 1, 1], [], []>, transpose_lhs_hint = false} : vector<64x128xbf16>, vector<128x256xbf16>, vector<64x256xf32> -> vector<64x256xf32>
    %slice3A_3918 = vector.extract_strided_slice %dot_general3A_3917 {offsets = [0, 0], sizes = [64, 128], strides = [1, 1]} : vector<64x256xf32> to vector<64x128xf32>
    %add3A_3919 = arith.addf %slice3A_3918, %transpose3A_2271 : vector<64x128xf32>
    %slice3A_3920 = vector.extract_strided_slice %transpose3A_2271 {offsets = [0, 92], sizes = [64, 1], strides = [1, 1]} : vector<64x128xf32> to vector<64x1xf32>
    %add3A_3921 = vector.broadcast %slice3A_3920 : vector<64x1xf32> to vector<64x128xf32>
    %add3A_3922 = arith.addf %add3A_3919, %add3A_3921 : vector<64x128xf32>
    %swap3A_3923 = arith.constant 1 : index
    %swap3A_3924 = arith.constant 92 : index
    %swap3A_3925 = arith.constant 0 : index
    %swap3A_3926 = arith.constant 0 : index
    %swap3A_3927 = vector.load %arg6[%swap3A_3923, %swap3A_3924, %swap3A_3925, %swap3A_3926] : memref<2x128x64x128xf32, #tpu.memory_space<vmem>>, vector<1x1x64x128xf32>
    %swap3A_3928 = vector.shape_cast %swap3A_3927 : vector<1x1x64x128xf32> to vector<64x128xf32>
    %swap3A_3929 = vector.shape_cast %add3A_3922 : vector<64x128xf32> to vector<1x1x64x128xf32>
    tpu.vector_store %arg6[%swap3A_3923, %swap3A_3924, %swap3A_3925, %swap3A_3926], %swap3A_3929 {strides = array<i32>} : memref<2x128x64x128xf32, #tpu.memory_space<vmem>>, vector<1x1x64x128xf32>,
    %slice3A_3930 = vector.extract_strided_slice %dot_general3A_3917 {offsets = [0, 128], sizes = [64, 128], strides = [1, 1]} : vector<64x256xf32> to vector<64x128xf32>
    %add3A_3931 = arith.addf %slice3A_3930, %transpose3A_2271 : vector<64x128xf32>
    %slice3A_3932 = vector.extract_strided_slice %transpose3A_2271 {offsets = [0, 93], sizes = [64, 1], strides = [1, 1]} : vector<64x128xf32> to vector<64x1xf32>
    %add3A_3933 = vector.broadcast %slice3A_3932 : vector<64x1xf32> to vector<64x128xf32>
    %add3A_3934 = arith.addf %add3A_3931, %add3A_3933 : vector<64x128xf32>
    %swap3A_3935 = arith.constant 1 : index
    %swap3A_3936 = arith.constant 93 : index
    %swap3A_3937 = arith.constant 0 : index
    %swap3A_3938 = arith.constant 0 : index
    %swap3A_3939 = vector.load %arg6[%swap3A_3935, %swap3A_3936, %swap3A_3937, %swap3A_3938] : memref<2x128x64x128xf32, #tpu.memory_space<vmem>>, vector<1x1x64x128xf32>
    %swap3A_3940 = vector.shape_cast %swap3A_3939 : vector<1x1x64x128xf32> to vector<64x128xf32>
    %swap3A_3941 = vector.shape_cast %add3A_3934 : vector<64x128xf32> to vector<1x1x64x128xf32>
    tpu.vector_store %arg6[%swap3A_3935, %swap3A_3936, %swap3A_3937, %swap3A_3938], %swap3A_3941 {strides = array<i32>} : memref<2x128x64x128xf32, #tpu.memory_space<vmem>>, vector<1x1x64x128xf32>,
    %slice3A_3942 = vector.extract_strided_slice %select_n3A_2296 {offsets = [94, 0], sizes = [1, 128], strides = [1, 1]} : vector<128x128xi32> to vector<1x128xi32>
    %slice3A_3943 = vector.extract_strided_slice %select_n3A_2296 {offsets = [95, 0], sizes = [1, 128], strides = [1, 1]} : vector<128x128xi32> to vector<1x128xi32>
    %concatenate3A_3944 = tpu.concatenate %slice3A_3942, %slice3A_3943 in 1 : vector<1x128xi32>, vector<1x128xi32> -> vector<1x256xi32>
    %eq3A_3945 = vector.broadcast %iota3A : vector<128x1xi32> to vector<128x256xi32>
    %eq3A_3946 = vector.broadcast %concatenate3A_3944 : vector<1x256xi32> to vector<128x256xi32>
    %eq3A_3947 = arith.cmpi eq, %eq3A_3945, %eq3A_3946 : vector<128x256xi32>
    %convert_element_type3A_3948 = arith.extui %eq3A_3947 : vector<128x256xi1> to vector<128x256xi32>
    %convert_element_type3A_3949 = arith.sitofp %convert_element_type3A_3948 : vector<128x256xi32> to vector<128x256xf32>
    %convert_element_type3A_3950 = arith.truncf %convert_element_type3A_3949 : vector<128x256xf32> to vector<128x256xbf16>
    %dot_general3A_3951 = arith.constant dense<0.000000e+00> : vector<64x256xf32>
    %dot_general3A_3952 = tpu.matmul %convert_element_type3A, %convert_element_type3A_3950, %dot_general3A_3951 {dimension_numbers = #tpu.dot_dimension_numbers<[1], [0], [0], [1], [0, 0, 1, 1], [], []>, transpose_lhs_hint = false} : vector<64x128xbf16>, vector<128x256xbf16>, vector<64x256xf32> -> vector<64x256xf32>
    %slice3A_3953 = vector.extract_strided_slice %dot_general3A_3952 {offsets = [0, 0], sizes = [64, 128], strides = [1, 1]} : vector<64x256xf32> to vector<64x128xf32>
    %add3A_3954 = arith.addf %slice3A_3953, %transpose3A_2271 : vector<64x128xf32>
    %slice3A_3955 = vector.extract_strided_slice %transpose3A_2271 {offsets = [0, 94], sizes = [64, 1], strides = [1, 1]} : vector<64x128xf32> to vector<64x1xf32>
    %add3A_3956 = vector.broadcast %slice3A_3955 : vector<64x1xf32> to vector<64x128xf32>
    %add3A_3957 = arith.addf %add3A_3954, %add3A_3956 : vector<64x128xf32>
    %swap3A_3958 = arith.constant 1 : index
    %swap3A_3959 = arith.constant 94 : index
    %swap3A_3960 = arith.constant 0 : index
    %swap3A_3961 = arith.constant 0 : index
    %swap3A_3962 = vector.load %arg6[%swap3A_3958, %swap3A_3959, %swap3A_3960, %swap3A_3961] : memref<2x128x64x128xf32, #tpu.memory_space<vmem>>, vector<1x1x64x128xf32>
    %swap3A_3963 = vector.shape_cast %swap3A_3962 : vector<1x1x64x128xf32> to vector<64x128xf32>
    %swap3A_3964 = vector.shape_cast %add3A_3957 : vector<64x128xf32> to vector<1x1x64x128xf32>
    tpu.vector_store %arg6[%swap3A_3958, %swap3A_3959, %swap3A_3960, %swap3A_3961], %swap3A_3964 {strides = array<i32>} : memref<2x128x64x128xf32, #tpu.memory_space<vmem>>, vector<1x1x64x128xf32>,
    %slice3A_3965 = vector.extract_strided_slice %dot_general3A_3952 {offsets = [0, 128], sizes = [64, 128], strides = [1, 1]} : vector<64x256xf32> to vector<64x128xf32>
    %add3A_3966 = arith.addf %slice3A_3965, %transpose3A_2271 : vector<64x128xf32>
    %slice3A_3967 = vector.extract_strided_slice %transpose3A_2271 {offsets = [0, 95], sizes = [64, 1], strides = [1, 1]} : vector<64x128xf32> to vector<64x1xf32>
    %add3A_3968 = vector.broadcast %slice3A_3967 : vector<64x1xf32> to vector<64x128xf32>
    %add3A_3969 = arith.addf %add3A_3966, %add3A_3968 : vector<64x128xf32>
    %swap3A_3970 = arith.constant 1 : index
    %swap3A_3971 = arith.constant 95 : index
    %swap3A_3972 = arith.constant 0 : index
    %swap3A_3973 = arith.constant 0 : index
    %swap3A_3974 = vector.load %arg6[%swap3A_3970, %swap3A_3971, %swap3A_3972, %swap3A_3973] : memref<2x128x64x128xf32, #tpu.memory_space<vmem>>, vector<1x1x64x128xf32>
    %swap3A_3975 = vector.shape_cast %swap3A_3974 : vector<1x1x64x128xf32> to vector<64x128xf32>
    %swap3A_3976 = vector.shape_cast %add3A_3969 : vector<64x128xf32> to vector<1x1x64x128xf32>
    tpu.vector_store %arg6[%swap3A_3970, %swap3A_3971, %swap3A_3972, %swap3A_3973], %swap3A_3976 {strides = array<i32>} : memref<2x128x64x128xf32, #tpu.memory_space<vmem>>, vector<1x1x64x128xf32>,
    %slice3A_3977 = vector.extract_strided_slice %select_n3A_2296 {offsets = [96, 0], sizes = [1, 128], strides = [1, 1]} : vector<128x128xi32> to vector<1x128xi32>
    %slice3A_3978 = vector.extract_strided_slice %select_n3A_2296 {offsets = [97, 0], sizes = [1, 128], strides = [1, 1]} : vector<128x128xi32> to vector<1x128xi32>
    %concatenate3A_3979 = tpu.concatenate %slice3A_3977, %slice3A_3978 in 1 : vector<1x128xi32>, vector<1x128xi32> -> vector<1x256xi32>
    %eq3A_3980 = vector.broadcast %iota3A : vector<128x1xi32> to vector<128x256xi32>
    %eq3A_3981 = vector.broadcast %concatenate3A_3979 : vector<1x256xi32> to vector<128x256xi32>
    %eq3A_3982 = arith.cmpi eq, %eq3A_3980, %eq3A_3981 : vector<128x256xi32>
    %convert_element_type3A_3983 = arith.extui %eq3A_3982 : vector<128x256xi1> to vector<128x256xi32>
    %convert_element_type3A_3984 = arith.sitofp %convert_element_type3A_3983 : vector<128x256xi32> to vector<128x256xf32>
    %convert_element_type3A_3985 = arith.truncf %convert_element_type3A_3984 : vector<128x256xf32> to vector<128x256xbf16>
    %dot_general3A_3986 = arith.constant dense<0.000000e+00> : vector<64x256xf32>
    %dot_general3A_3987 = tpu.matmul %convert_element_type3A, %convert_element_type3A_3985, %dot_general3A_3986 {dimension_numbers = #tpu.dot_dimension_numbers<[1], [0], [0], [1], [0, 0, 1, 1], [], []>, transpose_lhs_hint = false} : vector<64x128xbf16>, vector<128x256xbf16>, vector<64x256xf32> -> vector<64x256xf32>
    %slice3A_3988 = vector.extract_strided_slice %dot_general3A_3987 {offsets = [0, 0], sizes = [64, 128], strides = [1, 1]} : vector<64x256xf32> to vector<64x128xf32>
    %add3A_3989 = arith.addf %slice3A_3988, %transpose3A_2271 : vector<64x128xf32>
    %slice3A_3990 = vector.extract_strided_slice %transpose3A_2271 {offsets = [0, 96], sizes = [64, 1], strides = [1, 1]} : vector<64x128xf32> to vector<64x1xf32>
    %add3A_3991 = vector.broadcast %slice3A_3990 : vector<64x1xf32> to vector<64x128xf32>
    %add3A_3992 = arith.addf %add3A_3989, %add3A_3991 : vector<64x128xf32>
    %swap3A_3993 = arith.constant 1 : index
    %swap3A_3994 = arith.constant 96 : index
    %swap3A_3995 = arith.constant 0 : index
    %swap3A_3996 = arith.constant 0 : index
    %swap3A_3997 = vector.load %arg6[%swap3A_3993, %swap3A_3994, %swap3A_3995, %swap3A_3996] : memref<2x128x64x128xf32, #tpu.memory_space<vmem>>, vector<1x1x64x128xf32>
    %swap3A_3998 = vector.shape_cast %swap3A_3997 : vector<1x1x64x128xf32> to vector<64x128xf32>
    %swap3A_3999 = vector.shape_cast %add3A_3992 : vector<64x128xf32> to vector<1x1x64x128xf32>
    tpu.vector_store %arg6[%swap3A_3993, %swap3A_3994, %swap3A_3995, %swap3A_3996], %swap3A_3999 {strides = array<i32>} : memref<2x128x64x128xf32, #tpu.memory_space<vmem>>, vector<1x1x64x128xf32>,
    %slice3A_4000 = vector.extract_strided_slice %dot_general3A_3987 {offsets = [0, 128], sizes = [64, 128], strides = [1, 1]} : vector<64x256xf32> to vector<64x128xf32>
    %add3A_4001 = arith.addf %slice3A_4000, %transpose3A_2271 : vector<64x128xf32>
    %slice3A_4002 = vector.extract_strided_slice %transpose3A_2271 {offsets = [0, 97], sizes = [64, 1], strides = [1, 1]} : vector<64x128xf32> to vector<64x1xf32>
    %add3A_4003 = vector.broadcast %slice3A_4002 : vector<64x1xf32> to vector<64x128xf32>
    %add3A_4004 = arith.addf %add3A_4001, %add3A_4003 : vector<64x128xf32>
    %swap3A_4005 = arith.constant 1 : index
    %swap3A_4006 = arith.constant 97 : index
    %swap3A_4007 = arith.constant 0 : index
    %swap3A_4008 = arith.constant 0 : index
    %swap3A_4009 = vector.load %arg6[%swap3A_4005, %swap3A_4006, %swap3A_4007, %swap3A_4008] : memref<2x128x64x128xf32, #tpu.memory_space<vmem>>, vector<1x1x64x128xf32>
    %swap3A_4010 = vector.shape_cast %swap3A_4009 : vector<1x1x64x128xf32> to vector<64x128xf32>
    %swap3A_4011 = vector.shape_cast %add3A_4004 : vector<64x128xf32> to vector<1x1x64x128xf32>
    tpu.vector_store %arg6[%swap3A_4005, %swap3A_4006, %swap3A_4007, %swap3A_4008], %swap3A_4011 {strides = array<i32>} : memref<2x128x64x128xf32, #tpu.memory_space<vmem>>, vector<1x1x64x128xf32>,
    %slice3A_4012 = vector.extract_strided_slice %select_n3A_2296 {offsets = [98, 0], sizes = [1, 128], strides = [1, 1]} : vector<128x128xi32> to vector<1x128xi32>
    %slice3A_4013 = vector.extract_strided_slice %select_n3A_2296 {offsets = [99, 0], sizes = [1, 128], strides = [1, 1]} : vector<128x128xi32> to vector<1x128xi32>
    %concatenate3A_4014 = tpu.concatenate %slice3A_4012, %slice3A_4013 in 1 : vector<1x128xi32>, vector<1x128xi32> -> vector<1x256xi32>
    %eq3A_4015 = vector.broadcast %iota3A : vector<128x1xi32> to vector<128x256xi32>
    %eq3A_4016 = vector.broadcast %concatenate3A_4014 : vector<1x256xi32> to vector<128x256xi32>
    %eq3A_4017 = arith.cmpi eq, %eq3A_4015, %eq3A_4016 : vector<128x256xi32>
    %convert_element_type3A_4018 = arith.extui %eq3A_4017 : vector<128x256xi1> to vector<128x256xi32>
    %convert_element_type3A_4019 = arith.sitofp %convert_element_type3A_4018 : vector<128x256xi32> to vector<128x256xf32>
    %convert_element_type3A_4020 = arith.truncf %convert_element_type3A_4019 : vector<128x256xf32> to vector<128x256xbf16>
    %dot_general3A_4021 = arith.constant dense<0.000000e+00> : vector<64x256xf32>
    %dot_general3A_4022 = tpu.matmul %convert_element_type3A, %convert_element_type3A_4020, %dot_general3A_4021 {dimension_numbers = #tpu.dot_dimension_numbers<[1], [0], [0], [1], [0, 0, 1, 1], [], []>, transpose_lhs_hint = false} : vector<64x128xbf16>, vector<128x256xbf16>, vector<64x256xf32> -> vector<64x256xf32>
    %slice3A_4023 = vector.extract_strided_slice %dot_general3A_4022 {offsets = [0, 0], sizes = [64, 128], strides = [1, 1]} : vector<64x256xf32> to vector<64x128xf32>
    %add3A_4024 = arith.addf %slice3A_4023, %transpose3A_2271 : vector<64x128xf32>
    %slice3A_4025 = vector.extract_strided_slice %transpose3A_2271 {offsets = [0, 98], sizes = [64, 1], strides = [1, 1]} : vector<64x128xf32> to vector<64x1xf32>
    %add3A_4026 = vector.broadcast %slice3A_4025 : vector<64x1xf32> to vector<64x128xf32>
    %add3A_4027 = arith.addf %add3A_4024, %add3A_4026 : vector<64x128xf32>
    %swap3A_4028 = arith.constant 1 : index
    %swap3A_4029 = arith.constant 98 : index
    %swap3A_4030 = arith.constant 0 : index
    %swap3A_4031 = arith.constant 0 : index
    %swap3A_4032 = vector.load %arg6[%swap3A_4028, %swap3A_4029, %swap3A_4030, %swap3A_4031] : memref<2x128x64x128xf32, #tpu.memory_space<vmem>>, vector<1x1x64x128xf32>
    %swap3A_4033 = vector.shape_cast %swap3A_4032 : vector<1x1x64x128xf32> to vector<64x128xf32>
    %swap3A_4034 = vector.shape_cast %add3A_4027 : vector<64x128xf32> to vector<1x1x64x128xf32>
    tpu.vector_store %arg6[%swap3A_4028, %swap3A_4029, %swap3A_4030, %swap3A_4031], %swap3A_4034 {strides = array<i32>} : memref<2x128x64x128xf32, #tpu.memory_space<vmem>>, vector<1x1x64x128xf32>,
    %slice3A_4035 = vector.extract_strided_slice %dot_general3A_4022 {offsets = [0, 128], sizes = [64, 128], strides = [1, 1]} : vector<64x256xf32> to vector<64x128xf32>
    %add3A_4036 = arith.addf %slice3A_4035, %transpose3A_2271 : vector<64x128xf32>
    %slice3A_4037 = vector.extract_strided_slice %transpose3A_2271 {offsets = [0, 99], sizes = [64, 1], strides = [1, 1]} : vector<64x128xf32> to vector<64x1xf32>
    %add3A_4038 = vector.broadcast %slice3A_4037 : vector<64x1xf32> to vector<64x128xf32>
    %add3A_4039 = arith.addf %add3A_4036, %add3A_4038 : vector<64x128xf32>
    %swap3A_4040 = arith.constant 1 : index
    %swap3A_4041 = arith.constant 99 : index
    %swap3A_4042 = arith.constant 0 : index
    %swap3A_4043 = arith.constant 0 : index
    %swap3A_4044 = vector.load %arg6[%swap3A_4040, %swap3A_4041, %swap3A_4042, %swap3A_4043] : memref<2x128x64x128xf32, #tpu.memory_space<vmem>>, vector<1x1x64x128xf32>
    %swap3A_4045 = vector.shape_cast %swap3A_4044 : vector<1x1x64x128xf32> to vector<64x128xf32>
    %swap3A_4046 = vector.shape_cast %add3A_4039 : vector<64x128xf32> to vector<1x1x64x128xf32>
    tpu.vector_store %arg6[%swap3A_4040, %swap3A_4041, %swap3A_4042, %swap3A_4043], %swap3A_4046 {strides = array<i32>} : memref<2x128x64x128xf32, #tpu.memory_space<vmem>>, vector<1x1x64x128xf32>,
    %slice3A_4047 = vector.extract_strided_slice %select_n3A_2296 {offsets = [100, 0], sizes = [1, 128], strides = [1, 1]} : vector<128x128xi32> to vector<1x128xi32>
    %slice3A_4048 = vector.extract_strided_slice %select_n3A_2296 {offsets = [101, 0], sizes = [1, 128], strides = [1, 1]} : vector<128x128xi32> to vector<1x128xi32>
    %concatenate3A_4049 = tpu.concatenate %slice3A_4047, %slice3A_4048 in 1 : vector<1x128xi32>, vector<1x128xi32> -> vector<1x256xi32>
    %eq3A_4050 = vector.broadcast %iota3A : vector<128x1xi32> to vector<128x256xi32>
    %eq3A_4051 = vector.broadcast %concatenate3A_4049 : vector<1x256xi32> to vector<128x256xi32>
    %eq3A_4052 = arith.cmpi eq, %eq3A_4050, %eq3A_4051 : vector<128x256xi32>
    %convert_element_type3A_4053 = arith.extui %eq3A_4052 : vector<128x256xi1> to vector<128x256xi32>
    %convert_element_type3A_4054 = arith.sitofp %convert_element_type3A_4053 : vector<128x256xi32> to vector<128x256xf32>
    %convert_element_type3A_4055 = arith.truncf %convert_element_type3A_4054 : vector<128x256xf32> to vector<128x256xbf16>
    %dot_general3A_4056 = arith.constant dense<0.000000e+00> : vector<64x256xf32>
    %dot_general3A_4057 = tpu.matmul %convert_element_type3A, %convert_element_type3A_4055, %dot_general3A_4056 {dimension_numbers = #tpu.dot_dimension_numbers<[1], [0], [0], [1], [0, 0, 1, 1], [], []>, transpose_lhs_hint = false} : vector<64x128xbf16>, vector<128x256xbf16>, vector<64x256xf32> -> vector<64x256xf32>
    %slice3A_4058 = vector.extract_strided_slice %dot_general3A_4057 {offsets = [0, 0], sizes = [64, 128], strides = [1, 1]} : vector<64x256xf32> to vector<64x128xf32>
    %add3A_4059 = arith.addf %slice3A_4058, %transpose3A_2271 : vector<64x128xf32>
    %slice3A_4060 = vector.extract_strided_slice %transpose3A_2271 {offsets = [0, 100], sizes = [64, 1], strides = [1, 1]} : vector<64x128xf32> to vector<64x1xf32>
    %add3A_4061 = vector.broadcast %slice3A_4060 : vector<64x1xf32> to vector<64x128xf32>
    %add3A_4062 = arith.addf %add3A_4059, %add3A_4061 : vector<64x128xf32>
    %swap3A_4063 = arith.constant 1 : index
    %swap3A_4064 = arith.constant 100 : index
    %swap3A_4065 = arith.constant 0 : index
    %swap3A_4066 = arith.constant 0 : index
    %swap3A_4067 = vector.load %arg6[%swap3A_4063, %swap3A_4064, %swap3A_4065, %swap3A_4066] : memref<2x128x64x128xf32, #tpu.memory_space<vmem>>, vector<1x1x64x128xf32>
    %swap3A_4068 = vector.shape_cast %swap3A_4067 : vector<1x1x64x128xf32> to vector<64x128xf32>
    %swap3A_4069 = vector.shape_cast %add3A_4062 : vector<64x128xf32> to vector<1x1x64x128xf32>
    tpu.vector_store %arg6[%swap3A_4063, %swap3A_4064, %swap3A_4065, %swap3A_4066], %swap3A_4069 {strides = array<i32>} : memref<2x128x64x128xf32, #tpu.memory_space<vmem>>, vector<1x1x64x128xf32>,
    %slice3A_4070 = vector.extract_strided_slice %dot_general3A_4057 {offsets = [0, 128], sizes = [64, 128], strides = [1, 1]} : vector<64x256xf32> to vector<64x128xf32>
    %add3A_4071 = arith.addf %slice3A_4070, %transpose3A_2271 : vector<64x128xf32>
    %slice3A_4072 = vector.extract_strided_slice %transpose3A_2271 {offsets = [0, 101], sizes = [64, 1], strides = [1, 1]} : vector<64x128xf32> to vector<64x1xf32>
    %add3A_4073 = vector.broadcast %slice3A_4072 : vector<64x1xf32> to vector<64x128xf32>
    %add3A_4074 = arith.addf %add3A_4071, %add3A_4073 : vector<64x128xf32>
    %swap3A_4075 = arith.constant 1 : index
    %swap3A_4076 = arith.constant 101 : index
    %swap3A_4077 = arith.constant 0 : index
    %swap3A_4078 = arith.constant 0 : index
    %swap3A_4079 = vector.load %arg6[%swap3A_4075, %swap3A_4076, %swap3A_4077, %swap3A_4078] : memref<2x128x64x128xf32, #tpu.memory_space<vmem>>, vector<1x1x64x128xf32>
    %swap3A_4080 = vector.shape_cast %swap3A_4079 : vector<1x1x64x128xf32> to vector<64x128xf32>
    %swap3A_4081 = vector.shape_cast %add3A_4074 : vector<64x128xf32> to vector<1x1x64x128xf32>
    tpu.vector_store %arg6[%swap3A_4075, %swap3A_4076, %swap3A_4077, %swap3A_4078], %swap3A_4081 {strides = array<i32>} : memref<2x128x64x128xf32, #tpu.memory_space<vmem>>, vector<1x1x64x128xf32>,
    %slice3A_4082 = vector.extract_strided_slice %select_n3A_2296 {offsets = [102, 0], sizes = [1, 128], strides = [1, 1]} : vector<128x128xi32> to vector<1x128xi32>
    %slice3A_4083 = vector.extract_strided_slice %select_n3A_2296 {offsets = [103, 0], sizes = [1, 128], strides = [1, 1]} : vector<128x128xi32> to vector<1x128xi32>
    %concatenate3A_4084 = tpu.concatenate %slice3A_4082, %slice3A_4083 in 1 : vector<1x128xi32>, vector<1x128xi32> -> vector<1x256xi32>
    %eq3A_4085 = vector.broadcast %iota3A : vector<128x1xi32> to vector<128x256xi32>
    %eq3A_4086 = vector.broadcast %concatenate3A_4084 : vector<1x256xi32> to vector<128x256xi32>
    %eq3A_4087 = arith.cmpi eq, %eq3A_4085, %eq3A_4086 : vector<128x256xi32>
    %convert_element_type3A_4088 = arith.extui %eq3A_4087 : vector<128x256xi1> to vector<128x256xi32>
    %convert_element_type3A_4089 = arith.sitofp %convert_element_type3A_4088 : vector<128x256xi32> to vector<128x256xf32>
    %convert_element_type3A_4090 = arith.truncf %convert_element_type3A_4089 : vector<128x256xf32> to vector<128x256xbf16>
    %dot_general3A_4091 = arith.constant dense<0.000000e+00> : vector<64x256xf32>
    %dot_general3A_4092 = tpu.matmul %convert_element_type3A, %convert_element_type3A_4090, %dot_general3A_4091 {dimension_numbers = #tpu.dot_dimension_numbers<[1], [0], [0], [1], [0, 0, 1, 1], [], []>, transpose_lhs_hint = false} : vector<64x128xbf16>, vector<128x256xbf16>, vector<64x256xf32> -> vector<64x256xf32>
    %slice3A_4093 = vector.extract_strided_slice %dot_general3A_4092 {offsets = [0, 0], sizes = [64, 128], strides = [1, 1]} : vector<64x256xf32> to vector<64x128xf32>
    %add3A_4094 = arith.addf %slice3A_4093, %transpose3A_2271 : vector<64x128xf32>
    %slice3A_4095 = vector.extract_strided_slice %transpose3A_2271 {offsets = [0, 102], sizes = [64, 1], strides = [1, 1]} : vector<64x128xf32> to vector<64x1xf32>
    %add3A_4096 = vector.broadcast %slice3A_4095 : vector<64x1xf32> to vector<64x128xf32>
    %add3A_4097 = arith.addf %add3A_4094, %add3A_4096 : vector<64x128xf32>
    %swap3A_4098 = arith.constant 1 : index
    %swap3A_4099 = arith.constant 102 : index
    %swap3A_4100 = arith.constant 0 : index
    %swap3A_4101 = arith.constant 0 : index
    %swap3A_4102 = vector.load %arg6[%swap3A_4098, %swap3A_4099, %swap3A_4100, %swap3A_4101] : memref<2x128x64x128xf32, #tpu.memory_space<vmem>>, vector<1x1x64x128xf32>
    %swap3A_4103 = vector.shape_cast %swap3A_4102 : vector<1x1x64x128xf32> to vector<64x128xf32>
    %swap3A_4104 = vector.shape_cast %add3A_4097 : vector<64x128xf32> to vector<1x1x64x128xf32>
    tpu.vector_store %arg6[%swap3A_4098, %swap3A_4099, %swap3A_4100, %swap3A_4101], %swap3A_4104 {strides = array<i32>} : memref<2x128x64x128xf32, #tpu.memory_space<vmem>>, vector<1x1x64x128xf32>,
    %slice3A_4105 = vector.extract_strided_slice %dot_general3A_4092 {offsets = [0, 128], sizes = [64, 128], strides = [1, 1]} : vector<64x256xf32> to vector<64x128xf32>
    %add3A_4106 = arith.addf %slice3A_4105, %transpose3A_2271 : vector<64x128xf32>
    %slice3A_4107 = vector.extract_strided_slice %transpose3A_2271 {offsets = [0, 103], sizes = [64, 1], strides = [1, 1]} : vector<64x128xf32> to vector<64x1xf32>
    %add3A_4108 = vector.broadcast %slice3A_4107 : vector<64x1xf32> to vector<64x128xf32>
    %add3A_4109 = arith.addf %add3A_4106, %add3A_4108 : vector<64x128xf32>
    %swap3A_4110 = arith.constant 1 : index
    %swap3A_4111 = arith.constant 103 : index
    %swap3A_4112 = arith.constant 0 : index
    %swap3A_4113 = arith.constant 0 : index
    %swap3A_4114 = vector.load %arg6[%swap3A_4110, %swap3A_4111, %swap3A_4112, %swap3A_4113] : memref<2x128x64x128xf32, #tpu.memory_space<vmem>>, vector<1x1x64x128xf32>
    %swap3A_4115 = vector.shape_cast %swap3A_4114 : vector<1x1x64x128xf32> to vector<64x128xf32>
    %swap3A_4116 = vector.shape_cast %add3A_4109 : vector<64x128xf32> to vector<1x1x64x128xf32>
    tpu.vector_store %arg6[%swap3A_4110, %swap3A_4111, %swap3A_4112, %swap3A_4113], %swap3A_4116 {strides = array<i32>} : memref<2x128x64x128xf32, #tpu.memory_space<vmem>>, vector<1x1x64x128xf32>,
    %slice3A_4117 = vector.extract_strided_slice %select_n3A_2296 {offsets = [104, 0], sizes = [1, 128], strides = [1, 1]} : vector<128x128xi32> to vector<1x128xi32>
    %slice3A_4118 = vector.extract_strided_slice %select_n3A_2296 {offsets = [105, 0], sizes = [1, 128], strides = [1, 1]} : vector<128x128xi32> to vector<1x128xi32>
    %concatenate3A_4119 = tpu.concatenate %slice3A_4117, %slice3A_4118 in 1 : vector<1x128xi32>, vector<1x128xi32> -> vector<1x256xi32>
    %eq3A_4120 = vector.broadcast %iota3A : vector<128x1xi32> to vector<128x256xi32>
    %eq3A_4121 = vector.broadcast %concatenate3A_4119 : vector<1x256xi32> to vector<128x256xi32>
    %eq3A_4122 = arith.cmpi eq, %eq3A_4120, %eq3A_4121 : vector<128x256xi32>
    %convert_element_type3A_4123 = arith.extui %eq3A_4122 : vector<128x256xi1> to vector<128x256xi32>
    %convert_element_type3A_4124 = arith.sitofp %convert_element_type3A_4123 : vector<128x256xi32> to vector<128x256xf32>
    %convert_element_type3A_4125 = arith.truncf %convert_element_type3A_4124 : vector<128x256xf32> to vector<128x256xbf16>
    %dot_general3A_4126 = arith.constant dense<0.000000e+00> : vector<64x256xf32>
    %dot_general3A_4127 = tpu.matmul %convert_element_type3A, %convert_element_type3A_4125, %dot_general3A_4126 {dimension_numbers = #tpu.dot_dimension_numbers<[1], [0], [0], [1], [0, 0, 1, 1], [], []>, transpose_lhs_hint = false} : vector<64x128xbf16>, vector<128x256xbf16>, vector<64x256xf32> -> vector<64x256xf32>
    %slice3A_4128 = vector.extract_strided_slice %dot_general3A_4127 {offsets = [0, 0], sizes = [64, 128], strides = [1, 1]} : vector<64x256xf32> to vector<64x128xf32>
    %add3A_4129 = arith.addf %slice3A_4128, %transpose3A_2271 : vector<64x128xf32>
    %slice3A_4130 = vector.extract_strided_slice %transpose3A_2271 {offsets = [0, 104], sizes = [64, 1], strides = [1, 1]} : vector<64x128xf32> to vector<64x1xf32>
    %add3A_4131 = vector.broadcast %slice3A_4130 : vector<64x1xf32> to vector<64x128xf32>
    %add3A_4132 = arith.addf %add3A_4129, %add3A_4131 : vector<64x128xf32>
    %swap3A_4133 = arith.constant 1 : index
    %swap3A_4134 = arith.constant 104 : index
    %swap3A_4135 = arith.constant 0 : index
    %swap3A_4136 = arith.constant 0 : index
    %swap3A_4137 = vector.load %arg6[%swap3A_4133, %swap3A_4134, %swap3A_4135, %swap3A_4136] : memref<2x128x64x128xf32, #tpu.memory_space<vmem>>, vector<1x1x64x128xf32>
    %swap3A_4138 = vector.shape_cast %swap3A_4137 : vector<1x1x64x128xf32> to vector<64x128xf32>
    %swap3A_4139 = vector.shape_cast %add3A_4132 : vector<64x128xf32> to vector<1x1x64x128xf32>
    tpu.vector_store %arg6[%swap3A_4133, %swap3A_4134, %swap3A_4135, %swap3A_4136], %swap3A_4139 {strides = array<i32>} : memref<2x128x64x128xf32, #tpu.memory_space<vmem>>, vector<1x1x64x128xf32>,
    %slice3A_4140 = vector.extract_strided_slice %dot_general3A_4127 {offsets = [0, 128], sizes = [64, 128], strides = [1, 1]} : vector<64x256xf32> to vector<64x128xf32>
    %add3A_4141 = arith.addf %slice3A_4140, %transpose3A_2271 : vector<64x128xf32>
    %slice3A_4142 = vector.extract_strided_slice %transpose3A_2271 {offsets = [0, 105], sizes = [64, 1], strides = [1, 1]} : vector<64x128xf32> to vector<64x1xf32>
    %add3A_4143 = vector.broadcast %slice3A_4142 : vector<64x1xf32> to vector<64x128xf32>
    %add3A_4144 = arith.addf %add3A_4141, %add3A_4143 : vector<64x128xf32>
    %swap3A_4145 = arith.constant 1 : index
    %swap3A_4146 = arith.constant 105 : index
    %swap3A_4147 = arith.constant 0 : index
    %swap3A_4148 = arith.constant 0 : index
    %swap3A_4149 = vector.load %arg6[%swap3A_4145, %swap3A_4146, %swap3A_4147, %swap3A_4148] : memref<2x128x64x128xf32, #tpu.memory_space<vmem>>, vector<1x1x64x128xf32>
    %swap3A_4150 = vector.shape_cast %swap3A_4149 : vector<1x1x64x128xf32> to vector<64x128xf32>
    %swap3A_4151 = vector.shape_cast %add3A_4144 : vector<64x128xf32> to vector<1x1x64x128xf32>
    tpu.vector_store %arg6[%swap3A_4145, %swap3A_4146, %swap3A_4147, %swap3A_4148], %swap3A_4151 {strides = array<i32>} : memref<2x128x64x128xf32, #tpu.memory_space<vmem>>, vector<1x1x64x128xf32>,
    %slice3A_4152 = vector.extract_strided_slice %select_n3A_2296 {offsets = [106, 0], sizes = [1, 128], strides = [1, 1]} : vector<128x128xi32> to vector<1x128xi32>
    %slice3A_4153 = vector.extract_strided_slice %select_n3A_2296 {offsets = [107, 0], sizes = [1, 128], strides = [1, 1]} : vector<128x128xi32> to vector<1x128xi32>
    %concatenate3A_4154 = tpu.concatenate %slice3A_4152, %slice3A_4153 in 1 : vector<1x128xi32>, vector<1x128xi32> -> vector<1x256xi32>
    %eq3A_4155 = vector.broadcast %iota3A : vector<128x1xi32> to vector<128x256xi32>
    %eq3A_4156 = vector.broadcast %concatenate3A_4154 : vector<1x256xi32> to vector<128x256xi32>
    %eq3A_4157 = arith.cmpi eq, %eq3A_4155, %eq3A_4156 : vector<128x256xi32>
    %convert_element_type3A_4158 = arith.extui %eq3A_4157 : vector<128x256xi1> to vector<128x256xi32>
    %convert_element_type3A_4159 = arith.sitofp %convert_element_type3A_4158 : vector<128x256xi32> to vector<128x256xf32>
    %convert_element_type3A_4160 = arith.truncf %convert_element_type3A_4159 : vector<128x256xf32> to vector<128x256xbf16>
    %dot_general3A_4161 = arith.constant dense<0.000000e+00> : vector<64x256xf32>
    %dot_general3A_4162 = tpu.matmul %convert_element_type3A, %convert_element_type3A_4160, %dot_general3A_4161 {dimension_numbers = #tpu.dot_dimension_numbers<[1], [0], [0], [1], [0, 0, 1, 1], [], []>, transpose_lhs_hint = false} : vector<64x128xbf16>, vector<128x256xbf16>, vector<64x256xf32> -> vector<64x256xf32>
    %slice3A_4163 = vector.extract_strided_slice %dot_general3A_4162 {offsets = [0, 0], sizes = [64, 128], strides = [1, 1]} : vector<64x256xf32> to vector<64x128xf32>
    %add3A_4164 = arith.addf %slice3A_4163, %transpose3A_2271 : vector<64x128xf32>
    %slice3A_4165 = vector.extract_strided_slice %transpose3A_2271 {offsets = [0, 106], sizes = [64, 1], strides = [1, 1]} : vector<64x128xf32> to vector<64x1xf32>
    %add3A_4166 = vector.broadcast %slice3A_4165 : vector<64x1xf32> to vector<64x128xf32>
    %add3A_4167 = arith.addf %add3A_4164, %add3A_4166 : vector<64x128xf32>
    %swap3A_4168 = arith.constant 1 : index
    %swap3A_4169 = arith.constant 106 : index
    %swap3A_4170 = arith.constant 0 : index
    %swap3A_4171 = arith.constant 0 : index
    %swap3A_4172 = vector.load %arg6[%swap3A_4168, %swap3A_4169, %swap3A_4170, %swap3A_4171] : memref<2x128x64x128xf32, #tpu.memory_space<vmem>>, vector<1x1x64x128xf32>
    %swap3A_4173 = vector.shape_cast %swap3A_4172 : vector<1x1x64x128xf32> to vector<64x128xf32>
    %swap3A_4174 = vector.shape_cast %add3A_4167 : vector<64x128xf32> to vector<1x1x64x128xf32>
    tpu.vector_store %arg6[%swap3A_4168, %swap3A_4169, %swap3A_4170, %swap3A_4171], %swap3A_4174 {strides = array<i32>} : memref<2x128x64x128xf32, #tpu.memory_space<vmem>>, vector<1x1x64x128xf32>,
    %slice3A_4175 = vector.extract_strided_slice %dot_general3A_4162 {offsets = [0, 128], sizes = [64, 128], strides = [1, 1]} : vector<64x256xf32> to vector<64x128xf32>
    %add3A_4176 = arith.addf %slice3A_4175, %transpose3A_2271 : vector<64x128xf32>
    %slice3A_4177 = vector.extract_strided_slice %transpose3A_2271 {offsets = [0, 107], sizes = [64, 1], strides = [1, 1]} : vector<64x128xf32> to vector<64x1xf32>
    %add3A_4178 = vector.broadcast %slice3A_4177 : vector<64x1xf32> to vector<64x128xf32>
    %add3A_4179 = arith.addf %add3A_4176, %add3A_4178 : vector<64x128xf32>
    %swap3A_4180 = arith.constant 1 : index
    %swap3A_4181 = arith.constant 107 : index
    %swap3A_4182 = arith.constant 0 : index
    %swap3A_4183 = arith.constant 0 : index
    %swap3A_4184 = vector.load %arg6[%swap3A_4180, %swap3A_4181, %swap3A_4182, %swap3A_4183] : memref<2x128x64x128xf32, #tpu.memory_space<vmem>>, vector<1x1x64x128xf32>
    %swap3A_4185 = vector.shape_cast %swap3A_4184 : vector<1x1x64x128xf32> to vector<64x128xf32>
    %swap3A_4186 = vector.shape_cast %add3A_4179 : vector<64x128xf32> to vector<1x1x64x128xf32>
    tpu.vector_store %arg6[%swap3A_4180, %swap3A_4181, %swap3A_4182, %swap3A_4183], %swap3A_4186 {strides = array<i32>} : memref<2x128x64x128xf32, #tpu.memory_space<vmem>>, vector<1x1x64x128xf32>,
    %slice3A_4187 = vector.extract_strided_slice %select_n3A_2296 {offsets = [108, 0], sizes = [1, 128], strides = [1, 1]} : vector<128x128xi32> to vector<1x128xi32>
    %slice3A_4188 = vector.extract_strided_slice %select_n3A_2296 {offsets = [109, 0], sizes = [1, 128], strides = [1, 1]} : vector<128x128xi32> to vector<1x128xi32>
    %concatenate3A_4189 = tpu.concatenate %slice3A_4187, %slice3A_4188 in 1 : vector<1x128xi32>, vector<1x128xi32> -> vector<1x256xi32>
    %eq3A_4190 = vector.broadcast %iota3A : vector<128x1xi32> to vector<128x256xi32>
    %eq3A_4191 = vector.broadcast %concatenate3A_4189 : vector<1x256xi32> to vector<128x256xi32>
    %eq3A_4192 = arith.cmpi eq, %eq3A_4190, %eq3A_4191 : vector<128x256xi32>
    %convert_element_type3A_4193 = arith.extui %eq3A_4192 : vector<128x256xi1> to vector<128x256xi32>
    %convert_element_type3A_4194 = arith.sitofp %convert_element_type3A_4193 : vector<128x256xi32> to vector<128x256xf32>
    %convert_element_type3A_4195 = arith.truncf %convert_element_type3A_4194 : vector<128x256xf32> to vector<128x256xbf16>
    %dot_general3A_4196 = arith.constant dense<0.000000e+00> : vector<64x256xf32>
    %dot_general3A_4197 = tpu.matmul %convert_element_type3A, %convert_element_type3A_4195, %dot_general3A_4196 {dimension_numbers = #tpu.dot_dimension_numbers<[1], [0], [0], [1], [0, 0, 1, 1], [], []>, transpose_lhs_hint = false} : vector<64x128xbf16>, vector<128x256xbf16>, vector<64x256xf32> -> vector<64x256xf32>
    %slice3A_4198 = vector.extract_strided_slice %dot_general3A_4197 {offsets = [0, 0], sizes = [64, 128], strides = [1, 1]} : vector<64x256xf32> to vector<64x128xf32>
    %add3A_4199 = arith.addf %slice3A_4198, %transpose3A_2271 : vector<64x128xf32>
    %slice3A_4200 = vector.extract_strided_slice %transpose3A_2271 {offsets = [0, 108], sizes = [64, 1], strides = [1, 1]} : vector<64x128xf32> to vector<64x1xf32>
    %add3A_4201 = vector.broadcast %slice3A_4200 : vector<64x1xf32> to vector<64x128xf32>
    %add3A_4202 = arith.addf %add3A_4199, %add3A_4201 : vector<64x128xf32>
    %swap3A_4203 = arith.constant 1 : index
    %swap3A_4204 = arith.constant 108 : index
    %swap3A_4205 = arith.constant 0 : index
    %swap3A_4206 = arith.constant 0 : index
    %swap3A_4207 = vector.load %arg6[%swap3A_4203, %swap3A_4204, %swap3A_4205, %swap3A_4206] : memref<2x128x64x128xf32, #tpu.memory_space<vmem>>, vector<1x1x64x128xf32>
    %swap3A_4208 = vector.shape_cast %swap3A_4207 : vector<1x1x64x128xf32> to vector<64x128xf32>
    %swap3A_4209 = vector.shape_cast %add3A_4202 : vector<64x128xf32> to vector<1x1x64x128xf32>
    tpu.vector_store %arg6[%swap3A_4203, %swap3A_4204, %swap3A_4205, %swap3A_4206], %swap3A_4209 {strides = array<i32>} : memref<2x128x64x128xf32, #tpu.memory_space<vmem>>, vector<1x1x64x128xf32>,
    %slice3A_4210 = vector.extract_strided_slice %dot_general3A_4197 {offsets = [0, 128], sizes = [64, 128], strides = [1, 1]} : vector<64x256xf32> to vector<64x128xf32>
    %add3A_4211 = arith.addf %slice3A_4210, %transpose3A_2271 : vector<64x128xf32>
    %slice3A_4212 = vector.extract_strided_slice %transpose3A_2271 {offsets = [0, 109], sizes = [64, 1], strides = [1, 1]} : vector<64x128xf32> to vector<64x1xf32>
    %add3A_4213 = vector.broadcast %slice3A_4212 : vector<64x1xf32> to vector<64x128xf32>
    %add3A_4214 = arith.addf %add3A_4211, %add3A_4213 : vector<64x128xf32>
    %swap3A_4215 = arith.constant 1 : index
    %swap3A_4216 = arith.constant 109 : index
    %swap3A_4217 = arith.constant 0 : index
    %swap3A_4218 = arith.constant 0 : index
    %swap3A_4219 = vector.load %arg6[%swap3A_4215, %swap3A_4216, %swap3A_4217, %swap3A_4218] : memref<2x128x64x128xf32, #tpu.memory_space<vmem>>, vector<1x1x64x128xf32>
    %swap3A_4220 = vector.shape_cast %swap3A_4219 : vector<1x1x64x128xf32> to vector<64x128xf32>
    %swap3A_4221 = vector.shape_cast %add3A_4214 : vector<64x128xf32> to vector<1x1x64x128xf32>
    tpu.vector_store %arg6[%swap3A_4215, %swap3A_4216, %swap3A_4217, %swap3A_4218], %swap3A_4221 {strides = array<i32>} : memref<2x128x64x128xf32, #tpu.memory_space<vmem>>, vector<1x1x64x128xf32>,
    %slice3A_4222 = vector.extract_strided_slice %select_n3A_2296 {offsets = [110, 0], sizes = [1, 128], strides = [1, 1]} : vector<128x128xi32> to vector<1x128xi32>
    %slice3A_4223 = vector.extract_strided_slice %select_n3A_2296 {offsets = [111, 0], sizes = [1, 128], strides = [1, 1]} : vector<128x128xi32> to vector<1x128xi32>
    %concatenate3A_4224 = tpu.concatenate %slice3A_4222, %slice3A_4223 in 1 : vector<1x128xi32>, vector<1x128xi32> -> vector<1x256xi32>
    %eq3A_4225 = vector.broadcast %iota3A : vector<128x1xi32> to vector<128x256xi32>
    %eq3A_4226 = vector.broadcast %concatenate3A_4224 : vector<1x256xi32> to vector<128x256xi32>
    %eq3A_4227 = arith.cmpi eq, %eq3A_4225, %eq3A_4226 : vector<128x256xi32>
    %convert_element_type3A_4228 = arith.extui %eq3A_4227 : vector<128x256xi1> to vector<128x256xi32>
    %convert_element_type3A_4229 = arith.sitofp %convert_element_type3A_4228 : vector<128x256xi32> to vector<128x256xf32>
    %convert_element_type3A_4230 = arith.truncf %convert_element_type3A_4229 : vector<128x256xf32> to vector<128x256xbf16>
    %dot_general3A_4231 = arith.constant dense<0.000000e+00> : vector<64x256xf32>
    %dot_general3A_4232 = tpu.matmul %convert_element_type3A, %convert_element_type3A_4230, %dot_general3A_4231 {dimension_numbers = #tpu.dot_dimension_numbers<[1], [0], [0], [1], [0, 0, 1, 1], [], []>, transpose_lhs_hint = false} : vector<64x128xbf16>, vector<128x256xbf16>, vector<64x256xf32> -> vector<64x256xf32>
    %slice3A_4233 = vector.extract_strided_slice %dot_general3A_4232 {offsets = [0, 0], sizes = [64, 128], strides = [1, 1]} : vector<64x256xf32> to vector<64x128xf32>
    %add3A_4234 = arith.addf %slice3A_4233, %transpose3A_2271 : vector<64x128xf32>
    %slice3A_4235 = vector.extract_strided_slice %transpose3A_2271 {offsets = [0, 110], sizes = [64, 1], strides = [1, 1]} : vector<64x128xf32> to vector<64x1xf32>
    %add3A_4236 = vector.broadcast %slice3A_4235 : vector<64x1xf32> to vector<64x128xf32>
    %add3A_4237 = arith.addf %add3A_4234, %add3A_4236 : vector<64x128xf32>
    %swap3A_4238 = arith.constant 1 : index
    %swap3A_4239 = arith.constant 110 : index
    %swap3A_4240 = arith.constant 0 : index
    %swap3A_4241 = arith.constant 0 : index
    %swap3A_4242 = vector.load %arg6[%swap3A_4238, %swap3A_4239, %swap3A_4240, %swap3A_4241] : memref<2x128x64x128xf32, #tpu.memory_space<vmem>>, vector<1x1x64x128xf32>
    %swap3A_4243 = vector.shape_cast %swap3A_4242 : vector<1x1x64x128xf32> to vector<64x128xf32>
    %swap3A_4244 = vector.shape_cast %add3A_4237 : vector<64x128xf32> to vector<1x1x64x128xf32>
    tpu.vector_store %arg6[%swap3A_4238, %swap3A_4239, %swap3A_4240, %swap3A_4241], %swap3A_4244 {strides = array<i32>} : memref<2x128x64x128xf32, #tpu.memory_space<vmem>>, vector<1x1x64x128xf32>,
    %slice3A_4245 = vector.extract_strided_slice %dot_general3A_4232 {offsets = [0, 128], sizes = [64, 128], strides = [1, 1]} : vector<64x256xf32> to vector<64x128xf32>
    %add3A_4246 = arith.addf %slice3A_4245, %transpose3A_2271 : vector<64x128xf32>
    %slice3A_4247 = vector.extract_strided_slice %transpose3A_2271 {offsets = [0, 111], sizes = [64, 1], strides = [1, 1]} : vector<64x128xf32> to vector<64x1xf32>
    %add3A_4248 = vector.broadcast %slice3A_4247 : vector<64x1xf32> to vector<64x128xf32>
    %add3A_4249 = arith.addf %add3A_4246, %add3A_4248 : vector<64x128xf32>
    %swap3A_4250 = arith.constant 1 : index
    %swap3A_4251 = arith.constant 111 : index
    %swap3A_4252 = arith.constant 0 : index
    %swap3A_4253 = arith.constant 0 : index
    %swap3A_4254 = vector.load %arg6[%swap3A_4250, %swap3A_4251, %swap3A_4252, %swap3A_4253] : memref<2x128x64x128xf32, #tpu.memory_space<vmem>>, vector<1x1x64x128xf32>
    %swap3A_4255 = vector.shape_cast %swap3A_4254 : vector<1x1x64x128xf32> to vector<64x128xf32>
    %swap3A_4256 = vector.shape_cast %add3A_4249 : vector<64x128xf32> to vector<1x1x64x128xf32>
    tpu.vector_store %arg6[%swap3A_4250, %swap3A_4251, %swap3A_4252, %swap3A_4253], %swap3A_4256 {strides = array<i32>} : memref<2x128x64x128xf32, #tpu.memory_space<vmem>>, vector<1x1x64x128xf32>,
    %slice3A_4257 = vector.extract_strided_slice %select_n3A_2296 {offsets = [112, 0], sizes = [1, 128], strides = [1, 1]} : vector<128x128xi32> to vector<1x128xi32>
    %slice3A_4258 = vector.extract_strided_slice %select_n3A_2296 {offsets = [113, 0], sizes = [1, 128], strides = [1, 1]} : vector<128x128xi32> to vector<1x128xi32>
    %concatenate3A_4259 = tpu.concatenate %slice3A_4257, %slice3A_4258 in 1 : vector<1x128xi32>, vector<1x128xi32> -> vector<1x256xi32>
    %eq3A_4260 = vector.broadcast %iota3A : vector<128x1xi32> to vector<128x256xi32>
    %eq3A_4261 = vector.broadcast %concatenate3A_4259 : vector<1x256xi32> to vector<128x256xi32>
    %eq3A_4262 = arith.cmpi eq, %eq3A_4260, %eq3A_4261 : vector<128x256xi32>
    %convert_element_type3A_4263 = arith.extui %eq3A_4262 : vector<128x256xi1> to vector<128x256xi32>
    %convert_element_type3A_4264 = arith.sitofp %convert_element_type3A_4263 : vector<128x256xi32> to vector<128x256xf32>
    %convert_element_type3A_4265 = arith.truncf %convert_element_type3A_4264 : vector<128x256xf32> to vector<128x256xbf16>
    %dot_general3A_4266 = arith.constant dense<0.000000e+00> : vector<64x256xf32>
    %dot_general3A_4267 = tpu.matmul %convert_element_type3A, %convert_element_type3A_4265, %dot_general3A_4266 {dimension_numbers = #tpu.dot_dimension_numbers<[1], [0], [0], [1], [0, 0, 1, 1], [], []>, transpose_lhs_hint = false} : vector<64x128xbf16>, vector<128x256xbf16>, vector<64x256xf32> -> vector<64x256xf32>
    %slice3A_4268 = vector.extract_strided_slice %dot_general3A_4267 {offsets = [0, 0], sizes = [64, 128], strides = [1, 1]} : vector<64x256xf32> to vector<64x128xf32>
    %add3A_4269 = arith.addf %slice3A_4268, %transpose3A_2271 : vector<64x128xf32>
    %slice3A_4270 = vector.extract_strided_slice %transpose3A_2271 {offsets = [0, 112], sizes = [64, 1], strides = [1, 1]} : vector<64x128xf32> to vector<64x1xf32>
    %add3A_4271 = vector.broadcast %slice3A_4270 : vector<64x1xf32> to vector<64x128xf32>
    %add3A_4272 = arith.addf %add3A_4269, %add3A_4271 : vector<64x128xf32>
    %swap3A_4273 = arith.constant 1 : index
    %swap3A_4274 = arith.constant 112 : index
    %swap3A_4275 = arith.constant 0 : index
    %swap3A_4276 = arith.constant 0 : index
    %swap3A_4277 = vector.load %arg6[%swap3A_4273, %swap3A_4274, %swap3A_4275, %swap3A_4276] : memref<2x128x64x128xf32, #tpu.memory_space<vmem>>, vector<1x1x64x128xf32>
    %swap3A_4278 = vector.shape_cast %swap3A_4277 : vector<1x1x64x128xf32> to vector<64x128xf32>
    %swap3A_4279 = vector.shape_cast %add3A_4272 : vector<64x128xf32> to vector<1x1x64x128xf32>
    tpu.vector_store %arg6[%swap3A_4273, %swap3A_4274, %swap3A_4275, %swap3A_4276], %swap3A_4279 {strides = array<i32>} : memref<2x128x64x128xf32, #tpu.memory_space<vmem>>, vector<1x1x64x128xf32>,
    %slice3A_4280 = vector.extract_strided_slice %dot_general3A_4267 {offsets = [0, 128], sizes = [64, 128], strides = [1, 1]} : vector<64x256xf32> to vector<64x128xf32>
    %add3A_4281 = arith.addf %slice3A_4280, %transpose3A_2271 : vector<64x128xf32>
    %slice3A_4282 = vector.extract_strided_slice %transpose3A_2271 {offsets = [0, 113], sizes = [64, 1], strides = [1, 1]} : vector<64x128xf32> to vector<64x1xf32>
    %add3A_4283 = vector.broadcast %slice3A_4282 : vector<64x1xf32> to vector<64x128xf32>
    %add3A_4284 = arith.addf %add3A_4281, %add3A_4283 : vector<64x128xf32>
    %swap3A_4285 = arith.constant 1 : index
    %swap3A_4286 = arith.constant 113 : index
    %swap3A_4287 = arith.constant 0 : index
    %swap3A_4288 = arith.constant 0 : index
    %swap3A_4289 = vector.load %arg6[%swap3A_4285, %swap3A_4286, %swap3A_4287, %swap3A_4288] : memref<2x128x64x128xf32, #tpu.memory_space<vmem>>, vector<1x1x64x128xf32>
    %swap3A_4290 = vector.shape_cast %swap3A_4289 : vector<1x1x64x128xf32> to vector<64x128xf32>
    %swap3A_4291 = vector.shape_cast %add3A_4284 : vector<64x128xf32> to vector<1x1x64x128xf32>
    tpu.vector_store %arg6[%swap3A_4285, %swap3A_4286, %swap3A_4287, %swap3A_4288], %swap3A_4291 {strides = array<i32>} : memref<2x128x64x128xf32, #tpu.memory_space<vmem>>, vector<1x1x64x128xf32>,
    %slice3A_4292 = vector.extract_strided_slice %select_n3A_2296 {offsets = [114, 0], sizes = [1, 128], strides = [1, 1]} : vector<128x128xi32> to vector<1x128xi32>
    %slice3A_4293 = vector.extract_strided_slice %select_n3A_2296 {offsets = [115, 0], sizes = [1, 128], strides = [1, 1]} : vector<128x128xi32> to vector<1x128xi32>
    %concatenate3A_4294 = tpu.concatenate %slice3A_4292, %slice3A_4293 in 1 : vector<1x128xi32>, vector<1x128xi32> -> vector<1x256xi32>
    %eq3A_4295 = vector.broadcast %iota3A : vector<128x1xi32> to vector<128x256xi32>
    %eq3A_4296 = vector.broadcast %concatenate3A_4294 : vector<1x256xi32> to vector<128x256xi32>
    %eq3A_4297 = arith.cmpi eq, %eq3A_4295, %eq3A_4296 : vector<128x256xi32>
    %convert_element_type3A_4298 = arith.extui %eq3A_4297 : vector<128x256xi1> to vector<128x256xi32>
    %convert_element_type3A_4299 = arith.sitofp %convert_element_type3A_4298 : vector<128x256xi32> to vector<128x256xf32>
    %convert_element_type3A_4300 = arith.truncf %convert_element_type3A_4299 : vector<128x256xf32> to vector<128x256xbf16>
    %dot_general3A_4301 = arith.constant dense<0.000000e+00> : vector<64x256xf32>
    %dot_general3A_4302 = tpu.matmul %convert_element_type3A, %convert_element_type3A_4300, %dot_general3A_4301 {dimension_numbers = #tpu.dot_dimension_numbers<[1], [0], [0], [1], [0, 0, 1, 1], [], []>, transpose_lhs_hint = false} : vector<64x128xbf16>, vector<128x256xbf16>, vector<64x256xf32> -> vector<64x256xf32>
    %slice3A_4303 = vector.extract_strided_slice %dot_general3A_4302 {offsets = [0, 0], sizes = [64, 128], strides = [1, 1]} : vector<64x256xf32> to vector<64x128xf32>
    %add3A_4304 = arith.addf %slice3A_4303, %transpose3A_2271 : vector<64x128xf32>
    %slice3A_4305 = vector.extract_strided_slice %transpose3A_2271 {offsets = [0, 114], sizes = [64, 1], strides = [1, 1]} : vector<64x128xf32> to vector<64x1xf32>
    %add3A_4306 = vector.broadcast %slice3A_4305 : vector<64x1xf32> to vector<64x128xf32>
    %add3A_4307 = arith.addf %add3A_4304, %add3A_4306 : vector<64x128xf32>
    %swap3A_4308 = arith.constant 1 : index
    %swap3A_4309 = arith.constant 114 : index
    %swap3A_4310 = arith.constant 0 : index
    %swap3A_4311 = arith.constant 0 : index
    %swap3A_4312 = vector.load %arg6[%swap3A_4308, %swap3A_4309, %swap3A_4310, %swap3A_4311] : memref<2x128x64x128xf32, #tpu.memory_space<vmem>>, vector<1x1x64x128xf32>
    %swap3A_4313 = vector.shape_cast %swap3A_4312 : vector<1x1x64x128xf32> to vector<64x128xf32>
    %swap3A_4314 = vector.shape_cast %add3A_4307 : vector<64x128xf32> to vector<1x1x64x128xf32>
    tpu.vector_store %arg6[%swap3A_4308, %swap3A_4309, %swap3A_4310, %swap3A_4311], %swap3A_4314 {strides = array<i32>} : memref<2x128x64x128xf32, #tpu.memory_space<vmem>>, vector<1x1x64x128xf32>,
    %slice3A_4315 = vector.extract_strided_slice %dot_general3A_4302 {offsets = [0, 128], sizes = [64, 128], strides = [1, 1]} : vector<64x256xf32> to vector<64x128xf32>
    %add3A_4316 = arith.addf %slice3A_4315, %transpose3A_2271 : vector<64x128xf32>
    %slice3A_4317 = vector.extract_strided_slice %transpose3A_2271 {offsets = [0, 115], sizes = [64, 1], strides = [1, 1]} : vector<64x128xf32> to vector<64x1xf32>
    %add3A_4318 = vector.broadcast %slice3A_4317 : vector<64x1xf32> to vector<64x128xf32>
    %add3A_4319 = arith.addf %add3A_4316, %add3A_4318 : vector<64x128xf32>
    %swap3A_4320 = arith.constant 1 : index
    %swap3A_4321 = arith.constant 115 : index
    %swap3A_4322 = arith.constant 0 : index
    %swap3A_4323 = arith.constant 0 : index
    %swap3A_4324 = vector.load %arg6[%swap3A_4320, %swap3A_4321, %swap3A_4322, %swap3A_4323] : memref<2x128x64x128xf32, #tpu.memory_space<vmem>>, vector<1x1x64x128xf32>
    %swap3A_4325 = vector.shape_cast %swap3A_4324 : vector<1x1x64x128xf32> to vector<64x128xf32>
    %swap3A_4326 = vector.shape_cast %add3A_4319 : vector<64x128xf32> to vector<1x1x64x128xf32>
    tpu.vector_store %arg6[%swap3A_4320, %swap3A_4321, %swap3A_4322, %swap3A_4323], %swap3A_4326 {strides = array<i32>} : memref<2x128x64x128xf32, #tpu.memory_space<vmem>>, vector<1x1x64x128xf32>,
    %slice3A_4327 = vector.extract_strided_slice %select_n3A_2296 {offsets = [116, 0], sizes = [1, 128], strides = [1, 1]} : vector<128x128xi32> to vector<1x128xi32>
    %slice3A_4328 = vector.extract_strided_slice %select_n3A_2296 {offsets = [117, 0], sizes = [1, 128], strides = [1, 1]} : vector<128x128xi32> to vector<1x128xi32>
    %concatenate3A_4329 = tpu.concatenate %slice3A_4327, %slice3A_4328 in 1 : vector<1x128xi32>, vector<1x128xi32> -> vector<1x256xi32>
    %eq3A_4330 = vector.broadcast %iota3A : vector<128x1xi32> to vector<128x256xi32>
    %eq3A_4331 = vector.broadcast %concatenate3A_4329 : vector<1x256xi32> to vector<128x256xi32>
    %eq3A_4332 = arith.cmpi eq, %eq3A_4330, %eq3A_4331 : vector<128x256xi32>
    %convert_element_type3A_4333 = arith.extui %eq3A_4332 : vector<128x256xi1> to vector<128x256xi32>
    %convert_element_type3A_4334 = arith.sitofp %convert_element_type3A_4333 : vector<128x256xi32> to vector<128x256xf32>
    %convert_element_type3A_4335 = arith.truncf %convert_element_type3A_4334 : vector<128x256xf32> to vector<128x256xbf16>
    %dot_general3A_4336 = arith.constant dense<0.000000e+00> : vector<64x256xf32>
    %dot_general3A_4337 = tpu.matmul %convert_element_type3A, %convert_element_type3A_4335, %dot_general3A_4336 {dimension_numbers = #tpu.dot_dimension_numbers<[1], [0], [0], [1], [0, 0, 1, 1], [], []>, transpose_lhs_hint = false} : vector<64x128xbf16>, vector<128x256xbf16>, vector<64x256xf32> -> vector<64x256xf32>
    %slice3A_4338 = vector.extract_strided_slice %dot_general3A_4337 {offsets = [0, 0], sizes = [64, 128], strides = [1, 1]} : vector<64x256xf32> to vector<64x128xf32>
    %add3A_4339 = arith.addf %slice3A_4338, %transpose3A_2271 : vector<64x128xf32>
    %slice3A_4340 = vector.extract_strided_slice %transpose3A_2271 {offsets = [0, 116], sizes = [64, 1], strides = [1, 1]} : vector<64x128xf32> to vector<64x1xf32>
    %add3A_4341 = vector.broadcast %slice3A_4340 : vector<64x1xf32> to vector<64x128xf32>
    %add3A_4342 = arith.addf %add3A_4339, %add3A_4341 : vector<64x128xf32>
    %swap3A_4343 = arith.constant 1 : index
    %swap3A_4344 = arith.constant 116 : index
    %swap3A_4345 = arith.constant 0 : index
    %swap3A_4346 = arith.constant 0 : index
    %swap3A_4347 = vector.load %arg6[%swap3A_4343, %swap3A_4344, %swap3A_4345, %swap3A_4346] : memref<2x128x64x128xf32, #tpu.memory_space<vmem>>, vector<1x1x64x128xf32>
    %swap3A_4348 = vector.shape_cast %swap3A_4347 : vector<1x1x64x128xf32> to vector<64x128xf32>
    %swap3A_4349 = vector.shape_cast %add3A_4342 : vector<64x128xf32> to vector<1x1x64x128xf32>
    tpu.vector_store %arg6[%swap3A_4343, %swap3A_4344, %swap3A_4345, %swap3A_4346], %swap3A_4349 {strides = array<i32>} : memref<2x128x64x128xf32, #tpu.memory_space<vmem>>, vector<1x1x64x128xf32>,
    %slice3A_4350 = vector.extract_strided_slice %dot_general3A_4337 {offsets = [0, 128], sizes = [64, 128], strides = [1, 1]} : vector<64x256xf32> to vector<64x128xf32>
    %add3A_4351 = arith.addf %slice3A_4350, %transpose3A_2271 : vector<64x128xf32>
    %slice3A_4352 = vector.extract_strided_slice %transpose3A_2271 {offsets = [0, 117], sizes = [64, 1], strides = [1, 1]} : vector<64x128xf32> to vector<64x1xf32>
    %add3A_4353 = vector.broadcast %slice3A_4352 : vector<64x1xf32> to vector<64x128xf32>
    %add3A_4354 = arith.addf %add3A_4351, %add3A_4353 : vector<64x128xf32>
    %swap3A_4355 = arith.constant 1 : index
    %swap3A_4356 = arith.constant 117 : index
    %swap3A_4357 = arith.constant 0 : index
    %swap3A_4358 = arith.constant 0 : index
    %swap3A_4359 = vector.load %arg6[%swap3A_4355, %swap3A_4356, %swap3A_4357, %swap3A_4358] : memref<2x128x64x128xf32, #tpu.memory_space<vmem>>, vector<1x1x64x128xf32>
    %swap3A_4360 = vector.shape_cast %swap3A_4359 : vector<1x1x64x128xf32> to vector<64x128xf32>
    %swap3A_4361 = vector.shape_cast %add3A_4354 : vector<64x128xf32> to vector<1x1x64x128xf32>
    tpu.vector_store %arg6[%swap3A_4355, %swap3A_4356, %swap3A_4357, %swap3A_4358], %swap3A_4361 {strides = array<i32>} : memref<2x128x64x128xf32, #tpu.memory_space<vmem>>, vector<1x1x64x128xf32>,
    %slice3A_4362 = vector.extract_strided_slice %select_n3A_2296 {offsets = [118, 0], sizes = [1, 128], strides = [1, 1]} : vector<128x128xi32> to vector<1x128xi32>
    %slice3A_4363 = vector.extract_strided_slice %select_n3A_2296 {offsets = [119, 0], sizes = [1, 128], strides = [1, 1]} : vector<128x128xi32> to vector<1x128xi32>
    %concatenate3A_4364 = tpu.concatenate %slice3A_4362, %slice3A_4363 in 1 : vector<1x128xi32>, vector<1x128xi32> -> vector<1x256xi32>
    %eq3A_4365 = vector.broadcast %iota3A : vector<128x1xi32> to vector<128x256xi32>
    %eq3A_4366 = vector.broadcast %concatenate3A_4364 : vector<1x256xi32> to vector<128x256xi32>
    %eq3A_4367 = arith.cmpi eq, %eq3A_4365, %eq3A_4366 : vector<128x256xi32>
    %convert_element_type3A_4368 = arith.extui %eq3A_4367 : vector<128x256xi1> to vector<128x256xi32>
    %convert_element_type3A_4369 = arith.sitofp %convert_element_type3A_4368 : vector<128x256xi32> to vector<128x256xf32>
    %convert_element_type3A_4370 = arith.truncf %convert_element_type3A_4369 : vector<128x256xf32> to vector<128x256xbf16>
    %dot_general3A_4371 = arith.constant dense<0.000000e+00> : vector<64x256xf32>
    %dot_general3A_4372 = tpu.matmul %convert_element_type3A, %convert_element_type3A_4370, %dot_general3A_4371 {dimension_numbers = #tpu.dot_dimension_numbers<[1], [0], [0], [1], [0, 0, 1, 1], [], []>, transpose_lhs_hint = false} : vector<64x128xbf16>, vector<128x256xbf16>, vector<64x256xf32> -> vector<64x256xf32>
    %slice3A_4373 = vector.extract_strided_slice %dot_general3A_4372 {offsets = [0, 0], sizes = [64, 128], strides = [1, 1]} : vector<64x256xf32> to vector<64x128xf32>
    %add3A_4374 = arith.addf %slice3A_4373, %transpose3A_2271 : vector<64x128xf32>
    %slice3A_4375 = vector.extract_strided_slice %transpose3A_2271 {offsets = [0, 118], sizes = [64, 1], strides = [1, 1]} : vector<64x128xf32> to vector<64x1xf32>
    %add3A_4376 = vector.broadcast %slice3A_4375 : vector<64x1xf32> to vector<64x128xf32>
    %add3A_4377 = arith.addf %add3A_4374, %add3A_4376 : vector<64x128xf32>
    %swap3A_4378 = arith.constant 1 : index
    %swap3A_4379 = arith.constant 118 : index
    %swap3A_4380 = arith.constant 0 : index
    %swap3A_4381 = arith.constant 0 : index
    %swap3A_4382 = vector.load %arg6[%swap3A_4378, %swap3A_4379, %swap3A_4380, %swap3A_4381] : memref<2x128x64x128xf32, #tpu.memory_space<vmem>>, vector<1x1x64x128xf32>
    %swap3A_4383 = vector.shape_cast %swap3A_4382 : vector<1x1x64x128xf32> to vector<64x128xf32>
    %swap3A_4384 = vector.shape_cast %add3A_4377 : vector<64x128xf32> to vector<1x1x64x128xf32>
    tpu.vector_store %arg6[%swap3A_4378, %swap3A_4379, %swap3A_4380, %swap3A_4381], %swap3A_4384 {strides = array<i32>} : memref<2x128x64x128xf32, #tpu.memory_space<vmem>>, vector<1x1x64x128xf32>,
    %slice3A_4385 = vector.extract_strided_slice %dot_general3A_4372 {offsets = [0, 128], sizes = [64, 128], strides = [1, 1]} : vector<64x256xf32> to vector<64x128xf32>
    %add3A_4386 = arith.addf %slice3A_4385, %transpose3A_2271 : vector<64x128xf32>
    %slice3A_4387 = vector.extract_strided_slice %transpose3A_2271 {offsets = [0, 119], sizes = [64, 1], strides = [1, 1]} : vector<64x128xf32> to vector<64x1xf32>
    %add3A_4388 = vector.broadcast %slice3A_4387 : vector<64x1xf32> to vector<64x128xf32>
    %add3A_4389 = arith.addf %add3A_4386, %add3A_4388 : vector<64x128xf32>
    %swap3A_4390 = arith.constant 1 : index
    %swap3A_4391 = arith.constant 119 : index
    %swap3A_4392 = arith.constant 0 : index
    %swap3A_4393 = arith.constant 0 : index
    %swap3A_4394 = vector.load %arg6[%swap3A_4390, %swap3A_4391, %swap3A_4392, %swap3A_4393] : memref<2x128x64x128xf32, #tpu.memory_space<vmem>>, vector<1x1x64x128xf32>
    %swap3A_4395 = vector.shape_cast %swap3A_4394 : vector<1x1x64x128xf32> to vector<64x128xf32>
    %swap3A_4396 = vector.shape_cast %add3A_4389 : vector<64x128xf32> to vector<1x1x64x128xf32>
    tpu.vector_store %arg6[%swap3A_4390, %swap3A_4391, %swap3A_4392, %swap3A_4393], %swap3A_4396 {strides = array<i32>} : memref<2x128x64x128xf32, #tpu.memory_space<vmem>>, vector<1x1x64x128xf32>,
    %slice3A_4397 = vector.extract_strided_slice %select_n3A_2296 {offsets = [120, 0], sizes = [1, 128], strides = [1, 1]} : vector<128x128xi32> to vector<1x128xi32>
    %slice3A_4398 = vector.extract_strided_slice %select_n3A_2296 {offsets = [121, 0], sizes = [1, 128], strides = [1, 1]} : vector<128x128xi32> to vector<1x128xi32>
    %concatenate3A_4399 = tpu.concatenate %slice3A_4397, %slice3A_4398 in 1 : vector<1x128xi32>, vector<1x128xi32> -> vector<1x256xi32>
    %eq3A_4400 = vector.broadcast %iota3A : vector<128x1xi32> to vector<128x256xi32>
    %eq3A_4401 = vector.broadcast %concatenate3A_4399 : vector<1x256xi32> to vector<128x256xi32>
    %eq3A_4402 = arith.cmpi eq, %eq3A_4400, %eq3A_4401 : vector<128x256xi32>
    %convert_element_type3A_4403 = arith.extui %eq3A_4402 : vector<128x256xi1> to vector<128x256xi32>
    %convert_element_type3A_4404 = arith.sitofp %convert_element_type3A_4403 : vector<128x256xi32> to vector<128x256xf32>
    %convert_element_type3A_4405 = arith.truncf %convert_element_type3A_4404 : vector<128x256xf32> to vector<128x256xbf16>
    %dot_general3A_4406 = arith.constant dense<0.000000e+00> : vector<64x256xf32>
    %dot_general3A_4407 = tpu.matmul %convert_element_type3A, %convert_element_type3A_4405, %dot_general3A_4406 {dimension_numbers = #tpu.dot_dimension_numbers<[1], [0], [0], [1], [0, 0, 1, 1], [], []>, transpose_lhs_hint = false} : vector<64x128xbf16>, vector<128x256xbf16>, vector<64x256xf32> -> vector<64x256xf32>
    %slice3A_4408 = vector.extract_strided_slice %dot_general3A_4407 {offsets = [0, 0], sizes = [64, 128], strides = [1, 1]} : vector<64x256xf32> to vector<64x128xf32>
    %add3A_4409 = arith.addf %slice3A_4408, %transpose3A_2271 : vector<64x128xf32>
    %slice3A_4410 = vector.extract_strided_slice %transpose3A_2271 {offsets = [0, 120], sizes = [64, 1], strides = [1, 1]} : vector<64x128xf32> to vector<64x1xf32>
    %add3A_4411 = vector.broadcast %slice3A_4410 : vector<64x1xf32> to vector<64x128xf32>
    %add3A_4412 = arith.addf %add3A_4409, %add3A_4411 : vector<64x128xf32>
    %swap3A_4413 = arith.constant 1 : index
    %swap3A_4414 = arith.constant 120 : index
    %swap3A_4415 = arith.constant 0 : index
    %swap3A_4416 = arith.constant 0 : index
    %swap3A_4417 = vector.load %arg6[%swap3A_4413, %swap3A_4414, %swap3A_4415, %swap3A_4416] : memref<2x128x64x128xf32, #tpu.memory_space<vmem>>, vector<1x1x64x128xf32>
    %swap3A_4418 = vector.shape_cast %swap3A_4417 : vector<1x1x64x128xf32> to vector<64x128xf32>
    %swap3A_4419 = vector.shape_cast %add3A_4412 : vector<64x128xf32> to vector<1x1x64x128xf32>
    tpu.vector_store %arg6[%swap3A_4413, %swap3A_4414, %swap3A_4415, %swap3A_4416], %swap3A_4419 {strides = array<i32>} : memref<2x128x64x128xf32, #tpu.memory_space<vmem>>, vector<1x1x64x128xf32>,
    %slice3A_4420 = vector.extract_strided_slice %dot_general3A_4407 {offsets = [0, 128], sizes = [64, 128], strides = [1, 1]} : vector<64x256xf32> to vector<64x128xf32>
    %add3A_4421 = arith.addf %slice3A_4420, %transpose3A_2271 : vector<64x128xf32>
    %slice3A_4422 = vector.extract_strided_slice %transpose3A_2271 {offsets = [0, 121], sizes = [64, 1], strides = [1, 1]} : vector<64x128xf32> to vector<64x1xf32>
    %add3A_4423 = vector.broadcast %slice3A_4422 : vector<64x1xf32> to vector<64x128xf32>
    %add3A_4424 = arith.addf %add3A_4421, %add3A_4423 : vector<64x128xf32>
    %swap3A_4425 = arith.constant 1 : index
    %swap3A_4426 = arith.constant 121 : index
    %swap3A_4427 = arith.constant 0 : index
    %swap3A_4428 = arith.constant 0 : index
    %swap3A_4429 = vector.load %arg6[%swap3A_4425, %swap3A_4426, %swap3A_4427, %swap3A_4428] : memref<2x128x64x128xf32, #tpu.memory_space<vmem>>, vector<1x1x64x128xf32>
    %swap3A_4430 = vector.shape_cast %swap3A_4429 : vector<1x1x64x128xf32> to vector<64x128xf32>
    %swap3A_4431 = vector.shape_cast %add3A_4424 : vector<64x128xf32> to vector<1x1x64x128xf32>
    tpu.vector_store %arg6[%swap3A_4425, %swap3A_4426, %swap3A_4427, %swap3A_4428], %swap3A_4431 {strides = array<i32>} : memref<2x128x64x128xf32, #tpu.memory_space<vmem>>, vector<1x1x64x128xf32>,
    %slice3A_4432 = vector.extract_strided_slice %select_n3A_2296 {offsets = [122, 0], sizes = [1, 128], strides = [1, 1]} : vector<128x128xi32> to vector<1x128xi32>
    %slice3A_4433 = vector.extract_strided_slice %select_n3A_2296 {offsets = [123, 0], sizes = [1, 128], strides = [1, 1]} : vector<128x128xi32> to vector<1x128xi32>
    %concatenate3A_4434 = tpu.concatenate %slice3A_4432, %slice3A_4433 in 1 : vector<1x128xi32>, vector<1x128xi32> -> vector<1x256xi32>
    %eq3A_4435 = vector.broadcast %iota3A : vector<128x1xi32> to vector<128x256xi32>
    %eq3A_4436 = vector.broadcast %concatenate3A_4434 : vector<1x256xi32> to vector<128x256xi32>
    %eq3A_4437 = arith.cmpi eq, %eq3A_4435, %eq3A_4436 : vector<128x256xi32>
    %convert_element_type3A_4438 = arith.extui %eq3A_4437 : vector<128x256xi1> to vector<128x256xi32>
    %convert_element_type3A_4439 = arith.sitofp %convert_element_type3A_4438 : vector<128x256xi32> to vector<128x256xf32>
    %convert_element_type3A_4440 = arith.truncf %convert_element_type3A_4439 : vector<128x256xf32> to vector<128x256xbf16>
    %dot_general3A_4441 = arith.constant dense<0.000000e+00> : vector<64x256xf32>
    %dot_general3A_4442 = tpu.matmul %convert_element_type3A, %convert_element_type3A_4440, %dot_general3A_4441 {dimension_numbers = #tpu.dot_dimension_numbers<[1], [0], [0], [1], [0, 0, 1, 1], [], []>, transpose_lhs_hint = false} : vector<64x128xbf16>, vector<128x256xbf16>, vector<64x256xf32> -> vector<64x256xf32>
    %slice3A_4443 = vector.extract_strided_slice %dot_general3A_4442 {offsets = [0, 0], sizes = [64, 128], strides = [1, 1]} : vector<64x256xf32> to vector<64x128xf32>
    %add3A_4444 = arith.addf %slice3A_4443, %transpose3A_2271 : vector<64x128xf32>
    %slice3A_4445 = vector.extract_strided_slice %transpose3A_2271 {offsets = [0, 122], sizes = [64, 1], strides = [1, 1]} : vector<64x128xf32> to vector<64x1xf32>
    %add3A_4446 = vector.broadcast %slice3A_4445 : vector<64x1xf32> to vector<64x128xf32>
    %add3A_4447 = arith.addf %add3A_4444, %add3A_4446 : vector<64x128xf32>
    %swap3A_4448 = arith.constant 1 : index
    %swap3A_4449 = arith.constant 122 : index
    %swap3A_4450 = arith.constant 0 : index
    %swap3A_4451 = arith.constant 0 : index
    %swap3A_4452 = vector.load %arg6[%swap3A_4448, %swap3A_4449, %swap3A_4450, %swap3A_4451] : memref<2x128x64x128xf32, #tpu.memory_space<vmem>>, vector<1x1x64x128xf32>
    %swap3A_4453 = vector.shape_cast %swap3A_4452 : vector<1x1x64x128xf32> to vector<64x128xf32>
    %swap3A_4454 = vector.shape_cast %add3A_4447 : vector<64x128xf32> to vector<1x1x64x128xf32>
    tpu.vector_store %arg6[%swap3A_4448, %swap3A_4449, %swap3A_4450, %swap3A_4451], %swap3A_4454 {strides = array<i32>} : memref<2x128x64x128xf32, #tpu.memory_space<vmem>>, vector<1x1x64x128xf32>,
    %slice3A_4455 = vector.extract_strided_slice %dot_general3A_4442 {offsets = [0, 128], sizes = [64, 128], strides = [1, 1]} : vector<64x256xf32> to vector<64x128xf32>
    %add3A_4456 = arith.addf %slice3A_4455, %transpose3A_2271 : vector<64x128xf32>
    %slice3A_4457 = vector.extract_strided_slice %transpose3A_2271 {offsets = [0, 123], sizes = [64, 1], strides = [1, 1]} : vector<64x128xf32> to vector<64x1xf32>
    %add3A_4458 = vector.broadcast %slice3A_4457 : vector<64x1xf32> to vector<64x128xf32>
    %add3A_4459 = arith.addf %add3A_4456, %add3A_4458 : vector<64x128xf32>
    %swap3A_4460 = arith.constant 1 : index
    %swap3A_4461 = arith.constant 123 : index
    %swap3A_4462 = arith.constant 0 : index
    %swap3A_4463 = arith.constant 0 : index
    %swap3A_4464 = vector.load %arg6[%swap3A_4460, %swap3A_4461, %swap3A_4462, %swap3A_4463] : memref<2x128x64x128xf32, #tpu.memory_space<vmem>>, vector<1x1x64x128xf32>
    %swap3A_4465 = vector.shape_cast %swap3A_4464 : vector<1x1x64x128xf32> to vector<64x128xf32>
    %swap3A_4466 = vector.shape_cast %add3A_4459 : vector<64x128xf32> to vector<1x1x64x128xf32>
    tpu.vector_store %arg6[%swap3A_4460, %swap3A_4461, %swap3A_4462, %swap3A_4463], %swap3A_4466 {strides = array<i32>} : memref<2x128x64x128xf32, #tpu.memory_space<vmem>>, vector<1x1x64x128xf32>,
    %slice3A_4467 = vector.extract_strided_slice %select_n3A_2296 {offsets = [124, 0], sizes = [1, 128], strides = [1, 1]} : vector<128x128xi32> to vector<1x128xi32>
    %slice3A_4468 = vector.extract_strided_slice %select_n3A_2296 {offsets = [125, 0], sizes = [1, 128], strides = [1, 1]} : vector<128x128xi32> to vector<1x128xi32>
    %concatenate3A_4469 = tpu.concatenate %slice3A_4467, %slice3A_4468 in 1 : vector<1x128xi32>, vector<1x128xi32> -> vector<1x256xi32>
    %eq3A_4470 = vector.broadcast %iota3A : vector<128x1xi32> to vector<128x256xi32>
    %eq3A_4471 = vector.broadcast %concatenate3A_4469 : vector<1x256xi32> to vector<128x256xi32>
    %eq3A_4472 = arith.cmpi eq, %eq3A_4470, %eq3A_4471 : vector<128x256xi32>
    %convert_element_type3A_4473 = arith.extui %eq3A_4472 : vector<128x256xi1> to vector<128x256xi32>
    %convert_element_type3A_4474 = arith.sitofp %convert_element_type3A_4473 : vector<128x256xi32> to vector<128x256xf32>
    %convert_element_type3A_4475 = arith.truncf %convert_element_type3A_4474 : vector<128x256xf32> to vector<128x256xbf16>
    %dot_general3A_4476 = arith.constant dense<0.000000e+00> : vector<64x256xf32>
    %dot_general3A_4477 = tpu.matmul %convert_element_type3A, %convert_element_type3A_4475, %dot_general3A_4476 {dimension_numbers = #tpu.dot_dimension_numbers<[1], [0], [0], [1], [0, 0, 1, 1], [], []>, transpose_lhs_hint = false} : vector<64x128xbf16>, vector<128x256xbf16>, vector<64x256xf32> -> vector<64x256xf32>
    %slice3A_4478 = vector.extract_strided_slice %dot_general3A_4477 {offsets = [0, 0], sizes = [64, 128], strides = [1, 1]} : vector<64x256xf32> to vector<64x128xf32>
    %add3A_4479 = arith.addf %slice3A_4478, %transpose3A_2271 : vector<64x128xf32>
    %slice3A_4480 = vector.extract_strided_slice %transpose3A_2271 {offsets = [0, 124], sizes = [64, 1], strides = [1, 1]} : vector<64x128xf32> to vector<64x1xf32>
    %add3A_4481 = vector.broadcast %slice3A_4480 : vector<64x1xf32> to vector<64x128xf32>
    %add3A_4482 = arith.addf %add3A_4479, %add3A_4481 : vector<64x128xf32>
    %swap3A_4483 = arith.constant 1 : index
    %swap3A_4484 = arith.constant 124 : index
    %swap3A_4485 = arith.constant 0 : index
    %swap3A_4486 = arith.constant 0 : index
    %swap3A_4487 = vector.load %arg6[%swap3A_4483, %swap3A_4484, %swap3A_4485, %swap3A_4486] : memref<2x128x64x128xf32, #tpu.memory_space<vmem>>, vector<1x1x64x128xf32>
    %swap3A_4488 = vector.shape_cast %swap3A_4487 : vector<1x1x64x128xf32> to vector<64x128xf32>
    %swap3A_4489 = vector.shape_cast %add3A_4482 : vector<64x128xf32> to vector<1x1x64x128xf32>
    tpu.vector_store %arg6[%swap3A_4483, %swap3A_4484, %swap3A_4485, %swap3A_4486], %swap3A_4489 {strides = array<i32>} : memref<2x128x64x128xf32, #tpu.memory_space<vmem>>, vector<1x1x64x128xf32>,
    %slice3A_4490 = vector.extract_strided_slice %dot_general3A_4477 {offsets = [0, 128], sizes = [64, 128], strides = [1, 1]} : vector<64x256xf32> to vector<64x128xf32>
    %add3A_4491 = arith.addf %slice3A_4490, %transpose3A_2271 : vector<64x128xf32>
    %slice3A_4492 = vector.extract_strided_slice %transpose3A_2271 {offsets = [0, 125], sizes = [64, 1], strides = [1, 1]} : vector<64x128xf32> to vector<64x1xf32>
    %add3A_4493 = vector.broadcast %slice3A_4492 : vector<64x1xf32> to vector<64x128xf32>
    %add3A_4494 = arith.addf %add3A_4491, %add3A_4493 : vector<64x128xf32>
    %swap3A_4495 = arith.constant 1 : index
    %swap3A_4496 = arith.constant 125 : index
    %swap3A_4497 = arith.constant 0 : index
    %swap3A_4498 = arith.constant 0 : index
    %swap3A_4499 = vector.load %arg6[%swap3A_4495, %swap3A_4496, %swap3A_4497, %swap3A_4498] : memref<2x128x64x128xf32, #tpu.memory_space<vmem>>, vector<1x1x64x128xf32>
    %swap3A_4500 = vector.shape_cast %swap3A_4499 : vector<1x1x64x128xf32> to vector<64x128xf32>
    %swap3A_4501 = vector.shape_cast %add3A_4494 : vector<64x128xf32> to vector<1x1x64x128xf32>
    tpu.vector_store %arg6[%swap3A_4495, %swap3A_4496, %swap3A_4497, %swap3A_4498], %swap3A_4501 {strides = array<i32>} : memref<2x128x64x128xf32, #tpu.memory_space<vmem>>, vector<1x1x64x128xf32>,
    %slice3A_4502 = vector.extract_strided_slice %select_n3A_2296 {offsets = [126, 0], sizes = [1, 128], strides = [1, 1]} : vector<128x128xi32> to vector<1x128xi32>
    %slice3A_4503 = vector.extract_strided_slice %select_n3A_2296 {offsets = [127, 0], sizes = [1, 128], strides = [1, 1]} : vector<128x128xi32> to vector<1x128xi32>
    %concatenate3A_4504 = tpu.concatenate %slice3A_4502, %slice3A_4503 in 1 : vector<1x128xi32>, vector<1x128xi32> -> vector<1x256xi32>
    %eq3A_4505 = vector.broadcast %iota3A : vector<128x1xi32> to vector<128x256xi32>
    %eq3A_4506 = vector.broadcast %concatenate3A_4504 : vector<1x256xi32> to vector<128x256xi32>
    %eq3A_4507 = arith.cmpi eq, %eq3A_4505, %eq3A_4506 : vector<128x256xi32>
    %convert_element_type3A_4508 = arith.extui %eq3A_4507 : vector<128x256xi1> to vector<128x256xi32>
    %convert_element_type3A_4509 = arith.sitofp %convert_element_type3A_4508 : vector<128x256xi32> to vector<128x256xf32>
    %convert_element_type3A_4510 = arith.truncf %convert_element_type3A_4509 : vector<128x256xf32> to vector<128x256xbf16>
    %dot_general3A_4511 = arith.constant dense<0.000000e+00> : vector<64x256xf32>
    %dot_general3A_4512 = tpu.matmul %convert_element_type3A, %convert_element_type3A_4510, %dot_general3A_4511 {dimension_numbers = #tpu.dot_dimension_numbers<[1], [0], [0], [1], [0, 0, 1, 1], [], []>, transpose_lhs_hint = false} : vector<64x128xbf16>, vector<128x256xbf16>, vector<64x256xf32> -> vector<64x256xf32>
    %slice3A_4513 = vector.extract_strided_slice %dot_general3A_4512 {offsets = [0, 0], sizes = [64, 128], strides = [1, 1]} : vector<64x256xf32> to vector<64x128xf32>
    %add3A_4514 = arith.addf %slice3A_4513, %transpose3A_2271 : vector<64x128xf32>
    %slice3A_4515 = vector.extract_strided_slice %transpose3A_2271 {offsets = [0, 126], sizes = [64, 1], strides = [1, 1]} : vector<64x128xf32> to vector<64x1xf32>
    %add3A_4516 = vector.broadcast %slice3A_4515 : vector<64x1xf32> to vector<64x128xf32>
    %add3A_4517 = arith.addf %add3A_4514, %add3A_4516 : vector<64x128xf32>
    %swap3A_4518 = arith.constant 1 : index
    %swap3A_4519 = arith.constant 126 : index
    %swap3A_4520 = arith.constant 0 : index
    %swap3A_4521 = arith.constant 0 : index
    %swap3A_4522 = vector.load %arg6[%swap3A_4518, %swap3A_4519, %swap3A_4520, %swap3A_4521] : memref<2x128x64x128xf32, #tpu.memory_space<vmem>>, vector<1x1x64x128xf32>
    %swap3A_4523 = vector.shape_cast %swap3A_4522 : vector<1x1x64x128xf32> to vector<64x128xf32>
    %swap3A_4524 = vector.shape_cast %add3A_4517 : vector<64x128xf32> to vector<1x1x64x128xf32>
    tpu.vector_store %arg6[%swap3A_4518, %swap3A_4519, %swap3A_4520, %swap3A_4521], %swap3A_4524 {strides = array<i32>} : memref<2x128x64x128xf32, #tpu.memory_space<vmem>>, vector<1x1x64x128xf32>,
    %slice3A_4525 = vector.extract_strided_slice %dot_general3A_4512 {offsets = [0, 128], sizes = [64, 128], strides = [1, 1]} : vector<64x256xf32> to vector<64x128xf32>
    %add3A_4526 = arith.addf %slice3A_4525, %transpose3A_2271 : vector<64x128xf32>
    %slice3A_4527 = vector.extract_strided_slice %transpose3A_2271 {offsets = [0, 127], sizes = [64, 1], strides = [1, 1]} : vector<64x128xf32> to vector<64x1xf32>
    %add3A_4528 = vector.broadcast %slice3A_4527 : vector<64x1xf32> to vector<64x128xf32>
    %add3A_4529 = arith.addf %add3A_4526, %add3A_4528 : vector<64x128xf32>
    %swap3A_4530 = arith.constant 1 : index
    %swap3A_4531 = arith.constant 127 : index
    %swap3A_4532 = arith.constant 0 : index
    %swap3A_4533 = arith.constant 0 : index
    %swap3A_4534 = vector.load %arg6[%swap3A_4530, %swap3A_4531, %swap3A_4532, %swap3A_4533] : memref<2x128x64x128xf32, #tpu.memory_space<vmem>>, vector<1x1x64x128xf32>
    %swap3A_4535 = vector.shape_cast %swap3A_4534 : vector<1x1x64x128xf32> to vector<64x128xf32>
    %swap3A_4536 = vector.shape_cast %add3A_4529 : vector<64x128xf32> to vector<1x1x64x128xf32>
    tpu.vector_store %arg6[%swap3A_4530, %swap3A_4531, %swap3A_4532, %swap3A_4533], %swap3A_4536 {strides = array<i32>} : memref<2x128x64x128xf32, #tpu.memory_space<vmem>>, vector<1x1x64x128xf32>,
    return
  }
  func.func @transform_0(%arg0: i32) -> (i32, i32, i32) {
    %c0_i32 = arith.constant 0 : i32
    %c0_i32_0 = arith.constant 0 : i32
    %c0_i32_1 = arith.constant 0 : i32
    return %arg0, %c0_i32, %c0_i32_0 : i32, i32, i32
  }
  func.func @transform_1(%arg0: i32) -> (i32, i32, i32) {
    %c0_i32 = arith.constant 0 : i32
    %c0_i32_0 = arith.constant 0 : i32
    %c0_i32_1 = arith.constant 0 : i32
    return %arg0, %c0_i32, %c0_i32_0 : i32, i32, i32
  }
  func.func @transform_2(%arg0: i32) -> (i32, i32, i32) {
    %c0_i32 = arith.constant 0 : i32
    %c0_i32_0 = arith.constant 0 : i32
    %c0_i32_1 = arith.constant 0 : i32
    return %arg0, %c0_i32, %c0_i32_0 : i32, i32, i32
  }
  func.func @transform_3(%arg0: i32) -> (i32, i32, i32) {
    %c0_i32 = arith.constant 0 : i32
    %c0_i32_0 = arith.constant 0 : i32
    %c0_i32_1 = arith.constant 0 : i32
    return %arg0, %c0_i32, %c0_i32_0 : i32, i32, i32
  }
  func.func @transform_4(%arg0: i32) -> (i32, i32) {
    %c0_i32 = arith.constant 0 : i32
    %c0_i32_0 = arith.constant 0 : i32
    %c0_i32_1 = arith.constant 0 : i32
    return %c0_i32, %c0_i32_0 : i32, i32
  }
  func.func @transform_5(%arg0: i32) -> (i32, i32, i32, i32) {
    %c0_i32 = arith.constant 0 : i32
    %c0_i32_0 = arith.constant 0 : i32
    %c0_i32_1 = arith.constant 0 : i32
    %c0_i32_2 = arith.constant 0 : i32
    return %arg0, %c0_i32, %c0_i32_0, %c0_i32_1 : i32, i32, i32, i32
  }
  func.func @transform_6(%arg0: i32) -> (i32, i32, i32) {
    %c0_i32 = arith.constant 0 : i32
    %c0_i32_0 = arith.constant 0 : i32
    %c0_i32_1 = arith.constant 0 : i32
    return %arg0, %c0_i32, %c0_i32_0 : i32, i32, i32
  }
}

</mosaic_0001>

<sc_bundles>
// kernel: kernel.4.cloned.1.call-start
scs
__scs_entry_jumppad:
0x0: {  	(pc) =	sbr.rel $0x88, $3  }
0x1: {  	(tag) =	ssettag $0x0;
	lr =	simm.s32 $0x1  }
0x2: {  	[smem:$0x3F9B] =	sst lr;
	_ =	strace $0xD0000000  }
0x3: {  	_ = 	snop  }
0x4: {  	_ = 	snop  }
0x5: {  	_ = 	snop  }
0x6: {  	_ = 	snop  }
0x7: {  	_ = 	snop  }
__scs_overlays_trampoline_lowered:
0x8: {  	[smem:$0x3FAA] =	sst s0  }
0x9: {  	[smem:$0x3FAB] =	sst s1  }
0xa: {  	[smem:$0x3FAC] =	sst s2  }
0xb: {  	[smem:$0x3FAD] =	sst s3  }
0xc: {  	[smem:$0x3FAE] =	sst s4  }
0xd: {  	[smem:$0x3FAF] =	sst s5  }
0xe: {  	[smem:$0x3FB0] =	sst s6  }
0xf: {  	[smem:$0x3FB1] =	sst s7  }
0x10: {  	[smem:$0x3FB2] =	sst s8  }
0x11: {  	[smem:$0x3FB3] =	sst s9;
	s0 =	simm.s32 @!p0 $0x0  }
0x12: {  	s1 =	sld [smem:$0x3F99];
	s0 =	simm.s32 @p0 $0x1  }
0x13: {  	[smem:$0x3FB4] =	sst s0;
	s0 =	simm.s32 @!p1 $0x0  }
0x14: {  	s2 =	sld [smem:$0x3F98];
	s0 =	simm.s32 @p1 $0x1  }
0x15: {  	[smem:$0x3FB5] =	sst s0;
	s0 =	simm.s32 @!p2 $0x0  }
0x16: {  	s3 =	sld [smem:$0x3FDB];
	s0 =	simm.s32 @p2 $0x1  }
0x17: {  	s4 =	simm.s32 $0x1BF5;
	[smem:$0x3FB7] =	sst s0  }
0x18: {  	s0 =	sld [smem:$0x3F9A];
	_ =	swait.ge [sflag:s4], $0x0  }
0x19: {  	s7 =	sld [smem:$0x3F9B]  }
0x1a: {  	s8 =	sadd.s32 $0xFFFFE003, lr  }
0x1b: {  	s9 =	sadd.s32 $0xFFFFFEF7, lr;
	s5 =	simm.s32 $0xFFFFFFFF;
	p2 =	slt.u32 s8, $0xFFFFF086  }
0x1c: {  	p1 =	slt.u32 s9, $0xF7A;
	s5 =	simm.s32 @!p2 $0x0  }
0x1d: {  	s5 =	simm.s32 @p1 $0x1;
	p0 =	seq.s32 s7, s2  }
0x1e: {  	s7 =	smul.u32 @!p0 $0xF7A, s2;
	p2 =	seq.s32 @!p0 s5, $0x0  }
0x1f: {  	s9 =	smul.u32 $0xF7A, s1;
	s8 =	simm.s32 @!p0 $0x1BF5;
	p2 =	por !p2, p0  }
0x20: {  	[sflag:s8] =	ssyncset.s32 @!p0 $0xFFFFF086;
	s6 =	sadd.s32 @!p0 s3, s7;
	s7 =	simm.s32 @!p0 $0x108  }
0x21: {  	s3 =	sadd.s32 s3, s9;
	s6 =	sadd.s32 @!p0 $0x88, s6;
	s7 =	simm.s32 @p2 $0x1082  }
0x22: {  	[simem:s7], [sflag:s8] =	dma.local @!p0 [hbm:s6], $0xF7A  }
0x23: {  	s9 =	sor.u32 $0xD0000000, s2;
	s6 =	simm.s32 $0x108;
	_ =	swait.ge @!p0 [sflag:s8], $0x0  }
0x24: {  	s3 =	sadd.s32 $0x88, s3;
	s6 =	simm.s32 @!p1 $0x1082;
	[sflag:s4] =	ssyncset.s32 $0xFFFFF086  }
0x25: {  	[simem:s6], [sflag:s4] =	dma.local [hbm:s3], $0xF7A  }
0x26: {  	[smem:$0x3F9B] =	sst s1;
	(tag) =	ssettag s2;
	_ =	strace s9  }
0x27: {  	s1 =	sld [smem:$0x3FAB]  }
0x28: {  	s2 =	sld [smem:$0x3FAC]  }
0x29: {  	s4 =	sld [smem:$0x3FAE]  }
0x2a: {  	p0 =	seq.s32 s5, $0x0;
	s5 =	sld [smem:$0x3FAF]  }
0x2b: {  	s6 =	sld [smem:$0x3FB0]  }
0x2c: {  	s7 =	sld [smem:$0x3FB1]  }
0x2d: {  	s3 =	simm.s32 $0x108;
	s8 =	sld [smem:$0x3FB2]  }
0x2e: {  	s3 =	simm.s32 @!p0 $0x1082;
	s9 =	sld [smem:$0x3FB3]  }
0x2f: {  	lr =	sadd.s32 s0, s3;
	s0 =	sld [smem:$0x3FAA]  }
0x30: {  	s3 =	sld [smem:$0x3FAD]  }
0x31: {  	[smem:$0x3FB6] =	sst s10  }
0x32: {  	s10 =	sld [smem:$0x3FB4];
	_ =	sdelay $0x3  }
0x33: {  	p0 =	seq.s32 s10, $0x1;
	s10 =	sld [smem:$0x3FB6];
	_ =	sdelay $0x3  }
0x34: {  	[smem:$0x3FB6] =	sst s10  }
0x35: {  	s10 =	sld [smem:$0x3FB5];
	_ =	sdelay $0x3  }
0x36: {  	p1 =	seq.s32 s10, $0x1;
	s10 =	sld [smem:$0x3FB6];
	_ =	sdelay $0x3  }
0x37: {  	[smem:$0x3FB6] =	sst s10  }
0x38: {  	s10 =	sld [smem:$0x3FB7]  }
0x39: {  	_ = 	snop;
	(pc) =	sbr.ind lr, $3  }
0x3a: {  	_ = 	snop  }
0x3b: {  	_ = 	snop  }
0x3c: {  	p2 =	seq.s32 s10, $0x1;
	s10 =	sld [smem:$0x3FB6]  }
0x3d: {  	_ =	shalt  }
0x3e: {  	_ =	shalt  }
0x3f: {  	_ =	shalt  }
0x40: {  	_ =	shalt  }
0x41: {  	_ =	shalt  }
0x42: {  	_ =	shalt  }
0x43: {  	_ =	shalt  }
0x44: {  	_ =	shalt  }
0x45: {  	_ =	shalt  }
0x46: {  	_ =	shalt  }
0x47: {  	_ =	shalt  }
0x48: {  	_ =	shalt  }
0x49: {  	_ =	shalt  }
0x4a: {  	_ =	shalt  }
0x4b: {  	_ =	shalt  }
0x4c: {  	_ =	shalt  }
0x4d: {  	_ =	shalt  }
0x4e: {  	_ =	shalt  }
0x4f: {  	_ =	shalt  }
0x50: {  	_ =	shalt  }
0x51: {  	_ =	shalt  }
0x52: {  	_ =	shalt  }
0x53: {  	_ =	shalt  }
0x54: {  	_ =	shalt  }
0x55: {  	_ =	shalt  }
0x56: {  	_ =	shalt  }
0x57: {  	_ =	shalt  }
0x58: {  	_ =	shalt  }
0x59: {  	_ =	shalt  }
0x5a: {  	_ =	shalt  }
0x5b: {  	_ =	shalt  }
0x5c: {  	_ =	shalt  }
0x5d: {  	_ =	shalt  }
0x5e: {  	_ =	shalt  }
0x5f: {  	_ =	shalt  }
0x60: {  	_ =	shalt  }
0x61: {  	_ =	shalt  }
0x62: {  	_ =	shalt  }
0x63: {  	_ =	shalt  }
0x64: {  	_ =	shalt  }
0x65: {  	_ =	shalt  }
0x66: {  	_ =	shalt  }
0x67: {  	_ =	shalt  }
0x68: {  	_ =	shalt  }
0x69: {  	_ =	shalt  }
0x6a: {  	_ =	shalt  }
0x6b: {  	_ =	shalt  }
0x6c: {  	_ =	shalt  }
0x6d: {  	_ =	shalt  }
0x6e: {  	_ =	shalt  }
0x6f: {  	_ =	shalt  }
0x70: {  	_ =	shalt  }
0x71: {  	_ =	shalt  }
0x72: {  	_ =	shalt  }
0x73: {  	_ =	shalt  }
0x74: {  	_ =	shalt  }
0x75: {  	_ =	shalt  }
0x76: {  	_ =	shalt  }
0x77: {  	_ =	shalt  }
0x78: {  	_ =	shalt  }
0x79: {  	_ =	shalt  }
0x7a: {  	_ =	shalt  }
0x7b: {  	_ =	shalt  }
0x7c: {  	_ =	shalt  }
0x7d: {  	_ =	shalt  }
0x7e: {  	_ =	shalt  }
0x7f: {  	_ =	shalt  }
0x80: {  	_ =	shalt  }
0x81: {  	_ =	shalt  }
0x82: {  	_ =	shalt  }
0x83: {  	_ =	shalt  }
0x84: {  	_ =	shalt  }
0x85: {  	_ =	shalt  }
0x86: {  	_ =	shalt  }
0x87: {  	_ =	shalt  }
.Lfunc_end0:
.L_simem_size_0:
called_computation_lowered:
.L_overlay_start_0:
0x88: {  	s2 =	sld [smem:$0x3FD9]  }
0x89: {  	s3 =	sld [smem:$0x3FFE];
	_ =	sdelay $0x1  }
0x8a: {  	s1 =	srdreg.scid  }
0x8b: {  	s0 =	sand.u32 $0x1, s1  }
0x8c: {  	s14 =	sshll.u32 s0, $0xA;
	s2 =	sadd.s32 s3, s2  }
0x8d: {  	s2 =	sadd.s32 s2, s14  }
0x8e: {  	[smem:$0x3FC2] =	sst s2  }
0x8f: {  	_ = 	snop  }
0x90: {  	s2 =	sld [smem:$0x3FD0];
	_ =	sdelay $0x1  }
0x91: {  	s15 =	sld [smem:$0x3FC9]  }
0x92: {  	s5 =	simm.s32 $0xA;
	s6 =	simm.s32 $0x10;
	s4 =	sld [smem:$0x3FC7]  }
0x93: {  	[smem:s6], [sflag:s5] =	dma.local [hbm:s2], $0x1  }
0x94: {  	_ =	swait.eq [sflag:s5], $0x1  }
0x95: {  	[sflag:s5] =	ssyncset.done $0x0  }
0x96: {  	s16 =	sld [smem:$0x10];
	[sflag:s5] =	ssyncadd.s32 $0xFFFFFFFF  }
0x97: {  	s17 =	sld [smem:$0x11];
	(tm) =	ssettm $0x1  }
0x98: {  	s18 =	sld [smem:$0x3FFB];
	_ =	sdelay $0x3  }
0x99: {  	_ =	strace s18  }
0x9a: {  	s6 =	sld [smem:$0x3FFC];
	_ =	sdelay $0x3  }
0x9b: {  	_ =	strace s6  }
0x9c: {  	s6 =	sld [smem:$0x3FFD];
	_ =	sdelay $0x3  }
0x9d: {  	_ =	strace s6  }
0x9e: {  	_ =	strace $0x8FFFFFFF  }
0x9f: {  	s19 =	sld [smem:$0x3FDB];
	_ =	sdelay $0x1  }
0xa0: {  	s7 =	simm.s32 $_scs_section_size  }
0xa1: {  	s8 =	simm.s32 $_size__tile_overlayer_lowered;
	s9 =	simm.s32 $_tile_overlayer_lowered  }
0xa2: {  	s22 =	simm.s32 $0x1BFF;
	s21 =	sshll.u32 s9, $0x1;
	s6 =	sadd.s32 s7, s19  }
0xa3: {  	s10 =	simm.s32 $0x0;
	s20 =	sshll.u32 s8, $0x1;
	s8 =	sadd.s32 s21, s6  }
0xa4: {  	[timem:s10], [sflag:s22] =	dma.local [hbm:s8], s20  }
0xa5: {  	_ =	swait.ge [sflag:s22], s20  }
0xa6: {  	s7 =	ssub.s32 $0x0, s20;
	[sflag:s22] =	ssyncset.done $0x0  }
0xa7: {  	[sflag:s22] =	ssyncadd.s32 s7;
	_ =	sdelay $0x1  }
0xa8: {  	s23 =	simm.s32 $0x1B8B  }
0xa9: {  	_ =	swait.ge [sflag:s23], $0x1  }
0xaa: {  	[sflag:s23] =	ssyncset.done $0x0  }
0xab: {  	s25 =	simm.s32 $0x1B8E;
	s24 =	sld [smem:$0x3FFE];
	[sflag:s23] =	ssyncadd.s32 $0xFFFFFFFF  }
0xac: {  	s26 =	simm.s32 $execute0_lowered;
	[smem:$0x3FD2] =	sst s25  }
0xad: {  	s8 =	sshll.u32 s26, $0x1;
	_ =	strace $0x80000046;
	[dreg:$0x1] =	wrdreg $0xFFFFFFFF  }
0xae: {  	s28 =	simm.s32 $_size_execute0_lowered;
	s6 =	sadd.s32 s6, s8;
	[dreg:$0x0] =	wrdreg $0x0  }
0xaf: {  	s8 =	sshll.u32 s28, $0x1;
	[dreg:$0x2] =	wrdreg s6  }
0xb0: {  	[dreg:$0x3] =	wrdreg s8  }
0xb1: {  	[dreg:$0x4] =	wrdreg $0xC0  }
0xb2: {  	_ =	task [dreg:s10], $0x5FFFF  }
0xb3: {  	[dreg:$0x1] =	wrdreg $0xFFFFFFFF  }
0xb4: {  	[dreg:$0x0] =	wrdreg $0x60  }
0xb5: {  	[dreg:$0x2] =	wrdreg s24  }
0xb6: {  	[dreg:$0x3] =	wrdreg s4  }
0xb7: {  	[dreg:$0x4] =	wrdreg s15  }
0xb8: {  	[dreg:$0x5] =	wrdreg s16  }
0xb9: {  	[dreg:$0x6] =	wrdreg s17  }
0xba: {  	[dreg:$0x7] =	wrdreg $0x9  }
0xbb: {  	_ =	task.clear_ibuf [dreg:s10], $0x8FFFF;
	_ =	strace $0x90000046  }
0xbc: {  	s29 =	simm.s32 $0x9;
	_ =	strace $0x80000048  }
0xbd: {  	_ =	swait.ge [sflag:s29], $0x1  }
0xbe: {  	[sflag:s29] =	ssyncadd.s32 $0xFFFFFFFF  }
0xbf: {  	_ =	strace $0x90000048  }
0xc0: {  	_ =	sfence  }
0xc1: {  	s30 =	sld [smem:$0x0];
	_ =	sdelay $0x2  }
0xc2: {  	s31 =	sshll.u32 s1, $0xD;
	s1 =	sshrl.u32 s1, $0x2  }
0xc3: {  	s3 =	sand.u32 $0x4000, s31;
	s1 =	sadd.s32 s1, s30  }
0xc4: {  	s0 =	sor.u32 s3, s0;
	s1 =	sshll.u32 s1, $0x11  }
0xc5: {  	s0 =	sor.u32 s1, s0  }
0xc6: {  	s0 =	sadd.s32 $0x8F2B, s0  }
0xc7: {  	[sflag:s0] =	ssyncadd.remote.s32 $0x1  }
0xc8: {  	_ =	sfence.sel $0xFFFF  }
0xc9: {  	[dreg:$0x0] =	wrdreg $0xFFFFFFFF;
	(pc) =	sbr.abs _section_cstart, $3  }
0xca: {  	[dreg:$0x1] =	wrdreg $0xFFFFFFFF  }
0xcb: {  	_ =	task.clear_ibuf [dreg:s10], $0x2FFFF;
	_ =	strace $0x9FFFFFFF  }
0xcc: {  	(tm) =	ssettm $0x7FFFFFFF  }
0xcd: {  	_ =	shalt  }
tec
execute0_lowered:
.L_overlay_start_1:
0x0: {  	(tag) =	ssettag $0x1  }
0x1: {  	s9 =	rddreg [dreg:$0x0]  }
0x2: {  	s3 =	rddreg [dreg:$0x1]  }
0x3: {  	s5 =	rddreg [dreg:$0x2];
	s1 =	srdreg.scid  }
0x4: {  	s13 =	rddreg [dreg:$0x3];
	s0 =	stileid.u32;
	s14 =	sand.u32 $0x1, s1  }
0x5: {  	s15 =	rddreg [dreg:$0x4];
	s4 =	sshll.u32 s0, $0x9;
	s6 =	sshll.u32 s14, $0x8  }
0x6: {  	s2 =	simm.s32 $0x0;
	s1 =	rddreg [dreg:$0x5];
	s16 =	sor.u32 s6, s4  }
0x7: {  	[smem:$0x7FF] =	sst s2;
	s6 =	sshrl.u32 s16, $0x3  }
0x8: {  	_ =	strace $0x80000047;
	s4 =	sadd.s32 s3, s6;
	s3 =	simm.s32 $0x3  }
0x9: {  	[tilespmem:s2], [sflag:$0x3] =	stream.linear.gather [hbm4b:s4+s2], $0x100, $0x38;
	[tilespmem:$0x8200] =	vst v63  }
0xa: {  	_ =	swait.ge [sflag:s3], $0x100  }
0xb: {  	[sflag:s3] =	ssyncset.done $0x0  }
0xc: {  	s5 =	sadd.s32 s5, s6;
	s6 =	simm.s32 $0x4100;
	[sflag:s3] =	ssyncadd.s32 $0xFFFFFF00  }
0xd: {  	[tilespmem:s6], [sflag:$0x3] =	stream.linear.gather [hbm4b:s5+s2], $0x100, $0x38;
	[tilespmem:$0x8200] =	vst v63  }
0xe: {  	_ =	swait.ge [sflag:s3], $0x100  }
0xf: {  	[sflag:s3] =	ssyncset.done $0x0  }
0x10: {  	s8 =	simm.s32 $0x100;
	s7 =	sadd.s32 $0x2C00, s9;
	[sflag:s3] =	ssyncadd.s32 $0xFFFFFF00  }
0x11: {  	[tilespmem:s8], [sflag:$0x1] =	stream.indirect.gather [hbm4b:s7+s8], $0x40, s2, s8, $0xb8;
	[tilespmem:$0x8200] =	vst v63  }
0x12: {  	s10 =	simm.s32 $0x4200;
	s11 =	simm.s32 $0x1;
	s9 =	sadd.s32 $0xC00, s9  }
0x13: {  	[tilespmem:s10], [sflag:$0x2] =	stream.indirect.gather [hbm4b:s9+s8], $0x40, s6, s8, $0xb8;
	[tilespmem:$0x8200] =	vst v63  }
0x14: {  	_ =	swait.ge [sflag:s11], $0x4000  }
0x15: {  	[sflag:s11] =	ssyncset.done $0x0  }
0x16: {  	s12 =	simm.s32 $0x2;
	s14 =	ssub.s32 $0x2, s14;
	[sflag:s11] =	ssyncadd.s32 $0xFFFFC000  }
0x17: {  	s17 =	sshrl.u32 s14, $0x1;
	_ =	swait.ge [sflag:s12], $0x4000  }
0x18: {  	s16 =	sshll.u32 s16, $0x3;
	s17 =	ssub.s32 s14, s17;
	[sflag:s12] =	ssyncset.done $0x0  }
0x19: {  	s13 =	sadd.s32 s13, s16;
	s31 =	smax.u32 s17, $0x1;
	[sflag:s12] =	ssyncadd.s32 $0xFFFFC000  }
0x1a: {  	[hbm4b:s13+s2] =	stream.linear.scatter [tilespmem:s8], [sflag:$0x3], $0x4000, $0x38;
	[tilespmem:$0x8200] =	vst v63  }
0x1b: {  	p0 =	sne.s32 s31, $0x1;
	_ =	swait.ge [sflag:s3], $0x4000  }
.Ltmp0:
0x1c: {  	[sflag:s3] =	ssyncset.done $0x0;
	(pc) =	sbr.rel @!p0 .LBB2_2-.Ltmp0, $4  }
0x1d: {  	s14 =	sadd.s32 s15, s16;
	[sflag:s3] =	ssyncadd.s32 $0xFFFFC000  }
0x1e: {  	[hbm4b:s14+s2] =	stream.linear.scatter [tilespmem:s10], [sflag:$0x3], $0x4000, $0x38;
	[tilespmem:$0x8200] =	vst v63  }
0x1f: {  	_ =	swait.ge [sflag:s3], $0x4000  }
0x20: {  	s15 =	sadd.s32 $0xFFFFFFFF, s31;
	[sflag:s3] =	ssyncset.done $0x0  }
.LBB2_1:
0x21: {  	p0 =	sne.s32 s15, $0x1;
	s15 =	sadd.s32 $0xFFFFFFFF, s15;
	[sflag:s3] =	ssyncadd.s32 $0xFFFFC000  }
0x22: {  	[tilespmem:s2], [sflag:$0x3] =	stream.linear.gather [hbm4b:s4+s2], $0x100, $0x38;
	[tilespmem:$0x8200] =	vst v63  }
0x23: {  	_ =	swait.ge [sflag:s3], $0x100  }
0x24: {  	[sflag:s3] =	ssyncset.done $0x0  }
0x25: {  	[sflag:s3] =	ssyncadd.s32 $0xFFFFFF00  }
0x26: {  	[tilespmem:s6], [sflag:$0x3] =	stream.linear.gather [hbm4b:s5+s2], $0x100, $0x38;
	[tilespmem:$0x8200] =	vst v63  }
0x27: {  	_ =	swait.ge [sflag:s3], $0x100  }
0x28: {  	[sflag:s3] =	ssyncset.done $0x0  }
0x29: {  	[sflag:s3] =	ssyncadd.s32 $0xFFFFFF00  }
0x2a: {  	[tilespmem:s8], [sflag:$0x1] =	stream.indirect.gather [hbm4b:s7+s8], $0x40, s2, s8, $0xb8;
	[tilespmem:$0x8200] =	vst v63  }
0x2b: {  	_ = 	snop  }
0x2c: {  	[tilespmem:s10], [sflag:$0x2] =	stream.indirect.gather [hbm4b:s9+s8], $0x40, s6, s8, $0xb8;
	[tilespmem:$0x8200] =	vst v63  }
0x2d: {  	_ =	swait.ge [sflag:s11], $0x4000  }
0x2e: {  	[sflag:s11] =	ssyncset.done $0x0  }
0x2f: {  	[sflag:s11] =	ssyncadd.s32 $0xFFFFC000  }
0x30: {  	_ =	swait.ge [sflag:s12], $0x4000  }
0x31: {  	[sflag:s12] =	ssyncset.done $0x0  }
0x32: {  	[sflag:s12] =	ssyncadd.s32 $0xFFFFC000  }
0x33: {  	[hbm4b:s13+s2] =	stream.linear.scatter [tilespmem:s8], [sflag:$0x3], $0x4000, $0x38;
	[tilespmem:$0x8200] =	vst v63  }
0x34: {  	_ =	swait.ge [sflag:s3], $0x4000  }
.Ltmp1:
0x35: {  	[sflag:s3] =	ssyncset.done $0x0;
	(pc) =	sbr.rel @p0 .LBB2_1-.Ltmp1, $4  }
0x36: {  	[sflag:s3] =	ssyncadd.s32 $0xFFFFC000  }
0x37: {  	[hbm4b:s14+s2] =	stream.linear.scatter [tilespmem:s10], [sflag:$0x3], $0x4000, $0x38;
	[tilespmem:$0x8200] =	vst v63  }
0x38: {  	_ =	swait.ge [sflag:s3], $0x4000  }
0x39: {  	[sflag:s3] =	ssyncset.done $0x0  }
.LBB2_2:
0x3a: {  	[sflag:s3] =	ssyncadd.s32 $0xFFFFC000  }
0x3b: {  	_ =	sfence.sel $0x180000  }
0x3c: {  	[bflag:$0x0] =	sbarrier.arrive $0xFFFF  }
0x3d: {  	p0 =	sne.s32 s0, $0x0;
	_ =	strace $0x90000047  }
0x3e: {  	s0 =	sadd.s32 @!p0 $0x100000, s1;
	[bflag:$0x2] =	sbarrier.arrive $0xFFFF  }
0x3f: {  	[sflag:s0] =	ssyncadd.tile.s32 @!p0 $0x1;
	_ =	shalt  }
.Lfunc_end2:
_tile_overlayer_lowered:
.L_overlay_start_2:
0x40: {  	(tag) =	ssettag $0x2  }
0x41: {  	s0 =	rddreg [dreg:$0x0];
	s2 =	stileid.u32  }
0x42: {  	s1 =	rddreg [dreg:$0x1];
	p0 =	sne.s32 s2, $0x0  }
0x43: {  	s3 =	rddreg [dreg:$0x2];
	[bflag:$0x3] =	sbarrier.arrive $0xFFFF;
	s2 =	simm.s32 @!p0 $0x1C03  }
0x44: {  	[timem:s3], [sflag:s2] =	dma.local @!p0 [hbm:s0], s1  }
0x45: {  	s0 =	simm.s32 @!p0 $0x3  }
0x46: {  	_ =	swait.ge @!p0 [sflag:s0], s1  }
0x47: {  	s1 =	ssub.s32 @!p0 $0x0, s1;
	[sflag:s0] =	ssyncset.done @!p0 $0x0  }
0x48: {  	[sflag:s0] =	ssyncadd.s32 @!p0 s1  }
0x49: {  	[bflag:$0x3] =	sbarrier.arrive $0xFFFF  }
0x4a: {  	_ =	shalt  }

</sc_bundles>
